<compile_context>
chip_gen: v7x
topology: tpu7x:2x2x1
jax: 0.10.2.dev20260603
libtpu: 0.0.44.dev20260713+nightly
codegen_flags: <defaults>
</compile_context>

<pallas_src>
import functools
import math

import jax
import jax.numpy as jnp
from jax import lax
from jax.experimental import pallas as pl
from jax.experimental.pallas import tpu as pltpu
from jax.experimental.pallas import tpu_sc as plsc

_BLK = 1024
_EB = 128


def _leaky_exp(z):
    return jnp.exp(jnp.maximum(z, 0.2 * z))


def _sc_gather_segsum(table, idx, seg, alpha, beta):
    n, d = table.shape
    e_tot = idx.shape[0]
    info = plsc.get_sparse_core_info()
    nc, ns = info.num_cores, info.num_subcores
    nw = nc * ns
    full = e_tot // (nw * _EB)
    rem = e_tot - nw * full * _EB
    assert rem % _EB == 0 and rem // _EB <= nw
    rem_blocks = rem // _EB
    n_pad = ((n + 8 * ns - 1) // (8 * ns)) * (8 * ns)
    rows_per_tile = n_pad // ns
    have_w = alpha is not None
    mesh = plsc.VectorSubcoreMesh(core_axis_name="c", subcore_axis_name="s")

    def body(*refs):
        if have_w:
            (table_h, idx_h, seg_h, al_h, be_h, zero_h, out_h, outs_h,
             acc_sh, idx_v, seg_v, w_v, rows_v, al_v, be_v, sacc_v,
             sem) = refs
        else:
            (table_h, idx_h, seg_h, zero_h, out_h, outs_h,
             acc_sh, idx_v, seg_v, rows_v, sacc_v, sem) = refs
        cid = lax.axis_index("c")
        sid = lax.axis_index("s")
        wid = sid * nc + cid
        pltpu.sync_copy(zero_h, acc_sh.at[pl.ds(sid * rows_per_tile,
                                                rows_per_tile)])
        if have_w:
            pltpu.sync_copy(al_h, al_v.at[pl.ds(0, n)])
            pltpu.sync_copy(be_h, be_v.at[pl.ds(0, n)])

        def zr(i, _):
            sacc_v[pl.ds(i * 16, 16)] = jnp.zeros((16,), jnp.float32)
            return ()

        lax.fori_loop(0, n_pad // 16, zr, (), unroll=False)
        plsc.subcore_barrier()

        def do_block(base):
            pltpu.sync_copy(idx_h.at[pl.ds(base, _EB)], idx_v)
            pltpu.sync_copy(seg_h.at[pl.ds(base, _EB)], seg_v)
            pltpu.async_copy(table_h.at[idx_v], rows_v, sem).wait()
            ones16 = jnp.ones((16,), jnp.float32)
            for j in range(_EB // 16):
                sl = pl.ds(j * 16, 16)
                s16 = seg_v[sl]
                if have_w:
                    av = plsc.load_gather(al_v, [s16])
                    bv = plsc.load_gather(be_v, [idx_v[sl]])
                    ex = _leaky_exp(av + bv)
                    w_v[sl] = ex
                else:
                    ex = ones16
                plsc.addupdate_scatter(sacc_v, [s16], ex)
            if have_w:
                def scale(eb, _):
                    wv = plsc.load_gather(
                        w_v, [jnp.full((16,), eb, jnp.int32)])
                    for kk in range(d // 16):
                        sl2 = pl.ds(kk * 16, 16)
                        rows_v[eb, sl2] = rows_v[eb, sl2] * wv
                    return ()

                lax.fori_loop(0, _EB, scale, (), unroll=False)
            pltpu.sync_copy(rows_v, acc_sh.at[seg_v], add=True)

        tile_base = wid * full * _EB

        def blk(b, _):
            do_block(tile_base + b * _EB)
            return ()

        lax.fori_loop(0, full, blk, (), unroll=False)

        @pl.when(wid < rem_blocks)
        def _tail():
            do_block(nw * full * _EB + wid * _EB)

        plsc.subcore_barrier()
        pltpu.sync_copy(
            acc_sh.at[pl.ds(sid * rows_per_tile, rows_per_tile)],
            out_h.at[cid, pl.ds(sid * rows_per_tile, rows_per_tile)])
        pltpu.sync_copy(sacc_v, outs_h.at[cid, sid])

    scratch = [
        pltpu.VMEM_SHARED((n_pad, d), jnp.float32),
        pltpu.VMEM((_EB,), jnp.int32),
        pltpu.VMEM((_EB,), jnp.int32),
    ]
    if have_w:
        scratch.append(pltpu.VMEM((_EB,), jnp.float32))
    scratch.append(pltpu.VMEM((_EB, d), jnp.float32))
    if have_w:
        scratch += [pltpu.VMEM((n_pad,), jnp.float32),
                    pltpu.VMEM((n_pad,), jnp.float32)]
    scratch += [
        pltpu.VMEM((n_pad,), jnp.float32),
        pltpu.SemaphoreType.DMA,
    ]
    zero = jnp.zeros((rows_per_tile, d), jnp.float32)
    args = ((table, idx, seg, alpha, beta, zero) if have_w
            else (table, idx, seg, zero))
    vec, scal = pl.kernel(
        body,
        out_type=(jax.ShapeDtypeStruct((nc, n_pad, d), jnp.float32),
                  jax.ShapeDtypeStruct((nc, ns, n_pad), jnp.float32)),
        mesh=mesh,
        scratch_types=scratch,
        compiler_params=pltpu.CompilerParams(needs_layout_passes=False),
    )(*args)
    return vec[0, :n] + vec[1, :n], jnp.sum(scal, axis=(0, 1))[:n]


def _sc_scalar_segsum(vals, idx, seg, n):
    e_tot = idx.shape[0]
    info = plsc.get_sparse_core_info()
    nc, ns = info.num_cores, info.num_subcores
    nw = nc * ns
    full = e_tot // (nw * _EB)
    rem = e_tot - nw * full * _EB
    assert rem % _EB == 0 and rem // _EB <= nw
    rem_blocks = rem // _EB
    n_pad = ((n + 8 * ns - 1) // (8 * ns)) * (8 * ns)
    mesh = plsc.VectorSubcoreMesh(core_axis_name="c", subcore_axis_name="s")

    def body(vals_h, idx_h, seg_h, outs_h, vals_v, idx_v, seg_v, sacc_v):
        cid = lax.axis_index("c")
        sid = lax.axis_index("s")
        wid = sid * nc + cid
        pltpu.sync_copy(vals_h, vals_v.at[pl.ds(0, n)])

        def zr(i, _):
            sacc_v[pl.ds(i * 16, 16)] = jnp.zeros((16,), jnp.float32)
            return ()

        lax.fori_loop(0, n_pad // 16, zr, (), unroll=False)

        def do_block(base):
            pltpu.sync_copy(idx_h.at[pl.ds(base, _EB)], idx_v)
            pltpu.sync_copy(seg_h.at[pl.ds(base, _EB)], seg_v)
            for j in range(_EB // 16):
                sl = pl.ds(j * 16, 16)
                v = plsc.load_gather(vals_v, [idx_v[sl]])
                plsc.addupdate_scatter(sacc_v, [seg_v[sl]], v)

        def blk(b, _):
            do_block(wid * full * _EB + b * _EB)
            return ()

        lax.fori_loop(0, full, blk, (), unroll=False)

        @pl.when(wid < rem_blocks)
        def _tail():
            do_block(nw * full * _EB + wid * _EB)

        pltpu.sync_copy(sacc_v, outs_h.at[cid, sid])

    out = pl.kernel(
        body,
        out_type=jax.ShapeDtypeStruct((nc, ns, n_pad), jnp.float32),
        mesh=mesh,
        scratch_types=[
            pltpu.VMEM((n_pad,), jnp.float32),
            pltpu.VMEM((_EB,), jnp.int32),
            pltpu.VMEM((_EB,), jnp.int32),
            pltpu.VMEM((n_pad,), jnp.float32),
        ],
        compiler_params=pltpu.CompilerParams(needs_layout_passes=False),
    )(vals, idx, seg)
    return jnp.sum(out, axis=(0, 1))[:n]


def _w_pattern_body(m_ref, u_ref, o_ref, acc_ref, *, nr):
    r = pl.program_id(2)

    @pl.when(r == 0)
    def _init():
        acc_ref[...] = jnp.zeros_like(acc_ref)

    acc_ref[...] += jnp.dot(m_ref[...], u_ref[...],
                            preferred_element_type=jnp.float32)

    @pl.when(r == nr - 1)
    def _done():
        o_ref[...] = (acc_ref[...] > 0.0).astype(jnp.bfloat16)


def _w_pattern(m, u):
    np_, kp = m.shape[0], u.shape[1]
    b = _BLK
    ni, nj, nr = np_ // b, kp // b, np_ // b
    return pl.pallas_call(
        functools.partial(_w_pattern_body, nr=nr),
        grid=(ni, nj, nr),
        in_specs=[
            pl.BlockSpec((b, b), lambda i, j, r: (i, r)),
            pl.BlockSpec((b, b), lambda i, j, r: (r, j)),
        ],
        out_specs=pl.BlockSpec((b, b), lambda i, j, r: (i, j)),
        out_shape=jax.ShapeDtypeStruct((np_, kp), jnp.bfloat16),
        scratch_shapes=[pltpu.VMEM((b, b), jnp.float32)],
    )(m, u)


def _mask_stage_body(ut_ref, w_ref, xa_ref, o_ref, acc_ref, *, nr, b):
    j = pl.program_id(0)
    i = pl.program_id(1)
    r = pl.program_id(2)

    @pl.when(r == 0)
    def _init():
        acc_ref[...] = jnp.zeros_like(acc_ref)

    acc_ref[...] += lax.dot_general(ut_ref[...], w_ref[...],
                                    (((0,), (0,)), ((), ())),
                                    preferred_element_type=jnp.float32)

    @pl.when(r == nr - 1)
    def _done():
        gi = i * b + lax.broadcasted_iota(jnp.int32, (b, b), 0)
        gj = j * b + lax.broadcasted_iota(jnp.int32, (b, b), 1)
        mask = jnp.where((acc_ref[...] > 0.0) & (gi != gj), 1.0, 0.0)
        contrib = lax.dot_general(mask, xa_ref[...],
                                  (((0,), (0,)), ((), ())),
                                  preferred_element_type=jnp.float32)

        @pl.when(i == 0)
        def _set():
            o_ref[...] = contrib

        @pl.when(i != 0)
        def _add():
            o_ref[...] += contrib


def _mask_stage(u, w, xa):
    np_, kp = u.shape
    f = xa.shape[1]
    b = _BLK
    nj, ni, nr = kp // b, kp // b, np_ // b
    return pl.pallas_call(
        functools.partial(_mask_stage_body, nr=nr, b=b),
        grid=(nj, ni, nr),
        in_specs=[
            pl.BlockSpec((b, b), lambda j, i, r: (r, i)),
            pl.BlockSpec((b, b), lambda j, i, r: (r, j)),
            pl.BlockSpec((b, f), lambda j, i, r: (i, 0)),
        ],
        out_specs=pl.BlockSpec((b, f), lambda j, i, r: (j, 0)),
        out_shape=jax.ShapeDtypeStruct((kp, f), jnp.float32),
        scratch_shapes=[pltpu.VMEM((b, b), jnp.float32)],
    )(u, w, xa)


def _final_reduce_body(wd_ref, xa_ref, o_ref, *, d):
    q = pl.program_id(0)

    @pl.when(q == 0)
    def _init():
        o_ref[...] = jnp.zeros_like(o_ref)

    w = wd_ref[:, :d]
    deg = wd_ref[:, d:d + 1]
    m = w / jnp.maximum(deg, 1.0)
    o_ref[0:1, :d] += jnp.sum(m, axis=0, keepdims=True)
    o_ref[1:2, :d] += jnp.sum(xa_ref[:, :d], axis=0, keepdims=True)


def _final_reduce(wd, xa, d):
    kp, f = wd.shape
    b = _BLK
    return pl.pallas_call(
        functools.partial(_final_reduce_body, d=d),
        grid=(kp // b,),
        in_specs=[
            pl.BlockSpec((b, f), lambda q: (q, 0)),
            pl.BlockSpec((b, f), lambda q: (q, 0)),
        ],
        out_specs=pl.BlockSpec((8, f), lambda q: (0, 0)),
        out_shape=jax.ShapeDtypeStruct((8, f), jnp.float32),
    )(wd, xa)


def kernel(x, edge_index, batch, W_l1, b_l1, W_r1, W_lin, b_lin, W_att, b_att,
           W_le1, b_le1, W_le2, W_le3, b_le3, W_l2, b_l2, W_r2):
    n, d = x.shape
    k = int(math.ceil(0.5 * n))
    src = edge_index[0]
    dst = edge_index[1]

    msum, cnt = _sc_gather_segsum(x, src, dst, None, None)
    mean1 = msum / jnp.clip(cnt, 1.0, None)[:, None]
    h = jax.nn.relu(mean1 @ W_l1.T + b_l1 + x @ W_r1.T)

    hs = h[src]
    x_q = jnp.maximum(jax.ops.segment_max(hs, dst, num_segments=n), h)
    wq = W_att[0, :d]
    wj = W_att[0, d:]
    alpha = x_q @ (W_lin.T @ wq) + (b_lin @ wq + b_att[0])
    beta = h @ wj
    ex_loop = _leaky_exp(alpha + beta)
    xp_num, den_e = _sc_gather_segsum(h, src, dst, alpha, beta)
    den = den_e + ex_loop
    xp = (xp_num + h * ex_loop[:, None]) / den[:, None]

    a_n = xp @ W_le1[0] + b_le1[0]
    b_n = xp @ W_le2[0]
    agg = (_sc_scalar_segsum(a_n, src, dst, n) + a_n
           - (cnt + 1.0) * b_n)
    fitness = jax.nn.sigmoid(agg + xp @ W_le3[0] + b_le3[0])

    _, idx = lax.top_k(fitness, k)
    sel = jnp.sort(idx)
    xsel = xp[sel] * fitness[sel][:, None]

    b_ = _BLK
    np_ = ((n + b_ - 1) // b_) * b_
    kp = ((k + b_ - 1) // b_) * b_
    loops = jnp.arange(n, dtype=src.dtype)
    row = jnp.concatenate([src, loops])
    col = jnp.concatenate([dst, loops])
    ones_t = jnp.ones(row.shape, jnp.float32)
    m_pat = jnp.zeros((np_, np_), jnp.float32).at[row, col].add(
        ones_t).astype(jnp.bfloat16)
    pos_of = jnp.full((n,), -1, jnp.int32).at[sel].set(
        jnp.arange(k, dtype=jnp.int32))
    pc = pos_of[col]
    posd = jnp.where(pc >= 0, pc, kp)
    u_pat = jnp.zeros((np_, kp + 128), jnp.float32).at[row, posd].add(
        ones_t)[:, :kp].astype(jnp.bfloat16)

    w_pat = _w_pattern(m_pat, u_pat)

    f = 2 * d
    xa = jnp.zeros((kp, f), jnp.float32)
    xa = xa.at[:k, :d].set(xsel)
    xa = xa.at[:k, d].set(1.0)
    wd = _mask_stage(u_pat, w_pat, xa)
    red = _final_reduce(wd, xa, d)
    mean_sum = red[0, :d]
    xsel_sum = red[1, :d]
    out = (mean_sum @ W_l2.T + k * b_l2 + xsel_sum @ W_r2.T) / k
    return out.reshape(1, d)

# --- scband reference (transcript-rebuilt; emitter-appended) ---
"""Pipeline reference for scband-graph-sage-net-asap-72060961292409 (READ-ONLY COPY).

The authoritative reference and input builder live on the scoring server;
editing this copy changes nothing except your own understanding.
"""

import jax, jax.numpy as jnp
import numpy as np

N = 10000
E = 320000
D = 128
RATIO = 0.5

def setup_inputs(seed: int = 0):
    key = jax.random.key(seed)
    ks = jax.random.split(key, 16)
    def W(k, fo, fi):
        return jax.random.normal(k, (fo, fi), dtype=jnp.float32) * 0.05
    return {
        "x": jax.random.normal(ks[0], (N, D), dtype=jnp.float32),
        "edge_index": jax.random.randint(ks[1], (2, E), 0, N, dtype=jnp.int32),
        "batch": jnp.zeros((N,), dtype=jnp.int32),
        "W_l1": W(ks[2], D, D), "b_l1": jnp.zeros((D,), jnp.float32),
        "W_r1": W(ks[3], D, D),
        "W_lin": W(ks[4], D, D), "b_lin": jnp.zeros((D,), jnp.float32),
        "W_att": W(ks[5], 1, 2 * D), "b_att": jnp.zeros((1,), jnp.float32),
        "W_le1": W(ks[6], 1, D), "b_le1": jnp.zeros((1,), jnp.float32),
        "W_le2": W(ks[7], 1, D),
        "W_le3": W(ks[8], 1, D), "b_le3": jnp.zeros((1,), jnp.float32),
        "W_l2": W(ks[9], D, D), "b_l2": jnp.zeros((D,), jnp.float32),
        "W_r2": W(ks[10], D, D),
    }

def _sage(x, src, dst, Wl, bl, Wr, n):
    # PyG SAGEConv (aggr='mean'): lin_l(mean_neigh) + lin_r(x); lin_r has no bias
    msum = jax.ops.segment_sum(x[src], dst, num_segments=n)
    cnt = jax.ops.segment_sum(jnp.ones((src.shape[0],), x.dtype), dst, num_segments=n)
    mean = msum / jnp.clip(cnt, 1.0, None)[:, None]
    return mean @ Wl.T + bl + x @ Wr.T

def reference(x, edge_index, batch, W_l1, b_l1, W_r1, W_lin, b_lin, W_att, b_att,
              W_le1, b_le1, W_le2, W_le3, b_le3, W_l2, b_l2, W_r2):
    n = x.shape[0]
    src0, dst0 = edge_index[0], edge_index[1]
    # sage1 + relu (dropout identity in eval mode)
    h = jax.nn.relu(_sage(x, src0, dst0, W_l1, b_l1, W_r1, n))
    # ---- ASAPooling(hidden=128, ratio=0.5) ----
    loops = jnp.arange(n, dtype=src0.dtype)
    row = jnp.concatenate([src0, loops])
    col = jnp.concatenate([dst0, loops])
    ew = jnp.ones((row.shape[0],), jnp.float32)
    x_pool_j = h[row]
    x_q = jax.ops.segment_max(x_pool_j, col, num_segments=n)
    x_q = x_q @ W_lin.T + b_lin
    score = jnp.concatenate([x_q[col], x_pool_j], axis=-1) @ W_att.T + b_att
    score = jax.nn.leaky_relu(score[:, 0], 0.2)
    # segment softmax over dst (col)
    smax = jax.ops.segment_max(score, col, num_segments=n)
    ex = jnp.exp(score - smax[col])
    den = jax.ops.segment_sum(ex, col, num_segments=n)
    score = ex / den[col]
    xp = jax.ops.segment_sum(h[row] * score[:, None], col, num_segments=n)
    # fitness = sigmoid(LEConv(xp, edge_index_with_loops))
    a = xp @ W_le1.T + b_le1
    b = xp @ W_le2.T
    agg = jax.ops.segment_sum(a[row] - b[col], col, num_segments=n)
    fitness = jax.nn.sigmoid(agg + xp @ W_le3.T + b_le3)[:, 0]
    k = int(np.ceil(RATIO * n))
    _, perm = jax.lax.top_k(fitness, k)
    xsel = xp[perm] * fitness[perm][:, None]
    batch_sel = batch[perm]
    # graph coarsening: A' = S^T A S, remove diagonal
    A = jnp.zeros((n, n), jnp.float32).at[row, col].add(ew)
    S = jnp.zeros((n, n), jnp.float32).at[row, col].add(score)[:, perm]
    Ac = S.T @ (A @ S)
    Ac = Ac * (1.0 - jnp.eye(k, dtype=jnp.float32))
    # sage2 on coarse graph (SAGEConv ignores edge weights; structure only)
    mask = (Ac != 0).astype(jnp.float32)
    deg = jnp.sum(mask, axis=0)
    mean = (mask.T @ xsel) / jnp.clip(deg, 1.0, None)[:, None]
    h2 = mean @ W_l2.T + b_l2 + xsel @ W_r2.T
    # global_mean_pool (batch is all zeros -> 1 graph)
    s = jax.ops.segment_sum(h2, batch_sel, num_segments=1)
    c = jax.ops.segment_sum(jnp.ones((k,), jnp.float32), batch_sel, num_segments=1)
    return s / c[:, None]

if __name__ == "__main__":
    import jax
    _d = setup_inputs()
    print(jax.jit(kernel)(*tuple(_d.values())))

</pallas_src>

<mosaic_0001>
#map = affine_map<(d0, d1) -> (0)>
#map1 = affine_map<(d0, d1) -> (0, 0, 0)>
module attributes {stable_mosaic.version = 14 : i64} {
  func.func @body(%arg0: i32, %arg1: i32, %arg2: memref<10000xf32, #tpu.memory_space<hbm>>, %arg3: memref<320000xi32, #tpu.memory_space<hbm>>, %arg4: memref<320000xi32, #tpu.memory_space<hbm>>, %arg5: memref<2x16x10112xf32, #tpu.memory_space<hbm>>, %arg6: memref<10112xf32, #tpu.memory_space<vmem>>, %arg7: memref<128xi32, #tpu.memory_space<vmem>>, %arg8: memref<128xi32, #tpu.memory_space<vmem>>, %arg9: memref<10112xf32, #tpu.memory_space<vmem>>) attributes {dimension_semantics = [#tpu.dimension_semantics<core_parallel>, #tpu.dimension_semantics<subcore_parallel>], iteration_bounds = array<i64: 2, 16>, scalar_prefetch = 0 : i64, scratch_operands = 4 : i64, tpu.core_type = #tpu.core_type<sc_vector_subcore>, window_params = [{transform_indices = #map}, {transform_indices = #map}, {transform_indices = #map}, {transform_indices = #map1}]} {
    %mul3A = arith.constant 2 : i32
    %mul3A_0 = arith.muli %arg1, %mul3A : i32
    %add3A = arith.addi %mul3A_0, %arg0 : i32
    "tpu.region"() ({
      %run_scoped3A = tpu.sem_alloc : memref<!tpu.dma_semaphore, #tpu.memory_space<semaphore_mem>>
      %dma_start3A = arith.constant 0 : i32
      %dma_start3A_12 = tpu.memref_slice %arg6[%dma_start3A] : memref<10112xf32, #tpu.memory_space<vmem>> -> memref<10000xf32, #tpu.memory_space<vmem>>
      %dma_start3A_13 = arith.constant 0 : i32
      %dma_start3A_14 = tpu.memref_slice %arg6[%dma_start3A_13] : memref<10112xf32, #tpu.memory_space<vmem>> -> memref<10000xf32, #tpu.memory_space<vmem>>
      tpu.enqueue_dma source(%arg2 : memref<10000xf32, #tpu.memory_space<hbm>>) target(%dma_start3A_14 : memref<10000xf32, #tpu.memory_space<vmem>>) target_semaphore(%run_scoped3A : memref<!tpu.dma_semaphore, #tpu.memory_space<semaphore_mem>>)
      %dma_wait3A = arith.constant 0 : i32
      %dma_wait3A_15 = tpu.memref_slice %arg6[%dma_wait3A] : memref<10112xf32, #tpu.memory_space<vmem>> -> memref<10000xf32, #tpu.memory_space<vmem>>
      %dma_wait3A_16 = arith.constant 0 : i32
      %dma_wait3A_17 = tpu.memref_slice %arg6[%dma_wait3A_16] : memref<10112xf32, #tpu.memory_space<vmem>> -> memref<10000xf32, #tpu.memory_space<vmem>>
      tpu.wait_dma2 semaphore(%run_scoped3A : memref<!tpu.dma_semaphore, #tpu.memory_space<semaphore_mem>>) src(%arg2 : memref<10000xf32, #tpu.memory_space<hbm>>) dst(%dma_wait3A_17 : memref<10000xf32, #tpu.memory_space<vmem>>)
      tpu.yield
    }) : () -> ()
    %scan3A = arith.constant 0 : i32
    %scan3A_1 = arith.constant 632 : i32
    %scan3A_2 = arith.addi %scan3A, %scan3A_1 : i32
    %scan3A_3 = arith.constant 1 : i32
    scf.for %scan3A_12 = %scan3A to %scan3A_2 step %scan3A_3  : i32 {
      %broadcast_in_dim3A = arith.constant 0.000000e+00 : f32
      %broadcast_in_dim3A_13 = vector.broadcast %broadcast_in_dim3A : f32 to vector<16xf32>
      %mul3A_14 = arith.constant 16 : i32
      %mul3A_15 = arith.muli %scan3A_12, %mul3A_14 : i32
      %swap3A = arith.index_cast %mul3A_15 : i32 to index
      %swap3A_16 = tpu.vector_load %arg9[%swap3A] {strides = array<i32>} : memref<10112xf32, #tpu.memory_space<vmem>>, vector<16xf32>,
      tpu.vector_store %arg9[%swap3A], %broadcast_in_dim3A_13 {strides = array<i32>} : memref<10112xf32, #tpu.memory_space<vmem>>, vector<16xf32>,
    }
    %scan3A_4 = arith.constant 632 : i32
    %scan3A_5 = arith.constant 0 : i32
    %scan3A_6 = arith.constant 78 : i32
    %scan3A_7 = arith.addi %scan3A_5, %scan3A_6 : i32
    %scan3A_8 = arith.constant 1 : i32
    scf.for %scan3A_12 = %scan3A_5 to %scan3A_7 step %scan3A_8  : i32 {
      %mul3A_13 = arith.constant 78 : i32
      %mul3A_14 = arith.muli %add3A, %mul3A_13 : i32
      %mul3A_15 = arith.constant 128 : i32
      %mul3A_16 = arith.muli %mul3A_14, %mul3A_15 : i32
      %mul3A_17 = arith.constant 128 : i32
      %mul3A_18 = arith.muli %scan3A_12, %mul3A_17 : i32
      %add3A_19 = arith.addi %mul3A_16, %mul3A_18 : i32
      "tpu.region"() ({
        %run_scoped3A = tpu.sem_alloc : memref<!tpu.dma_semaphore, #tpu.memory_space<semaphore_mem>>
        %dma_start3A = tpu.memref_slice %arg3[%add3A_19] : memref<320000xi32, #tpu.memory_space<hbm>> -> memref<128xi32, #tpu.memory_space<hbm>>
        %dma_start3A_58 = tpu.memref_slice %arg3[%add3A_19] : memref<320000xi32, #tpu.memory_space<hbm>> -> memref<128xi32, #tpu.memory_space<hbm>>
        tpu.enqueue_dma source(%dma_start3A_58 : memref<128xi32, #tpu.memory_space<hbm>>) target(%arg7 : memref<128xi32, #tpu.memory_space<vmem>>) target_semaphore(%run_scoped3A : memref<!tpu.dma_semaphore, #tpu.memory_space<semaphore_mem>>)
        %dma_wait3A = tpu.memref_slice %arg3[%add3A_19] : memref<320000xi32, #tpu.memory_space<hbm>> -> memref<128xi32, #tpu.memory_space<hbm>>
        %dma_wait3A_59 = tpu.memref_slice %arg3[%add3A_19] : memref<320000xi32, #tpu.memory_space<hbm>> -> memref<128xi32, #tpu.memory_space<hbm>>
        tpu.wait_dma2 semaphore(%run_scoped3A : memref<!tpu.dma_semaphore, #tpu.memory_space<semaphore_mem>>) src(%dma_wait3A_59 : memref<128xi32, #tpu.memory_space<hbm>>) dst(%arg7 : memref<128xi32, #tpu.memory_space<vmem>>)
        tpu.yield
      }) : () -> ()
      "tpu.region"() ({
        %run_scoped3A = tpu.sem_alloc : memref<!tpu.dma_semaphore, #tpu.memory_space<semaphore_mem>>
        %dma_start3A = tpu.memref_slice %arg4[%add3A_19] : memref<320000xi32, #tpu.memory_space<hbm>> -> memref<128xi32, #tpu.memory_space<hbm>>
        %dma_start3A_58 = tpu.memref_slice %arg4[%add3A_19] : memref<320000xi32, #tpu.memory_space<hbm>> -> memref<128xi32, #tpu.memory_space<hbm>>
        tpu.enqueue_dma source(%dma_start3A_58 : memref<128xi32, #tpu.memory_space<hbm>>) target(%arg8 : memref<128xi32, #tpu.memory_space<vmem>>) target_semaphore(%run_scoped3A : memref<!tpu.dma_semaphore, #tpu.memory_space<semaphore_mem>>)
        %dma_wait3A = tpu.memref_slice %arg4[%add3A_19] : memref<320000xi32, #tpu.memory_space<hbm>> -> memref<128xi32, #tpu.memory_space<hbm>>
        %dma_wait3A_59 = tpu.memref_slice %arg4[%add3A_19] : memref<320000xi32, #tpu.memory_space<hbm>> -> memref<128xi32, #tpu.memory_space<hbm>>
        tpu.wait_dma2 semaphore(%run_scoped3A : memref<!tpu.dma_semaphore, #tpu.memory_space<semaphore_mem>>) src(%dma_wait3A_59 : memref<128xi32, #tpu.memory_space<hbm>>) dst(%arg8 : memref<128xi32, #tpu.memory_space<vmem>>)
        tpu.yield
      }) : () -> ()
      %get3A = arith.constant 0 : index
      %get3A_20 = tpu.vector_load %arg7[%get3A] {strides = array<i32>} : memref<128xi32, #tpu.memory_space<vmem>>, vector<16xi32>,
      %gather3A = tpu.vector_load_idx %arg6[%get3A_20] : memref<10112xf32, #tpu.memory_space<vmem>>[vector<16xi32>], vector<16xf32>,
      %get3A_21 = arith.constant 0 : index
      %get3A_22 = tpu.vector_load %arg8[%get3A_21] {strides = array<i32>} : memref<128xi32, #tpu.memory_space<vmem>>, vector<16xi32>,
      tpu.vector_store_idx %arg9[%get3A_22], %gather3A {add = true} : memref<10112xf32, #tpu.memory_space<vmem>>[vector<16xi32>], vector<16xf32>,
      %get3A_23 = arith.constant 16 : index
      %get3A_24 = tpu.vector_load %arg7[%get3A_23] {strides = array<i32>} : memref<128xi32, #tpu.memory_space<vmem>>, vector<16xi32>,
      %gather3A_25 = tpu.vector_load_idx %arg6[%get3A_24] : memref<10112xf32, #tpu.memory_space<vmem>>[vector<16xi32>], vector<16xf32>,
      %get3A_26 = arith.constant 16 : index
      %get3A_27 = tpu.vector_load %arg8[%get3A_26] {strides = array<i32>} : memref<128xi32, #tpu.memory_space<vmem>>, vector<16xi32>,
      tpu.vector_store_idx %arg9[%get3A_27], %gather3A_25 {add = true} : memref<10112xf32, #tpu.memory_space<vmem>>[vector<16xi32>], vector<16xf32>,
      %get3A_28 = arith.constant 32 : index
      %get3A_29 = tpu.vector_load %arg7[%get3A_28] {strides = array<i32>} : memref<128xi32, #tpu.memory_space<vmem>>, vector<16xi32>,
      %gather3A_30 = tpu.vector_load_idx %arg6[%get3A_29] : memref<10112xf32, #tpu.memory_space<vmem>>[vector<16xi32>], vector<16xf32>,
      %get3A_31 = arith.constant 32 : index
      %get3A_32 = tpu.vector_load %arg8[%get3A_31] {strides = array<i32>} : memref<128xi32, #tpu.memory_space<vmem>>, vector<16xi32>,
      tpu.vector_store_idx %arg9[%get3A_32], %gather3A_30 {add = true} : memref<10112xf32, #tpu.memory_space<vmem>>[vector<16xi32>], vector<16xf32>,
      %get3A_33 = arith.constant 48 : index
      %get3A_34 = tpu.vector_load %arg7[%get3A_33] {strides = array<i32>} : memref<128xi32, #tpu.memory_space<vmem>>, vector<16xi32>,
      %gather3A_35 = tpu.vector_load_idx %arg6[%get3A_34] : memref<10112xf32, #tpu.memory_space<vmem>>[vector<16xi32>], vector<16xf32>,
      %get3A_36 = arith.constant 48 : index
      %get3A_37 = tpu.vector_load %arg8[%get3A_36] {strides = array<i32>} : memref<128xi32, #tpu.memory_space<vmem>>, vector<16xi32>,
      tpu.vector_store_idx %arg9[%get3A_37], %gather3A_35 {add = true} : memref<10112xf32, #tpu.memory_space<vmem>>[vector<16xi32>], vector<16xf32>,
      %get3A_38 = arith.constant 64 : index
      %get3A_39 = tpu.vector_load %arg7[%get3A_38] {strides = array<i32>} : memref<128xi32, #tpu.memory_space<vmem>>, vector<16xi32>,
      %gather3A_40 = tpu.vector_load_idx %arg6[%get3A_39] : memref<10112xf32, #tpu.memory_space<vmem>>[vector<16xi32>], vector<16xf32>,
      %get3A_41 = arith.constant 64 : index
      %get3A_42 = tpu.vector_load %arg8[%get3A_41] {strides = array<i32>} : memref<128xi32, #tpu.memory_space<vmem>>, vector<16xi32>,
      tpu.vector_store_idx %arg9[%get3A_42], %gather3A_40 {add = true} : memref<10112xf32, #tpu.memory_space<vmem>>[vector<16xi32>], vector<16xf32>,
      %get3A_43 = arith.constant 80 : index
      %get3A_44 = tpu.vector_load %arg7[%get3A_43] {strides = array<i32>} : memref<128xi32, #tpu.memory_space<vmem>>, vector<16xi32>,
      %gather3A_45 = tpu.vector_load_idx %arg6[%get3A_44] : memref<10112xf32, #tpu.memory_space<vmem>>[vector<16xi32>], vector<16xf32>,
      %get3A_46 = arith.constant 80 : index
      %get3A_47 = tpu.vector_load %arg8[%get3A_46] {strides = array<i32>} : memref<128xi32, #tpu.memory_space<vmem>>, vector<16xi32>,
      tpu.vector_store_idx %arg9[%get3A_47], %gather3A_45 {add = true} : memref<10112xf32, #tpu.memory_space<vmem>>[vector<16xi32>], vector<16xf32>,
      %get3A_48 = arith.constant 96 : index
      %get3A_49 = tpu.vector_load %arg7[%get3A_48] {strides = array<i32>} : memref<128xi32, #tpu.memory_space<vmem>>, vector<16xi32>,
      %gather3A_50 = tpu.vector_load_idx %arg6[%get3A_49] : memref<10112xf32, #tpu.memory_space<vmem>>[vector<16xi32>], vector<16xf32>,
      %get3A_51 = arith.constant 96 : index
      %get3A_52 = tpu.vector_load %arg8[%get3A_51] {strides = array<i32>} : memref<128xi32, #tpu.memory_space<vmem>>, vector<16xi32>,
      tpu.vector_store_idx %arg9[%get3A_52], %gather3A_50 {add = true} : memref<10112xf32, #tpu.memory_space<vmem>>[vector<16xi32>], vector<16xf32>,
      %get3A_53 = arith.constant 112 : index
      %get3A_54 = tpu.vector_load %arg7[%get3A_53] {strides = array<i32>} : memref<128xi32, #tpu.memory_space<vmem>>, vector<16xi32>,
      %gather3A_55 = tpu.vector_load_idx %arg6[%get3A_54] : memref<10112xf32, #tpu.memory_space<vmem>>[vector<16xi32>], vector<16xf32>,
      %get3A_56 = arith.constant 112 : index
      %get3A_57 = tpu.vector_load %arg8[%get3A_56] {strides = array<i32>} : memref<128xi32, #tpu.memory_space<vmem>>, vector<16xi32>,
      tpu.vector_store_idx %arg9[%get3A_57], %gather3A_55 {add = true} : memref<10112xf32, #tpu.memory_space<vmem>>[vector<16xi32>], vector<16xf32>,
    }
    %scan3A_9 = arith.constant 78 : i32
    %lt3A = arith.constant 4 : i32
    %lt3A_10 = arith.cmpi slt, %add3A, %lt3A : i32
    %convert_element_type3A = arith.extui %lt3A_10 : i1 to i32
    %cond3A = arith.constant 0 : i32
    %cond3A_11 = arith.cmpi ne, %convert_element_type3A, %cond3A : i32
    scf.if %cond3A_11 {
      %mul3A_12 = arith.constant 128 : i32
      %mul3A_13 = arith.muli %add3A, %mul3A_12 : i32
      %add3A_14 = arith.constant 319488 : i32
      %add3A_15 = arith.addi %add3A_14, %mul3A_13 : i32
      "tpu.region"() ({
        %run_scoped3A = tpu.sem_alloc : memref<!tpu.dma_semaphore, #tpu.memory_space<semaphore_mem>>
        %dma_start3A = tpu.memref_slice %arg3[%add3A_15] : memref<320000xi32, #tpu.memory_space<hbm>> -> memref<128xi32, #tpu.memory_space<hbm>>
        %dma_start3A_54 = tpu.memref_slice %arg3[%add3A_15] : memref<320000xi32, #tpu.memory_space<hbm>> -> memref<128xi32, #tpu.memory_space<hbm>>
        tpu.enqueue_dma source(%dma_start3A_54 : memref<128xi32, #tpu.memory_space<hbm>>) target(%arg7 : memref<128xi32, #tpu.memory_space<vmem>>) target_semaphore(%run_scoped3A : memref<!tpu.dma_semaphore, #tpu.memory_space<semaphore_mem>>)
        %dma_wait3A = tpu.memref_slice %arg3[%add3A_15] : memref<320000xi32, #tpu.memory_space<hbm>> -> memref<128xi32, #tpu.memory_space<hbm>>
        %dma_wait3A_55 = tpu.memref_slice %arg3[%add3A_15] : memref<320000xi32, #tpu.memory_space<hbm>> -> memref<128xi32, #tpu.memory_space<hbm>>
        tpu.wait_dma2 semaphore(%run_scoped3A : memref<!tpu.dma_semaphore, #tpu.memory_space<semaphore_mem>>) src(%dma_wait3A_55 : memref<128xi32, #tpu.memory_space<hbm>>) dst(%arg7 : memref<128xi32, #tpu.memory_space<vmem>>)
        tpu.yield
      }) : () -> ()
      "tpu.region"() ({
        %run_scoped3A = tpu.sem_alloc : memref<!tpu.dma_semaphore, #tpu.memory_space<semaphore_mem>>
        %dma_start3A = tpu.memref_slice %arg4[%add3A_15] : memref<320000xi32, #tpu.memory_space<hbm>> -> memref<128xi32, #tpu.memory_space<hbm>>
        %dma_start3A_54 = tpu.memref_slice %arg4[%add3A_15] : memref<320000xi32, #tpu.memory_space<hbm>> -> memref<128xi32, #tpu.memory_space<hbm>>
        tpu.enqueue_dma source(%dma_start3A_54 : memref<128xi32, #tpu.memory_space<hbm>>) target(%arg8 : memref<128xi32, #tpu.memory_space<vmem>>) target_semaphore(%run_scoped3A : memref<!tpu.dma_semaphore, #tpu.memory_space<semaphore_mem>>)
        %dma_wait3A = tpu.memref_slice %arg4[%add3A_15] : memref<320000xi32, #tpu.memory_space<hbm>> -> memref<128xi32, #tpu.memory_space<hbm>>
        %dma_wait3A_55 = tpu.memref_slice %arg4[%add3A_15] : memref<320000xi32, #tpu.memory_space<hbm>> -> memref<128xi32, #tpu.memory_space<hbm>>
        tpu.wait_dma2 semaphore(%run_scoped3A : memref<!tpu.dma_semaphore, #tpu.memory_space<semaphore_mem>>) src(%dma_wait3A_55 : memref<128xi32, #tpu.memory_space<hbm>>) dst(%arg8 : memref<128xi32, #tpu.memory_space<vmem>>)
        tpu.yield
      }) : () -> ()
      %get3A = arith.constant 0 : index
      %get3A_16 = tpu.vector_load %arg7[%get3A] {strides = array<i32>} : memref<128xi32, #tpu.memory_space<vmem>>, vector<16xi32>,
      %gather3A = tpu.vector_load_idx %arg6[%get3A_16] : memref<10112xf32, #tpu.memory_space<vmem>>[vector<16xi32>], vector<16xf32>,
      %get3A_17 = arith.constant 0 : index
      %get3A_18 = tpu.vector_load %arg8[%get3A_17] {strides = array<i32>} : memref<128xi32, #tpu.memory_space<vmem>>, vector<16xi32>,
      tpu.vector_store_idx %arg9[%get3A_18], %gather3A {add = true} : memref<10112xf32, #tpu.memory_space<vmem>>[vector<16xi32>], vector<16xf32>,
      %get3A_19 = arith.constant 16 : index
      %get3A_20 = tpu.vector_load %arg7[%get3A_19] {strides = array<i32>} : memref<128xi32, #tpu.memory_space<vmem>>, vector<16xi32>,
      %gather3A_21 = tpu.vector_load_idx %arg6[%get3A_20] : memref<10112xf32, #tpu.memory_space<vmem>>[vector<16xi32>], vector<16xf32>,
      %get3A_22 = arith.constant 16 : index
      %get3A_23 = tpu.vector_load %arg8[%get3A_22] {strides = array<i32>} : memref<128xi32, #tpu.memory_space<vmem>>, vector<16xi32>,
      tpu.vector_store_idx %arg9[%get3A_23], %gather3A_21 {add = true} : memref<10112xf32, #tpu.memory_space<vmem>>[vector<16xi32>], vector<16xf32>,
      %get3A_24 = arith.constant 32 : index
      %get3A_25 = tpu.vector_load %arg7[%get3A_24] {strides = array<i32>} : memref<128xi32, #tpu.memory_space<vmem>>, vector<16xi32>,
      %gather3A_26 = tpu.vector_load_idx %arg6[%get3A_25] : memref<10112xf32, #tpu.memory_space<vmem>>[vector<16xi32>], vector<16xf32>,
      %get3A_27 = arith.constant 32 : index
      %get3A_28 = tpu.vector_load %arg8[%get3A_27] {strides = array<i32>} : memref<128xi32, #tpu.memory_space<vmem>>, vector<16xi32>,
      tpu.vector_store_idx %arg9[%get3A_28], %gather3A_26 {add = true} : memref<10112xf32, #tpu.memory_space<vmem>>[vector<16xi32>], vector<16xf32>,
      %get3A_29 = arith.constant 48 : index
      %get3A_30 = tpu.vector_load %arg7[%get3A_29] {strides = array<i32>} : memref<128xi32, #tpu.memory_space<vmem>>, vector<16xi32>,
      %gather3A_31 = tpu.vector_load_idx %arg6[%get3A_30] : memref<10112xf32, #tpu.memory_space<vmem>>[vector<16xi32>], vector<16xf32>,
      %get3A_32 = arith.constant 48 : index
      %get3A_33 = tpu.vector_load %arg8[%get3A_32] {strides = array<i32>} : memref<128xi32, #tpu.memory_space<vmem>>, vector<16xi32>,
      tpu.vector_store_idx %arg9[%get3A_33], %gather3A_31 {add = true} : memref<10112xf32, #tpu.memory_space<vmem>>[vector<16xi32>], vector<16xf32>,
      %get3A_34 = arith.constant 64 : index
      %get3A_35 = tpu.vector_load %arg7[%get3A_34] {strides = array<i32>} : memref<128xi32, #tpu.memory_space<vmem>>, vector<16xi32>,
      %gather3A_36 = tpu.vector_load_idx %arg6[%get3A_35] : memref<10112xf32, #tpu.memory_space<vmem>>[vector<16xi32>], vector<16xf32>,
      %get3A_37 = arith.constant 64 : index
      %get3A_38 = tpu.vector_load %arg8[%get3A_37] {strides = array<i32>} : memref<128xi32, #tpu.memory_space<vmem>>, vector<16xi32>,
      tpu.vector_store_idx %arg9[%get3A_38], %gather3A_36 {add = true} : memref<10112xf32, #tpu.memory_space<vmem>>[vector<16xi32>], vector<16xf32>,
      %get3A_39 = arith.constant 80 : index
      %get3A_40 = tpu.vector_load %arg7[%get3A_39] {strides = array<i32>} : memref<128xi32, #tpu.memory_space<vmem>>, vector<16xi32>,
      %gather3A_41 = tpu.vector_load_idx %arg6[%get3A_40] : memref<10112xf32, #tpu.memory_space<vmem>>[vector<16xi32>], vector<16xf32>,
      %get3A_42 = arith.constant 80 : index
      %get3A_43 = tpu.vector_load %arg8[%get3A_42] {strides = array<i32>} : memref<128xi32, #tpu.memory_space<vmem>>, vector<16xi32>,
      tpu.vector_store_idx %arg9[%get3A_43], %gather3A_41 {add = true} : memref<10112xf32, #tpu.memory_space<vmem>>[vector<16xi32>], vector<16xf32>,
      %get3A_44 = arith.constant 96 : index
      %get3A_45 = tpu.vector_load %arg7[%get3A_44] {strides = array<i32>} : memref<128xi32, #tpu.memory_space<vmem>>, vector<16xi32>,
      %gather3A_46 = tpu.vector_load_idx %arg6[%get3A_45] : memref<10112xf32, #tpu.memory_space<vmem>>[vector<16xi32>], vector<16xf32>,
      %get3A_47 = arith.constant 96 : index
      %get3A_48 = tpu.vector_load %arg8[%get3A_47] {strides = array<i32>} : memref<128xi32, #tpu.memory_space<vmem>>, vector<16xi32>,
      tpu.vector_store_idx %arg9[%get3A_48], %gather3A_46 {add = true} : memref<10112xf32, #tpu.memory_space<vmem>>[vector<16xi32>], vector<16xf32>,
      %get3A_49 = arith.constant 112 : index
      %get3A_50 = tpu.vector_load %arg7[%get3A_49] {strides = array<i32>} : memref<128xi32, #tpu.memory_space<vmem>>, vector<16xi32>,
      %gather3A_51 = tpu.vector_load_idx %arg6[%get3A_50] : memref<10112xf32, #tpu.memory_space<vmem>>[vector<16xi32>], vector<16xf32>,
      %get3A_52 = arith.constant 112 : index
      %get3A_53 = tpu.vector_load %arg8[%get3A_52] {strides = array<i32>} : memref<128xi32, #tpu.memory_space<vmem>>, vector<16xi32>,
      tpu.vector_store_idx %arg9[%get3A_53], %gather3A_51 {add = true} : memref<10112xf32, #tpu.memory_space<vmem>>[vector<16xi32>], vector<16xf32>,
    } else {
    }
    "tpu.region"() ({
      %run_scoped3A = tpu.sem_alloc : memref<!tpu.dma_semaphore, #tpu.memory_space<semaphore_mem>>
      %dma_start3A = arith.constant 0 : i32
      %dma_start3A_12 = tpu.memref_slice %arg5[%arg0, %arg1, %dma_start3A] : memref<2x16x10112xf32, #tpu.memory_space<hbm>> -> memref<1x1x10112xf32, #tpu.memory_space<hbm>>
      %dma_start3A_13 = tpu.memref_squeeze %dma_start3A_12 : memref<1x1x10112xf32, #tpu.memory_space<hbm>> -> memref<10112xf32, #tpu.memory_space<hbm>>
      %dma_start3A_14 = arith.constant 0 : i32
      %dma_start3A_15 = tpu.memref_slice %arg5[%arg0, %arg1, %dma_start3A_14] : memref<2x16x10112xf32, #tpu.memory_space<hbm>> -> memref<1x1x10112xf32, #tpu.memory_space<hbm>>
      %dma_start3A_16 = tpu.memref_squeeze %dma_start3A_15 : memref<1x1x10112xf32, #tpu.memory_space<hbm>> -> memref<10112xf32, #tpu.memory_space<hbm>>
      tpu.enqueue_dma source(%arg9 : memref<10112xf32, #tpu.memory_space<vmem>>) target(%dma_start3A_16 : memref<10112xf32, #tpu.memory_space<hbm>>) target_semaphore(%run_scoped3A : memref<!tpu.dma_semaphore, #tpu.memory_space<semaphore_mem>>)
      %dma_wait3A = arith.constant 0 : i32
      %dma_wait3A_17 = tpu.memref_slice %arg5[%arg0, %arg1, %dma_wait3A] : memref<2x16x10112xf32, #tpu.memory_space<hbm>> -> memref<1x1x10112xf32, #tpu.memory_space<hbm>>
      %dma_wait3A_18 = tpu.memref_squeeze %dma_wait3A_17 : memref<1x1x10112xf32, #tpu.memory_space<hbm>> -> memref<10112xf32, #tpu.memory_space<hbm>>
      %dma_wait3A_19 = arith.constant 0 : i32
      %dma_wait3A_20 = tpu.memref_slice %arg5[%arg0, %arg1, %dma_wait3A_19] : memref<2x16x10112xf32, #tpu.memory_space<hbm>> -> memref<1x1x10112xf32, #tpu.memory_space<hbm>>
      %dma_wait3A_21 = tpu.memref_squeeze %dma_wait3A_20 : memref<1x1x10112xf32, #tpu.memory_space<hbm>> -> memref<10112xf32, #tpu.memory_space<hbm>>
      tpu.wait_dma2 semaphore(%run_scoped3A : memref<!tpu.dma_semaphore, #tpu.memory_space<semaphore_mem>>) src(%arg9 : memref<10112xf32, #tpu.memory_space<vmem>>) dst(%dma_wait3A_21 : memref<10112xf32, #tpu.memory_space<hbm>>)
      tpu.yield
    }) : () -> ()
    return
  }
}

#map = affine_map<(d0, d1) -> (0, 0)>
#map1 = affine_map<(d0, d1) -> (0)>
#map2 = affine_map<(d0, d1) -> (0, 0, 0)>
module attributes {stable_mosaic.version = 14 : i64} {
  func.func @body(%arg0: i32, %arg1: i32, %arg2: memref<10000x128xf32, #tpu.memory_space<hbm>>, %arg3: memref<320000xi32, #tpu.memory_space<hbm>>, %arg4: memref<320000xi32, #tpu.memory_space<hbm>>, %arg5: memref<10000xf32, #tpu.memory_space<hbm>>, %arg6: memref<10000xf32, #tpu.memory_space<hbm>>, %arg7: memref<632x128xf32, #tpu.memory_space<hbm>>, %arg8: memref<2x10112x128xf32, #tpu.memory_space<hbm>>, %arg9: memref<2x16x10112xf32, #tpu.memory_space<hbm>>, %arg10: memref<10112x128xf32, #tpu.memory_space<vmem_shared>>, %arg11: memref<128xi32, #tpu.memory_space<vmem>>, %arg12: memref<128xi32, #tpu.memory_space<vmem>>, %arg13: memref<128xf32, #tpu.memory_space<vmem>>, %arg14: memref<128x128xf32, #tpu.memory_space<vmem>>, %arg15: memref<10112xf32, #tpu.memory_space<vmem>>, %arg16: memref<10112xf32, #tpu.memory_space<vmem>>, %arg17: memref<10112xf32, #tpu.memory_space<vmem>>, %arg18: memref<!tpu.dma_semaphore, #tpu.memory_space<semaphore_mem>>) attributes {dimension_semantics = [#tpu.dimension_semantics<core_parallel>, #tpu.dimension_semantics<subcore_parallel>], iteration_bounds = array<i64: 2, 16>, scalar_prefetch = 0 : i64, scratch_operands = 9 : i64, tpu.core_type = #tpu.core_type<sc_vector_subcore>, window_params = [{transform_indices = #map}, {transform_indices = #map1}, {transform_indices = #map1}, {transform_indices = #map1}, {transform_indices = #map1}, {transform_indices = #map}, {transform_indices = #map2}, {transform_indices = #map2}]} {
    %mul3A = arith.constant 2 : i32
    %mul3A_0 = arith.muli %arg1, %mul3A : i32
    %add3A = arith.addi %mul3A_0, %arg0 : i32
    %mul3A_1 = arith.constant 632 : i32
    %mul3A_2 = arith.muli %arg1, %mul3A_1 : i32
    "tpu.region"() ({
      %run_scoped3A = tpu.sem_alloc : memref<!tpu.dma_semaphore, #tpu.memory_space<semaphore_mem>>
      %dma_start3A = arith.constant 0 : i32
      %dma_start3A_23 = tpu.memref_slice %arg10[%mul3A_2, %dma_start3A] : memref<10112x128xf32, #tpu.memory_space<vmem_shared>> -> memref<632x128xf32, #tpu.memory_space<vmem_shared>>
      tpu.enqueue_dma source(%arg7 : memref<632x128xf32, #tpu.memory_space<hbm>>) target(%dma_start3A_23 : memref<632x128xf32, #tpu.memory_space<vmem_shared>>) target_semaphore(%run_scoped3A : memref<!tpu.dma_semaphore, #tpu.memory_space<semaphore_mem>>)
      %dma_wait3A = arith.constant 0 : i32
      %dma_wait3A_24 = tpu.memref_slice %arg10[%mul3A_2, %dma_wait3A] : memref<10112x128xf32, #tpu.memory_space<vmem_shared>> -> memref<632x128xf32, #tpu.memory_space<vmem_shared>>
      tpu.wait_dma2 semaphore(%run_scoped3A : memref<!tpu.dma_semaphore, #tpu.memory_space<semaphore_mem>>) src(%arg7 : memref<632x128xf32, #tpu.memory_space<hbm>>) dst(%dma_wait3A_24 : memref<632x128xf32, #tpu.memory_space<vmem_shared>>)
      tpu.yield
    }) : () -> ()
    "tpu.region"() ({
      %run_scoped3A = tpu.sem_alloc : memref<!tpu.dma_semaphore, #tpu.memory_space<semaphore_mem>>
      %dma_start3A = arith.constant 0 : i32
      %dma_start3A_23 = tpu.memref_slice %arg15[%dma_start3A] : memref<10112xf32, #tpu.memory_space<vmem>> -> memref<10000xf32, #tpu.memory_space<vmem>>
      %dma_start3A_24 = arith.constant 0 : i32
      %dma_start3A_25 = tpu.memref_slice %arg15[%dma_start3A_24] : memref<10112xf32, #tpu.memory_space<vmem>> -> memref<10000xf32, #tpu.memory_space<vmem>>
      tpu.enqueue_dma source(%arg5 : memref<10000xf32, #tpu.memory_space<hbm>>) target(%dma_start3A_25 : memref<10000xf32, #tpu.memory_space<vmem>>) target_semaphore(%run_scoped3A : memref<!tpu.dma_semaphore, #tpu.memory_space<semaphore_mem>>)
      %dma_wait3A = arith.constant 0 : i32
      %dma_wait3A_26 = tpu.memref_slice %arg15[%dma_wait3A] : memref<10112xf32, #tpu.memory_space<vmem>> -> memref<10000xf32, #tpu.memory_space<vmem>>
      %dma_wait3A_27 = arith.constant 0 : i32
      %dma_wait3A_28 = tpu.memref_slice %arg15[%dma_wait3A_27] : memref<10112xf32, #tpu.memory_space<vmem>> -> memref<10000xf32, #tpu.memory_space<vmem>>
      tpu.wait_dma2 semaphore(%run_scoped3A : memref<!tpu.dma_semaphore, #tpu.memory_space<semaphore_mem>>) src(%arg5 : memref<10000xf32, #tpu.memory_space<hbm>>) dst(%dma_wait3A_28 : memref<10000xf32, #tpu.memory_space<vmem>>)
      tpu.yield
    }) : () -> ()
    "tpu.region"() ({
      %run_scoped3A = tpu.sem_alloc : memref<!tpu.dma_semaphore, #tpu.memory_space<semaphore_mem>>
      %dma_start3A = arith.constant 0 : i32
      %dma_start3A_23 = tpu.memref_slice %arg16[%dma_start3A] : memref<10112xf32, #tpu.memory_space<vmem>> -> memref<10000xf32, #tpu.memory_space<vmem>>
      %dma_start3A_24 = arith.constant 0 : i32
      %dma_start3A_25 = tpu.memref_slice %arg16[%dma_start3A_24] : memref<10112xf32, #tpu.memory_space<vmem>> -> memref<10000xf32, #tpu.memory_space<vmem>>
      tpu.enqueue_dma source(%arg6 : memref<10000xf32, #tpu.memory_space<hbm>>) target(%dma_start3A_25 : memref<10000xf32, #tpu.memory_space<vmem>>) target_semaphore(%run_scoped3A : memref<!tpu.dma_semaphore, #tpu.memory_space<semaphore_mem>>)
      %dma_wait3A = arith.constant 0 : i32
      %dma_wait3A_26 = tpu.memref_slice %arg16[%dma_wait3A] : memref<10112xf32, #tpu.memory_space<vmem>> -> memref<10000xf32, #tpu.memory_space<vmem>>
      %dma_wait3A_27 = arith.constant 0 : i32
      %dma_wait3A_28 = tpu.memref_slice %arg16[%dma_wait3A_27] : memref<10112xf32, #tpu.memory_space<vmem>> -> memref<10000xf32, #tpu.memory_space<vmem>>
      tpu.wait_dma2 semaphore(%run_scoped3A : memref<!tpu.dma_semaphore, #tpu.memory_space<semaphore_mem>>) src(%arg6 : memref<10000xf32, #tpu.memory_space<hbm>>) dst(%dma_wait3A_28 : memref<10000xf32, #tpu.memory_space<vmem>>)
      tpu.yield
    }) : () -> ()
    %scan3A = arith.constant 0 : i32
    %scan3A_3 = arith.constant 632 : i32
    %scan3A_4 = arith.addi %scan3A, %scan3A_3 : i32
    %scan3A_5 = arith.constant 1 : i32
    scf.for %scan3A_23 = %scan3A to %scan3A_4 step %scan3A_5  : i32 {
      %broadcast_in_dim3A = arith.constant 0.000000e+00 : f32
      %broadcast_in_dim3A_24 = vector.broadcast %broadcast_in_dim3A : f32 to vector<16xf32>
      %mul3A_25 = arith.constant 16 : i32
      %mul3A_26 = arith.muli %scan3A_23, %mul3A_25 : i32
      %swap3A = arith.index_cast %mul3A_26 : i32 to index
      %swap3A_27 = tpu.vector_load %arg17[%swap3A] {strides = array<i32>} : memref<10112xf32, #tpu.memory_space<vmem>>, vector<16xf32>,
      tpu.vector_store %arg17[%swap3A], %broadcast_in_dim3A_24 {strides = array<i32>} : memref<10112xf32, #tpu.memory_space<vmem>>, vector<16xf32>,
    }
    %scan3A_6 = arith.constant 632 : i32
    %barrier3A = arith.constant 0 : index
    tpu.barrier barrier_id(%barrier3A)
    %mul3A_7 = arith.constant 78 : i32
    %mul3A_8 = arith.muli %add3A, %mul3A_7 : i32
    %mul3A_9 = arith.constant 128 : i32
    %mul3A_10 = arith.muli %mul3A_8, %mul3A_9 : i32
    %scan3A_11 = arith.constant 0 : i32
    %scan3A_12 = arith.constant 78 : i32
    %scan3A_13 = arith.addi %scan3A_11, %scan3A_12 : i32
    %scan3A_14 = arith.constant 1 : i32
    scf.for %scan3A_23 = %scan3A_11 to %scan3A_13 step %scan3A_14  : i32 {
      %mul3A_24 = arith.constant 128 : i32
      %mul3A_25 = arith.muli %scan3A_23, %mul3A_24 : i32
      %add3A_26 = arith.addi %mul3A_10, %mul3A_25 : i32
      "tpu.region"() ({
        %run_scoped3A = tpu.sem_alloc : memref<!tpu.dma_semaphore, #tpu.memory_space<semaphore_mem>>
        %dma_start3A_144 = tpu.memref_slice %arg3[%add3A_26] : memref<320000xi32, #tpu.memory_space<hbm>> -> memref<128xi32, #tpu.memory_space<hbm>>
        %dma_start3A_145 = tpu.memref_slice %arg3[%add3A_26] : memref<320000xi32, #tpu.memory_space<hbm>> -> memref<128xi32, #tpu.memory_space<hbm>>
        tpu.enqueue_dma source(%dma_start3A_145 : memref<128xi32, #tpu.memory_space<hbm>>) target(%arg11 : memref<128xi32, #tpu.memory_space<vmem>>) target_semaphore(%run_scoped3A : memref<!tpu.dma_semaphore, #tpu.memory_space<semaphore_mem>>)
        %dma_wait3A_146 = tpu.memref_slice %arg3[%add3A_26] : memref<320000xi32, #tpu.memory_space<hbm>> -> memref<128xi32, #tpu.memory_space<hbm>>
        %dma_wait3A_147 = tpu.memref_slice %arg3[%add3A_26] : memref<320000xi32, #tpu.memory_space<hbm>> -> memref<128xi32, #tpu.memory_space<hbm>>
        tpu.wait_dma2 semaphore(%run_scoped3A : memref<!tpu.dma_semaphore, #tpu.memory_space<semaphore_mem>>) src(%dma_wait3A_147 : memref<128xi32, #tpu.memory_space<hbm>>) dst(%arg11 : memref<128xi32, #tpu.memory_space<vmem>>)
        tpu.yield
      }) : () -> ()
      "tpu.region"() ({
        %run_scoped3A = tpu.sem_alloc : memref<!tpu.dma_semaphore, #tpu.memory_space<semaphore_mem>>
        %dma_start3A_144 = tpu.memref_slice %arg4[%add3A_26] : memref<320000xi32, #tpu.memory_space<hbm>> -> memref<128xi32, #tpu.memory_space<hbm>>
        %dma_start3A_145 = tpu.memref_slice %arg4[%add3A_26] : memref<320000xi32, #tpu.memory_space<hbm>> -> memref<128xi32, #tpu.memory_space<hbm>>
        tpu.enqueue_dma source(%dma_start3A_145 : memref<128xi32, #tpu.memory_space<hbm>>) target(%arg12 : memref<128xi32, #tpu.memory_space<vmem>>) target_semaphore(%run_scoped3A : memref<!tpu.dma_semaphore, #tpu.memory_space<semaphore_mem>>)
        %dma_wait3A_146 = tpu.memref_slice %arg4[%add3A_26] : memref<320000xi32, #tpu.memory_space<hbm>> -> memref<128xi32, #tpu.memory_space<hbm>>
        %dma_wait3A_147 = tpu.memref_slice %arg4[%add3A_26] : memref<320000xi32, #tpu.memory_space<hbm>> -> memref<128xi32, #tpu.memory_space<hbm>>
        tpu.wait_dma2 semaphore(%run_scoped3A : memref<!tpu.dma_semaphore, #tpu.memory_space<semaphore_mem>>) src(%dma_wait3A_147 : memref<128xi32, #tpu.memory_space<hbm>>) dst(%arg12 : memref<128xi32, #tpu.memory_space<vmem>>)
        tpu.yield
      }) : () -> ()
      %dma_start3A = arith.constant 0 : i32
      %dma_start3A_27 = arith.constant 0 : i32
      %dma_start3A_28 = tpu.memref_slice %arg2[%dma_start3A, %dma_start3A_27] : memref<10000x128xf32, #tpu.memory_space<hbm>> -> memref<10000x128xf32, #tpu.memory_space<hbm>>
      tpu.enqueue_indirect_dma source(%dma_start3A_28 : memref<10000x128xf32, #tpu.memory_space<hbm>>) target(%arg14 : memref<128x128xf32, #tpu.memory_space<vmem>>) offsets(%arg11 : memref<128xi32, #tpu.memory_space<vmem>>) semaphore(%arg18 : memref<!tpu.dma_semaphore, #tpu.memory_space<semaphore_mem>>)
      %dma_wait3A = arith.constant 0 : i32
      %dma_wait3A_29 = arith.constant 0 : i32
      %dma_wait3A_30 = tpu.memref_slice %arg2[%dma_wait3A, %dma_wait3A_29] : memref<10000x128xf32, #tpu.memory_space<hbm>> -> memref<10000x128xf32, #tpu.memory_space<hbm>>
      tpu.wait_indirect_dma semaphore(%arg18 : memref<!tpu.dma_semaphore, #tpu.memory_space<semaphore_mem>>) src(%dma_wait3A_30 : memref<10000x128xf32, #tpu.memory_space<hbm>>) dst(%arg14 : memref<128x128xf32, #tpu.memory_space<vmem>>)
      %broadcast_in_dim3A = arith.constant 1.000000e+00 : f32
      %broadcast_in_dim3A_31 = vector.broadcast %broadcast_in_dim3A : f32 to vector<16xf32>
      %get3A = arith.constant 0 : index
      %get3A_32 = tpu.vector_load %arg12[%get3A] {strides = array<i32>} : memref<128xi32, #tpu.memory_space<vmem>>, vector<16xi32>,
      %gather3A = tpu.vector_load_idx %arg15[%get3A_32] : memref<10112xf32, #tpu.memory_space<vmem>>[vector<16xi32>], vector<16xf32>,
      %get3A_33 = arith.constant 0 : index
      %get3A_34 = tpu.vector_load %arg11[%get3A_33] {strides = array<i32>} : memref<128xi32, #tpu.memory_space<vmem>>, vector<16xi32>,
      %gather3A_35 = tpu.vector_load_idx %arg16[%get3A_34] : memref<10112xf32, #tpu.memory_space<vmem>>[vector<16xi32>], vector<16xf32>,
      %add3A_36 = arith.addf %gather3A, %gather3A_35 : vector<16xf32>
      %mul3A_37 = arith.constant 2.000000e-01 : f32
      %mul3A_38 = vector.broadcast %mul3A_37 : f32 to vector<16xf32>
      %mul3A_39 = arith.mulf %mul3A_38, %add3A_36 : vector<16xf32>
      %max3A = arith.maximumf %add3A_36, %mul3A_39 : vector<16xf32>
      %exp3A = math.exp %max3A : vector<16xf32>
      %swap3A = arith.constant 0 : index
      %swap3A_40 = tpu.vector_load %arg13[%swap3A] {strides = array<i32>} : memref<128xf32, #tpu.memory_space<vmem>>, vector<16xf32>,
      tpu.vector_store %arg13[%swap3A], %exp3A {strides = array<i32>} : memref<128xf32, #tpu.memory_space<vmem>>, vector<16xf32>,
      tpu.vector_store_idx %arg17[%get3A_32], %exp3A {add = true} : memref<10112xf32, #tpu.memory_space<vmem>>[vector<16xi32>], vector<16xf32>,
      %get3A_41 = arith.constant 16 : index
      %get3A_42 = tpu.vector_load %arg12[%get3A_41] {strides = array<i32>} : memref<128xi32, #tpu.memory_space<vmem>>, vector<16xi32>,
      %gather3A_43 = tpu.vector_load_idx %arg15[%get3A_42] : memref<10112xf32, #tpu.memory_space<vmem>>[vector<16xi32>], vector<16xf32>,
      %get3A_44 = arith.constant 16 : index
      %get3A_45 = tpu.vector_load %arg11[%get3A_44] {strides = array<i32>} : memref<128xi32, #tpu.memory_space<vmem>>, vector<16xi32>,
      %gather3A_46 = tpu.vector_load_idx %arg16[%get3A_45] : memref<10112xf32, #tpu.memory_space<vmem>>[vector<16xi32>], vector<16xf32>,
      %add3A_47 = arith.addf %gather3A_43, %gather3A_46 : vector<16xf32>
      %mul3A_48 = arith.constant 2.000000e-01 : f32
      %mul3A_49 = vector.broadcast %mul3A_48 : f32 to vector<16xf32>
      %mul3A_50 = arith.mulf %mul3A_49, %add3A_47 : vector<16xf32>
      %max3A_51 = arith.maximumf %add3A_47, %mul3A_50 : vector<16xf32>
      %exp3A_52 = math.exp %max3A_51 : vector<16xf32>
      %swap3A_53 = arith.constant 16 : index
      %swap3A_54 = tpu.vector_load %arg13[%swap3A_53] {strides = array<i32>} : memref<128xf32, #tpu.memory_space<vmem>>, vector<16xf32>,
      tpu.vector_store %arg13[%swap3A_53], %exp3A_52 {strides = array<i32>} : memref<128xf32, #tpu.memory_space<vmem>>, vector<16xf32>,
      tpu.vector_store_idx %arg17[%get3A_42], %exp3A_52 {add = true} : memref<10112xf32, #tpu.memory_space<vmem>>[vector<16xi32>], vector<16xf32>,
      %get3A_55 = arith.constant 32 : index
      %get3A_56 = tpu.vector_load %arg12[%get3A_55] {strides = array<i32>} : memref<128xi32, #tpu.memory_space<vmem>>, vector<16xi32>,
      %gather3A_57 = tpu.vector_load_idx %arg15[%get3A_56] : memref<10112xf32, #tpu.memory_space<vmem>>[vector<16xi32>], vector<16xf32>,
      %get3A_58 = arith.constant 32 : index
      %get3A_59 = tpu.vector_load %arg11[%get3A_58] {strides = array<i32>} : memref<128xi32, #tpu.memory_space<vmem>>, vector<16xi32>,
      %gather3A_60 = tpu.vector_load_idx %arg16[%get3A_59] : memref<10112xf32, #tpu.memory_space<vmem>>[vector<16xi32>], vector<16xf32>,
      %add3A_61 = arith.addf %gather3A_57, %gather3A_60 : vector<16xf32>
      %mul3A_62 = arith.constant 2.000000e-01 : f32
      %mul3A_63 = vector.broadcast %mul3A_62 : f32 to vector<16xf32>
      %mul3A_64 = arith.mulf %mul3A_63, %add3A_61 : vector<16xf32>
      %max3A_65 = arith.maximumf %add3A_61, %mul3A_64 : vector<16xf32>
      %exp3A_66 = math.exp %max3A_65 : vector<16xf32>
      %swap3A_67 = arith.constant 32 : index
      %swap3A_68 = tpu.vector_load %arg13[%swap3A_67] {strides = array<i32>} : memref<128xf32, #tpu.memory_space<vmem>>, vector<16xf32>,
      tpu.vector_store %arg13[%swap3A_67], %exp3A_66 {strides = array<i32>} : memref<128xf32, #tpu.memory_space<vmem>>, vector<16xf32>,
      tpu.vector_store_idx %arg17[%get3A_56], %exp3A_66 {add = true} : memref<10112xf32, #tpu.memory_space<vmem>>[vector<16xi32>], vector<16xf32>,
      %get3A_69 = arith.constant 48 : index
      %get3A_70 = tpu.vector_load %arg12[%get3A_69] {strides = array<i32>} : memref<128xi32, #tpu.memory_space<vmem>>, vector<16xi32>,
      %gather3A_71 = tpu.vector_load_idx %arg15[%get3A_70] : memref<10112xf32, #tpu.memory_space<vmem>>[vector<16xi32>], vector<16xf32>,
      %get3A_72 = arith.constant 48 : index
      %get3A_73 = tpu.vector_load %arg11[%get3A_72] {strides = array<i32>} : memref<128xi32, #tpu.memory_space<vmem>>, vector<16xi32>,
      %gather3A_74 = tpu.vector_load_idx %arg16[%get3A_73] : memref<10112xf32, #tpu.memory_space<vmem>>[vector<16xi32>], vector<16xf32>,
      %add3A_75 = arith.addf %gather3A_71, %gather3A_74 : vector<16xf32>
      %mul3A_76 = arith.constant 2.000000e-01 : f32
      %mul3A_77 = vector.broadcast %mul3A_76 : f32 to vector<16xf32>
      %mul3A_78 = arith.mulf %mul3A_77, %add3A_75 : vector<16xf32>
      %max3A_79 = arith.maximumf %add3A_75, %mul3A_78 : vector<16xf32>
      %exp3A_80 = math.exp %max3A_79 : vector<16xf32>
      %swap3A_81 = arith.constant 48 : index
      %swap3A_82 = tpu.vector_load %arg13[%swap3A_81] {strides = array<i32>} : memref<128xf32, #tpu.memory_space<vmem>>, vector<16xf32>,
      tpu.vector_store %arg13[%swap3A_81], %exp3A_80 {strides = array<i32>} : memref<128xf32, #tpu.memory_space<vmem>>, vector<16xf32>,
      tpu.vector_store_idx %arg17[%get3A_70], %exp3A_80 {add = true} : memref<10112xf32, #tpu.memory_space<vmem>>[vector<16xi32>], vector<16xf32>,
      %get3A_83 = arith.constant 64 : index
      %get3A_84 = tpu.vector_load %arg12[%get3A_83] {strides = array<i32>} : memref<128xi32, #tpu.memory_space<vmem>>, vector<16xi32>,
      %gather3A_85 = tpu.vector_load_idx %arg15[%get3A_84] : memref<10112xf32, #tpu.memory_space<vmem>>[vector<16xi32>], vector<16xf32>,
      %get3A_86 = arith.constant 64 : index
      %get3A_87 = tpu.vector_load %arg11[%get3A_86] {strides = array<i32>} : memref<128xi32, #tpu.memory_space<vmem>>, vector<16xi32>,
      %gather3A_88 = tpu.vector_load_idx %arg16[%get3A_87] : memref<10112xf32, #tpu.memory_space<vmem>>[vector<16xi32>], vector<16xf32>,
      %add3A_89 = arith.addf %gather3A_85, %gather3A_88 : vector<16xf32>
      %mul3A_90 = arith.constant 2.000000e-01 : f32
      %mul3A_91 = vector.broadcast %mul3A_90 : f32 to vector<16xf32>
      %mul3A_92 = arith.mulf %mul3A_91, %add3A_89 : vector<16xf32>
      %max3A_93 = arith.maximumf %add3A_89, %mul3A_92 : vector<16xf32>
      %exp3A_94 = math.exp %max3A_93 : vector<16xf32>
      %swap3A_95 = arith.constant 64 : index
      %swap3A_96 = tpu.vector_load %arg13[%swap3A_95] {strides = array<i32>} : memref<128xf32, #tpu.memory_space<vmem>>, vector<16xf32>,
      tpu.vector_store %arg13[%swap3A_95], %exp3A_94 {strides = array<i32>} : memref<128xf32, #tpu.memory_space<vmem>>, vector<16xf32>,
      tpu.vector_store_idx %arg17[%get3A_84], %exp3A_94 {add = true} : memref<10112xf32, #tpu.memory_space<vmem>>[vector<16xi32>], vector<16xf32>,
      %get3A_97 = arith.constant 80 : index
      %get3A_98 = tpu.vector_load %arg12[%get3A_97] {strides = array<i32>} : memref<128xi32, #tpu.memory_space<vmem>>, vector<16xi32>,
      %gather3A_99 = tpu.vector_load_idx %arg15[%get3A_98] : memref<10112xf32, #tpu.memory_space<vmem>>[vector<16xi32>], vector<16xf32>,
      %get3A_100 = arith.constant 80 : index
      %get3A_101 = tpu.vector_load %arg11[%get3A_100] {strides = array<i32>} : memref<128xi32, #tpu.memory_space<vmem>>, vector<16xi32>,
      %gather3A_102 = tpu.vector_load_idx %arg16[%get3A_101] : memref<10112xf32, #tpu.memory_space<vmem>>[vector<16xi32>], vector<16xf32>,
      %add3A_103 = arith.addf %gather3A_99, %gather3A_102 : vector<16xf32>
      %mul3A_104 = arith.constant 2.000000e-01 : f32
      %mul3A_105 = vector.broadcast %mul3A_104 : f32 to vector<16xf32>
      %mul3A_106 = arith.mulf %mul3A_105, %add3A_103 : vector<16xf32>
      %max3A_107 = arith.maximumf %add3A_103, %mul3A_106 : vector<16xf32>
      %exp3A_108 = math.exp %max3A_107 : vector<16xf32>
      %swap3A_109 = arith.constant 80 : index
      %swap3A_110 = tpu.vector_load %arg13[%swap3A_109] {strides = array<i32>} : memref<128xf32, #tpu.memory_space<vmem>>, vector<16xf32>,
      tpu.vector_store %arg13[%swap3A_109], %exp3A_108 {strides = array<i32>} : memref<128xf32, #tpu.memory_space<vmem>>, vector<16xf32>,
      tpu.vector_store_idx %arg17[%get3A_98], %exp3A_108 {add = true} : memref<10112xf32, #tpu.memory_space<vmem>>[vector<16xi32>], vector<16xf32>,
      %get3A_111 = arith.constant 96 : index
      %get3A_112 = tpu.vector_load %arg12[%get3A_111] {strides = array<i32>} : memref<128xi32, #tpu.memory_space<vmem>>, vector<16xi32>,
      %gather3A_113 = tpu.vector_load_idx %arg15[%get3A_112] : memref<10112xf32, #tpu.memory_space<vmem>>[vector<16xi32>], vector<16xf32>,
      %get3A_114 = arith.constant 96 : index
      %get3A_115 = tpu.vector_load %arg11[%get3A_114] {strides = array<i32>} : memref<128xi32, #tpu.memory_space<vmem>>, vector<16xi32>,
      %gather3A_116 = tpu.vector_load_idx %arg16[%get3A_115] : memref<10112xf32, #tpu.memory_space<vmem>>[vector<16xi32>], vector<16xf32>,
      %add3A_117 = arith.addf %gather3A_113, %gather3A_116 : vector<16xf32>
      %mul3A_118 = arith.constant 2.000000e-01 : f32
      %mul3A_119 = vector.broadcast %mul3A_118 : f32 to vector<16xf32>
      %mul3A_120 = arith.mulf %mul3A_119, %add3A_117 : vector<16xf32>
      %max3A_121 = arith.maximumf %add3A_117, %mul3A_120 : vector<16xf32>
      %exp3A_122 = math.exp %max3A_121 : vector<16xf32>
      %swap3A_123 = arith.constant 96 : index
      %swap3A_124 = tpu.vector_load %arg13[%swap3A_123] {strides = array<i32>} : memref<128xf32, #tpu.memory_space<vmem>>, vector<16xf32>,
      tpu.vector_store %arg13[%swap3A_123], %exp3A_122 {strides = array<i32>} : memref<128xf32, #tpu.memory_space<vmem>>, vector<16xf32>,
      tpu.vector_store_idx %arg17[%get3A_112], %exp3A_122 {add = true} : memref<10112xf32, #tpu.memory_space<vmem>>[vector<16xi32>], vector<16xf32>,
      %get3A_125 = arith.constant 112 : index
      %get3A_126 = tpu.vector_load %arg12[%get3A_125] {strides = array<i32>} : memref<128xi32, #tpu.memory_space<vmem>>, vector<16xi32>,
      %gather3A_127 = tpu.vector_load_idx %arg15[%get3A_126] : memref<10112xf32, #tpu.memory_space<vmem>>[vector<16xi32>], vector<16xf32>,
      %get3A_128 = arith.constant 112 : index
      %get3A_129 = tpu.vector_load %arg11[%get3A_128] {strides = array<i32>} : memref<128xi32, #tpu.memory_space<vmem>>, vector<16xi32>,
      %gather3A_130 = tpu.vector_load_idx %arg16[%get3A_129] : memref<10112xf32, #tpu.memory_space<vmem>>[vector<16xi32>], vector<16xf32>,
      %add3A_131 = arith.addf %gather3A_127, %gather3A_130 : vector<16xf32>
      %mul3A_132 = arith.constant 2.000000e-01 : f32
      %mul3A_133 = vector.broadcast %mul3A_132 : f32 to vector<16xf32>
      %mul3A_134 = arith.mulf %mul3A_133, %add3A_131 : vector<16xf32>
      %max3A_135 = arith.maximumf %add3A_131, %mul3A_134 : vector<16xf32>
      %exp3A_136 = math.exp %max3A_135 : vector<16xf32>
      %swap3A_137 = arith.constant 112 : index
      %swap3A_138 = tpu.vector_load %arg13[%swap3A_137] {strides = array<i32>} : memref<128xf32, #tpu.memory_space<vmem>>, vector<16xf32>,
      tpu.vector_store %arg13[%swap3A_137], %exp3A_136 {strides = array<i32>} : memref<128xf32, #tpu.memory_space<vmem>>, vector<16xf32>,
      tpu.vector_store_idx %arg17[%get3A_126], %exp3A_136 {add = true} : memref<10112xf32, #tpu.memory_space<vmem>>[vector<16xi32>], vector<16xf32>,
      %scan3A_139 = arith.constant 0 : i32
      %scan3A_140 = arith.constant 128 : i32
      %scan3A_141 = arith.addi %scan3A_139, %scan3A_140 : i32
      %scan3A_142 = arith.constant 1 : i32
      scf.for %scan3A_144 = %scan3A_139 to %scan3A_141 step %scan3A_142  : i32 {
        %broadcast_in_dim3A_145 = vector.broadcast %scan3A_144 : i32 to vector<16xi32>
        %gather3A_146 = tpu.vector_load_idx %arg13[%broadcast_in_dim3A_145] : memref<128xf32, #tpu.memory_space<vmem>>[vector<16xi32>], vector<16xf32>,
        %get3A_147 = arith.index_cast %scan3A_144 : i32 to index
        %get3A_148 = arith.constant 0 : index
        %get3A_149 = tpu.vector_load %arg14[%get3A_147, %get3A_148] {strides = array<i32>} : memref<128x128xf32, #tpu.memory_space<vmem>>, vector<16xf32>,
        %mul3A_150 = arith.mulf %get3A_149, %gather3A_146 : vector<16xf32>
        %swap3A_151 = arith.index_cast %scan3A_144 : i32 to index
        %swap3A_152 = arith.constant 0 : index
        %swap3A_153 = tpu.vector_load %arg14[%swap3A_151, %swap3A_152] {strides = array<i32>} : memref<128x128xf32, #tpu.memory_space<vmem>>, vector<16xf32>,
        tpu.vector_store %arg14[%swap3A_151, %swap3A_152], %mul3A_150 {strides = array<i32>} : memref<128x128xf32, #tpu.memory_space<vmem>>, vector<16xf32>,
        %get3A_154 = arith.index_cast %scan3A_144 : i32 to index
        %get3A_155 = arith.constant 16 : index
        %get3A_156 = tpu.vector_load %arg14[%get3A_154, %get3A_155] {strides = array<i32>} : memref<128x128xf32, #tpu.memory_space<vmem>>, vector<16xf32>,
        %mul3A_157 = arith.mulf %get3A_156, %gather3A_146 : vector<16xf32>
        %swap3A_158 = arith.index_cast %scan3A_144 : i32 to index
        %swap3A_159 = arith.constant 16 : index
        %swap3A_160 = tpu.vector_load %arg14[%swap3A_158, %swap3A_159] {strides = array<i32>} : memref<128x128xf32, #tpu.memory_space<vmem>>, vector<16xf32>,
        tpu.vector_store %arg14[%swap3A_158, %swap3A_159], %mul3A_157 {strides = array<i32>} : memref<128x128xf32, #tpu.memory_space<vmem>>, vector<16xf32>,
        %get3A_161 = arith.index_cast %scan3A_144 : i32 to index
        %get3A_162 = arith.constant 32 : index
        %get3A_163 = tpu.vector_load %arg14[%get3A_161, %get3A_162] {strides = array<i32>} : memref<128x128xf32, #tpu.memory_space<vmem>>, vector<16xf32>,
        %mul3A_164 = arith.mulf %get3A_163, %gather3A_146 : vector<16xf32>
        %swap3A_165 = arith.index_cast %scan3A_144 : i32 to index
        %swap3A_166 = arith.constant 32 : index
        %swap3A_167 = tpu.vector_load %arg14[%swap3A_165, %swap3A_166] {strides = array<i32>} : memref<128x128xf32, #tpu.memory_space<vmem>>, vector<16xf32>,
        tpu.vector_store %arg14[%swap3A_165, %swap3A_166], %mul3A_164 {strides = array<i32>} : memref<128x128xf32, #tpu.memory_space<vmem>>, vector<16xf32>,
        %get3A_168 = arith.index_cast %scan3A_144 : i32 to index
        %get3A_169 = arith.constant 48 : index
        %get3A_170 = tpu.vector_load %arg14[%get3A_168, %get3A_169] {strides = array<i32>} : memref<128x128xf32, #tpu.memory_space<vmem>>, vector<16xf32>,
        %mul3A_171 = arith.mulf %get3A_170, %gather3A_146 : vector<16xf32>
        %swap3A_172 = arith.index_cast %scan3A_144 : i32 to index
        %swap3A_173 = arith.constant 48 : index
        %swap3A_174 = tpu.vector_load %arg14[%swap3A_172, %swap3A_173] {strides = array<i32>} : memref<128x128xf32, #tpu.memory_space<vmem>>, vector<16xf32>,
        tpu.vector_store %arg14[%swap3A_172, %swap3A_173], %mul3A_171 {strides = array<i32>} : memref<128x128xf32, #tpu.memory_space<vmem>>, vector<16xf32>,
        %get3A_175 = arith.index_cast %scan3A_144 : i32 to index
        %get3A_176 = arith.constant 64 : index
        %get3A_177 = tpu.vector_load %arg14[%get3A_175, %get3A_176] {strides = array<i32>} : memref<128x128xf32, #tpu.memory_space<vmem>>, vector<16xf32>,
        %mul3A_178 = arith.mulf %get3A_177, %gather3A_146 : vector<16xf32>
        %swap3A_179 = arith.index_cast %scan3A_144 : i32 to index
        %swap3A_180 = arith.constant 64 : index
        %swap3A_181 = tpu.vector_load %arg14[%swap3A_179, %swap3A_180] {strides = array<i32>} : memref<128x128xf32, #tpu.memory_space<vmem>>, vector<16xf32>,
        tpu.vector_store %arg14[%swap3A_179, %swap3A_180], %mul3A_178 {strides = array<i32>} : memref<128x128xf32, #tpu.memory_space<vmem>>, vector<16xf32>,
        %get3A_182 = arith.index_cast %scan3A_144 : i32 to index
        %get3A_183 = arith.constant 80 : index
        %get3A_184 = tpu.vector_load %arg14[%get3A_182, %get3A_183] {strides = array<i32>} : memref<128x128xf32, #tpu.memory_space<vmem>>, vector<16xf32>,
        %mul3A_185 = arith.mulf %get3A_184, %gather3A_146 : vector<16xf32>
        %swap3A_186 = arith.index_cast %scan3A_144 : i32 to index
        %swap3A_187 = arith.constant 80 : index
        %swap3A_188 = tpu.vector_load %arg14[%swap3A_186, %swap3A_187] {strides = array<i32>} : memref<128x128xf32, #tpu.memory_space<vmem>>, vector<16xf32>,
        tpu.vector_store %arg14[%swap3A_186, %swap3A_187], %mul3A_185 {strides = array<i32>} : memref<128x128xf32, #tpu.memory_space<vmem>>, vector<16xf32>,
        %get3A_189 = arith.index_cast %scan3A_144 : i32 to index
        %get3A_190 = arith.constant 96 : index
        %get3A_191 = tpu.vector_load %arg14[%get3A_189, %get3A_190] {strides = array<i32>} : memref<128x128xf32, #tpu.memory_space<vmem>>, vector<16xf32>,
        %mul3A_192 = arith.mulf %get3A_191, %gather3A_146 : vector<16xf32>
        %swap3A_193 = arith.index_cast %scan3A_144 : i32 to index
        %swap3A_194 = arith.constant 96 : index
        %swap3A_195 = tpu.vector_load %arg14[%swap3A_193, %swap3A_194] {strides = array<i32>} : memref<128x128xf32, #tpu.memory_space<vmem>>, vector<16xf32>,
        tpu.vector_store %arg14[%swap3A_193, %swap3A_194], %mul3A_192 {strides = array<i32>} : memref<128x128xf32, #tpu.memory_space<vmem>>, vector<16xf32>,
        %get3A_196 = arith.index_cast %scan3A_144 : i32 to index
        %get3A_197 = arith.constant 112 : index
        %get3A_198 = tpu.vector_load %arg14[%get3A_196, %get3A_197] {strides = array<i32>} : memref<128x128xf32, #tpu.memory_space<vmem>>, vector<16xf32>,
        %mul3A_199 = arith.mulf %get3A_198, %gather3A_146 : vector<16xf32>
        %swap3A_200 = arith.index_cast %scan3A_144 : i32 to index
        %swap3A_201 = arith.constant 112 : index
        %swap3A_202 = tpu.vector_load %arg14[%swap3A_200, %swap3A_201] {strides = array<i32>} : memref<128x128xf32, #tpu.memory_space<vmem>>, vector<16xf32>,
        tpu.vector_store %arg14[%swap3A_200, %swap3A_201], %mul3A_199 {strides = array<i32>} : memref<128x128xf32, #tpu.memory_space<vmem>>, vector<16xf32>,
      }
      %scan3A_143 = arith.constant 128 : i32
      "tpu.region"() ({
        %run_scoped3A = tpu.sem_alloc : memref<!tpu.dma_semaphore, #tpu.memory_space<semaphore_mem>>
        %dma_start3A_144 = arith.constant 0 : i32
        %dma_start3A_145 = arith.constant 0 : i32
        %dma_start3A_146 = tpu.memref_slice %arg10[%dma_start3A_144, %dma_start3A_145] : memref<10112x128xf32, #tpu.memory_space<vmem_shared>> -> memref<10112x128xf32, #tpu.memory_space<vmem_shared>>
        tpu.enqueue_indirect_dma source(%arg14 : memref<128x128xf32, #tpu.memory_space<vmem>>) target(%dma_start3A_146 : memref<10112x128xf32, #tpu.memory_space<vmem_shared>>) offsets(%arg12 : memref<128xi32, #tpu.memory_space<vmem>>) semaphore(%run_scoped3A : memref<!tpu.dma_semaphore, #tpu.memory_space<semaphore_mem>>) {add = true}
        %dma_wait3A_147 = arith.constant 0 : i32
        %dma_wait3A_148 = arith.constant 0 : i32
        %dma_wait3A_149 = tpu.memref_slice %arg10[%dma_wait3A_147, %dma_wait3A_148] : memref<10112x128xf32, #tpu.memory_space<vmem_shared>> -> memref<10112x128xf32, #tpu.memory_space<vmem_shared>>
        tpu.wait_indirect_dma semaphore(%run_scoped3A : memref<!tpu.dma_semaphore, #tpu.memory_space<semaphore_mem>>) src(%arg14 : memref<128x128xf32, #tpu.memory_space<vmem>>) dst(%dma_wait3A_149 : memref<10112x128xf32, #tpu.memory_space<vmem_shared>>)
        tpu.yield
      }) : () -> ()
    }
    %scan3A_15 = arith.constant 78 : i32
    %lt3A = arith.constant 4 : i32
    %lt3A_16 = arith.cmpi slt, %add3A, %lt3A : i32
    %convert_element_type3A = arith.extui %lt3A_16 : i1 to i32
    %cond3A = arith.constant 0 : i32
    %cond3A_17 = arith.cmpi ne, %convert_element_type3A, %cond3A : i32
    scf.if %cond3A_17 {
      %mul3A_23 = arith.constant 128 : i32
      %mul3A_24 = arith.muli %add3A, %mul3A_23 : i32
      %add3A_25 = arith.constant 319488 : i32
      %add3A_26 = arith.addi %add3A_25, %mul3A_24 : i32
      "tpu.region"() ({
        %run_scoped3A = tpu.sem_alloc : memref<!tpu.dma_semaphore, #tpu.memory_space<semaphore_mem>>
        %dma_start3A_144 = tpu.memref_slice %arg3[%add3A_26] : memref<320000xi32, #tpu.memory_space<hbm>> -> memref<128xi32, #tpu.memory_space<hbm>>
        %dma_start3A_145 = tpu.memref_slice %arg3[%add3A_26] : memref<320000xi32, #tpu.memory_space<hbm>> -> memref<128xi32, #tpu.memory_space<hbm>>
        tpu.enqueue_dma source(%dma_start3A_145 : memref<128xi32, #tpu.memory_space<hbm>>) target(%arg11 : memref<128xi32, #tpu.memory_space<vmem>>) target_semaphore(%run_scoped3A : memref<!tpu.dma_semaphore, #tpu.memory_space<semaphore_mem>>)
        %dma_wait3A_146 = tpu.memref_slice %arg3[%add3A_26] : memref<320000xi32, #tpu.memory_space<hbm>> -> memref<128xi32, #tpu.memory_space<hbm>>
        %dma_wait3A_147 = tpu.memref_slice %arg3[%add3A_26] : memref<320000xi32, #tpu.memory_space<hbm>> -> memref<128xi32, #tpu.memory_space<hbm>>
        tpu.wait_dma2 semaphore(%run_scoped3A : memref<!tpu.dma_semaphore, #tpu.memory_space<semaphore_mem>>) src(%dma_wait3A_147 : memref<128xi32, #tpu.memory_space<hbm>>) dst(%arg11 : memref<128xi32, #tpu.memory_space<vmem>>)
        tpu.yield
      }) : () -> ()
      "tpu.region"() ({
        %run_scoped3A = tpu.sem_alloc : memref<!tpu.dma_semaphore, #tpu.memory_space<semaphore_mem>>
        %dma_start3A_144 = tpu.memref_slice %arg4[%add3A_26] : memref<320000xi32, #tpu.memory_space<hbm>> -> memref<128xi32, #tpu.memory_space<hbm>>
        %dma_start3A_145 = tpu.memref_slice %arg4[%add3A_26] : memref<320000xi32, #tpu.memory_space<hbm>> -> memref<128xi32, #tpu.memory_space<hbm>>
        tpu.enqueue_dma source(%dma_start3A_145 : memref<128xi32, #tpu.memory_space<hbm>>) target(%arg12 : memref<128xi32, #tpu.memory_space<vmem>>) target_semaphore(%run_scoped3A : memref<!tpu.dma_semaphore, #tpu.memory_space<semaphore_mem>>)
        %dma_wait3A_146 = tpu.memref_slice %arg4[%add3A_26] : memref<320000xi32, #tpu.memory_space<hbm>> -> memref<128xi32, #tpu.memory_space<hbm>>
        %dma_wait3A_147 = tpu.memref_slice %arg4[%add3A_26] : memref<320000xi32, #tpu.memory_space<hbm>> -> memref<128xi32, #tpu.memory_space<hbm>>
        tpu.wait_dma2 semaphore(%run_scoped3A : memref<!tpu.dma_semaphore, #tpu.memory_space<semaphore_mem>>) src(%dma_wait3A_147 : memref<128xi32, #tpu.memory_space<hbm>>) dst(%arg12 : memref<128xi32, #tpu.memory_space<vmem>>)
        tpu.yield
      }) : () -> ()
      %dma_start3A = arith.constant 0 : i32
      %dma_start3A_27 = arith.constant 0 : i32
      %dma_start3A_28 = tpu.memref_slice %arg2[%dma_start3A, %dma_start3A_27] : memref<10000x128xf32, #tpu.memory_space<hbm>> -> memref<10000x128xf32, #tpu.memory_space<hbm>>
      tpu.enqueue_indirect_dma source(%dma_start3A_28 : memref<10000x128xf32, #tpu.memory_space<hbm>>) target(%arg14 : memref<128x128xf32, #tpu.memory_space<vmem>>) offsets(%arg11 : memref<128xi32, #tpu.memory_space<vmem>>) semaphore(%arg18 : memref<!tpu.dma_semaphore, #tpu.memory_space<semaphore_mem>>)
      %dma_wait3A = arith.constant 0 : i32
      %dma_wait3A_29 = arith.constant 0 : i32
      %dma_wait3A_30 = tpu.memref_slice %arg2[%dma_wait3A, %dma_wait3A_29] : memref<10000x128xf32, #tpu.memory_space<hbm>> -> memref<10000x128xf32, #tpu.memory_space<hbm>>
      tpu.wait_indirect_dma semaphore(%arg18 : memref<!tpu.dma_semaphore, #tpu.memory_space<semaphore_mem>>) src(%dma_wait3A_30 : memref<10000x128xf32, #tpu.memory_space<hbm>>) dst(%arg14 : memref<128x128xf32, #tpu.memory_space<vmem>>)
      %broadcast_in_dim3A = arith.constant 1.000000e+00 : f32
      %broadcast_in_dim3A_31 = vector.broadcast %broadcast_in_dim3A : f32 to vector<16xf32>
      %get3A = arith.constant 0 : index
      %get3A_32 = tpu.vector_load %arg12[%get3A] {strides = array<i32>} : memref<128xi32, #tpu.memory_space<vmem>>, vector<16xi32>,
      %gather3A = tpu.vector_load_idx %arg15[%get3A_32] : memref<10112xf32, #tpu.memory_space<vmem>>[vector<16xi32>], vector<16xf32>,
      %get3A_33 = arith.constant 0 : index
      %get3A_34 = tpu.vector_load %arg11[%get3A_33] {strides = array<i32>} : memref<128xi32, #tpu.memory_space<vmem>>, vector<16xi32>,
      %gather3A_35 = tpu.vector_load_idx %arg16[%get3A_34] : memref<10112xf32, #tpu.memory_space<vmem>>[vector<16xi32>], vector<16xf32>,
      %add3A_36 = arith.addf %gather3A, %gather3A_35 : vector<16xf32>
      %mul3A_37 = arith.constant 2.000000e-01 : f32
      %mul3A_38 = vector.broadcast %mul3A_37 : f32 to vector<16xf32>
      %mul3A_39 = arith.mulf %mul3A_38, %add3A_36 : vector<16xf32>
      %max3A = arith.maximumf %add3A_36, %mul3A_39 : vector<16xf32>
      %exp3A = math.exp %max3A : vector<16xf32>
      %swap3A = arith.constant 0 : index
      %swap3A_40 = tpu.vector_load %arg13[%swap3A] {strides = array<i32>} : memref<128xf32, #tpu.memory_space<vmem>>, vector<16xf32>,
      tpu.vector_store %arg13[%swap3A], %exp3A {strides = array<i32>} : memref<128xf32, #tpu.memory_space<vmem>>, vector<16xf32>,
      tpu.vector_store_idx %arg17[%get3A_32], %exp3A {add = true} : memref<10112xf32, #tpu.memory_space<vmem>>[vector<16xi32>], vector<16xf32>,
      %get3A_41 = arith.constant 16 : index
      %get3A_42 = tpu.vector_load %arg12[%get3A_41] {strides = array<i32>} : memref<128xi32, #tpu.memory_space<vmem>>, vector<16xi32>,
      %gather3A_43 = tpu.vector_load_idx %arg15[%get3A_42] : memref<10112xf32, #tpu.memory_space<vmem>>[vector<16xi32>], vector<16xf32>,
      %get3A_44 = arith.constant 16 : index
      %get3A_45 = tpu.vector_load %arg11[%get3A_44] {strides = array<i32>} : memref<128xi32, #tpu.memory_space<vmem>>, vector<16xi32>,
      %gather3A_46 = tpu.vector_load_idx %arg16[%get3A_45] : memref<10112xf32, #tpu.memory_space<vmem>>[vector<16xi32>], vector<16xf32>,
      %add3A_47 = arith.addf %gather3A_43, %gather3A_46 : vector<16xf32>
      %mul3A_48 = arith.constant 2.000000e-01 : f32
      %mul3A_49 = vector.broadcast %mul3A_48 : f32 to vector<16xf32>
      %mul3A_50 = arith.mulf %mul3A_49, %add3A_47 : vector<16xf32>
      %max3A_51 = arith.maximumf %add3A_47, %mul3A_50 : vector<16xf32>
      %exp3A_52 = math.exp %max3A_51 : vector<16xf32>
      %swap3A_53 = arith.constant 16 : index
      %swap3A_54 = tpu.vector_load %arg13[%swap3A_53] {strides = array<i32>} : memref<128xf32, #tpu.memory_space<vmem>>, vector<16xf32>,
      tpu.vector_store %arg13[%swap3A_53], %exp3A_52 {strides = array<i32>} : memref<128xf32, #tpu.memory_space<vmem>>, vector<16xf32>,
      tpu.vector_store_idx %arg17[%get3A_42], %exp3A_52 {add = true} : memref<10112xf32, #tpu.memory_space<vmem>>[vector<16xi32>], vector<16xf32>,
      %get3A_55 = arith.constant 32 : index
      %get3A_56 = tpu.vector_load %arg12[%get3A_55] {strides = array<i32>} : memref<128xi32, #tpu.memory_space<vmem>>, vector<16xi32>,
      %gather3A_57 = tpu.vector_load_idx %arg15[%get3A_56] : memref<10112xf32, #tpu.memory_space<vmem>>[vector<16xi32>], vector<16xf32>,
      %get3A_58 = arith.constant 32 : index
      %get3A_59 = tpu.vector_load %arg11[%get3A_58] {strides = array<i32>} : memref<128xi32, #tpu.memory_space<vmem>>, vector<16xi32>,
      %gather3A_60 = tpu.vector_load_idx %arg16[%get3A_59] : memref<10112xf32, #tpu.memory_space<vmem>>[vector<16xi32>], vector<16xf32>,
      %add3A_61 = arith.addf %gather3A_57, %gather3A_60 : vector<16xf32>
      %mul3A_62 = arith.constant 2.000000e-01 : f32
      %mul3A_63 = vector.broadcast %mul3A_62 : f32 to vector<16xf32>
      %mul3A_64 = arith.mulf %mul3A_63, %add3A_61 : vector<16xf32>
      %max3A_65 = arith.maximumf %add3A_61, %mul3A_64 : vector<16xf32>
      %exp3A_66 = math.exp %max3A_65 : vector<16xf32>
      %swap3A_67 = arith.constant 32 : index
      %swap3A_68 = tpu.vector_load %arg13[%swap3A_67] {strides = array<i32>} : memref<128xf32, #tpu.memory_space<vmem>>, vector<16xf32>,
      tpu.vector_store %arg13[%swap3A_67], %exp3A_66 {strides = array<i32>} : memref<128xf32, #tpu.memory_space<vmem>>, vector<16xf32>,
      tpu.vector_store_idx %arg17[%get3A_56], %exp3A_66 {add = true} : memref<10112xf32, #tpu.memory_space<vmem>>[vector<16xi32>], vector<16xf32>,
      %get3A_69 = arith.constant 48 : index
      %get3A_70 = tpu.vector_load %arg12[%get3A_69] {strides = array<i32>} : memref<128xi32, #tpu.memory_space<vmem>>, vector<16xi32>,
      %gather3A_71 = tpu.vector_load_idx %arg15[%get3A_70] : memref<10112xf32, #tpu.memory_space<vmem>>[vector<16xi32>], vector<16xf32>,
      %get3A_72 = arith.constant 48 : index
      %get3A_73 = tpu.vector_load %arg11[%get3A_72] {strides = array<i32>} : memref<128xi32, #tpu.memory_space<vmem>>, vector<16xi32>,
      %gather3A_74 = tpu.vector_load_idx %arg16[%get3A_73] : memref<10112xf32, #tpu.memory_space<vmem>>[vector<16xi32>], vector<16xf32>,
      %add3A_75 = arith.addf %gather3A_71, %gather3A_74 : vector<16xf32>
      %mul3A_76 = arith.constant 2.000000e-01 : f32
      %mul3A_77 = vector.broadcast %mul3A_76 : f32 to vector<16xf32>
      %mul3A_78 = arith.mulf %mul3A_77, %add3A_75 : vector<16xf32>
      %max3A_79 = arith.maximumf %add3A_75, %mul3A_78 : vector<16xf32>
      %exp3A_80 = math.exp %max3A_79 : vector<16xf32>
      %swap3A_81 = arith.constant 48 : index
      %swap3A_82 = tpu.vector_load %arg13[%swap3A_81] {strides = array<i32>} : memref<128xf32, #tpu.memory_space<vmem>>, vector<16xf32>,
      tpu.vector_store %arg13[%swap3A_81], %exp3A_80 {strides = array<i32>} : memref<128xf32, #tpu.memory_space<vmem>>, vector<16xf32>,
      tpu.vector_store_idx %arg17[%get3A_70], %exp3A_80 {add = true} : memref<10112xf32, #tpu.memory_space<vmem>>[vector<16xi32>], vector<16xf32>,
      %get3A_83 = arith.constant 64 : index
      %get3A_84 = tpu.vector_load %arg12[%get3A_83] {strides = array<i32>} : memref<128xi32, #tpu.memory_space<vmem>>, vector<16xi32>,
      %gather3A_85 = tpu.vector_load_idx %arg15[%get3A_84] : memref<10112xf32, #tpu.memory_space<vmem>>[vector<16xi32>], vector<16xf32>,
      %get3A_86 = arith.constant 64 : index
      %get3A_87 = tpu.vector_load %arg11[%get3A_86] {strides = array<i32>} : memref<128xi32, #tpu.memory_space<vmem>>, vector<16xi32>,
      %gather3A_88 = tpu.vector_load_idx %arg16[%get3A_87] : memref<10112xf32, #tpu.memory_space<vmem>>[vector<16xi32>], vector<16xf32>,
      %add3A_89 = arith.addf %gather3A_85, %gather3A_88 : vector<16xf32>
      %mul3A_90 = arith.constant 2.000000e-01 : f32
      %mul3A_91 = vector.broadcast %mul3A_90 : f32 to vector<16xf32>
      %mul3A_92 = arith.mulf %mul3A_91, %add3A_89 : vector<16xf32>
      %max3A_93 = arith.maximumf %add3A_89, %mul3A_92 : vector<16xf32>
      %exp3A_94 = math.exp %max3A_93 : vector<16xf32>
      %swap3A_95 = arith.constant 64 : index
      %swap3A_96 = tpu.vector_load %arg13[%swap3A_95] {strides = array<i32>} : memref<128xf32, #tpu.memory_space<vmem>>, vector<16xf32>,
      tpu.vector_store %arg13[%swap3A_95], %exp3A_94 {strides = array<i32>} : memref<128xf32, #tpu.memory_space<vmem>>, vector<16xf32>,
      tpu.vector_store_idx %arg17[%get3A_84], %exp3A_94 {add = true} : memref<10112xf32, #tpu.memory_space<vmem>>[vector<16xi32>], vector<16xf32>,
      %get3A_97 = arith.constant 80 : index
      %get3A_98 = tpu.vector_load %arg12[%get3A_97] {strides = array<i32>} : memref<128xi32, #tpu.memory_space<vmem>>, vector<16xi32>,
      %gather3A_99 = tpu.vector_load_idx %arg15[%get3A_98] : memref<10112xf32, #tpu.memory_space<vmem>>[vector<16xi32>], vector<16xf32>,
      %get3A_100 = arith.constant 80 : index
      %get3A_101 = tpu.vector_load %arg11[%get3A_100] {strides = array<i32>} : memref<128xi32, #tpu.memory_space<vmem>>, vector<16xi32>,
      %gather3A_102 = tpu.vector_load_idx %arg16[%get3A_101] : memref<10112xf32, #tpu.memory_space<vmem>>[vector<16xi32>], vector<16xf32>,
      %add3A_103 = arith.addf %gather3A_99, %gather3A_102 : vector<16xf32>
      %mul3A_104 = arith.constant 2.000000e-01 : f32
      %mul3A_105 = vector.broadcast %mul3A_104 : f32 to vector<16xf32>
      %mul3A_106 = arith.mulf %mul3A_105, %add3A_103 : vector<16xf32>
      %max3A_107 = arith.maximumf %add3A_103, %mul3A_106 : vector<16xf32>
      %exp3A_108 = math.exp %max3A_107 : vector<16xf32>
      %swap3A_109 = arith.constant 80 : index
      %swap3A_110 = tpu.vector_load %arg13[%swap3A_109] {strides = array<i32>} : memref<128xf32, #tpu.memory_space<vmem>>, vector<16xf32>,
      tpu.vector_store %arg13[%swap3A_109], %exp3A_108 {strides = array<i32>} : memref<128xf32, #tpu.memory_space<vmem>>, vector<16xf32>,
      tpu.vector_store_idx %arg17[%get3A_98], %exp3A_108 {add = true} : memref<10112xf32, #tpu.memory_space<vmem>>[vector<16xi32>], vector<16xf32>,
      %get3A_111 = arith.constant 96 : index
      %get3A_112 = tpu.vector_load %arg12[%get3A_111] {strides = array<i32>} : memref<128xi32, #tpu.memory_space<vmem>>, vector<16xi32>,
      %gather3A_113 = tpu.vector_load_idx %arg15[%get3A_112] : memref<10112xf32, #tpu.memory_space<vmem>>[vector<16xi32>], vector<16xf32>,
      %get3A_114 = arith.constant 96 : index
      %get3A_115 = tpu.vector_load %arg11[%get3A_114] {strides = array<i32>} : memref<128xi32, #tpu.memory_space<vmem>>, vector<16xi32>,
      %gather3A_116 = tpu.vector_load_idx %arg16[%get3A_115] : memref<10112xf32, #tpu.memory_space<vmem>>[vector<16xi32>], vector<16xf32>,
      %add3A_117 = arith.addf %gather3A_113, %gather3A_116 : vector<16xf32>
      %mul3A_118 = arith.constant 2.000000e-01 : f32
      %mul3A_119 = vector.broadcast %mul3A_118 : f32 to vector<16xf32>
      %mul3A_120 = arith.mulf %mul3A_119, %add3A_117 : vector<16xf32>
      %max3A_121 = arith.maximumf %add3A_117, %mul3A_120 : vector<16xf32>
      %exp3A_122 = math.exp %max3A_121 : vector<16xf32>
      %swap3A_123 = arith.constant 96 : index
      %swap3A_124 = tpu.vector_load %arg13[%swap3A_123] {strides = array<i32>} : memref<128xf32, #tpu.memory_space<vmem>>, vector<16xf32>,
      tpu.vector_store %arg13[%swap3A_123], %exp3A_122 {strides = array<i32>} : memref<128xf32, #tpu.memory_space<vmem>>, vector<16xf32>,
      tpu.vector_store_idx %arg17[%get3A_112], %exp3A_122 {add = true} : memref<10112xf32, #tpu.memory_space<vmem>>[vector<16xi32>], vector<16xf32>,
      %get3A_125 = arith.constant 112 : index
      %get3A_126 = tpu.vector_load %arg12[%get3A_125] {strides = array<i32>} : memref<128xi32, #tpu.memory_space<vmem>>, vector<16xi32>,
      %gather3A_127 = tpu.vector_load_idx %arg15[%get3A_126] : memref<10112xf32, #tpu.memory_space<vmem>>[vector<16xi32>], vector<16xf32>,
      %get3A_128 = arith.constant 112 : index
      %get3A_129 = tpu.vector_load %arg11[%get3A_128] {strides = array<i32>} : memref<128xi32, #tpu.memory_space<vmem>>, vector<16xi32>,
      %gather3A_130 = tpu.vector_load_idx %arg16[%get3A_129] : memref<10112xf32, #tpu.memory_space<vmem>>[vector<16xi32>], vector<16xf32>,
      %add3A_131 = arith.addf %gather3A_127, %gather3A_130 : vector<16xf32>
      %mul3A_132 = arith.constant 2.000000e-01 : f32
      %mul3A_133 = vector.broadcast %mul3A_132 : f32 to vector<16xf32>
      %mul3A_134 = arith.mulf %mul3A_133, %add3A_131 : vector<16xf32>
      %max3A_135 = arith.maximumf %add3A_131, %mul3A_134 : vector<16xf32>
      %exp3A_136 = math.exp %max3A_135 : vector<16xf32>
      %swap3A_137 = arith.constant 112 : index
      %swap3A_138 = tpu.vector_load %arg13[%swap3A_137] {strides = array<i32>} : memref<128xf32, #tpu.memory_space<vmem>>, vector<16xf32>,
      tpu.vector_store %arg13[%swap3A_137], %exp3A_136 {strides = array<i32>} : memref<128xf32, #tpu.memory_space<vmem>>, vector<16xf32>,
      tpu.vector_store_idx %arg17[%get3A_126], %exp3A_136 {add = true} : memref<10112xf32, #tpu.memory_space<vmem>>[vector<16xi32>], vector<16xf32>,
      %scan3A_139 = arith.constant 0 : i32
      %scan3A_140 = arith.constant 128 : i32
      %scan3A_141 = arith.addi %scan3A_139, %scan3A_140 : i32
      %scan3A_142 = arith.constant 1 : i32
      scf.for %scan3A_144 = %scan3A_139 to %scan3A_141 step %scan3A_142  : i32 {
        %broadcast_in_dim3A_145 = vector.broadcast %scan3A_144 : i32 to vector<16xi32>
        %gather3A_146 = tpu.vector_load_idx %arg13[%broadcast_in_dim3A_145] : memref<128xf32, #tpu.memory_space<vmem>>[vector<16xi32>], vector<16xf32>,
        %get3A_147 = arith.index_cast %scan3A_144 : i32 to index
        %get3A_148 = arith.constant 0 : index
        %get3A_149 = tpu.vector_load %arg14[%get3A_147, %get3A_148] {strides = array<i32>} : memref<128x128xf32, #tpu.memory_space<vmem>>, vector<16xf32>,
        %mul3A_150 = arith.mulf %get3A_149, %gather3A_146 : vector<16xf32>
        %swap3A_151 = arith.index_cast %scan3A_144 : i32 to index
        %swap3A_152 = arith.constant 0 : index
        %swap3A_153 = tpu.vector_load %arg14[%swap3A_151, %swap3A_152] {strides = array<i32>} : memref<128x128xf32, #tpu.memory_space<vmem>>, vector<16xf32>,
        tpu.vector_store %arg14[%swap3A_151, %swap3A_152], %mul3A_150 {strides = array<i32>} : memref<128x128xf32, #tpu.memory_space<vmem>>, vector<16xf32>,
        %get3A_154 = arith.index_cast %scan3A_144 : i32 to index
        %get3A_155 = arith.constant 16 : index
        %get3A_156 = tpu.vector_load %arg14[%get3A_154, %get3A_155] {strides = array<i32>} : memref<128x128xf32, #tpu.memory_space<vmem>>, vector<16xf32>,
        %mul3A_157 = arith.mulf %get3A_156, %gather3A_146 : vector<16xf32>
        %swap3A_158 = arith.index_cast %scan3A_144 : i32 to index
        %swap3A_159 = arith.constant 16 : index
        %swap3A_160 = tpu.vector_load %arg14[%swap3A_158, %swap3A_159] {strides = array<i32>} : memref<128x128xf32, #tpu.memory_space<vmem>>, vector<16xf32>,
        tpu.vector_store %arg14[%swap3A_158, %swap3A_159], %mul3A_157 {strides = array<i32>} : memref<128x128xf32, #tpu.memory_space<vmem>>, vector<16xf32>,
        %get3A_161 = arith.index_cast %scan3A_144 : i32 to index
        %get3A_162 = arith.constant 32 : index
        %get3A_163 = tpu.vector_load %arg14[%get3A_161, %get3A_162] {strides = array<i32>} : memref<128x128xf32, #tpu.memory_space<vmem>>, vector<16xf32>,
        %mul3A_164 = arith.mulf %get3A_163, %gather3A_146 : vector<16xf32>
        %swap3A_165 = arith.index_cast %scan3A_144 : i32 to index
        %swap3A_166 = arith.constant 32 : index
        %swap3A_167 = tpu.vector_load %arg14[%swap3A_165, %swap3A_166] {strides = array<i32>} : memref<128x128xf32, #tpu.memory_space<vmem>>, vector<16xf32>,
        tpu.vector_store %arg14[%swap3A_165, %swap3A_166], %mul3A_164 {strides = array<i32>} : memref<128x128xf32, #tpu.memory_space<vmem>>, vector<16xf32>,
        %get3A_168 = arith.index_cast %scan3A_144 : i32 to index
        %get3A_169 = arith.constant 48 : index
        %get3A_170 = tpu.vector_load %arg14[%get3A_168, %get3A_169] {strides = array<i32>} : memref<128x128xf32, #tpu.memory_space<vmem>>, vector<16xf32>,
        %mul3A_171 = arith.mulf %get3A_170, %gather3A_146 : vector<16xf32>
        %swap3A_172 = arith.index_cast %scan3A_144 : i32 to index
        %swap3A_173 = arith.constant 48 : index
        %swap3A_174 = tpu.vector_load %arg14[%swap3A_172, %swap3A_173] {strides = array<i32>} : memref<128x128xf32, #tpu.memory_space<vmem>>, vector<16xf32>,
        tpu.vector_store %arg14[%swap3A_172, %swap3A_173], %mul3A_171 {strides = array<i32>} : memref<128x128xf32, #tpu.memory_space<vmem>>, vector<16xf32>,
        %get3A_175 = arith.index_cast %scan3A_144 : i32 to index
        %get3A_176 = arith.constant 64 : index
        %get3A_177 = tpu.vector_load %arg14[%get3A_175, %get3A_176] {strides = array<i32>} : memref<128x128xf32, #tpu.memory_space<vmem>>, vector<16xf32>,
        %mul3A_178 = arith.mulf %get3A_177, %gather3A_146 : vector<16xf32>
        %swap3A_179 = arith.index_cast %scan3A_144 : i32 to index
        %swap3A_180 = arith.constant 64 : index
        %swap3A_181 = tpu.vector_load %arg14[%swap3A_179, %swap3A_180] {strides = array<i32>} : memref<128x128xf32, #tpu.memory_space<vmem>>, vector<16xf32>,
        tpu.vector_store %arg14[%swap3A_179, %swap3A_180], %mul3A_178 {strides = array<i32>} : memref<128x128xf32, #tpu.memory_space<vmem>>, vector<16xf32>,
        %get3A_182 = arith.index_cast %scan3A_144 : i32 to index
        %get3A_183 = arith.constant 80 : index
        %get3A_184 = tpu.vector_load %arg14[%get3A_182, %get3A_183] {strides = array<i32>} : memref<128x128xf32, #tpu.memory_space<vmem>>, vector<16xf32>,
        %mul3A_185 = arith.mulf %get3A_184, %gather3A_146 : vector<16xf32>
        %swap3A_186 = arith.index_cast %scan3A_144 : i32 to index
        %swap3A_187 = arith.constant 80 : index
        %swap3A_188 = tpu.vector_load %arg14[%swap3A_186, %swap3A_187] {strides = array<i32>} : memref<128x128xf32, #tpu.memory_space<vmem>>, vector<16xf32>,
        tpu.vector_store %arg14[%swap3A_186, %swap3A_187], %mul3A_185 {strides = array<i32>} : memref<128x128xf32, #tpu.memory_space<vmem>>, vector<16xf32>,
        %get3A_189 = arith.index_cast %scan3A_144 : i32 to index
        %get3A_190 = arith.constant 96 : index
        %get3A_191 = tpu.vector_load %arg14[%get3A_189, %get3A_190] {strides = array<i32>} : memref<128x128xf32, #tpu.memory_space<vmem>>, vector<16xf32>,
        %mul3A_192 = arith.mulf %get3A_191, %gather3A_146 : vector<16xf32>
        %swap3A_193 = arith.index_cast %scan3A_144 : i32 to index
        %swap3A_194 = arith.constant 96 : index
        %swap3A_195 = tpu.vector_load %arg14[%swap3A_193, %swap3A_194] {strides = array<i32>} : memref<128x128xf32, #tpu.memory_space<vmem>>, vector<16xf32>,
        tpu.vector_store %arg14[%swap3A_193, %swap3A_194], %mul3A_192 {strides = array<i32>} : memref<128x128xf32, #tpu.memory_space<vmem>>, vector<16xf32>,
        %get3A_196 = arith.index_cast %scan3A_144 : i32 to index
        %get3A_197 = arith.constant 112 : index
        %get3A_198 = tpu.vector_load %arg14[%get3A_196, %get3A_197] {strides = array<i32>} : memref<128x128xf32, #tpu.memory_space<vmem>>, vector<16xf32>,
        %mul3A_199 = arith.mulf %get3A_198, %gather3A_146 : vector<16xf32>
        %swap3A_200 = arith.index_cast %scan3A_144 : i32 to index
        %swap3A_201 = arith.constant 112 : index
        %swap3A_202 = tpu.vector_load %arg14[%swap3A_200, %swap3A_201] {strides = array<i32>} : memref<128x128xf32, #tpu.memory_space<vmem>>, vector<16xf32>,
        tpu.vector_store %arg14[%swap3A_200, %swap3A_201], %mul3A_199 {strides = array<i32>} : memref<128x128xf32, #tpu.memory_space<vmem>>, vector<16xf32>,
      }
      %scan3A_143 = arith.constant 128 : i32
      "tpu.region"() ({
        %run_scoped3A = tpu.sem_alloc : memref<!tpu.dma_semaphore, #tpu.memory_space<semaphore_mem>>
        %dma_start3A_144 = arith.constant 0 : i32
        %dma_start3A_145 = arith.constant 0 : i32
        %dma_start3A_146 = tpu.memref_slice %arg10[%dma_start3A_144, %dma_start3A_145] : memref<10112x128xf32, #tpu.memory_space<vmem_shared>> -> memref<10112x128xf32, #tpu.memory_space<vmem_shared>>
        tpu.enqueue_indirect_dma source(%arg14 : memref<128x128xf32, #tpu.memory_space<vmem>>) target(%dma_start3A_146 : memref<10112x128xf32, #tpu.memory_space<vmem_shared>>) offsets(%arg12 : memref<128xi32, #tpu.memory_space<vmem>>) semaphore(%run_scoped3A : memref<!tpu.dma_semaphore, #tpu.memory_space<semaphore_mem>>) {add = true}
        %dma_wait3A_147 = arith.constant 0 : i32
        %dma_wait3A_148 = arith.constant 0 : i32
        %dma_wait3A_149 = tpu.memref_slice %arg10[%dma_wait3A_147, %dma_wait3A_148] : memref<10112x128xf32, #tpu.memory_space<vmem_shared>> -> memref<10112x128xf32, #tpu.memory_space<vmem_shared>>
        tpu.wait_indirect_dma semaphore(%run_scoped3A : memref<!tpu.dma_semaphore, #tpu.memory_space<semaphore_mem>>) src(%arg14 : memref<128x128xf32, #tpu.memory_space<vmem>>) dst(%dma_wait3A_149 : memref<10112x128xf32, #tpu.memory_space<vmem_shared>>)
        tpu.yield
      }) : () -> ()
    } else {
    }
    %barrier3A_18 = arith.constant 0 : index
    tpu.barrier barrier_id(%barrier3A_18)
    %mul3A_19 = arith.constant 632 : i32
    %mul3A_20 = arith.muli %arg1, %mul3A_19 : i32
    %mul3A_21 = arith.constant 632 : i32
    %mul3A_22 = arith.muli %arg1, %mul3A_21 : i32
    "tpu.region"() ({
      %run_scoped3A = tpu.sem_alloc : memref<!tpu.dma_semaphore, #tpu.memory_space<semaphore_mem>>
      %dma_start3A = arith.constant 0 : i32
      %dma_start3A_23 = tpu.memref_slice %arg8[%arg0, %mul3A_22, %dma_start3A] : memref<2x10112x128xf32, #tpu.memory_space<hbm>> -> memref<1x632x128xf32, #tpu.memory_space<hbm>>
      %dma_start3A_24 = tpu.memref_squeeze %dma_start3A_23 : memref<1x632x128xf32, #tpu.memory_space<hbm>> -> memref<632x128xf32, #tpu.memory_space<hbm>>
      %dma_start3A_25 = arith.constant 0 : i32
      %dma_start3A_26 = tpu.memref_slice %arg10[%mul3A_20, %dma_start3A_25] : memref<10112x128xf32, #tpu.memory_space<vmem_shared>> -> memref<632x128xf32, #tpu.memory_space<vmem_shared>>
      tpu.enqueue_dma source(%dma_start3A_26 : memref<632x128xf32, #tpu.memory_space<vmem_shared>>) target(%dma_start3A_24 : memref<632x128xf32, #tpu.memory_space<hbm>>) target_semaphore(%run_scoped3A : memref<!tpu.dma_semaphore, #tpu.memory_space<semaphore_mem>>)
      %dma_wait3A = arith.constant 0 : i32
      %dma_wait3A_27 = tpu.memref_slice %arg8[%arg0, %mul3A_22, %dma_wait3A] : memref<2x10112x128xf32, #tpu.memory_space<hbm>> -> memref<1x632x128xf32, #tpu.memory_space<hbm>>
      %dma_wait3A_28 = tpu.memref_squeeze %dma_wait3A_27 : memref<1x632x128xf32, #tpu.memory_space<hbm>> -> memref<632x128xf32, #tpu.memory_space<hbm>>
      %dma_wait3A_29 = arith.constant 0 : i32
      %dma_wait3A_30 = tpu.memref_slice %arg10[%mul3A_20, %dma_wait3A_29] : memref<10112x128xf32, #tpu.memory_space<vmem_shared>> -> memref<632x128xf32, #tpu.memory_space<vmem_shared>>
      tpu.wait_dma2 semaphore(%run_scoped3A : memref<!tpu.dma_semaphore, #tpu.memory_space<semaphore_mem>>) src(%dma_wait3A_30 : memref<632x128xf32, #tpu.memory_space<vmem_shared>>) dst(%dma_wait3A_28 : memref<632x128xf32, #tpu.memory_space<hbm>>)
      tpu.yield
    }) : () -> ()
    "tpu.region"() ({
      %run_scoped3A = tpu.sem_alloc : memref<!tpu.dma_semaphore, #tpu.memory_space<semaphore_mem>>
      %dma_start3A = arith.constant 0 : i32
      %dma_start3A_23 = tpu.memref_slice %arg9[%arg0, %arg1, %dma_start3A] : memref<2x16x10112xf32, #tpu.memory_space<hbm>> -> memref<1x1x10112xf32, #tpu.memory_space<hbm>>
      %dma_start3A_24 = tpu.memref_squeeze %dma_start3A_23 : memref<1x1x10112xf32, #tpu.memory_space<hbm>> -> memref<10112xf32, #tpu.memory_space<hbm>>
      %dma_start3A_25 = arith.constant 0 : i32
      %dma_start3A_26 = tpu.memref_slice %arg9[%arg0, %arg1, %dma_start3A_25] : memref<2x16x10112xf32, #tpu.memory_space<hbm>> -> memref<1x1x10112xf32, #tpu.memory_space<hbm>>
      %dma_start3A_27 = tpu.memref_squeeze %dma_start3A_26 : memref<1x1x10112xf32, #tpu.memory_space<hbm>> -> memref<10112xf32, #tpu.memory_space<hbm>>
      tpu.enqueue_dma source(%arg17 : memref<10112xf32, #tpu.memory_space<vmem>>) target(%dma_start3A_27 : memref<10112xf32, #tpu.memory_space<hbm>>) target_semaphore(%run_scoped3A : memref<!tpu.dma_semaphore, #tpu.memory_space<semaphore_mem>>)
      %dma_wait3A = arith.constant 0 : i32
      %dma_wait3A_28 = tpu.memref_slice %arg9[%arg0, %arg1, %dma_wait3A] : memref<2x16x10112xf32, #tpu.memory_space<hbm>> -> memref<1x1x10112xf32, #tpu.memory_space<hbm>>
      %dma_wait3A_29 = tpu.memref_squeeze %dma_wait3A_28 : memref<1x1x10112xf32, #tpu.memory_space<hbm>> -> memref<10112xf32, #tpu.memory_space<hbm>>
      %dma_wait3A_30 = arith.constant 0 : i32
      %dma_wait3A_31 = tpu.memref_slice %arg9[%arg0, %arg1, %dma_wait3A_30] : memref<2x16x10112xf32, #tpu.memory_space<hbm>> -> memref<1x1x10112xf32, #tpu.memory_space<hbm>>
      %dma_wait3A_32 = tpu.memref_squeeze %dma_wait3A_31 : memref<1x1x10112xf32, #tpu.memory_space<hbm>> -> memref<10112xf32, #tpu.memory_space<hbm>>
      tpu.wait_dma2 semaphore(%run_scoped3A : memref<!tpu.dma_semaphore, #tpu.memory_space<semaphore_mem>>) src(%arg17 : memref<10112xf32, #tpu.memory_space<vmem>>) dst(%dma_wait3A_32 : memref<10112xf32, #tpu.memory_space<hbm>>)
      tpu.yield
    }) : () -> ()
    return
  }
}

#map = affine_map<(d0, d1) -> (0, 0)>
#map1 = affine_map<(d0, d1) -> (0)>
#map2 = affine_map<(d0, d1) -> (0, 0, 0)>
module attributes {stable_mosaic.version = 14 : i64} {
  func.func @body(%arg0: i32, %arg1: i32, %arg2: memref<10000x128xf32, #tpu.memory_space<hbm>>, %arg3: memref<320000xi32, #tpu.memory_space<hbm>>, %arg4: memref<320000xi32, #tpu.memory_space<hbm>>, %arg5: memref<632x128xf32, #tpu.memory_space<hbm>>, %arg6: memref<2x10112x128xf32, #tpu.memory_space<hbm>>, %arg7: memref<2x16x10112xf32, #tpu.memory_space<hbm>>, %arg8: memref<10112x128xf32, #tpu.memory_space<vmem_shared>>, %arg9: memref<128xi32, #tpu.memory_space<vmem>>, %arg10: memref<128xi32, #tpu.memory_space<vmem>>, %arg11: memref<128x128xf32, #tpu.memory_space<vmem>>, %arg12: memref<10112xf32, #tpu.memory_space<vmem>>, %arg13: memref<!tpu.dma_semaphore, #tpu.memory_space<semaphore_mem>>) attributes {dimension_semantics = [#tpu.dimension_semantics<core_parallel>, #tpu.dimension_semantics<subcore_parallel>], iteration_bounds = array<i64: 2, 16>, scalar_prefetch = 0 : i64, scratch_operands = 6 : i64, tpu.core_type = #tpu.core_type<sc_vector_subcore>, window_params = [{transform_indices = #map}, {transform_indices = #map1}, {transform_indices = #map1}, {transform_indices = #map}, {transform_indices = #map2}, {transform_indices = #map2}]} {
    %mul3A = arith.constant 2 : i32
    %mul3A_0 = arith.muli %arg1, %mul3A : i32
    %add3A = arith.addi %mul3A_0, %arg0 : i32
    %mul3A_1 = arith.constant 632 : i32
    %mul3A_2 = arith.muli %arg1, %mul3A_1 : i32
    "tpu.region"() ({
      %run_scoped3A = tpu.sem_alloc : memref<!tpu.dma_semaphore, #tpu.memory_space<semaphore_mem>>
      %dma_start3A = arith.constant 0 : i32
      %dma_start3A_23 = tpu.memref_slice %arg8[%mul3A_2, %dma_start3A] : memref<10112x128xf32, #tpu.memory_space<vmem_shared>> -> memref<632x128xf32, #tpu.memory_space<vmem_shared>>
      tpu.enqueue_dma source(%arg5 : memref<632x128xf32, #tpu.memory_space<hbm>>) target(%dma_start3A_23 : memref<632x128xf32, #tpu.memory_space<vmem_shared>>) target_semaphore(%run_scoped3A : memref<!tpu.dma_semaphore, #tpu.memory_space<semaphore_mem>>)
      %dma_wait3A = arith.constant 0 : i32
      %dma_wait3A_24 = tpu.memref_slice %arg8[%mul3A_2, %dma_wait3A] : memref<10112x128xf32, #tpu.memory_space<vmem_shared>> -> memref<632x128xf32, #tpu.memory_space<vmem_shared>>
      tpu.wait_dma2 semaphore(%run_scoped3A : memref<!tpu.dma_semaphore, #tpu.memory_space<semaphore_mem>>) src(%arg5 : memref<632x128xf32, #tpu.memory_space<hbm>>) dst(%dma_wait3A_24 : memref<632x128xf32, #tpu.memory_space<vmem_shared>>)
      tpu.yield
    }) : () -> ()
    %scan3A = arith.constant 0 : i32
    %scan3A_3 = arith.constant 632 : i32
    %scan3A_4 = arith.addi %scan3A, %scan3A_3 : i32
    %scan3A_5 = arith.constant 1 : i32
    scf.for %scan3A_23 = %scan3A to %scan3A_4 step %scan3A_5  : i32 {
      %broadcast_in_dim3A = arith.constant 0.000000e+00 : f32
      %broadcast_in_dim3A_24 = vector.broadcast %broadcast_in_dim3A : f32 to vector<16xf32>
      %mul3A_25 = arith.constant 16 : i32
      %mul3A_26 = arith.muli %scan3A_23, %mul3A_25 : i32
      %swap3A = arith.index_cast %mul3A_26 : i32 to index
      %swap3A_27 = tpu.vector_load %arg12[%swap3A] {strides = array<i32>} : memref<10112xf32, #tpu.memory_space<vmem>>, vector<16xf32>,
      tpu.vector_store %arg12[%swap3A], %broadcast_in_dim3A_24 {strides = array<i32>} : memref<10112xf32, #tpu.memory_space<vmem>>, vector<16xf32>,
    }
    %scan3A_6 = arith.constant 632 : i32
    %barrier3A = arith.constant 0 : index
    tpu.barrier barrier_id(%barrier3A)
    %mul3A_7 = arith.constant 78 : i32
    %mul3A_8 = arith.muli %add3A, %mul3A_7 : i32
    %mul3A_9 = arith.constant 128 : i32
    %mul3A_10 = arith.muli %mul3A_8, %mul3A_9 : i32
    %scan3A_11 = arith.constant 0 : i32
    %scan3A_12 = arith.constant 78 : i32
    %scan3A_13 = arith.addi %scan3A_11, %scan3A_12 : i32
    %scan3A_14 = arith.constant 1 : i32
    scf.for %scan3A_23 = %scan3A_11 to %scan3A_13 step %scan3A_14  : i32 {
      %mul3A_24 = arith.constant 128 : i32
      %mul3A_25 = arith.muli %scan3A_23, %mul3A_24 : i32
      %add3A_26 = arith.addi %mul3A_10, %mul3A_25 : i32
      "tpu.region"() ({
        %run_scoped3A = tpu.sem_alloc : memref<!tpu.dma_semaphore, #tpu.memory_space<semaphore_mem>>
        %dma_start3A_47 = tpu.memref_slice %arg3[%add3A_26] : memref<320000xi32, #tpu.memory_space<hbm>> -> memref<128xi32, #tpu.memory_space<hbm>>
        %dma_start3A_48 = tpu.memref_slice %arg3[%add3A_26] : memref<320000xi32, #tpu.memory_space<hbm>> -> memref<128xi32, #tpu.memory_space<hbm>>
        tpu.enqueue_dma source(%dma_start3A_48 : memref<128xi32, #tpu.memory_space<hbm>>) target(%arg9 : memref<128xi32, #tpu.memory_space<vmem>>) target_semaphore(%run_scoped3A : memref<!tpu.dma_semaphore, #tpu.memory_space<semaphore_mem>>)
        %dma_wait3A_49 = tpu.memref_slice %arg3[%add3A_26] : memref<320000xi32, #tpu.memory_space<hbm>> -> memref<128xi32, #tpu.memory_space<hbm>>
        %dma_wait3A_50 = tpu.memref_slice %arg3[%add3A_26] : memref<320000xi32, #tpu.memory_space<hbm>> -> memref<128xi32, #tpu.memory_space<hbm>>
        tpu.wait_dma2 semaphore(%run_scoped3A : memref<!tpu.dma_semaphore, #tpu.memory_space<semaphore_mem>>) src(%dma_wait3A_50 : memref<128xi32, #tpu.memory_space<hbm>>) dst(%arg9 : memref<128xi32, #tpu.memory_space<vmem>>)
        tpu.yield
      }) : () -> ()
      "tpu.region"() ({
        %run_scoped3A = tpu.sem_alloc : memref<!tpu.dma_semaphore, #tpu.memory_space<semaphore_mem>>
        %dma_start3A_47 = tpu.memref_slice %arg4[%add3A_26] : memref<320000xi32, #tpu.memory_space<hbm>> -> memref<128xi32, #tpu.memory_space<hbm>>
        %dma_start3A_48 = tpu.memref_slice %arg4[%add3A_26] : memref<320000xi32, #tpu.memory_space<hbm>> -> memref<128xi32, #tpu.memory_space<hbm>>
        tpu.enqueue_dma source(%dma_start3A_48 : memref<128xi32, #tpu.memory_space<hbm>>) target(%arg10 : memref<128xi32, #tpu.memory_space<vmem>>) target_semaphore(%run_scoped3A : memref<!tpu.dma_semaphore, #tpu.memory_space<semaphore_mem>>)
        %dma_wait3A_49 = tpu.memref_slice %arg4[%add3A_26] : memref<320000xi32, #tpu.memory_space<hbm>> -> memref<128xi32, #tpu.memory_space<hbm>>
        %dma_wait3A_50 = tpu.memref_slice %arg4[%add3A_26] : memref<320000xi32, #tpu.memory_space<hbm>> -> memref<128xi32, #tpu.memory_space<hbm>>
        tpu.wait_dma2 semaphore(%run_scoped3A : memref<!tpu.dma_semaphore, #tpu.memory_space<semaphore_mem>>) src(%dma_wait3A_50 : memref<128xi32, #tpu.memory_space<hbm>>) dst(%arg10 : memref<128xi32, #tpu.memory_space<vmem>>)
        tpu.yield
      }) : () -> ()
      %dma_start3A = arith.constant 0 : i32
      %dma_start3A_27 = arith.constant 0 : i32
      %dma_start3A_28 = tpu.memref_slice %arg2[%dma_start3A, %dma_start3A_27] : memref<10000x128xf32, #tpu.memory_space<hbm>> -> memref<10000x128xf32, #tpu.memory_space<hbm>>
      tpu.enqueue_indirect_dma source(%dma_start3A_28 : memref<10000x128xf32, #tpu.memory_space<hbm>>) target(%arg11 : memref<128x128xf32, #tpu.memory_space<vmem>>) offsets(%arg9 : memref<128xi32, #tpu.memory_space<vmem>>) semaphore(%arg13 : memref<!tpu.dma_semaphore, #tpu.memory_space<semaphore_mem>>)
      %dma_wait3A = arith.constant 0 : i32
      %dma_wait3A_29 = arith.constant 0 : i32
      %dma_wait3A_30 = tpu.memref_slice %arg2[%dma_wait3A, %dma_wait3A_29] : memref<10000x128xf32, #tpu.memory_space<hbm>> -> memref<10000x128xf32, #tpu.memory_space<hbm>>
      tpu.wait_indirect_dma semaphore(%arg13 : memref<!tpu.dma_semaphore, #tpu.memory_space<semaphore_mem>>) src(%dma_wait3A_30 : memref<10000x128xf32, #tpu.memory_space<hbm>>) dst(%arg11 : memref<128x128xf32, #tpu.memory_space<vmem>>)
      %broadcast_in_dim3A = arith.constant 1.000000e+00 : f32
      %broadcast_in_dim3A_31 = vector.broadcast %broadcast_in_dim3A : f32 to vector<16xf32>
      %get3A = arith.constant 0 : index
      %get3A_32 = tpu.vector_load %arg10[%get3A] {strides = array<i32>} : memref<128xi32, #tpu.memory_space<vmem>>, vector<16xi32>,
      tpu.vector_store_idx %arg12[%get3A_32], %broadcast_in_dim3A_31 {add = true} : memref<10112xf32, #tpu.memory_space<vmem>>[vector<16xi32>], vector<16xf32>,
      %get3A_33 = arith.constant 16 : index
      %get3A_34 = tpu.vector_load %arg10[%get3A_33] {strides = array<i32>} : memref<128xi32, #tpu.memory_space<vmem>>, vector<16xi32>,
      tpu.vector_store_idx %arg12[%get3A_34], %broadcast_in_dim3A_31 {add = true} : memref<10112xf32, #tpu.memory_space<vmem>>[vector<16xi32>], vector<16xf32>,
      %get3A_35 = arith.constant 32 : index
      %get3A_36 = tpu.vector_load %arg10[%get3A_35] {strides = array<i32>} : memref<128xi32, #tpu.memory_space<vmem>>, vector<16xi32>,
      tpu.vector_store_idx %arg12[%get3A_36], %broadcast_in_dim3A_31 {add = true} : memref<10112xf32, #tpu.memory_space<vmem>>[vector<16xi32>], vector<16xf32>,
      %get3A_37 = arith.constant 48 : index
      %get3A_38 = tpu.vector_load %arg10[%get3A_37] {strides = array<i32>} : memref<128xi32, #tpu.memory_space<vmem>>, vector<16xi32>,
      tpu.vector_store_idx %arg12[%get3A_38], %broadcast_in_dim3A_31 {add = true} : memref<10112xf32, #tpu.memory_space<vmem>>[vector<16xi32>], vector<16xf32>,
      %get3A_39 = arith.constant 64 : index
      %get3A_40 = tpu.vector_load %arg10[%get3A_39] {strides = array<i32>} : memref<128xi32, #tpu.memory_space<vmem>>, vector<16xi32>,
      tpu.vector_store_idx %arg12[%get3A_40], %broadcast_in_dim3A_31 {add = true} : memref<10112xf32, #tpu.memory_space<vmem>>[vector<16xi32>], vector<16xf32>,
      %get3A_41 = arith.constant 80 : index
      %get3A_42 = tpu.vector_load %arg10[%get3A_41] {strides = array<i32>} : memref<128xi32, #tpu.memory_space<vmem>>, vector<16xi32>,
      tpu.vector_store_idx %arg12[%get3A_42], %broadcast_in_dim3A_31 {add = true} : memref<10112xf32, #tpu.memory_space<vmem>>[vector<16xi32>], vector<16xf32>,
      %get3A_43 = arith.constant 96 : index
      %get3A_44 = tpu.vector_load %arg10[%get3A_43] {strides = array<i32>} : memref<128xi32, #tpu.memory_space<vmem>>, vector<16xi32>,
      tpu.vector_store_idx %arg12[%get3A_44], %broadcast_in_dim3A_31 {add = true} : memref<10112xf32, #tpu.memory_space<vmem>>[vector<16xi32>], vector<16xf32>,
      %get3A_45 = arith.constant 112 : index
      %get3A_46 = tpu.vector_load %arg10[%get3A_45] {strides = array<i32>} : memref<128xi32, #tpu.memory_space<vmem>>, vector<16xi32>,
      tpu.vector_store_idx %arg12[%get3A_46], %broadcast_in_dim3A_31 {add = true} : memref<10112xf32, #tpu.memory_space<vmem>>[vector<16xi32>], vector<16xf32>,
      "tpu.region"() ({
        %run_scoped3A = tpu.sem_alloc : memref<!tpu.dma_semaphore, #tpu.memory_space<semaphore_mem>>
        %dma_start3A_47 = arith.constant 0 : i32
        %dma_start3A_48 = arith.constant 0 : i32
        %dma_start3A_49 = tpu.memref_slice %arg8[%dma_start3A_47, %dma_start3A_48] : memref<10112x128xf32, #tpu.memory_space<vmem_shared>> -> memref<10112x128xf32, #tpu.memory_space<vmem_shared>>
        tpu.enqueue_indirect_dma source(%arg11 : memref<128x128xf32, #tpu.memory_space<vmem>>) target(%dma_start3A_49 : memref<10112x128xf32, #tpu.memory_space<vmem_shared>>) offsets(%arg10 : memref<128xi32, #tpu.memory_space<vmem>>) semaphore(%run_scoped3A : memref<!tpu.dma_semaphore, #tpu.memory_space<semaphore_mem>>) {add = true}
        %dma_wait3A_50 = arith.constant 0 : i32
        %dma_wait3A_51 = arith.constant 0 : i32
        %dma_wait3A_52 = tpu.memref_slice %arg8[%dma_wait3A_50, %dma_wait3A_51] : memref<10112x128xf32, #tpu.memory_space<vmem_shared>> -> memref<10112x128xf32, #tpu.memory_space<vmem_shared>>
        tpu.wait_indirect_dma semaphore(%run_scoped3A : memref<!tpu.dma_semaphore, #tpu.memory_space<semaphore_mem>>) src(%arg11 : memref<128x128xf32, #tpu.memory_space<vmem>>) dst(%dma_wait3A_52 : memref<10112x128xf32, #tpu.memory_space<vmem_shared>>)
        tpu.yield
      }) : () -> ()
    }
    %scan3A_15 = arith.constant 78 : i32
    %lt3A = arith.constant 4 : i32
    %lt3A_16 = arith.cmpi slt, %add3A, %lt3A : i32
    %convert_element_type3A = arith.extui %lt3A_16 : i1 to i32
    %cond3A = arith.constant 0 : i32
    %cond3A_17 = arith.cmpi ne, %convert_element_type3A, %cond3A : i32
    scf.if %cond3A_17 {
      %mul3A_23 = arith.constant 128 : i32
      %mul3A_24 = arith.muli %add3A, %mul3A_23 : i32
      %add3A_25 = arith.constant 319488 : i32
      %add3A_26 = arith.addi %add3A_25, %mul3A_24 : i32
      "tpu.region"() ({
        %run_scoped3A = tpu.sem_alloc : memref<!tpu.dma_semaphore, #tpu.memory_space<semaphore_mem>>
        %dma_start3A_47 = tpu.memref_slice %arg3[%add3A_26] : memref<320000xi32, #tpu.memory_space<hbm>> -> memref<128xi32, #tpu.memory_space<hbm>>
        %dma_start3A_48 = tpu.memref_slice %arg3[%add3A_26] : memref<320000xi32, #tpu.memory_space<hbm>> -> memref<128xi32, #tpu.memory_space<hbm>>
        tpu.enqueue_dma source(%dma_start3A_48 : memref<128xi32, #tpu.memory_space<hbm>>) target(%arg9 : memref<128xi32, #tpu.memory_space<vmem>>) target_semaphore(%run_scoped3A : memref<!tpu.dma_semaphore, #tpu.memory_space<semaphore_mem>>)
        %dma_wait3A_49 = tpu.memref_slice %arg3[%add3A_26] : memref<320000xi32, #tpu.memory_space<hbm>> -> memref<128xi32, #tpu.memory_space<hbm>>
        %dma_wait3A_50 = tpu.memref_slice %arg3[%add3A_26] : memref<320000xi32, #tpu.memory_space<hbm>> -> memref<128xi32, #tpu.memory_space<hbm>>
        tpu.wait_dma2 semaphore(%run_scoped3A : memref<!tpu.dma_semaphore, #tpu.memory_space<semaphore_mem>>) src(%dma_wait3A_50 : memref<128xi32, #tpu.memory_space<hbm>>) dst(%arg9 : memref<128xi32, #tpu.memory_space<vmem>>)
        tpu.yield
      }) : () -> ()
      "tpu.region"() ({
        %run_scoped3A = tpu.sem_alloc : memref<!tpu.dma_semaphore, #tpu.memory_space<semaphore_mem>>
        %dma_start3A_47 = tpu.memref_slice %arg4[%add3A_26] : memref<320000xi32, #tpu.memory_space<hbm>> -> memref<128xi32, #tpu.memory_space<hbm>>
        %dma_start3A_48 = tpu.memref_slice %arg4[%add3A_26] : memref<320000xi32, #tpu.memory_space<hbm>> -> memref<128xi32, #tpu.memory_space<hbm>>
        tpu.enqueue_dma source(%dma_start3A_48 : memref<128xi32, #tpu.memory_space<hbm>>) target(%arg10 : memref<128xi32, #tpu.memory_space<vmem>>) target_semaphore(%run_scoped3A : memref<!tpu.dma_semaphore, #tpu.memory_space<semaphore_mem>>)
        %dma_wait3A_49 = tpu.memref_slice %arg4[%add3A_26] : memref<320000xi32, #tpu.memory_space<hbm>> -> memref<128xi32, #tpu.memory_space<hbm>>
        %dma_wait3A_50 = tpu.memref_slice %arg4[%add3A_26] : memref<320000xi32, #tpu.memory_space<hbm>> -> memref<128xi32, #tpu.memory_space<hbm>>
        tpu.wait_dma2 semaphore(%run_scoped3A : memref<!tpu.dma_semaphore, #tpu.memory_space<semaphore_mem>>) src(%dma_wait3A_50 : memref<128xi32, #tpu.memory_space<hbm>>) dst(%arg10 : memref<128xi32, #tpu.memory_space<vmem>>)
        tpu.yield
      }) : () -> ()
      %dma_start3A = arith.constant 0 : i32
      %dma_start3A_27 = arith.constant 0 : i32
      %dma_start3A_28 = tpu.memref_slice %arg2[%dma_start3A, %dma_start3A_27] : memref<10000x128xf32, #tpu.memory_space<hbm>> -> memref<10000x128xf32, #tpu.memory_space<hbm>>
      tpu.enqueue_indirect_dma source(%dma_start3A_28 : memref<10000x128xf32, #tpu.memory_space<hbm>>) target(%arg11 : memref<128x128xf32, #tpu.memory_space<vmem>>) offsets(%arg9 : memref<128xi32, #tpu.memory_space<vmem>>) semaphore(%arg13 : memref<!tpu.dma_semaphore, #tpu.memory_space<semaphore_mem>>)
      %dma_wait3A = arith.constant 0 : i32
      %dma_wait3A_29 = arith.constant 0 : i32
      %dma_wait3A_30 = tpu.memref_slice %arg2[%dma_wait3A, %dma_wait3A_29] : memref<10000x128xf32, #tpu.memory_space<hbm>> -> memref<10000x128xf32, #tpu.memory_space<hbm>>
      tpu.wait_indirect_dma semaphore(%arg13 : memref<!tpu.dma_semaphore, #tpu.memory_space<semaphore_mem>>) src(%dma_wait3A_30 : memref<10000x128xf32, #tpu.memory_space<hbm>>) dst(%arg11 : memref<128x128xf32, #tpu.memory_space<vmem>>)
      %broadcast_in_dim3A = arith.constant 1.000000e+00 : f32
      %broadcast_in_dim3A_31 = vector.broadcast %broadcast_in_dim3A : f32 to vector<16xf32>
      %get3A = arith.constant 0 : index
      %get3A_32 = tpu.vector_load %arg10[%get3A] {strides = array<i32>} : memref<128xi32, #tpu.memory_space<vmem>>, vector<16xi32>,
      tpu.vector_store_idx %arg12[%get3A_32], %broadcast_in_dim3A_31 {add = true} : memref<10112xf32, #tpu.memory_space<vmem>>[vector<16xi32>], vector<16xf32>,
      %get3A_33 = arith.constant 16 : index
      %get3A_34 = tpu.vector_load %arg10[%get3A_33] {strides = array<i32>} : memref<128xi32, #tpu.memory_space<vmem>>, vector<16xi32>,
      tpu.vector_store_idx %arg12[%get3A_34], %broadcast_in_dim3A_31 {add = true} : memref<10112xf32, #tpu.memory_space<vmem>>[vector<16xi32>], vector<16xf32>,
      %get3A_35 = arith.constant 32 : index
      %get3A_36 = tpu.vector_load %arg10[%get3A_35] {strides = array<i32>} : memref<128xi32, #tpu.memory_space<vmem>>, vector<16xi32>,
      tpu.vector_store_idx %arg12[%get3A_36], %broadcast_in_dim3A_31 {add = true} : memref<10112xf32, #tpu.memory_space<vmem>>[vector<16xi32>], vector<16xf32>,
      %get3A_37 = arith.constant 48 : index
      %get3A_38 = tpu.vector_load %arg10[%get3A_37] {strides = array<i32>} : memref<128xi32, #tpu.memory_space<vmem>>, vector<16xi32>,
      tpu.vector_store_idx %arg12[%get3A_38], %broadcast_in_dim3A_31 {add = true} : memref<10112xf32, #tpu.memory_space<vmem>>[vector<16xi32>], vector<16xf32>,
      %get3A_39 = arith.constant 64 : index
      %get3A_40 = tpu.vector_load %arg10[%get3A_39] {strides = array<i32>} : memref<128xi32, #tpu.memory_space<vmem>>, vector<16xi32>,
      tpu.vector_store_idx %arg12[%get3A_40], %broadcast_in_dim3A_31 {add = true} : memref<10112xf32, #tpu.memory_space<vmem>>[vector<16xi32>], vector<16xf32>,
      %get3A_41 = arith.constant 80 : index
      %get3A_42 = tpu.vector_load %arg10[%get3A_41] {strides = array<i32>} : memref<128xi32, #tpu.memory_space<vmem>>, vector<16xi32>,
      tpu.vector_store_idx %arg12[%get3A_42], %broadcast_in_dim3A_31 {add = true} : memref<10112xf32, #tpu.memory_space<vmem>>[vector<16xi32>], vector<16xf32>,
      %get3A_43 = arith.constant 96 : index
      %get3A_44 = tpu.vector_load %arg10[%get3A_43] {strides = array<i32>} : memref<128xi32, #tpu.memory_space<vmem>>, vector<16xi32>,
      tpu.vector_store_idx %arg12[%get3A_44], %broadcast_in_dim3A_31 {add = true} : memref<10112xf32, #tpu.memory_space<vmem>>[vector<16xi32>], vector<16xf32>,
      %get3A_45 = arith.constant 112 : index
      %get3A_46 = tpu.vector_load %arg10[%get3A_45] {strides = array<i32>} : memref<128xi32, #tpu.memory_space<vmem>>, vector<16xi32>,
      tpu.vector_store_idx %arg12[%get3A_46], %broadcast_in_dim3A_31 {add = true} : memref<10112xf32, #tpu.memory_space<vmem>>[vector<16xi32>], vector<16xf32>,
      "tpu.region"() ({
        %run_scoped3A = tpu.sem_alloc : memref<!tpu.dma_semaphore, #tpu.memory_space<semaphore_mem>>
        %dma_start3A_47 = arith.constant 0 : i32
        %dma_start3A_48 = arith.constant 0 : i32
        %dma_start3A_49 = tpu.memref_slice %arg8[%dma_start3A_47, %dma_start3A_48] : memref<10112x128xf32, #tpu.memory_space<vmem_shared>> -> memref<10112x128xf32, #tpu.memory_space<vmem_shared>>
        tpu.enqueue_indirect_dma source(%arg11 : memref<128x128xf32, #tpu.memory_space<vmem>>) target(%dma_start3A_49 : memref<10112x128xf32, #tpu.memory_space<vmem_shared>>) offsets(%arg10 : memref<128xi32, #tpu.memory_space<vmem>>) semaphore(%run_scoped3A : memref<!tpu.dma_semaphore, #tpu.memory_space<semaphore_mem>>) {add = true}
        %dma_wait3A_50 = arith.constant 0 : i32
        %dma_wait3A_51 = arith.constant 0 : i32
        %dma_wait3A_52 = tpu.memref_slice %arg8[%dma_wait3A_50, %dma_wait3A_51] : memref<10112x128xf32, #tpu.memory_space<vmem_shared>> -> memref<10112x128xf32, #tpu.memory_space<vmem_shared>>
        tpu.wait_indirect_dma semaphore(%run_scoped3A : memref<!tpu.dma_semaphore, #tpu.memory_space<semaphore_mem>>) src(%arg11 : memref<128x128xf32, #tpu.memory_space<vmem>>) dst(%dma_wait3A_52 : memref<10112x128xf32, #tpu.memory_space<vmem_shared>>)
        tpu.yield
      }) : () -> ()
    } else {
    }
    %barrier3A_18 = arith.constant 0 : index
    tpu.barrier barrier_id(%barrier3A_18)
    %mul3A_19 = arith.constant 632 : i32
    %mul3A_20 = arith.muli %arg1, %mul3A_19 : i32
    %mul3A_21 = arith.constant 632 : i32
    %mul3A_22 = arith.muli %arg1, %mul3A_21 : i32
    "tpu.region"() ({
      %run_scoped3A = tpu.sem_alloc : memref<!tpu.dma_semaphore, #tpu.memory_space<semaphore_mem>>
      %dma_start3A = arith.constant 0 : i32
      %dma_start3A_23 = tpu.memref_slice %arg6[%arg0, %mul3A_22, %dma_start3A] : memref<2x10112x128xf32, #tpu.memory_space<hbm>> -> memref<1x632x128xf32, #tpu.memory_space<hbm>>
      %dma_start3A_24 = tpu.memref_squeeze %dma_start3A_23 : memref<1x632x128xf32, #tpu.memory_space<hbm>> -> memref<632x128xf32, #tpu.memory_space<hbm>>
      %dma_start3A_25 = arith.constant 0 : i32
      %dma_start3A_26 = tpu.memref_slice %arg8[%mul3A_20, %dma_start3A_25] : memref<10112x128xf32, #tpu.memory_space<vmem_shared>> -> memref<632x128xf32, #tpu.memory_space<vmem_shared>>
      tpu.enqueue_dma source(%dma_start3A_26 : memref<632x128xf32, #tpu.memory_space<vmem_shared>>) target(%dma_start3A_24 : memref<632x128xf32, #tpu.memory_space<hbm>>) target_semaphore(%run_scoped3A : memref<!tpu.dma_semaphore, #tpu.memory_space<semaphore_mem>>)
      %dma_wait3A = arith.constant 0 : i32
      %dma_wait3A_27 = tpu.memref_slice %arg6[%arg0, %mul3A_22, %dma_wait3A] : memref<2x10112x128xf32, #tpu.memory_space<hbm>> -> memref<1x632x128xf32, #tpu.memory_space<hbm>>
      %dma_wait3A_28 = tpu.memref_squeeze %dma_wait3A_27 : memref<1x632x128xf32, #tpu.memory_space<hbm>> -> memref<632x128xf32, #tpu.memory_space<hbm>>
      %dma_wait3A_29 = arith.constant 0 : i32
      %dma_wait3A_30 = tpu.memref_slice %arg8[%mul3A_20, %dma_wait3A_29] : memref<10112x128xf32, #tpu.memory_space<vmem_shared>> -> memref<632x128xf32, #tpu.memory_space<vmem_shared>>
      tpu.wait_dma2 semaphore(%run_scoped3A : memref<!tpu.dma_semaphore, #tpu.memory_space<semaphore_mem>>) src(%dma_wait3A_30 : memref<632x128xf32, #tpu.memory_space<vmem_shared>>) dst(%dma_wait3A_28 : memref<632x128xf32, #tpu.memory_space<hbm>>)
      tpu.yield
    }) : () -> ()
    "tpu.region"() ({
      %run_scoped3A = tpu.sem_alloc : memref<!tpu.dma_semaphore, #tpu.memory_space<semaphore_mem>>
      %dma_start3A = arith.constant 0 : i32
      %dma_start3A_23 = tpu.memref_slice %arg7[%arg0, %arg1, %dma_start3A] : memref<2x16x10112xf32, #tpu.memory_space<hbm>> -> memref<1x1x10112xf32, #tpu.memory_space<hbm>>
      %dma_start3A_24 = tpu.memref_squeeze %dma_start3A_23 : memref<1x1x10112xf32, #tpu.memory_space<hbm>> -> memref<10112xf32, #tpu.memory_space<hbm>>
      %dma_start3A_25 = arith.constant 0 : i32
      %dma_start3A_26 = tpu.memref_slice %arg7[%arg0, %arg1, %dma_start3A_25] : memref<2x16x10112xf32, #tpu.memory_space<hbm>> -> memref<1x1x10112xf32, #tpu.memory_space<hbm>>
      %dma_start3A_27 = tpu.memref_squeeze %dma_start3A_26 : memref<1x1x10112xf32, #tpu.memory_space<hbm>> -> memref<10112xf32, #tpu.memory_space<hbm>>
      tpu.enqueue_dma source(%arg12 : memref<10112xf32, #tpu.memory_space<vmem>>) target(%dma_start3A_27 : memref<10112xf32, #tpu.memory_space<hbm>>) target_semaphore(%run_scoped3A : memref<!tpu.dma_semaphore, #tpu.memory_space<semaphore_mem>>)
      %dma_wait3A = arith.constant 0 : i32
      %dma_wait3A_28 = tpu.memref_slice %arg7[%arg0, %arg1, %dma_wait3A] : memref<2x16x10112xf32, #tpu.memory_space<hbm>> -> memref<1x1x10112xf32, #tpu.memory_space<hbm>>
      %dma_wait3A_29 = tpu.memref_squeeze %dma_wait3A_28 : memref<1x1x10112xf32, #tpu.memory_space<hbm>> -> memref<10112xf32, #tpu.memory_space<hbm>>
      %dma_wait3A_30 = arith.constant 0 : i32
      %dma_wait3A_31 = tpu.memref_slice %arg7[%arg0, %arg1, %dma_wait3A_30] : memref<2x16x10112xf32, #tpu.memory_space<hbm>> -> memref<1x1x10112xf32, #tpu.memory_space<hbm>>
      %dma_wait3A_32 = tpu.memref_squeeze %dma_wait3A_31 : memref<1x1x10112xf32, #tpu.memory_space<hbm>> -> memref<10112xf32, #tpu.memory_space<hbm>>
      tpu.wait_dma2 semaphore(%run_scoped3A : memref<!tpu.dma_semaphore, #tpu.memory_space<semaphore_mem>>) src(%arg12 : memref<10112xf32, #tpu.memory_space<vmem>>) dst(%dma_wait3A_32 : memref<10112xf32, #tpu.memory_space<hbm>>)
      tpu.yield
    }) : () -> ()
    return
  }
}

module attributes {stable_mosaic.version = 14 : i64} {
  func.func @_w_pattern_body(%arg0: i32, %arg1: i32, %arg2: i32, %arg3: memref<1024x1024xbf16, #tpu.memory_space<vmem>>, %arg4: memref<1024x1024xbf16, #tpu.memory_space<vmem>>, %arg5: memref<1024x1024xbf16, #tpu.memory_space<vmem>>, %arg6: memref<1024x1024xf32, #tpu.memory_space<vmem>>) attributes {dimension_semantics = [#tpu.dimension_semantics<arbitrary>, #tpu.dimension_semantics<arbitrary>, #tpu.dimension_semantics<arbitrary>], iteration_bounds = array<i64: 10, 5, 10>, scalar_prefetch = 0 : i64, scratch_operands = 1 : i64, tpu.core_type = #tpu.core_type<tc>, window_params = [{transform_indices = @transform_0, window_bounds = array<i64: 1024, 1024>}, {transform_indices = @transform_1, window_bounds = array<i64: 1024, 1024>}, {transform_indices = @transform_2, window_bounds = array<i64: 1024, 1024>}]} {
    %eq3A = arith.constant 0 : i32
    %eq3A_0 = arith.cmpi eq, %arg2, %eq3A : i32
    %convert_element_type3A = arith.extui %eq3A_0 : i1 to i32
    %cond3A = arith.constant 0 : i32
    %cond3A_1 = arith.cmpi ne, %convert_element_type3A, %cond3A : i32
    scf.if %cond3A_1 {
      %broadcast_in_dim3A = arith.constant 0.000000e+00 : f32
      %broadcast_in_dim3A_18 = vector.broadcast %broadcast_in_dim3A : f32 to vector<1024x1024xf32>
      %swap3A_19 = arith.constant 0 : index
      %swap3A_20 = arith.constant 0 : index
      %swap3A_21 = vector.load %arg6[%swap3A_19, %swap3A_20] : memref<1024x1024xf32, #tpu.memory_space<vmem>>, vector<1024x1024xf32>
      tpu.vector_store %arg6[%swap3A_19, %swap3A_20], %broadcast_in_dim3A_18 {strides = array<i32>} : memref<1024x1024xf32, #tpu.memory_space<vmem>>, vector<1024x1024xf32>,
    } else {
    }
    %get3A = arith.constant 0 : index
    %get3A_2 = arith.constant 0 : index
    %get3A_3 = vector.load %arg6[%get3A, %get3A_2] : memref<1024x1024xf32, #tpu.memory_space<vmem>>, vector<1024x1024xf32>
    %get3A_4 = arith.constant 0 : index
    %get3A_5 = arith.constant 0 : index
    %get3A_6 = vector.load %arg3[%get3A_4, %get3A_5] : memref<1024x1024xbf16, #tpu.memory_space<vmem>>, vector<1024x1024xbf16>
    %get3A_7 = arith.constant 0 : index
    %get3A_8 = arith.constant 0 : index
    %get3A_9 = vector.load %arg4[%get3A_7, %get3A_8] : memref<1024x1024xbf16, #tpu.memory_space<vmem>>, vector<1024x1024xbf16>
    %dot_general3A = arith.constant dense<0.000000e+00> : vector<1024x1024xf32>
    %dot_general3A_10 = tpu.matmul %get3A_6, %get3A_9, %dot_general3A {dimension_numbers = #tpu.dot_dimension_numbers<[1], [0], [0], [1], [0, 0, 1, 1], [], []>, transpose_lhs_hint = false} : vector<1024x1024xbf16>, vector<1024x1024xbf16>, vector<1024x1024xf32> -> vector<1024x1024xf32>
    %add3A = arith.addf %get3A_3, %dot_general3A_10 : vector<1024x1024xf32>
    %swap3A = arith.constant 0 : index
    %swap3A_11 = arith.constant 0 : index
    %swap3A_12 = vector.load %arg6[%swap3A, %swap3A_11] : memref<1024x1024xf32, #tpu.memory_space<vmem>>, vector<1024x1024xf32>
    tpu.vector_store %arg6[%swap3A, %swap3A_11], %add3A {strides = array<i32>} : memref<1024x1024xf32, #tpu.memory_space<vmem>>, vector<1024x1024xf32>,
    %eq3A_13 = arith.constant 9 : i32
    %eq3A_14 = arith.cmpi eq, %arg2, %eq3A_13 : i32
    %convert_element_type3A_15 = arith.extui %eq3A_14 : i1 to i32
    %cond3A_16 = arith.constant 0 : i32
    %cond3A_17 = arith.cmpi ne, %convert_element_type3A_15, %cond3A_16 : i32
    scf.if %cond3A_17 {
      %get3A_18 = arith.constant 0 : index
      %get3A_19 = arith.constant 0 : index
      %get3A_20 = vector.load %arg6[%get3A_18, %get3A_19] : memref<1024x1024xf32, #tpu.memory_space<vmem>>, vector<1024x1024xf32>
      %gt3A = arith.constant 0.000000e+00 : f32
      %gt3A_21 = vector.broadcast %gt3A : f32 to vector<1024x1024xf32>
      %gt3A_22 = arith.cmpf ogt, %get3A_20, %gt3A_21 : vector<1024x1024xf32>
      %convert_element_type3A_23 = arith.extui %gt3A_22 : vector<1024x1024xi1> to vector<1024x1024xi32>
      %convert_element_type3A_24 = arith.sitofp %convert_element_type3A_23 : vector<1024x1024xi32> to vector<1024x1024xf32>
      %convert_element_type3A_25 = arith.truncf %convert_element_type3A_24 : vector<1024x1024xf32> to vector<1024x1024xbf16>
      %swap3A_26 = arith.constant 0 : index
      %swap3A_27 = arith.constant 0 : index
      %swap3A_28 = vector.load %arg5[%swap3A_26, %swap3A_27] : memref<1024x1024xbf16, #tpu.memory_space<vmem>>, vector<1024x1024xbf16>
      tpu.vector_store %arg5[%swap3A_26, %swap3A_27], %convert_element_type3A_25 {strides = array<i32>} : memref<1024x1024xbf16, #tpu.memory_space<vmem>>, vector<1024x1024xbf16>,
    } else {
    }
    return
  }
  func.func @transform_0(%arg0: i32, %arg1: i32, %arg2: i32) -> (i32, i32) {
    %c0_i32 = arith.constant 0 : i32
    return %arg0, %arg2 : i32, i32
  }
  func.func @transform_1(%arg0: i32, %arg1: i32, %arg2: i32) -> (i32, i32) {
    %c0_i32 = arith.constant 0 : i32
    return %arg2, %arg1 : i32, i32
  }
  func.func @transform_2(%arg0: i32, %arg1: i32, %arg2: i32) -> (i32, i32) {
    %c0_i32 = arith.constant 0 : i32
    return %arg0, %arg1 : i32, i32
  }
}

module attributes {stable_mosaic.version = 14 : i64} {
  func.func @_mask_stage_body(%arg0: i32, %arg1: i32, %arg2: i32, %arg3: memref<1024x1024xbf16, #tpu.memory_space<vmem>>, %arg4: memref<1024x1024xbf16, #tpu.memory_space<vmem>>, %arg5: memref<1024x256xf32, #tpu.memory_space<vmem>>, %arg6: memref<1024x256xf32, #tpu.memory_space<vmem>>, %arg7: memref<1024x1024xf32, #tpu.memory_space<vmem>>) attributes {dimension_semantics = [#tpu.dimension_semantics<arbitrary>, #tpu.dimension_semantics<arbitrary>, #tpu.dimension_semantics<arbitrary>], iteration_bounds = array<i64: 5, 5, 10>, scalar_prefetch = 0 : i64, scratch_operands = 1 : i64, tpu.core_type = #tpu.core_type<tc>, window_params = [{transform_indices = @transform_0, window_bounds = array<i64: 1024, 1024>}, {transform_indices = @transform_1, window_bounds = array<i64: 1024, 1024>}, {transform_indices = @transform_2, window_bounds = array<i64: 1024, 256>}, {transform_indices = @transform_3, window_bounds = array<i64: 1024, 256>}]} {
    %eq3A = arith.constant 0 : i32
    %eq3A_0 = arith.cmpi eq, %arg2, %eq3A : i32
    %convert_element_type3A = arith.extui %eq3A_0 : i1 to i32
    %cond3A = arith.constant 0 : i32
    %cond3A_1 = arith.cmpi ne, %convert_element_type3A, %cond3A : i32
    scf.if %cond3A_1 {
      %broadcast_in_dim3A = arith.constant 0.000000e+00 : f32
      %broadcast_in_dim3A_18 = vector.broadcast %broadcast_in_dim3A : f32 to vector<1024x1024xf32>
      %swap3A_19 = arith.constant 0 : index
      %swap3A_20 = arith.constant 0 : index
      %swap3A_21 = vector.load %arg7[%swap3A_19, %swap3A_20] : memref<1024x1024xf32, #tpu.memory_space<vmem>>, vector<1024x1024xf32>
      tpu.vector_store %arg7[%swap3A_19, %swap3A_20], %broadcast_in_dim3A_18 {strides = array<i32>} : memref<1024x1024xf32, #tpu.memory_space<vmem>>, vector<1024x1024xf32>,
    } else {
    }
    %get3A = arith.constant 0 : index
    %get3A_2 = arith.constant 0 : index
    %get3A_3 = vector.load %arg7[%get3A, %get3A_2] : memref<1024x1024xf32, #tpu.memory_space<vmem>>, vector<1024x1024xf32>
    %get3A_4 = arith.constant 0 : index
    %get3A_5 = arith.constant 0 : index
    %get3A_6 = vector.load %arg3[%get3A_4, %get3A_5] : memref<1024x1024xbf16, #tpu.memory_space<vmem>>, vector<1024x1024xbf16>
    %get3A_7 = arith.constant 0 : index
    %get3A_8 = arith.constant 0 : index
    %get3A_9 = vector.load %arg4[%get3A_7, %get3A_8] : memref<1024x1024xbf16, #tpu.memory_space<vmem>>, vector<1024x1024xbf16>
    %dot_general3A = arith.constant dense<0.000000e+00> : vector<1024x1024xf32>
    %dot_general3A_10 = tpu.matmul %get3A_6, %get3A_9, %dot_general3A {dimension_numbers = #tpu.dot_dimension_numbers<[0], [0], [1], [1], [0, 1, 1, 1], [], []>, transpose_lhs_hint = false} : vector<1024x1024xbf16>, vector<1024x1024xbf16>, vector<1024x1024xf32> -> vector<1024x1024xf32>
    %add3A = arith.addf %get3A_3, %dot_general3A_10 : vector<1024x1024xf32>
    %swap3A = arith.constant 0 : index
    %swap3A_11 = arith.constant 0 : index
    %swap3A_12 = vector.load %arg7[%swap3A, %swap3A_11] : memref<1024x1024xf32, #tpu.memory_space<vmem>>, vector<1024x1024xf32>
    tpu.vector_store %arg7[%swap3A, %swap3A_11], %add3A {strides = array<i32>} : memref<1024x1024xf32, #tpu.memory_space<vmem>>, vector<1024x1024xf32>,
    %eq3A_13 = arith.constant 9 : i32
    %eq3A_14 = arith.cmpi eq, %arg2, %eq3A_13 : i32
    %convert_element_type3A_15 = arith.extui %eq3A_14 : i1 to i32
    %cond3A_16 = arith.constant 0 : i32
    %cond3A_17 = arith.cmpi ne, %convert_element_type3A_15, %cond3A_16 : i32
    scf.if %cond3A_17 {
      %mul3A = arith.constant 1024 : i32
      %mul3A_18 = arith.muli %arg1, %mul3A : i32
      %iota3A = tpu.iota {dimensions = array<i32: 0>} : vector<1024x1024xi32>
      %add3A_19 = vector.broadcast %mul3A_18 : i32 to vector<1024x1024xi32>
      %add3A_20 = arith.addi %add3A_19, %iota3A : vector<1024x1024xi32>
      %mul3A_21 = arith.constant 1024 : i32
      %mul3A_22 = arith.muli %arg0, %mul3A_21 : i32
      %iota3A_23 = tpu.iota {dimensions = array<i32: 1>} : vector<1024x1024xi32>
      %add3A_24 = vector.broadcast %mul3A_22 : i32 to vector<1024x1024xi32>
      %add3A_25 = arith.addi %add3A_24, %iota3A_23 : vector<1024x1024xi32>
      %get3A_26 = arith.constant 0 : index
      %get3A_27 = arith.constant 0 : index
      %get3A_28 = vector.load %arg7[%get3A_26, %get3A_27] : memref<1024x1024xf32, #tpu.memory_space<vmem>>, vector<1024x1024xf32>
      %gt3A = arith.constant 0.000000e+00 : f32
      %gt3A_29 = vector.broadcast %gt3A : f32 to vector<1024x1024xf32>
      %gt3A_30 = arith.cmpf ogt, %get3A_28, %gt3A_29 : vector<1024x1024xf32>
      %ne3A = arith.cmpi ne, %add3A_20, %add3A_25 : vector<1024x1024xi32>
      %and3A = arith.andi %gt3A_30, %ne3A : vector<1024x1024xi1>
      %jit3A = arith.constant 1.000000e+00 : f32
      %jit3A_31 = arith.constant 0.000000e+00 : f32
      %broadcast_in_dim3A = vector.broadcast %jit3A : f32 to vector<1024x1024xf32>
      %broadcast_in_dim3A_32 = vector.broadcast %jit3A_31 : f32 to vector<1024x1024xf32>
      %select_n3A = arith.select %and3A, %broadcast_in_dim3A, %broadcast_in_dim3A_32 : vector<1024x1024xi1>, vector<1024x1024xf32>
      %get3A_33 = arith.constant 0 : index
      %get3A_34 = arith.constant 0 : index
      %get3A_35 = vector.load %arg5[%get3A_33, %get3A_34] : memref<1024x256xf32, #tpu.memory_space<vmem>>, vector<1024x256xf32>
      %dot_general3A_36 = arith.constant dense<0.000000e+00> : vector<1024x256xf32>
      %dot_general3A_37 = tpu.matmul %select_n3A, %get3A_35, %dot_general3A_36 {dimension_numbers = #tpu.dot_dimension_numbers<[0], [0], [1], [1], [0, 1, 1, 1], [], []>, transpose_lhs_hint = false} : vector<1024x1024xf32>, vector<1024x256xf32>, vector<1024x256xf32> -> vector<1024x256xf32>
      %eq3A_38 = arith.constant 0 : i32
      %eq3A_39 = arith.cmpi eq, %arg1, %eq3A_38 : i32
      %convert_element_type3A_40 = arith.extui %eq3A_39 : i1 to i32
      %cond3A_41 = arith.constant 0 : i32
      %cond3A_42 = arith.cmpi ne, %convert_element_type3A_40, %cond3A_41 : i32
      scf.if %cond3A_42 {
        %swap3A_48 = arith.constant 0 : index
        %swap3A_49 = arith.constant 0 : index
        %swap3A_50 = vector.load %arg6[%swap3A_48, %swap3A_49] : memref<1024x256xf32, #tpu.memory_space<vmem>>, vector<1024x256xf32>
        tpu.vector_store %arg6[%swap3A_48, %swap3A_49], %dot_general3A_37 {strides = array<i32>} : memref<1024x256xf32, #tpu.memory_space<vmem>>, vector<1024x256xf32>,
      } else {
      }
      %ne3A_43 = arith.constant 0 : i32
      %ne3A_44 = arith.cmpi ne, %arg1, %ne3A_43 : i32
      %convert_element_type3A_45 = arith.extui %ne3A_44 : i1 to i32
      %cond3A_46 = arith.constant 0 : i32
      %cond3A_47 = arith.cmpi ne, %convert_element_type3A_45, %cond3A_46 : i32
      scf.if %cond3A_47 {
        %get3A_48 = arith.constant 0 : index
        %get3A_49 = arith.constant 0 : index
        %get3A_50 = vector.load %arg6[%get3A_48, %get3A_49] : memref<1024x256xf32, #tpu.memory_space<vmem>>, vector<1024x256xf32>
        %add3A_51 = arith.addf %get3A_50, %dot_general3A_37 : vector<1024x256xf32>
        %swap3A_52 = arith.constant 0 : index
        %swap3A_53 = arith.constant 0 : index
        %swap3A_54 = vector.load %arg6[%swap3A_52, %swap3A_53] : memref<1024x256xf32, #tpu.memory_space<vmem>>, vector<1024x256xf32>
        tpu.vector_store %arg6[%swap3A_52, %swap3A_53], %add3A_51 {strides = array<i32>} : memref<1024x256xf32, #tpu.memory_space<vmem>>, vector<1024x256xf32>,
      } else {
      }
    } else {
    }
    return
  }
  func.func @transform_0(%arg0: i32, %arg1: i32, %arg2: i32) -> (i32, i32) {
    %c0_i32 = arith.constant 0 : i32
    return %arg2, %arg1 : i32, i32
  }
  func.func @transform_1(%arg0: i32, %arg1: i32, %arg2: i32) -> (i32, i32) {
    %c0_i32 = arith.constant 0 : i32
    return %arg2, %arg0 : i32, i32
  }
  func.func @transform_2(%arg0: i32, %arg1: i32, %arg2: i32) -> (i32, i32) {
    %c0_i32 = arith.constant 0 : i32
    %c0_i32_0 = arith.constant 0 : i32
    return %arg1, %c0_i32 : i32, i32
  }
  func.func @transform_3(%arg0: i32, %arg1: i32, %arg2: i32) -> (i32, i32) {
    %c0_i32 = arith.constant 0 : i32
    %c0_i32_0 = arith.constant 0 : i32
    return %arg0, %c0_i32 : i32, i32
  }
}

module attributes {stable_mosaic.version = 14 : i64} {
  func.func @_final_reduce_body(%arg0: i32, %arg1: memref<1024x256xf32, #tpu.memory_space<vmem>>, %arg2: memref<1024x256xf32, #tpu.memory_space<vmem>>, %arg3: memref<8x256xf32, #tpu.memory_space<vmem>>) attributes {dimension_semantics = [#tpu.dimension_semantics<arbitrary>], iteration_bounds = array<i64: 5>, scalar_prefetch = 0 : i64, scratch_operands = 0 : i64, tpu.core_type = #tpu.core_type<tc>, window_params = [{transform_indices = @transform_0, window_bounds = array<i64: 1024, 256>}, {transform_indices = @transform_1, window_bounds = array<i64: 1024, 256>}, {pipeline_mode = #tpu.pipeline_mode<synchronous>, transform_indices = @transform_2, window_bounds = array<i64: 8, 256>}]} {
    %eq3A = arith.constant 0 : i32
    %eq3A_0 = arith.cmpi eq, %arg0, %eq3A : i32
    %convert_element_type3A = arith.extui %eq3A_0 : i1 to i32
    %cond3A = arith.constant 0 : i32
    %cond3A_1 = arith.cmpi ne, %convert_element_type3A, %cond3A : i32
    scf.if %cond3A_1 {
      %broadcast_in_dim3A_29 = arith.constant 0.000000e+00 : f32
      %broadcast_in_dim3A_30 = vector.broadcast %broadcast_in_dim3A_29 : f32 to vector<8x256xf32>
      %swap3A_31 = arith.constant 0 : index
      %swap3A_32 = arith.constant 0 : index
      %swap3A_33 = vector.load %arg3[%swap3A_31, %swap3A_32] : memref<8x256xf32, #tpu.memory_space<vmem>>, vector<8x256xf32>
      tpu.vector_store %arg3[%swap3A_31, %swap3A_32], %broadcast_in_dim3A_30 {strides = array<i32>} : memref<8x256xf32, #tpu.memory_space<vmem>>, vector<8x256xf32>,
    } else {
    }
    %get3A = arith.constant 0 : index
    %get3A_2 = arith.constant 0 : index
    %get3A_3 = vector.load %arg1[%get3A, %get3A_2] : memref<1024x256xf32, #tpu.memory_space<vmem>>, vector<1024x128xf32>
    %get3A_4 = arith.constant 0 : index
    %get3A_5 = arith.constant 128 : index
    %get3A_6 = vector.load %arg1[%get3A_4, %get3A_5] : memref<1024x256xf32, #tpu.memory_space<vmem>>, vector<1024x1xf32>
    %max3A = arith.constant 1.000000e+00 : f32
    %max3A_7 = vector.broadcast %max3A : f32 to vector<1024x1xf32>
    %max3A_8 = arith.maximumf %get3A_6, %max3A_7 : vector<1024x1xf32>
    %div3A = vector.broadcast %max3A_8 : vector<1024x1xf32> to vector<1024x128xf32>
    %div3A_9 = arith.divf %get3A_3, %div3A : vector<1024x128xf32>
    %get3A_10 = arith.constant 0 : index
    %get3A_11 = arith.constant 0 : index
    %get3A_12 = vector.load %arg3[%get3A_10, %get3A_11] : memref<8x256xf32, #tpu.memory_space<vmem>>, vector<1x128xf32>
    %reduce_sum3A = arith.constant dense<0.000000e+00> : vector<128xf32>
    %reduce_sum3A_13 = vector.multi_reduction <add>, %div3A_9, %reduce_sum3A [0] : vector<1024x128xf32> to vector<128xf32>
    %broadcast_in_dim3A = vector.shape_cast %reduce_sum3A_13 : vector<128xf32> to vector<1x128xf32>
    %add3A = arith.addf %get3A_12, %broadcast_in_dim3A : vector<1x128xf32>
    %swap3A = arith.constant 0 : index
    %swap3A_14 = arith.constant 0 : index
    %swap3A_15 = vector.load %arg3[%swap3A, %swap3A_14] : memref<8x256xf32, #tpu.memory_space<vmem>>, vector<1x128xf32>
    tpu.vector_store %arg3[%swap3A, %swap3A_14], %add3A {strides = array<i32>} : memref<8x256xf32, #tpu.memory_space<vmem>>, vector<1x128xf32>,
    %get3A_16 = arith.constant 1 : index
    %get3A_17 = arith.constant 0 : index
    %get3A_18 = vector.load %arg3[%get3A_16, %get3A_17] : memref<8x256xf32, #tpu.memory_space<vmem>>, vector<1x128xf32>
    %get3A_19 = arith.constant 0 : index
    %get3A_20 = arith.constant 0 : index
    %get3A_21 = vector.load %arg2[%get3A_19, %get3A_20] : memref<1024x256xf32, #tpu.memory_space<vmem>>, vector<1024x128xf32>
    %reduce_sum3A_22 = arith.constant dense<0.000000e+00> : vector<128xf32>
    %reduce_sum3A_23 = vector.multi_reduction <add>, %get3A_21, %reduce_sum3A_22 [0] : vector<1024x128xf32> to vector<128xf32>
    %broadcast_in_dim3A_24 = vector.shape_cast %reduce_sum3A_23 : vector<128xf32> to vector<1x128xf32>
    %add3A_25 = arith.addf %get3A_18, %broadcast_in_dim3A_24 : vector<1x128xf32>
    %swap3A_26 = arith.constant 1 : index
    %swap3A_27 = arith.constant 0 : index
    %swap3A_28 = vector.load %arg3[%swap3A_26, %swap3A_27] : memref<8x256xf32, #tpu.memory_space<vmem>>, vector<1x128xf32>
    tpu.vector_store %arg3[%swap3A_26, %swap3A_27], %add3A_25 {strides = array<i32>} : memref<8x256xf32, #tpu.memory_space<vmem>>, vector<1x128xf32>,
    return
  }
  func.func @transform_0(%arg0: i32) -> (i32, i32) {
    %c0_i32 = arith.constant 0 : i32
    %c0_i32_0 = arith.constant 0 : i32
    return %arg0, %c0_i32 : i32, i32
  }
  func.func @transform_1(%arg0: i32) -> (i32, i32) {
    %c0_i32 = arith.constant 0 : i32
    %c0_i32_0 = arith.constant 0 : i32
    return %arg0, %c0_i32 : i32, i32
  }
  func.func @transform_2(%arg0: i32) -> (i32, i32) {
    %c0_i32 = arith.constant 0 : i32
    %c0_i32_0 = arith.constant 0 : i32
    %c0_i32_1 = arith.constant 0 : i32
    return %c0_i32, %c0_i32_0 : i32, i32
  }
}

</mosaic_0001>

<sc_bundles>
// kernel: gather_offload_async_start.1
scs
__scs_entry_jumppad:
0x0: {  	(pc) =	sbr.rel $0x88, $3  }
0x1: {  	(tag) =	ssettag $0x0;
	lr =	simm.s32 $0x1  }
0x2: {  	[smem:$0x3F90] =	sst lr;
	_ =	strace $0xD0000000  }
0x3: {  	_ = 	snop  }
0x4: {  	_ = 	snop  }
0x5: {  	_ = 	snop  }
0x6: {  	_ = 	snop  }
0x7: {  	_ = 	snop  }
__scs_overlays_trampoline_lowered:
0x8: {  	[smem:$0x3F9F] =	sst s0  }
0x9: {  	[smem:$0x3FA0] =	sst s1  }
0xa: {  	[smem:$0x3FA1] =	sst s2  }
0xb: {  	[smem:$0x3FA2] =	sst s3  }
0xc: {  	[smem:$0x3FA3] =	sst s4  }
0xd: {  	[smem:$0x3FA4] =	sst s5  }
0xe: {  	[smem:$0x3FA5] =	sst s6  }
0xf: {  	[smem:$0x3FA6] =	sst s7  }
0x10: {  	[smem:$0x3FA7] =	sst s8  }
0x11: {  	[smem:$0x3FA8] =	sst s9;
	s0 =	simm.s32 @!p0 $0x0  }
0x12: {  	s1 =	sld [smem:$0x3F8E];
	s0 =	simm.s32 @p0 $0x1  }
0x13: {  	[smem:$0x3FA9] =	sst s0;
	s0 =	simm.s32 @!p1 $0x0  }
0x14: {  	s2 =	sld [smem:$0x3F8D];
	s0 =	simm.s32 @p1 $0x1  }
0x15: {  	[smem:$0x3FAA] =	sst s0;
	s0 =	simm.s32 @!p2 $0x0  }
0x16: {  	s3 =	sld [smem:$0x3FDB];
	s0 =	simm.s32 @p2 $0x1  }
0x17: {  	s4 =	simm.s32 $0x1BF5;
	[smem:$0x3FAC] =	sst s0  }
0x18: {  	s0 =	sld [smem:$0x3F8F];
	_ =	swait.ge [sflag:s4], $0x0  }
0x19: {  	s7 =	sld [smem:$0x3F90]  }
0x1a: {  	s8 =	sadd.s32 $0xFFFFE003, lr  }
0x1b: {  	s9 =	sadd.s32 $0xFFFFFEF7, lr;
	s5 =	simm.s32 $0xFFFFFFFF;
	p2 =	slt.u32 s8, $0xFFFFF086  }
0x1c: {  	p1 =	slt.u32 s9, $0xF7A;
	s5 =	simm.s32 @!p2 $0x0  }
0x1d: {  	s5 =	simm.s32 @p1 $0x1;
	p0 =	seq.s32 s7, s2  }
0x1e: {  	s7 =	smul.u32 @!p0 $0xF7A, s2;
	p2 =	seq.s32 @!p0 s5, $0x0  }
0x1f: {  	s9 =	smul.u32 $0xF7A, s1;
	s8 =	simm.s32 @!p0 $0x1BF5;
	p2 =	por !p2, p0  }
0x20: {  	[sflag:s8] =	ssyncset.s32 @!p0 $0xFFFFF086;
	s6 =	sadd.s32 @!p0 s3, s7;
	s7 =	simm.s32 @!p0 $0x108  }
0x21: {  	s3 =	sadd.s32 s3, s9;
	s6 =	sadd.s32 @!p0 $0x88, s6;
	s7 =	simm.s32 @p2 $0x1082  }
0x22: {  	[simem:s7], [sflag:s8] =	dma.local @!p0 [hbm:s6], $0xF7A  }
0x23: {  	s9 =	sor.u32 $0xD0000000, s2;
	s6 =	simm.s32 $0x108;
	_ =	swait.ge @!p0 [sflag:s8], $0x0  }
0x24: {  	s3 =	sadd.s32 $0x88, s3;
	s6 =	simm.s32 @!p1 $0x1082;
	[sflag:s4] =	ssyncset.s32 $0xFFFFF086  }
0x25: {  	[simem:s6], [sflag:s4] =	dma.local [hbm:s3], $0xF7A  }
0x26: {  	[smem:$0x3F90] =	sst s1;
	(tag) =	ssettag s2;
	_ =	strace s9  }
0x27: {  	s1 =	sld [smem:$0x3FA0]  }
0x28: {  	s2 =	sld [smem:$0x3FA1]  }
0x29: {  	s4 =	sld [smem:$0x3FA3]  }
0x2a: {  	p0 =	seq.s32 s5, $0x0;
	s5 =	sld [smem:$0x3FA4]  }
0x2b: {  	s6 =	sld [smem:$0x3FA5]  }
0x2c: {  	s7 =	sld [smem:$0x3FA6]  }
0x2d: {  	s3 =	simm.s32 $0x108;
	s8 =	sld [smem:$0x3FA7]  }
0x2e: {  	s3 =	simm.s32 @!p0 $0x1082;
	s9 =	sld [smem:$0x3FA8]  }
0x2f: {  	lr =	sadd.s32 s0, s3;
	s0 =	sld [smem:$0x3F9F]  }
0x30: {  	s3 =	sld [smem:$0x3FA2]  }
0x31: {  	[smem:$0x3FAB] =	sst s10  }
0x32: {  	s10 =	sld [smem:$0x3FA9];
	_ =	sdelay $0x3  }
0x33: {  	p0 =	seq.s32 s10, $0x1;
	s10 =	sld [smem:$0x3FAB];
	_ =	sdelay $0x3  }
0x34: {  	[smem:$0x3FAB] =	sst s10  }
0x35: {  	s10 =	sld [smem:$0x3FAA];
	_ =	sdelay $0x3  }
0x36: {  	p1 =	seq.s32 s10, $0x1;
	s10 =	sld [smem:$0x3FAB];
	_ =	sdelay $0x3  }
0x37: {  	[smem:$0x3FAB] =	sst s10  }
0x38: {  	s10 =	sld [smem:$0x3FAC]  }
0x39: {  	_ = 	snop;
	(pc) =	sbr.ind lr, $3  }
0x3a: {  	_ = 	snop  }
0x3b: {  	_ = 	snop  }
0x3c: {  	p2 =	seq.s32 s10, $0x1;
	s10 =	sld [smem:$0x3FAB]  }
0x3d: {  	_ =	shalt  }
0x3e: {  	_ =	shalt  }
0x3f: {  	_ =	shalt  }
0x40: {  	_ =	shalt  }
0x41: {  	_ =	shalt  }
0x42: {  	_ =	shalt  }
0x43: {  	_ =	shalt  }
0x44: {  	_ =	shalt  }
0x45: {  	_ =	shalt  }
0x46: {  	_ =	shalt  }
0x47: {  	_ =	shalt  }
0x48: {  	_ =	shalt  }
0x49: {  	_ =	shalt  }
0x4a: {  	_ =	shalt  }
0x4b: {  	_ =	shalt  }
0x4c: {  	_ =	shalt  }
0x4d: {  	_ =	shalt  }
0x4e: {  	_ =	shalt  }
0x4f: {  	_ =	shalt  }
0x50: {  	_ =	shalt  }
0x51: {  	_ =	shalt  }
0x52: {  	_ =	shalt  }
0x53: {  	_ =	shalt  }
0x54: {  	_ =	shalt  }
0x55: {  	_ =	shalt  }
0x56: {  	_ =	shalt  }
0x57: {  	_ =	shalt  }
0x58: {  	_ =	shalt  }
0x59: {  	_ =	shalt  }
0x5a: {  	_ =	shalt  }
0x5b: {  	_ =	shalt  }
0x5c: {  	_ =	shalt  }
0x5d: {  	_ =	shalt  }
0x5e: {  	_ =	shalt  }
0x5f: {  	_ =	shalt  }
0x60: {  	_ =	shalt  }
0x61: {  	_ =	shalt  }
0x62: {  	_ =	shalt  }
0x63: {  	_ =	shalt  }
0x64: {  	_ =	shalt  }
0x65: {  	_ =	shalt  }
0x66: {  	_ =	shalt  }
0x67: {  	_ =	shalt  }
0x68: {  	_ =	shalt  }
0x69: {  	_ =	shalt  }
0x6a: {  	_ =	shalt  }
0x6b: {  	_ =	shalt  }
0x6c: {  	_ =	shalt  }
0x6d: {  	_ =	shalt  }
0x6e: {  	_ =	shalt  }
0x6f: {  	_ =	shalt  }
0x70: {  	_ =	shalt  }
0x71: {  	_ =	shalt  }
0x72: {  	_ =	shalt  }
0x73: {  	_ =	shalt  }
0x74: {  	_ =	shalt  }
0x75: {  	_ =	shalt  }
0x76: {  	_ =	shalt  }
0x77: {  	_ =	shalt  }
0x78: {  	_ =	shalt  }
0x79: {  	_ =	shalt  }
0x7a: {  	_ =	shalt  }
0x7b: {  	_ =	shalt  }
0x7c: {  	_ =	shalt  }
0x7d: {  	_ =	shalt  }
0x7e: {  	_ =	shalt  }
0x7f: {  	_ =	shalt  }
0x80: {  	_ =	shalt  }
0x81: {  	_ =	shalt  }
0x82: {  	_ =	shalt  }
0x83: {  	_ =	shalt  }
0x84: {  	_ =	shalt  }
0x85: {  	_ =	shalt  }
0x86: {  	_ =	shalt  }
0x87: {  	_ =	shalt  }
.Lfunc_end0:
.L_simem_size_0:
called_computation.4_lowered:
.L_overlay_start_0:
0x88: {  	s0 =	sld [smem:$0x3FD9]  }
0x89: {  	s1 =	sld [smem:$0x3FFE];
	_ =	sdelay $0x3  }
0x8a: {  	s0 =	sadd.s32 s1, s0  }
0x8b: {  	[smem:$0x3FB7] =	sst s0  }
0x8c: {  	_ = 	snop  }
0x8d: {  	(tm) =	ssettm $0x1  }
0x8e: {  	s15 =	sld [smem:$0x3FFB];
	_ =	sdelay $0x3  }
0x8f: {  	_ =	strace s15  }
0x90: {  	s0 =	sld [smem:$0x3FFC];
	_ =	sdelay $0x3  }
0x91: {  	_ =	strace s0  }
0x92: {  	s0 =	sld [smem:$0x3FFD];
	_ =	sdelay $0x3  }
0x93: {  	_ =	strace s0  }
0x94: {  	_ =	strace $0x8FFFFFFF  }
0x95: {  	s16 =	sld [smem:$0x3FDB];
	_ =	sdelay $0x1  }
0x96: {  	s17 =	simm.s32 $_scs_section_size  }
0x97: {  	s2 =	simm.s32 $_size__tile_overlayer_lowered;
	s3 =	simm.s32 $_tile_overlayer_lowered  }
0x98: {  	s20 =	simm.s32 $0x1BFF;
	s19 =	sshll.u32 s3, $0x1;
	s0 =	sadd.s32 s17, s16  }
0x99: {  	s4 =	simm.s32 $0x0;
	s18 =	sshll.u32 s2, $0x1;
	s2 =	sadd.s32 s19, s0  }
0x9a: {  	[timem:s4], [sflag:s20] =	dma.local [hbm:s2], s18  }
0x9b: {  	_ =	swait.ge [sflag:s20], s18  }
0x9c: {  	s1 =	ssub.s32 $0x0, s18;
	[sflag:s20] =	ssyncset.done $0x0  }
0x9d: {  	[sflag:s20] =	ssyncadd.s32 s1;
	_ =	sdelay $0x1  }
0x9e: {  	s21 =	simm.s32 $0x1B8B  }
0x9f: {  	_ =	swait.ge [sflag:s21], $0x1  }
0xa0: {  	[sflag:s21] =	ssyncset.done $0x0  }
0xa1: {  	s23 =	simm.s32 $0x1B8E;
	s22 =	sld [smem:$0x3FFE];
	[sflag:s21] =	ssyncadd.s32 $0xFFFFFFFF  }
0xa2: {  	s24 =	simm.s32 $execute0_lowered;
	[smem:$0x3FD2] =	sst s23  }
0xa3: {  	s2 =	sshll.u32 s24, $0x1;
	_ =	strace $0x80000058;
	[dreg:$0x1] =	wrdreg $0xFFFFFFFF  }
0xa4: {  	s25 =	simm.s32 $_size_execute0_lowered;
	s0 =	sadd.s32 s0, s2;
	[dreg:$0x0] =	wrdreg $0x0  }
0xa5: {  	s2 =	sshll.u32 s25, $0x1;
	[dreg:$0x2] =	wrdreg s0  }
0xa6: {  	[dreg:$0x3] =	wrdreg s2  }
0xa7: {  	[dreg:$0x4] =	wrdreg $0xC0  }
0xa8: {  	_ =	task [dreg:s4], $0x5FFFF  }
0xa9: {  	[dreg:$0x1] =	wrdreg $0xFFFFFFFF  }
0xaa: {  	[dreg:$0x0] =	wrdreg $0x60  }
0xab: {  	[dreg:$0x2] =	wrdreg s22  }
0xac: {  	[dreg:$0x3] =	wrdreg $0xC  }
0xad: {  	_ =	task.clear_ibuf [dreg:s4], $0x4FFFF;
	_ =	strace $0x90000058  }
0xae: {  	s26 =	simm.s32 $0xC;
	_ =	strace $0x8000005A  }
0xaf: {  	_ =	swait.ge [sflag:s26], $0x1  }
0xb0: {  	[sflag:s26] =	ssyncadd.s32 $0xFFFFFFFF  }
0xb1: {  	_ =	strace $0x9000005A  }
0xb2: {  	_ =	sfence  }
0xb3: {  	s28 =	sld [smem:$0x0];
	_ =	sdelay $0x1  }
0xb4: {  	s29 =	srdreg.scid  }
0xb5: {  	s30 =	sshll.u32 s29, $0xD;
	s31 =	sshrl.u32 s29, $0x2  }
0xb6: {  	s1 =	sand.u32 $0x1, s29;
	s2 =	sand.u32 $0x4000, s30;
	s0 =	sadd.s32 s31, s28  }
0xb7: {  	s1 =	sor.u32 s2, s1;
	s0 =	sshll.u32 s0, $0x11  }
0xb8: {  	s0 =	sor.u32 s0, s1  }
0xb9: {  	s0 =	sadd.s32 $0x8F2B, s0  }
0xba: {  	[sflag:s0] =	ssyncadd.remote.s32 $0x1  }
0xbb: {  	_ =	sfence.sel $0xFFFF  }
0xbc: {  	[dreg:$0x0] =	wrdreg $0xFFFFFFFF;
	(pc) =	sbr.abs _section_cstart, $3  }
0xbd: {  	[dreg:$0x1] =	wrdreg $0xFFFFFFFF  }
0xbe: {  	_ =	task.clear_ibuf [dreg:s4], $0x2FFFF;
	_ =	strace $0x9FFFFFFF  }
0xbf: {  	(tm) =	ssettm $0x7FFFFFFF  }
tec
execute0_lowered:
.L_overlay_start_1:
0x0: {  	(tag) =	ssettag $0x1  }
0x1: {  	s5 =	rddreg [dreg:$0x0]  }
0x2: {  	s0 =	rddreg [dreg:$0x1]  }
0x3: {  	_ =	strace $0x80000059;
	s1 =	stileid.u32;
	s6 =	simm.s32 $0x1  }
0x4: {  	s8 =	simm.s32 $0x2;
	s30 =	simm.s32 $0x3;
	s12 =	simm.s32 $0x0  }
0x5: {  	s9 =	simm.s32 $0x0;
	s10 =	simm.s32 $0x0;
	s4 =	sshll.u32 s1, $0x4  }
0x6: {  	s2 =	sadd.s32 $0x51800, s5;
	s3 =	sadd.s32 $0x51E00, s5;
	s7 =	ssub.s32 $0x1380, s4  }
0x7: {  	s5 =	sadd.s32 $0x28800, s5;
	[sflag:s6] =	ssyncpa.u1 $0x0;
	s6 =	sshrl.u32 s7, $0x8  }
0x8: {  	[sflag:s8] =	ssyncpa.u1 $0x0;
	s11 =	smov.u32 s4;
	s31 =	sshll.u32 s6, $0x4  }
0x9: {  	[sflag:s30] =	ssyncpa.u1 $0x0;
	s7 =	sadd.s32 $0x2, s6;
	s8 =	sadd.s32 $0x30, s31  }
.LBB2_1:
0xa: {  	p0 =	sgt.u32 s10, s6  }
0xb: {  	s13 =	sxor.u32 @!p0 $0xFFFFFFFF, s9;
	s14 =	sshrl.u32 @!p0 s11, $0x3  }
0xc: {  	s15 =	sand.u32 @!p0 $0x7, s11;
	s13 =	sand.u32 @!p0 $0x10, s13;
	s14 =	sadd.s32 @!p0 s3, s14  }
0xd: {  	[tilespmem:s13], [sflag:$0x2] =	stream.linear.gather @!p0 [hbm4b:s14+s15], $0x10, $0x38;
	[tilespmem:$0x40] =	vst v63  }
0xe: {  	p0 =	seq.s32 s9, $0x0  }
0xf: {  	p1 =	sge.u32 @!p0 s10, s7  }
0x10: {  	p0 =	por p1, p0  }
0x11: {  	s13 =	simm.s32 @!p0 $0x2  }
0x12: {  	_ =	swait.ge @!p0 [sflag:s13], $0x10  }
0x13: {  	[sflag:s13] =	ssyncset.done @!p0 $0x0  }
0x14: {  	[sflag:s13] =	ssyncadd.s32 @!p0 $0xFFFFFFF0;
	s13 =	sand.u32 @!p0 $0x10, s9  }
0x15: {  	(ifvalue) =	ssetifvalue @!p0 $0x7FFFFFFF;
	v0 =	vld.msk @!p0 [tilespmem:s13+$0x0 ss:$0x1], $0xffff;
	_ =	sdelay $0x4  }
0x16: {  	vm0 =	vgt.s32 @!p0 v0, $0x0  }
0x17: {  	v0 =	vnsel @!p0 vm0, $0x0, v0  }
0x18: {  	v0 =	vmin.u32 @!p0 v0, $0x270F;
	_ =	sdelay $0x3  }
0x19: {  	s14 =	simm.s32 @!p0 $0x0;
	s13 =	sor.u32 @!p0 $0x20, s13;
	(ifvalue) =	ssetifvalue @!p0 $0x7FFFFFFF;
	vm0 =	vmmov @!p0 $0xffff  }
0x1a: {  	[tilespmem:s13], [sflag:$0x1] =	stream.indirect_vreg.gather @!p0 [hbm4b:s2+s14], $0x1, v0, vm0, $0x4038;
	[tilespmem:$0x40] =	vst v63  }
0x1b: {  	s14 =	simm.s32 @!p0 $0x1  }
0x1c: {  	_ =	swait.ge @!p0 [sflag:s14], $0x10  }
0x1d: {  	s15 =	sshrl.u32 @!p0 s12, $0x3;
	[sflag:s14] =	ssyncset.done @!p0 $0x0  }
0x1e: {  	s12 =	sand.u32 @!p0 $0x7, s12;
	[sflag:s14] =	ssyncadd.s32 @!p0 $0xFFFFFFF0;
	s14 =	sadd.s32 @!p0 s5, s15  }
0x1f: {  	[hbm4b:s14+s12] =	stream.linear.scatter @!p0 [tilespmem:s13], [sflag:$0x3], $0x10, $0x38;
	[tilespmem:$0x40] =	vst v63  }
0x20: {  	s14 =	sadd.s32 $0x100, s11  }
0x21: {  	s9 =	sadd.s32 $0x10, s9;
	p1 =	sgt.s32 s14, $0x1387  }
0x22: {  	s14 =	smov.u32 @p1 s4;
	p1 =	sne.s32 s8, s9  }
.Ltmp0:
0x23: {  	p0 =	slt.u32 s10, $0x2;
	(pc) =	sbr.rel @p1 .LBB2_1-.Ltmp0, $4  }
0x24: {  	s13 =	simm.s32 @!p0 $0x3  }
0x25: {  	_ =	swait.ge @!p0 [sflag:s13], $0x10  }
0x26: {  	s12 =	smov.u32 s11;
	[sflag:s13] =	ssyncset.done @!p0 $0x0  }
0x27: {  	s10 =	sadd.s32 $0x1, s10;
	s11 =	smov.u32 s14;
	[sflag:s13] =	ssyncadd.s32 @!p0 $0xFFFFFFF0  }
0x28: {  	_ =	sfence.sel $0x180000  }
0x29: {  	s2 =	simm.s32 $0x2;
	[bflag:$0x0] =	sbarrier.arrive $0xFFFF  }
0x2a: {  	s30 =	simm.s32 $0x3;
	[sflag:s2] =	ssyncpa.u1 $0x1  }
0x2b: {  	s31 =	simm.s32 $0x1;
	[sflag:s30] =	ssyncpa.u1 $0x1  }
0x2c: {  	[sflag:s31] =	ssyncpa.u1 $0x1  }
0x2d: {  	p0 =	sne.s32 s1, $0x0;
	_ =	strace $0x90000059  }
0x2e: {  	s0 =	sadd.s32 @!p0 $0x100000, s0;
	[bflag:$0x2] =	sbarrier.arrive $0xFFFF  }
0x2f: {  	[sflag:s0] =	ssyncadd.tile.s32 @!p0 $0x1;
	_ =	shalt  }
.Lfunc_end2:
_tile_overlayer_lowered:
.L_overlay_start_2:
0x30: {  	(tag) =	ssettag $0x2  }
0x31: {  	s0 =	rddreg [dreg:$0x0];
	s2 =	stileid.u32  }
0x32: {  	s1 =	rddreg [dreg:$0x1];
	p0 =	sne.s32 s2, $0x0  }
0x33: {  	s3 =	rddreg [dreg:$0x2];
	[bflag:$0x3] =	sbarrier.arrive $0xFFFF;
	s2 =	simm.s32 @!p0 $0x1C01  }
0x34: {  	[timem:s3], [sflag:s2] =	dma.local @!p0 [hbm:s0], s1  }
0x35: {  	s0 =	simm.s32 @!p0 $0x1  }
0x36: {  	_ =	swait.ge @!p0 [sflag:s0], s1  }
0x37: {  	s1 =	ssub.s32 @!p0 $0x0, s1;
	[sflag:s0] =	ssyncset.done @!p0 $0x0  }
0x38: {  	[sflag:s0] =	ssyncadd.s32 @!p0 s1  }
0x39: {  	[bflag:$0x3] =	sbarrier.arrive $0xFFFF  }
0x3a: {  	_ =	shalt  }

// kernel: gather_offload_async_start
scs
__scs_entry_jumppad:
0x0: {  	(pc) =	sbr.rel $0x88, $3  }
0x1: {  	(tag) =	ssettag $0x0;
	lr =	simm.s32 $0x1  }
0x2: {  	[smem:$0x3F90] =	sst lr;
	_ =	strace $0xD0000000  }
0x3: {  	_ = 	snop  }
0x4: {  	_ = 	snop  }
0x5: {  	_ = 	snop  }
0x6: {  	_ = 	snop  }
0x7: {  	_ = 	snop  }
__scs_overlays_trampoline_lowered:
0x8: {  	[smem:$0x3F9F] =	sst s0  }
0x9: {  	[smem:$0x3FA0] =	sst s1  }
0xa: {  	[smem:$0x3FA1] =	sst s2  }
0xb: {  	[smem:$0x3FA2] =	sst s3  }
0xc: {  	[smem:$0x3FA3] =	sst s4  }
0xd: {  	[smem:$0x3FA4] =	sst s5  }
0xe: {  	[smem:$0x3FA5] =	sst s6  }
0xf: {  	[smem:$0x3FA6] =	sst s7  }
0x10: {  	[smem:$0x3FA7] =	sst s8  }
0x11: {  	[smem:$0x3FA8] =	sst s9;
	s0 =	simm.s32 @!p0 $0x0  }
0x12: {  	s1 =	sld [smem:$0x3F8E];
	s0 =	simm.s32 @p0 $0x1  }
0x13: {  	[smem:$0x3FA9] =	sst s0;
	s0 =	simm.s32 @!p1 $0x0  }
0x14: {  	s2 =	sld [smem:$0x3F8D];
	s0 =	simm.s32 @p1 $0x1  }
0x15: {  	[smem:$0x3FAA] =	sst s0;
	s0 =	simm.s32 @!p2 $0x0  }
0x16: {  	s3 =	sld [smem:$0x3FDB];
	s0 =	simm.s32 @p2 $0x1  }
0x17: {  	s4 =	simm.s32 $0x1BF5;
	[smem:$0x3FAC] =	sst s0  }
0x18: {  	s0 =	sld [smem:$0x3F8F];
	_ =	swait.ge [sflag:s4], $0x0  }
0x19: {  	s7 =	sld [smem:$0x3F90]  }
0x1a: {  	s8 =	sadd.s32 $0xFFFFE003, lr  }
0x1b: {  	s9 =	sadd.s32 $0xFFFFFEF7, lr;
	s5 =	simm.s32 $0xFFFFFFFF;
	p2 =	slt.u32 s8, $0xFFFFF086  }
0x1c: {  	p1 =	slt.u32 s9, $0xF7A;
	s5 =	simm.s32 @!p2 $0x0  }
0x1d: {  	s5 =	simm.s32 @p1 $0x1;
	p0 =	seq.s32 s7, s2  }
0x1e: {  	s7 =	smul.u32 @!p0 $0xF7A, s2;
	p2 =	seq.s32 @!p0 s5, $0x0  }
0x1f: {  	s9 =	smul.u32 $0xF7A, s1;
	s8 =	simm.s32 @!p0 $0x1BF5;
	p2 =	por !p2, p0  }
0x20: {  	[sflag:s8] =	ssyncset.s32 @!p0 $0xFFFFF086;
	s6 =	sadd.s32 @!p0 s3, s7;
	s7 =	simm.s32 @!p0 $0x108  }
0x21: {  	s3 =	sadd.s32 s3, s9;
	s6 =	sadd.s32 @!p0 $0x88, s6;
	s7 =	simm.s32 @p2 $0x1082  }
0x22: {  	[simem:s7], [sflag:s8] =	dma.local @!p0 [hbm:s6], $0xF7A  }
0x23: {  	s9 =	sor.u32 $0xD0000000, s2;
	s6 =	simm.s32 $0x108;
	_ =	swait.ge @!p0 [sflag:s8], $0x0  }
0x24: {  	s3 =	sadd.s32 $0x88, s3;
	s6 =	simm.s32 @!p1 $0x1082;
	[sflag:s4] =	ssyncset.s32 $0xFFFFF086  }
0x25: {  	[simem:s6], [sflag:s4] =	dma.local [hbm:s3], $0xF7A  }
0x26: {  	[smem:$0x3F90] =	sst s1;
	(tag) =	ssettag s2;
	_ =	strace s9  }
0x27: {  	s1 =	sld [smem:$0x3FA0]  }
0x28: {  	s2 =	sld [smem:$0x3FA1]  }
0x29: {  	s4 =	sld [smem:$0x3FA3]  }
0x2a: {  	p0 =	seq.s32 s5, $0x0;
	s5 =	sld [smem:$0x3FA4]  }
0x2b: {  	s6 =	sld [smem:$0x3FA5]  }
0x2c: {  	s7 =	sld [smem:$0x3FA6]  }
0x2d: {  	s3 =	simm.s32 $0x108;
	s8 =	sld [smem:$0x3FA7]  }
0x2e: {  	s3 =	simm.s32 @!p0 $0x1082;
	s9 =	sld [smem:$0x3FA8]  }
0x2f: {  	lr =	sadd.s32 s0, s3;
	s0 =	sld [smem:$0x3F9F]  }
0x30: {  	s3 =	sld [smem:$0x3FA2]  }
0x31: {  	[smem:$0x3FAB] =	sst s10  }
0x32: {  	s10 =	sld [smem:$0x3FA9];
	_ =	sdelay $0x3  }
0x33: {  	p0 =	seq.s32 s10, $0x1;
	s10 =	sld [smem:$0x3FAB];
	_ =	sdelay $0x3  }
0x34: {  	[smem:$0x3FAB] =	sst s10  }
0x35: {  	s10 =	sld [smem:$0x3FAA];
	_ =	sdelay $0x3  }
0x36: {  	p1 =	seq.s32 s10, $0x1;
	s10 =	sld [smem:$0x3FAB];
	_ =	sdelay $0x3  }
0x37: {  	[smem:$0x3FAB] =	sst s10  }
0x38: {  	s10 =	sld [smem:$0x3FAC]  }
0x39: {  	_ = 	snop;
	(pc) =	sbr.ind lr, $3  }
0x3a: {  	_ = 	snop  }
0x3b: {  	_ = 	snop  }
0x3c: {  	p2 =	seq.s32 s10, $0x1;
	s10 =	sld [smem:$0x3FAB]  }
0x3d: {  	_ =	shalt  }
0x3e: {  	_ =	shalt  }
0x3f: {  	_ =	shalt  }
0x40: {  	_ =	shalt  }
0x41: {  	_ =	shalt  }
0x42: {  	_ =	shalt  }
0x43: {  	_ =	shalt  }
0x44: {  	_ =	shalt  }
0x45: {  	_ =	shalt  }
0x46: {  	_ =	shalt  }
0x47: {  	_ =	shalt  }
0x48: {  	_ =	shalt  }
0x49: {  	_ =	shalt  }
0x4a: {  	_ =	shalt  }
0x4b: {  	_ =	shalt  }
0x4c: {  	_ =	shalt  }
0x4d: {  	_ =	shalt  }
0x4e: {  	_ =	shalt  }
0x4f: {  	_ =	shalt  }
0x50: {  	_ =	shalt  }
0x51: {  	_ =	shalt  }
0x52: {  	_ =	shalt  }
0x53: {  	_ =	shalt  }
0x54: {  	_ =	shalt  }
0x55: {  	_ =	shalt  }
0x56: {  	_ =	shalt  }
0x57: {  	_ =	shalt  }
0x58: {  	_ =	shalt  }
0x59: {  	_ =	shalt  }
0x5a: {  	_ =	shalt  }
0x5b: {  	_ =	shalt  }
0x5c: {  	_ =	shalt  }
0x5d: {  	_ =	shalt  }
0x5e: {  	_ =	shalt  }
0x5f: {  	_ =	shalt  }
0x60: {  	_ =	shalt  }
0x61: {  	_ =	shalt  }
0x62: {  	_ =	shalt  }
0x63: {  	_ =	shalt  }
0x64: {  	_ =	shalt  }
0x65: {  	_ =	shalt  }
0x66: {  	_ =	shalt  }
0x67: {  	_ =	shalt  }
0x68: {  	_ =	shalt  }
0x69: {  	_ =	shalt  }
0x6a: {  	_ =	shalt  }
0x6b: {  	_ =	shalt  }
0x6c: {  	_ =	shalt  }
0x6d: {  	_ =	shalt  }
0x6e: {  	_ =	shalt  }
0x6f: {  	_ =	shalt  }
0x70: {  	_ =	shalt  }
0x71: {  	_ =	shalt  }
0x72: {  	_ =	shalt  }
0x73: {  	_ =	shalt  }
0x74: {  	_ =	shalt  }
0x75: {  	_ =	shalt  }
0x76: {  	_ =	shalt  }
0x77: {  	_ =	shalt  }
0x78: {  	_ =	shalt  }
0x79: {  	_ =	shalt  }
0x7a: {  	_ =	shalt  }
0x7b: {  	_ =	shalt  }
0x7c: {  	_ =	shalt  }
0x7d: {  	_ =	shalt  }
0x7e: {  	_ =	shalt  }
0x7f: {  	_ =	shalt  }
0x80: {  	_ =	shalt  }
0x81: {  	_ =	shalt  }
0x82: {  	_ =	shalt  }
0x83: {  	_ =	shalt  }
0x84: {  	_ =	shalt  }
0x85: {  	_ =	shalt  }
0x86: {  	_ =	shalt  }
0x87: {  	_ =	shalt  }
.Lfunc_end0:
.L_simem_size_0:
called_computation.3_lowered:
.L_overlay_start_0:
0x88: {  	s0 =	sld [smem:$0x3FD9]  }
0x89: {  	s1 =	sld [smem:$0x3FFE];
	_ =	sdelay $0x3  }
0x8a: {  	s0 =	sadd.s32 s1, s0  }
0x8b: {  	[smem:$0x3FB7] =	sst s0  }
0x8c: {  	_ = 	snop  }
0x8d: {  	(tm) =	ssettm $0x1  }
0x8e: {  	s15 =	sld [smem:$0x3FFB];
	_ =	sdelay $0x3  }
0x8f: {  	_ =	strace s15  }
0x90: {  	s0 =	sld [smem:$0x3FFC];
	_ =	sdelay $0x3  }
0x91: {  	_ =	strace s0  }
0x92: {  	s0 =	sld [smem:$0x3FFD];
	_ =	sdelay $0x3  }
0x93: {  	_ =	strace s0  }
0x94: {  	_ =	strace $0x8FFFFFFF  }
0x95: {  	s16 =	sld [smem:$0x3FDB];
	_ =	sdelay $0x1  }
0x96: {  	s17 =	simm.s32 $_scs_section_size  }
0x97: {  	s2 =	simm.s32 $_size__tile_overlayer_lowered;
	s3 =	simm.s32 $_tile_overlayer_lowered  }
0x98: {  	s20 =	simm.s32 $0x1BFF;
	s19 =	sshll.u32 s3, $0x1;
	s0 =	sadd.s32 s17, s16  }
0x99: {  	s4 =	simm.s32 $0x0;
	s18 =	sshll.u32 s2, $0x1;
	s2 =	sadd.s32 s19, s0  }
0x9a: {  	[timem:s4], [sflag:s20] =	dma.local [hbm:s2], s18  }
0x9b: {  	_ =	swait.ge [sflag:s20], s18  }
0x9c: {  	s1 =	ssub.s32 $0x0, s18;
	[sflag:s20] =	ssyncset.done $0x0  }
0x9d: {  	[sflag:s20] =	ssyncadd.s32 s1;
	_ =	sdelay $0x1  }
0x9e: {  	s21 =	simm.s32 $0x1B8B  }
0x9f: {  	_ =	swait.ge [sflag:s21], $0x1  }
0xa0: {  	[sflag:s21] =	ssyncset.done $0x0  }
0xa1: {  	s23 =	simm.s32 $0x1B8E;
	s22 =	sld [smem:$0x3FFE];
	[sflag:s21] =	ssyncadd.s32 $0xFFFFFFFF  }
0xa2: {  	s24 =	simm.s32 $execute0_lowered;
	[smem:$0x3FD2] =	sst s23  }
0xa3: {  	s2 =	sshll.u32 s24, $0x1;
	_ =	strace $0x8000005B;
	[dreg:$0x1] =	wrdreg $0xFFFFFFFF  }
0xa4: {  	s25 =	simm.s32 $_size_execute0_lowered;
	s0 =	sadd.s32 s0, s2;
	[dreg:$0x0] =	wrdreg $0x0  }
0xa5: {  	s2 =	sshll.u32 s25, $0x1;
	[dreg:$0x2] =	wrdreg s0  }
0xa6: {  	[dreg:$0x3] =	wrdreg s2  }
0xa7: {  	[dreg:$0x4] =	wrdreg $0xC0  }
0xa8: {  	_ =	task [dreg:s4], $0x5FFFF  }
0xa9: {  	[dreg:$0x1] =	wrdreg $0xFFFFFFFF  }
0xaa: {  	[dreg:$0x0] =	wrdreg $0x60  }
0xab: {  	[dreg:$0x2] =	wrdreg s22  }
0xac: {  	[dreg:$0x3] =	wrdreg $0xB  }
0xad: {  	_ =	task.clear_ibuf [dreg:s4], $0x4FFFF;
	_ =	strace $0x9000005B  }
0xae: {  	s26 =	simm.s32 $0xB;
	_ =	strace $0x8000005D  }
0xaf: {  	_ =	swait.ge [sflag:s26], $0x1  }
0xb0: {  	[sflag:s26] =	ssyncadd.s32 $0xFFFFFFFF  }
0xb1: {  	_ =	strace $0x9000005D  }
0xb2: {  	_ =	sfence  }
0xb3: {  	s28 =	sld [smem:$0x0];
	_ =	sdelay $0x1  }
0xb4: {  	s29 =	srdreg.scid  }
0xb5: {  	s30 =	sshll.u32 s29, $0xD;
	s31 =	sshrl.u32 s29, $0x2  }
0xb6: {  	s1 =	sand.u32 $0x1, s29;
	s2 =	sand.u32 $0x4000, s30;
	s0 =	sadd.s32 s31, s28  }
0xb7: {  	s1 =	sor.u32 s2, s1;
	s0 =	sshll.u32 s0, $0x11  }
0xb8: {  	s0 =	sor.u32 s0, s1  }
0xb9: {  	s0 =	sadd.s32 $0x8F2B, s0  }
0xba: {  	[sflag:s0] =	ssyncadd.remote.s32 $0x1  }
0xbb: {  	_ =	sfence.sel $0xFFFF  }
0xbc: {  	[dreg:$0x0] =	wrdreg $0xFFFFFFFF;
	(pc) =	sbr.abs _section_cstart, $3  }
0xbd: {  	[dreg:$0x1] =	wrdreg $0xFFFFFFFF  }
0xbe: {  	_ =	task.clear_ibuf [dreg:s4], $0x2FFFF;
	_ =	strace $0x9FFFFFFF  }
0xbf: {  	(tm) =	ssettm $0x7FFFFFFF  }
tec
execute0_lowered:
.L_overlay_start_1:
0x0: {  	(tag) =	ssettag $0x1  }
0x1: {  	s0 =	stileid.u32  }
0x2: {  	s1 =	smin.u32 s0, $0x9  }
0x3: {  	s1 =	sadd.s32 s0, s1  }
0x4: {  	s2 =	simm.s32 $0x190;
	p0 =	slt.u32 s0, $0x9;
	s1 =	smul.u32 $0xC8, s1  }
0x5: {  	s2 =	simm.s32 @!p0 $0xC8  }
0x6: {  	s2 =	sadd.s32 s2, s1  }
0x7: {  	s3 =	smin.u32 s2, $0x1388  }
0x8: {  	s7 =	ssub.s32 s3, s1  }
0x9: {  	p0 =	sgt.s32 s7, $0x0  }
0xa: {  	s7 =	simm.s32 @!p0 $0x0  }
0xb: {  	s31 =	sand.u32 $0xFFF8, s7  }
0xc: {  	s2 =	sshrl.u32 s31, $0x3  }
0xd: {  	s2 =	smul.u32 $0x147B, s2  }
0xe: {  	s9 =	rddreg [dreg:$0x0];
	s6 =	simm.s32 $0x1;
	s11 =	simm.s32 $0x3  }
0xf: {  	s13 =	simm.s32 $0x0;
	s12 =	simm.s32 $0x0;
	s8 =	sshrl.u32 s2, $0x11  }
0x10: {  	s4 =	sadd.s32 $0x2A600, s9;
	s5 =	sadd.s32 $0x51E00, s9;
	s10 =	smul.u32 $0xC8, s8  }
.Ltmp0:
0x11: {  	s9 =	sadd.s32 $0x133A200, s9;
	s2 =	rddreg [dreg:$0x1];
	(pc) =	sbr.rel .LBB2_1-.Ltmp0, $4  }
0x12: {  	_ =	strace $0x8000005C;
	p0 =	sne.s32 s7, s10;
	s10 =	simm.s32 $0x1  }
0x13: {  	[sflag:s6] =	ssyncpa.u1 $0x0;
	s7 =	simm.s32 $0x2;
	s10 =	simm.s32 @!p0 $0x0  }
0x14: {  	[sflag:s7] =	ssyncpa.u1 $0x0;
	p0 =	por $0x0, $0x0;
	s8 =	sadd.s32 s8, s10  }
0x15: {  	vm0 =	vmmov $0xff;
	vm1 =	vcmask $0x3F20;
	[sflag:s11] =	ssyncpa.u1 $0x0;
	s11 =	smov.u32 s1;
	s10 =	sadd.s32 $0x1, s8  }
.LBB2_6:
0x16: {  	[hbm:s17] =	stream.linear.scatter [tilespmem:s14], [sflag:$0x3], $0x400, $0x38;
	[tilespmem:$0xC990] =	vst v63  }
.LBB2_7:
0x17: {  	s13 =	sadd.s32 $0xC8, s11  }
0x18: {  	s15 =	smov.u32 s1;
	p2 =	slt.s32 s13, s3  }
0x19: {  	s15 =	smov.u32 @p2 s13;
	p2 =	sne.s32 s12, s10  }
.Ltmp1:
0x1a: {  	p1 =	slt.u32 s12, $0x2;
	(pc) =	sbr.rel @!p2 .LBB2_8-.Ltmp1, $4  }
0x1b: {  	s14 =	simm.s32 @!p1 $0x3  }
0x1c: {  	s16 =	sadd.s32 $0x1, s12;
	_ =	swait.ge @!p1 [sflag:s14], $0x6400  }
0x1d: {  	p0 =	por !p0, !p0;
	s13 =	smov.u32 s11;
	[sflag:s14] =	ssyncset.done @!p1 $0x0  }
0x1e: {  	s12 =	smov.u32 s16;
	s11 =	smov.u32 s15;
	[sflag:s14] =	ssyncadd.s32 @!p1 $0xFFFF9C00  }
.LBB2_1:
0x1f: {  	p1 =	sge.u32 s12, s8  }
0x20: {  	s14 =	sxor.u32 @!p1 $0xFFFFFFFF, s12  }
0x21: {  	s14 =	sand.u32 @!p1 $0x1, s14  }
0x22: {  	s14 =	smul.u32 @!p1 $0x320, s14  }
0x23: {  	s31 =	sadd.s32 $0xFFFFFFFF, s12;
	s15 =	sshrl.u32 @!p1 s11, $0x3  }
0x24: {  	s16 =	sand.u32 @!p1 $0x7, s11;
	s15 =	sadd.s32 @!p1 s5, s15;
	s14 =	sshrl.u32 @!p1 s14, $0x2  }
0x25: {  	[tilespmem:s14], [sflag:$0x2] =	stream.linear.gather @!p1 [hbm4b:s15+s16], $0xC8, $0x38;
	[tilespmem:$0xC990] =	vst v63  }
0x26: {  	p1 =	sge.u32 s31, s8  }
.Ltmp2:
0x27: {  	_ = 	snop;
	(pc) =	sbr.rel @p1 .LBB2_7-.Ltmp2, $1  }
0x28: {  	_ =	sdelay $0x3  }
0x29: {  	s14 =	simm.s32 $0x1  }
0x2a: {  	s14 =	simm.s32 @!p0 $0x0  }
0x2b: {  	s15 =	smul.u32 $0x320, s14  }
0x2c: {  	_ =	swait.ge [sflag:s7], $0xC8  }
0x2d: {  	[sflag:s7] =	ssyncset.done $0x0;
	s16 =	sshrl.u32 s15, $0x2  }
0x2e: {  	[sflag:s7] =	ssyncadd.s32 $0xFFFFFF38;
	s15 =	sadd.s32 $0x0, s16  }
0x2f: {  	v0 =	vld.msk [tilespmem:s15+$0x0 ss:$0x1], $0xffff;
	_ =	sdelay $0x4  }
0x30: {  	vm2 =	vgt.s32 v0, $0x0  }
0x31: {  	v0 =	vnsel vm2, $0x0, v0  }
0x32: {  	v0 =	vmin.u32 v0, $0x270F  }
0x33: {  	v0 =	vshll.u32 v0, $0x4  }
0x34: {  	s14 =	smul.u32 $0x19000, s14  }
0x35: {  	s31 =	sand.u32 $0x1, s12  }
0x36: {  	s17 =	smul.u32 $0x320, s31;
	s14 =	sshrl.u32 s14, $0x2  }
0x37: {  	s19 =	smul.u32 $0x19000, s31;
	s14 =	sor.u32 $0x190, s14  }
0x38: {  	[tilespmem:s14], [sflag:$0x1] =	stream.indirect_vreg.gather [hbm:s4], $0x80, v0, vm0, $0x38;
	[tilespmem:$0xC990] =	vst v63  }
0x39: {  	s18 =	sshrl.u32 s17, $0x2;
	s20 =	sadd.s32 $0x10, s16;
	s15 =	sadd.s32 $0x400, s14  }
0x3a: {  	[tilespmem:s15], [sflag:$0x1] =	stream.indirect_vreg.gather [hbm:s4], $0x80, v0, vm1, $0x38;
	[tilespmem:$0xC990] =	vst v63  }
0x3b: {  	s17 =	sshrl.u32 s19, $0x2;
	s19 =	smov.u32 s14;
	v0 =	vld.msk [tilespmem:s20+$0x0 ss:$0x1], $0xffff;
	s20 =	simm.s32 $0x80  }
.LBB2_3:
0x3c: {  	p1 =	sne.s32 s20, $0x2C0;
	_ =	sdelay $0x4  }
0x3d: {  	vm2 =	vgt.s32 v0, $0x0  }
0x3e: {  	v0 =	vnsel vm2, $0x0, v0  }
0x3f: {  	v0 =	vmin.u32 v0, $0x270F  }
0x40: {  	v0 =	vshll.u32 v0, $0x4;
	_ =	sdelay $0x3  }
.Ltmp3:
0x41: {  	s21 =	sshra.s32 s20, $0x2;
	s19 =	sadd.s32 $0x800, s19;
	(pc) =	sbr.rel @p1 .LBB2_3-.Ltmp3, $4  }
0x42: {  	[tilespmem:s19], [sflag:$0x1] =	stream.indirect_vreg.gather [hbm:s4], $0x80, v0, vm0, $0x38;
	[tilespmem:$0xC990] =	vst v63  }
0x43: {  	s21 =	sadd.s32 s21, s16;
	s22 =	sadd.s32 $0x400, s19  }
0x44: {  	[tilespmem:s22], [sflag:$0x1] =	stream.indirect_vreg.gather [hbm:s4], $0x80, v0, vm1, $0x38;
	[tilespmem:$0xC990] =	vst v63  }
0x45: {  	s20 =	sadd.s32 $0x40, s20;
	v0 =	vld.msk [tilespmem:s21+$0x0 ss:$0x1], $0xffff  }
0x46: {  	_ =	sdelay $0x3  }
0x47: {  	vm2 =	vgt.s32 v0, $0x0  }
0x48: {  	v0 =	vnsel vm2, $0x0, v0  }
0x49: {  	v0 =	vmin.u32 v0, $0x270F  }
0x4a: {  	v0 =	vshll.u32 v0, $0x4;
	_ =	sdelay $0x3  }
0x4b: {  	s16 =	sadd.s32 $0x800, s19  }
0x4c: {  	[tilespmem:s16], [sflag:$0x1] =	stream.indirect_vreg.gather [hbm:s4], $0x80, v0, vm0, $0x38;
	[tilespmem:$0xC990] =	vst v63  }
0x4d: {  	s16 =	sadd.s32 $0x400, s16  }
0x4e: {  	[tilespmem:s16], [sflag:$0x1] =	stream.indirect_vreg.gather [hbm:s4], $0x80, v0, vm1, $0x38;
	[tilespmem:$0xC990] =	vst v63  }
0x4f: {  	v0 =	vld.msk [tilespmem:s18+$0xC0 ss:$0x1], $0xff;
	_ =	sdelay $0x4  }
0x50: {  	vm2 =	vgt.s32 v0, $0x0  }
0x51: {  	v0 =	vnsel vm2, $0x0, v0  }
0x52: {  	v0 =	vmin.u32 v0, $0x270F  }
0x53: {  	v0 =	vshll.u32 v0, $0x4;
	_ =	sdelay $0x3  }
0x54: {  	s31 =	sadd.s32 $0x6190, s17  }
0x55: {  	[tilespmem:s31], [sflag:$0x1] =	stream.indirect_vreg.gather [hbm:s4], $0x80, v0, vm0, $0x38;
	[tilespmem:$0xC990] =	vst v63  }
0x56: {  	s13 =	sshll.u32 s13, $0x4;
	_ =	swait.ge [sflag:s6], $0x6400  }
0x57: {  	s13 =	sadd.s32 s13, s9;
	[sflag:s6] =	ssyncset.done $0x0  }
0x58: {  	s17 =	sadd.s32 $0x0, s13;
	s16 =	simm.s32 $0x80;
	[sflag:s6] =	ssyncadd.s32 $0xFFFF9C00  }
.LBB2_5:
0x59: {  	[hbm:s17] =	stream.linear.scatter [tilespmem:s14], [sflag:$0x3], $0x400, $0x38;
	[tilespmem:$0xC990] =	vst v63  }
0x5a: {  	s17 =	smov.u32 s16;
	s14 =	smov.u32 s15;
	p1 =	sne.s32 s16, $0xC00  }
.Ltmp4:
0x5b: {  	s16 =	sadd.s32 $0x80, s16;
	(pc) =	sbr.rel @p1 .LBB2_5-.Ltmp4, $2  }
0x5c: {  	_ =	sdelay $0x2  }
0x5d: {  	s15 =	sadd.s32 $0x400, s15;
	s17 =	sadd.s32 s17, s13  }
.Ltmp5:
0x5e: {  	_ = 	snop;
	(pc) =	sbr.rel .LBB2_6-.Ltmp5, $1  }
0x5f: {  	_ =	sdelay $0x3  }
.LBB2_8:
0x60: {  	_ =	sfence.sel $0x180000  }
0x61: {  	s1 =	simm.s32 $0x2;
	[bflag:$0x0] =	sbarrier.arrive $0xFFFF  }
0x62: {  	s30 =	simm.s32 $0x3;
	[sflag:s1] =	ssyncpa.u1 $0x1  }
0x63: {  	s31 =	simm.s32 $0x1;
	[sflag:s30] =	ssyncpa.u1 $0x1  }
0x64: {  	[sflag:s31] =	ssyncpa.u1 $0x1  }
0x65: {  	p0 =	sne.s32 s0, $0x0;
	_ =	strace $0x9000005C  }
0x66: {  	s0 =	sadd.s32 @!p0 $0x100000, s2;
	[bflag:$0x2] =	sbarrier.arrive $0xFFFF  }
0x67: {  	[sflag:s0] =	ssyncadd.tile.s32 @!p0 $0x1;
	_ =	shalt  }
.Lfunc_end2:
_tile_overlayer_lowered:
.L_overlay_start_2:
0x68: {  	(tag) =	ssettag $0x2  }
0x69: {  	s0 =	rddreg [dreg:$0x0];
	s2 =	stileid.u32  }
0x6a: {  	s1 =	rddreg [dreg:$0x1];
	p0 =	sne.s32 s2, $0x0  }
0x6b: {  	s3 =	rddreg [dreg:$0x2];
	[bflag:$0x3] =	sbarrier.arrive $0xFFFF;
	s2 =	simm.s32 @!p0 $0x1C01  }
0x6c: {  	[timem:s3], [sflag:s2] =	dma.local @!p0 [hbm:s0], s1  }
0x6d: {  	s0 =	simm.s32 @!p0 $0x1  }
0x6e: {  	_ =	swait.ge @!p0 [sflag:s0], s1  }
0x6f: {  	s1 =	ssub.s32 @!p0 $0x0, s1;
	[sflag:s0] =	ssyncset.done @!p0 $0x0  }
0x70: {  	[sflag:s0] =	ssyncadd.s32 @!p0 s1  }
0x71: {  	[bflag:$0x3] =	sbarrier.arrive $0xFFFF  }
0x72: {  	_ =	shalt  }

// kernel: kernel.11.cloned.1.call-start
scs
__scs_entry_jumppad:
0x0: {  	(pc) =	sbr.rel $0x88, $3  }
0x1: {  	(tag) =	ssettag $0x0;
	lr =	simm.s32 $0x1  }
0x2: {  	[smem:$0x3F90] =	sst lr;
	_ =	strace $0xD0000000  }
0x3: {  	_ = 	snop  }
0x4: {  	_ = 	snop  }
0x5: {  	_ = 	snop  }
0x6: {  	_ = 	snop  }
0x7: {  	_ = 	snop  }
__scs_overlays_trampoline_lowered:
0x8: {  	[smem:$0x3F9F] =	sst s0  }
0x9: {  	[smem:$0x3FA0] =	sst s1  }
0xa: {  	[smem:$0x3FA1] =	sst s2  }
0xb: {  	[smem:$0x3FA2] =	sst s3  }
0xc: {  	[smem:$0x3FA3] =	sst s4  }
0xd: {  	[smem:$0x3FA4] =	sst s5  }
0xe: {  	[smem:$0x3FA5] =	sst s6  }
0xf: {  	[smem:$0x3FA6] =	sst s7  }
0x10: {  	[smem:$0x3FA7] =	sst s8  }
0x11: {  	[smem:$0x3FA8] =	sst s9;
	s0 =	simm.s32 @!p0 $0x0  }
0x12: {  	s1 =	sld [smem:$0x3F8E];
	s0 =	simm.s32 @p0 $0x1  }
0x13: {  	[smem:$0x3FA9] =	sst s0;
	s0 =	simm.s32 @!p1 $0x0  }
0x14: {  	s2 =	sld [smem:$0x3F8D];
	s0 =	simm.s32 @p1 $0x1  }
0x15: {  	[smem:$0x3FAA] =	sst s0;
	s0 =	simm.s32 @!p2 $0x0  }
0x16: {  	s3 =	sld [smem:$0x3FDB];
	s0 =	simm.s32 @p2 $0x1  }
0x17: {  	s4 =	simm.s32 $0x1BF5;
	[smem:$0x3FAC] =	sst s0  }
0x18: {  	s0 =	sld [smem:$0x3F8F];
	_ =	swait.ge [sflag:s4], $0x0  }
0x19: {  	s7 =	sld [smem:$0x3F90]  }
0x1a: {  	s8 =	sadd.s32 $0xFFFFE003, lr  }
0x1b: {  	s9 =	sadd.s32 $0xFFFFFEF7, lr;
	s5 =	simm.s32 $0xFFFFFFFF;
	p2 =	slt.u32 s8, $0xFFFFF086  }
0x1c: {  	p1 =	slt.u32 s9, $0xF7A;
	s5 =	simm.s32 @!p2 $0x0  }
0x1d: {  	s5 =	simm.s32 @p1 $0x1;
	p0 =	seq.s32 s7, s2  }
0x1e: {  	s7 =	smul.u32 @!p0 $0xF7A, s2;
	p2 =	seq.s32 @!p0 s5, $0x0  }
0x1f: {  	s9 =	smul.u32 $0xF7A, s1;
	s8 =	simm.s32 @!p0 $0x1BF5;
	p2 =	por !p2, p0  }
0x20: {  	[sflag:s8] =	ssyncset.s32 @!p0 $0xFFFFF086;
	s6 =	sadd.s32 @!p0 s3, s7;
	s7 =	simm.s32 @!p0 $0x108  }
0x21: {  	s3 =	sadd.s32 s3, s9;
	s6 =	sadd.s32 @!p0 $0x88, s6;
	s7 =	simm.s32 @p2 $0x1082  }
0x22: {  	[simem:s7], [sflag:s8] =	dma.local @!p0 [hbm:s6], $0xF7A  }
0x23: {  	s9 =	sor.u32 $0xD0000000, s2;
	s6 =	simm.s32 $0x108;
	_ =	swait.ge @!p0 [sflag:s8], $0x0  }
0x24: {  	s3 =	sadd.s32 $0x88, s3;
	s6 =	simm.s32 @!p1 $0x1082;
	[sflag:s4] =	ssyncset.s32 $0xFFFFF086  }
0x25: {  	[simem:s6], [sflag:s4] =	dma.local [hbm:s3], $0xF7A  }
0x26: {  	[smem:$0x3F90] =	sst s1;
	(tag) =	ssettag s2;
	_ =	strace s9  }
0x27: {  	s1 =	sld [smem:$0x3FA0]  }
0x28: {  	s2 =	sld [smem:$0x3FA1]  }
0x29: {  	s4 =	sld [smem:$0x3FA3]  }
0x2a: {  	p0 =	seq.s32 s5, $0x0;
	s5 =	sld [smem:$0x3FA4]  }
0x2b: {  	s6 =	sld [smem:$0x3FA5]  }
0x2c: {  	s7 =	sld [smem:$0x3FA6]  }
0x2d: {  	s3 =	simm.s32 $0x108;
	s8 =	sld [smem:$0x3FA7]  }
0x2e: {  	s3 =	simm.s32 @!p0 $0x1082;
	s9 =	sld [smem:$0x3FA8]  }
0x2f: {  	lr =	sadd.s32 s0, s3;
	s0 =	sld [smem:$0x3F9F]  }
0x30: {  	s3 =	sld [smem:$0x3FA2]  }
0x31: {  	[smem:$0x3FAB] =	sst s10  }
0x32: {  	s10 =	sld [smem:$0x3FA9];
	_ =	sdelay $0x3  }
0x33: {  	p0 =	seq.s32 s10, $0x1;
	s10 =	sld [smem:$0x3FAB];
	_ =	sdelay $0x3  }
0x34: {  	[smem:$0x3FAB] =	sst s10  }
0x35: {  	s10 =	sld [smem:$0x3FAA];
	_ =	sdelay $0x3  }
0x36: {  	p1 =	seq.s32 s10, $0x1;
	s10 =	sld [smem:$0x3FAB];
	_ =	sdelay $0x3  }
0x37: {  	[smem:$0x3FAB] =	sst s10  }
0x38: {  	s10 =	sld [smem:$0x3FAC]  }
0x39: {  	_ = 	snop;
	(pc) =	sbr.ind lr, $3  }
0x3a: {  	_ = 	snop  }
0x3b: {  	_ = 	snop  }
0x3c: {  	p2 =	seq.s32 s10, $0x1;
	s10 =	sld [smem:$0x3FAB]  }
0x3d: {  	_ =	shalt  }
0x3e: {  	_ =	shalt  }
0x3f: {  	_ =	shalt  }
0x40: {  	_ =	shalt  }
0x41: {  	_ =	shalt  }
0x42: {  	_ =	shalt  }
0x43: {  	_ =	shalt  }
0x44: {  	_ =	shalt  }
0x45: {  	_ =	shalt  }
0x46: {  	_ =	shalt  }
0x47: {  	_ =	shalt  }
0x48: {  	_ =	shalt  }
0x49: {  	_ =	shalt  }
0x4a: {  	_ =	shalt  }
0x4b: {  	_ =	shalt  }
0x4c: {  	_ =	shalt  }
0x4d: {  	_ =	shalt  }
0x4e: {  	_ =	shalt  }
0x4f: {  	_ =	shalt  }
0x50: {  	_ =	shalt  }
0x51: {  	_ =	shalt  }
0x52: {  	_ =	shalt  }
0x53: {  	_ =	shalt  }
0x54: {  	_ =	shalt  }
0x55: {  	_ =	shalt  }
0x56: {  	_ =	shalt  }
0x57: {  	_ =	shalt  }
0x58: {  	_ =	shalt  }
0x59: {  	_ =	shalt  }
0x5a: {  	_ =	shalt  }
0x5b: {  	_ =	shalt  }
0x5c: {  	_ =	shalt  }
0x5d: {  	_ =	shalt  }
0x5e: {  	_ =	shalt  }
0x5f: {  	_ =	shalt  }
0x60: {  	_ =	shalt  }
0x61: {  	_ =	shalt  }
0x62: {  	_ =	shalt  }
0x63: {  	_ =	shalt  }
0x64: {  	_ =	shalt  }
0x65: {  	_ =	shalt  }
0x66: {  	_ =	shalt  }
0x67: {  	_ =	shalt  }
0x68: {  	_ =	shalt  }
0x69: {  	_ =	shalt  }
0x6a: {  	_ =	shalt  }
0x6b: {  	_ =	shalt  }
0x6c: {  	_ =	shalt  }
0x6d: {  	_ =	shalt  }
0x6e: {  	_ =	shalt  }
0x6f: {  	_ =	shalt  }
0x70: {  	_ =	shalt  }
0x71: {  	_ =	shalt  }
0x72: {  	_ =	shalt  }
0x73: {  	_ =	shalt  }
0x74: {  	_ =	shalt  }
0x75: {  	_ =	shalt  }
0x76: {  	_ =	shalt  }
0x77: {  	_ =	shalt  }
0x78: {  	_ =	shalt  }
0x79: {  	_ =	shalt  }
0x7a: {  	_ =	shalt  }
0x7b: {  	_ =	shalt  }
0x7c: {  	_ =	shalt  }
0x7d: {  	_ =	shalt  }
0x7e: {  	_ =	shalt  }
0x7f: {  	_ =	shalt  }
0x80: {  	_ =	shalt  }
0x81: {  	_ =	shalt  }
0x82: {  	_ =	shalt  }
0x83: {  	_ =	shalt  }
0x84: {  	_ =	shalt  }
0x85: {  	_ =	shalt  }
0x86: {  	_ =	shalt  }
0x87: {  	_ =	shalt  }
.Lfunc_end0:
.L_simem_size_0:
called_computation.6_lowered:
.L_overlay_start_0:
0x88: {  	s2 =	sld [smem:$0x3FD9]  }
0x89: {  	s3 =	sld [smem:$0x3FFE];
	_ =	sdelay $0x1  }
0x8a: {  	s1 =	srdreg.scid  }
0x8b: {  	s0 =	sand.u32 $0x1, s1  }
0x8c: {  	s16 =	sshll.u32 s0, $0xA;
	s2 =	sadd.s32 s3, s2  }
0x8d: {  	s2 =	sadd.s32 s2, s16  }
0x8e: {  	[smem:$0x3FB7] =	sst s2  }
0x8f: {  	_ = 	snop  }
0x90: {  	(tm) =	ssettm $0x1  }
0x91: {  	s17 =	sld [smem:$0x3FFB];
	_ =	sdelay $0x3  }
0x92: {  	_ =	strace s17  }
0x93: {  	s2 =	sld [smem:$0x3FFC];
	_ =	sdelay $0x3  }
0x94: {  	_ =	strace s2  }
0x95: {  	s2 =	sld [smem:$0x3FFD];
	_ =	sdelay $0x3  }
0x96: {  	_ =	strace s2  }
0x97: {  	_ =	strace $0x8FFFFFFF  }
0x98: {  	s18 =	sld [smem:$0x3FDB];
	_ =	sdelay $0x1  }
0x99: {  	s19 =	simm.s32 $_scs_section_size  }
0x9a: {  	s4 =	simm.s32 $_size__tile_overlayer_lowered;
	s5 =	simm.s32 $_tile_overlayer_lowered  }
0x9b: {  	s22 =	simm.s32 $0x1BFF;
	s21 =	sshll.u32 s5, $0x1;
	s2 =	sadd.s32 s19, s18  }
0x9c: {  	s6 =	simm.s32 $0x0;
	s20 =	sshll.u32 s4, $0x1;
	s4 =	sadd.s32 s21, s2  }
0x9d: {  	[timem:s6], [sflag:s22] =	dma.local [hbm:s4], s20  }
0x9e: {  	_ =	swait.ge [sflag:s22], s20  }
0x9f: {  	s3 =	ssub.s32 $0x0, s20;
	[sflag:s22] =	ssyncset.done $0x0  }
0xa0: {  	[sflag:s22] =	ssyncadd.s32 s3;
	_ =	sdelay $0x1  }
0xa1: {  	s23 =	simm.s32 $0x1B8B  }
0xa2: {  	_ =	swait.ge [sflag:s23], $0x1  }
0xa3: {  	[sflag:s23] =	ssyncset.done $0x0  }
0xa4: {  	s25 =	simm.s32 $0x1B8E;
	s24 =	sld [smem:$0x3FFE];
	[sflag:s23] =	ssyncadd.s32 $0xFFFFFFFF  }
0xa5: {  	s26 =	simm.s32 $execute0_lowered;
	[smem:$0x3FD2] =	sst s25  }
0xa6: {  	s4 =	sshll.u32 s26, $0x1;
	_ =	strace $0x8000004C;
	[dreg:$0x1] =	wrdreg $0xFFFFFFFF  }
0xa7: {  	s28 =	simm.s32 $_size_execute0_lowered;
	s2 =	sadd.s32 s2, s4;
	[dreg:$0x0] =	wrdreg $0x0  }
0xa8: {  	s4 =	sshll.u32 s28, $0x1;
	[dreg:$0x2] =	wrdreg s2  }
0xa9: {  	[dreg:$0x3] =	wrdreg s4  }
0xaa: {  	[dreg:$0x4] =	wrdreg $0xC0  }
0xab: {  	_ =	task [dreg:s6], $0x5FFFF  }
0xac: {  	[dreg:$0x1] =	wrdreg $0xFFFFFFFF  }
0xad: {  	[dreg:$0x0] =	wrdreg $0x60  }
0xae: {  	[dreg:$0x2] =	wrdreg s24  }
0xaf: {  	[dreg:$0x3] =	wrdreg $0x0  }
0xb0: {  	[dreg:$0x4] =	wrdreg $0x9  }
0xb1: {  	_ =	task.clear_ibuf [dreg:s6], $0x5FFFF;
	_ =	strace $0x9000004C  }
0xb2: {  	s29 =	simm.s32 $0x9;
	_ =	strace $0x8000004E  }
0xb3: {  	_ =	swait.ge [sflag:s29], $0x1  }
0xb4: {  	[sflag:s29] =	ssyncadd.s32 $0xFFFFFFFF  }
0xb5: {  	_ =	strace $0x9000004E  }
0xb6: {  	_ =	sfence  }
0xb7: {  	s30 =	sld [smem:$0x0];
	_ =	sdelay $0x2  }
0xb8: {  	s31 =	sshll.u32 s1, $0xD;
	s1 =	sshrl.u32 s1, $0x2  }
0xb9: {  	s3 =	sand.u32 $0x4000, s31;
	s1 =	sadd.s32 s1, s30  }
0xba: {  	s0 =	sor.u32 s3, s0;
	s1 =	sshll.u32 s1, $0x11  }
0xbb: {  	s0 =	sor.u32 s1, s0  }
0xbc: {  	s0 =	sadd.s32 $0x8F2B, s0  }
0xbd: {  	[sflag:s0] =	ssyncadd.remote.s32 $0x1  }
0xbe: {  	_ =	sfence.sel $0xFFFF  }
0xbf: {  	[dreg:$0x0] =	wrdreg $0xFFFFFFFF;
	(pc) =	sbr.abs _section_cstart, $3  }
0xc0: {  	[dreg:$0x1] =	wrdreg $0xFFFFFFFF  }
0xc1: {  	_ =	task.clear_ibuf [dreg:s6], $0x2FFFF;
	_ =	strace $0x9FFFFFFF  }
0xc2: {  	(tm) =	ssettm $0x7FFFFFFF  }
0xc3: {  	_ =	shalt  }
tec
execute0_lowered:
.L_overlay_start_1:
0x0: {  	(tag) =	ssettag $0x1  }
0x1: {  	s0 =	rddreg [dreg:$0x0]  }
0x2: {  	s1 =	rddreg [dreg:$0x1];
	s2 =	srdreg.scid  }
0x3: {  	s3 =	simm.s32 $0x0;
	s26 =	stileid.u32;
	s28 =	simm.s32 $0x13D00  }
0x4: {  	s30 =	simm.s32 $0x0;
	s31 =	simm.s32 $0x0;
	s2 =	sand.u32 $0x1, s2  }
0x5: {  	[smem:$0x7FF] =	sst s3;
	s9 =	smul.u32 $0x13C00, s26;
	s6 =	sshrl.u32 s26, $0x3  }
0x6: {  	s4 =	sadd.s32 $0x2A600, s0;
	s5 =	sadd.s32 $0x1DA00, s0;
	s7 =	sadd.s32 $0x51800, s0  }
0x7: {  	s12 =	sshll.u32 s26, $0x7;
	s13 =	sshll.u32 s26, $0x1;
	s14 =	smul.u32 $0x4F000, s26  }
0x8: {  	s23 =	sshll.u32 s26, $0x6;
	p0 =	sgt.u32 s26, $0x1;
	s8 =	smul.u32 $0x13C000, s2  }
0x9: {  	s26 =	simm.s32 $0x1CC80;
	_ =	strace $0x8000004D;
	s10 =	smul.u32 $0x27800, s2  }
0xa: {  	s11 =	smul.u32 $0x13C00, s6;
	s6 =	sadd.s32 $0x13C00, s0;
	s18 =	ssub.s32 $0x2, s2  }
0xb: {  	s16 =	sand.u32 $0x380, s12;
	s2 =	sor.u32 s2, s13;
	s19 =	sshrl.u32 s18, $0x1  }
0xc: {  	s21 =	sshrl.u32 s14, $0x2;
	s22 =	sshll.u32 s2, $0x4;
	s9 =	sadd.s32 s9, s8  }
0xd: {  	s10 =	sadd.s32 s10, s11;
	s8 =	sadd.s32 $0x78A00, s0;
	s20 =	ssub.s32 s18, s19  }
0xe: {  	s24 =	sor.u32 $0x9C00, s22;
	s11 =	smul.u32 $0x4E, s2;
	s18 =	simm.s32 $0x2  }
0xf: {  	s19 =	simm.s32 $0x17D80;
	s22 =	simm.s32 $0x13C80;
	s17 =	sshrl.u32 s9, $0x3  }
0x10: {  	s10 =	sor.u32 s16, s10;
	s9 =	sadd.s32 $0x27800, s0;
	s25 =	sadd.s32 s5, s24  }
0x11: {  	s29 =	sadd.s32 s6, s24;
	s16 =	smax.u32 s20, $0x1;
	s20 =	simm.s32 $0x1A500  }
.Ltmp0:
0x12: {  	s24 =	simm.s32 $0x13D80;
	s12 =	sadd.s32 s17, s0;
	(pc) =	sbr.rel .LBB2_1-.Ltmp0, $4  }
0x13: {  	s10 =	sshrl.u32 s10, $0x3;
	s17 =	sadd.s32 s21, s1;
	[dreg:$0x3] =	wrdreg s25  }
0x14: {  	[dreg:$0x4] =	wrdreg s29;
	s21 =	simm.s32 $0x13C00;
	s25 =	simm.s32 $0x1  }
0x15: {  	s0 =	sadd.s32 s10, s0;
	s10 =	sor.u32 $0x1C02, s23;
	s14 =	sadd.s32 $0x79000, s12  }
0x16: {  	v0 =	vimm.f32 $0.0e+00;
	s17 =	sshrl.u32 s17, $0x3;
	s23 =	simm.s32 $0x80;
	s15 =	sadd.s32 $0x51E00, s0  }
.LBB2_11:
0x17: {  	[bflag:$0x0] =	sbarrier.arrive $0xFFFF  }
0x18: {  	[hbm:s14], [sflag:s10] =	dma.local [spmem:s17], $0x2780  }
0x19: {  	s30 =	sadd.s32 $0x1, s30;
	_ =	swait.ge [sflag:s18], $0x2780  }
0x1a: {  	p1 =	sne.s32 s30, s16;
	[sflag:s18] =	ssyncset.done $0x0  }
.Ltmp1:
0x1b: {  	s0 =	simm.s32 $0x400;
	[sflag:s18] =	ssyncadd.s32 $0xFFFFD880;
	(pc) =	sbr.rel @!p1 .LBB2_12-.Ltmp1, $4  }
0x1c: {  	[hbm4b:s15+s23] =	stream.strided.scatter [tilespmem:s26], [sflag:$0x2], $0x2780, s0, s23, $0x38;
	[tilespmem:$0x1F400] =	vst v63  }
0x1d: {  	_ =	swait.ge [sflag:s18], $0x2780  }
0x1e: {  	[sflag:s18] =	ssyncset.done $0x0  }
0x1f: {  	[sflag:s18] =	ssyncadd.s32 $0xFFFFD880  }
.LBB2_1:
0x20: {  	[spmem:s17], [sflag:s10] =	dma.local [hbm:s9], $0x2780  }
0x21: {  	_ =	swait.ge [sflag:s18], $0x2780  }
0x22: {  	[sflag:s18] =	ssyncset.done $0x0  }
0x23: {  	[sflag:s18] =	ssyncadd.s32 $0xFFFFD880  }
0x24: {  	[tilespmem:s19], [sflag:$0x2] =	stream.linear.gather [hbm4b:s7+s3], $0x2710, $0x38;
	[tilespmem:$0x1F400] =	vst v63  }
0x25: {  	_ =	swait.ge [sflag:s18], $0x2710  }
0x26: {  	[sflag:s18] =	ssyncset.done $0x0  }
0x27: {  	[sflag:s18] =	ssyncadd.s32 $0xFFFFD8F0  }
0x28: {  	[tilespmem:s20], [sflag:$0x2] =	stream.linear.gather [hbm4b:s8+s3], $0x2710, $0x38;
	[tilespmem:$0x1F400] =	vst v63  }
0x29: {  	_ =	swait.ge [sflag:s18], $0x2710  }
0x2a: {  	[sflag:s18] =	ssyncset.done $0x0  }
0x2b: {  	s0 =	simm.s32 $0x40;
	s2 =	simm.s32 $0x0;
	[sflag:s18] =	ssyncadd.s32 $0xFFFFD8F0  }
.LBB2_2:
0x2c: {  	p1 =	sne.s32 s0, $0x9DC0;
	[tilespmem:s2+$0x1CC80] =	vst v0;
	s2 =	smov.u32 s0;
	s0 =	sadd.s32 $0x40, s0  }
.Ltmp2:
0x2d: {  	(pc) =	sbr.rel @p1 .LBB2_2-.Ltmp2, $2  }
0x2e: {  	_ =	sdelay $0x2  }
0x2f: {  	s2 =	sshra.s32 s2, $0x2  }
0x30: {  	[tilespmem:s2+$0x1CC80] =	vst v0  }
0x31: {  	s0 =	simm.s32 $0x0;
	[bflag:$0x0] =	sbarrier.arrive $0xFFFF  }
.LBB2_4:
0x32: {  	s2 =	sadd.s32 s11, s0  }
0x33: {  	s2 =	sshll.u32 s2, $0x4  }
0x34: {  	s12 =	sadd.s32 s5, s2  }
0x35: {  	[tilespmem:s21], [sflag:$0x2] =	stream.linear.gather [hbm4b:s12+s31], $0x80, $0x38;
	[tilespmem:$0x1F400] =	vst v63  }
0x36: {  	_ =	swait.ge [sflag:s18], $0x80  }
0x37: {  	[sflag:s18] =	ssyncset.done $0x0  }
0x38: {  	s2 =	sadd.s32 s6, s2;
	[sflag:s18] =	ssyncadd.s32 $0xFFFFFF80  }
0x39: {  	[tilespmem:s22], [sflag:$0x2] =	stream.linear.gather [hbm4b:s2+s31], $0x80, $0x38;
	[tilespmem:$0x1F400] =	vst v63  }
0x3a: {  	_ =	swait.ge [sflag:s18], $0x80  }
0x3b: {  	[sflag:s18] =	ssyncset.done $0x0  }
0x3c: {  	[sflag:s18] =	ssyncadd.s32 $0xFFFFFF80  }
0x3d: {  	[tilespmem:s24], [sflag:$0x1] =	stream.indirect.gather [hbm4b:s4+s23], $0x80, s21, s23, $0xb8;
	[tilespmem:$0x1F400] =	vst v63  }
0x3e: {  	_ =	swait.ge [sflag:s25], $0x4000  }
0x3f: {  	[sflag:s25] =	ssyncset.done $0x0  }
0x40: {  	[sflag:s25] =	ssyncadd.s32 $0xFFFFC000  }
0x41: {  	v1 =	vld [tilespmem:$0x13C80]  }
0x42: {  	v2 =	vld [tilespmem:$0x13C00];
	_ =	sdelay $0x6  }
0x43: {  	v3 =	vld.idx.msk [tilespmem:v1+s19+$0x0], $0xffff  }
0x44: {  	v2 =	vld.idx.msk [tilespmem:v2+s20+$0x0], $0xffff;
	_ =	sdelay $0x4  }
0x45: {  	v2 =	vadd.f32 v2, v3;
	_ =	sdelay $0x1  }
0x46: {  	v3 =	vmul.f32 $2.000000030e-01, v2;
	_ =	sdelay $0x1  }
0x47: {  	v2 =	vmax.f32 v2, v3  }
0x48: {  	v2 =	vmul.f32 $1.442695020e+00, v2;
	_ =	sdelay $0x1  }
0x49: {  	(erf) = vpow2.f32 v2;
	_ =	sdelay $0x8  }
0x4a: {  	v2 =	vpop (erf)  }
0x4b: {  	[tilespmem:$0x13D00] =	vst v2  }
0x4c: {  	[tilespmem:v1+s26+$0x0] =	vst.idx.add.f32.msk $0xffff, v2  }
0x4d: {  	v1 =	vld [tilespmem:$0x13C90]  }
0x4e: {  	v2 =	vld [tilespmem:$0x13C10];
	_ =	sdelay $0x6  }
0x4f: {  	v3 =	vld.idx.msk [tilespmem:v1+s19+$0x0], $0xffff  }
0x50: {  	v2 =	vld.idx.msk [tilespmem:v2+s20+$0x0], $0xffff;
	_ =	sdelay $0x4  }
0x51: {  	v2 =	vadd.f32 v2, v3;
	_ =	sdelay $0x1  }
0x52: {  	v3 =	vmul.f32 $2.000000030e-01, v2;
	_ =	sdelay $0x1  }
0x53: {  	v2 =	vmax.f32 v2, v3  }
0x54: {  	v2 =	vmul.f32 $1.442695020e+00, v2;
	_ =	sdelay $0x1  }
0x55: {  	(erf) = vpow2.f32 v2;
	_ =	sdelay $0x8  }
0x56: {  	v2 =	vpop (erf)  }
0x57: {  	[tilespmem:$0x13D10] =	vst v2  }
0x58: {  	[tilespmem:v1+s26+$0x0] =	vst.idx.add.f32.msk $0xffff, v2  }
0x59: {  	v1 =	vld [tilespmem:$0x13CA0]  }
0x5a: {  	v2 =	vld [tilespmem:$0x13C20];
	_ =	sdelay $0x6  }
0x5b: {  	v3 =	vld.idx.msk [tilespmem:v1+s19+$0x0], $0xffff  }
0x5c: {  	v2 =	vld.idx.msk [tilespmem:v2+s20+$0x0], $0xffff;
	_ =	sdelay $0x4  }
0x5d: {  	v2 =	vadd.f32 v2, v3;
	_ =	sdelay $0x1  }
0x5e: {  	v3 =	vmul.f32 $2.000000030e-01, v2;
	_ =	sdelay $0x1  }
0x5f: {  	v2 =	vmax.f32 v2, v3  }
0x60: {  	v2 =	vmul.f32 $1.442695020e+00, v2;
	_ =	sdelay $0x1  }
0x61: {  	(erf) = vpow2.f32 v2;
	_ =	sdelay $0x8  }
0x62: {  	v2 =	vpop (erf)  }
0x63: {  	[tilespmem:$0x13D20] =	vst v2  }
0x64: {  	[tilespmem:v1+s26+$0x0] =	vst.idx.add.f32.msk $0xffff, v2  }
0x65: {  	v1 =	vld [tilespmem:$0x13CB0]  }
0x66: {  	v2 =	vld [tilespmem:$0x13C30];
	_ =	sdelay $0x6  }
0x67: {  	v3 =	vld.idx.msk [tilespmem:v1+s19+$0x0], $0xffff  }
0x68: {  	v2 =	vld.idx.msk [tilespmem:v2+s20+$0x0], $0xffff;
	_ =	sdelay $0x4  }
0x69: {  	v2 =	vadd.f32 v2, v3;
	_ =	sdelay $0x1  }
0x6a: {  	v3 =	vmul.f32 $2.000000030e-01, v2;
	_ =	sdelay $0x1  }
0x6b: {  	v2 =	vmax.f32 v2, v3  }
0x6c: {  	v2 =	vmul.f32 $1.442695020e+00, v2;
	_ =	sdelay $0x1  }
0x6d: {  	(erf) = vpow2.f32 v2;
	_ =	sdelay $0x8  }
0x6e: {  	v2 =	vpop (erf)  }
0x6f: {  	[tilespmem:$0x13D30] =	vst v2  }
0x70: {  	[tilespmem:v1+s26+$0x0] =	vst.idx.add.f32.msk $0xffff, v2  }
0x71: {  	v1 =	vld [tilespmem:$0x13CC0]  }
0x72: {  	v2 =	vld [tilespmem:$0x13C40];
	_ =	sdelay $0x6  }
0x73: {  	v3 =	vld.idx.msk [tilespmem:v1+s19+$0x0], $0xffff  }
0x74: {  	v2 =	vld.idx.msk [tilespmem:v2+s20+$0x0], $0xffff;
	_ =	sdelay $0x4  }
0x75: {  	v2 =	vadd.f32 v2, v3;
	_ =	sdelay $0x1  }
0x76: {  	v3 =	vmul.f32 $2.000000030e-01, v2;
	_ =	sdelay $0x1  }
0x77: {  	v2 =	vmax.f32 v2, v3  }
0x78: {  	v2 =	vmul.f32 $1.442695020e+00, v2;
	_ =	sdelay $0x1  }
0x79: {  	(erf) = vpow2.f32 v2;
	_ =	sdelay $0x8  }
0x7a: {  	v2 =	vpop (erf)  }
0x7b: {  	[tilespmem:$0x13D40] =	vst v2  }
0x7c: {  	[tilespmem:v1+s26+$0x0] =	vst.idx.add.f32.msk $0xffff, v2  }
0x7d: {  	v1 =	vld [tilespmem:$0x13CD0]  }
0x7e: {  	v2 =	vld [tilespmem:$0x13C50];
	_ =	sdelay $0x6  }
0x7f: {  	v3 =	vld.idx.msk [tilespmem:v1+s19+$0x0], $0xffff  }
0x80: {  	v2 =	vld.idx.msk [tilespmem:v2+s20+$0x0], $0xffff;
	_ =	sdelay $0x4  }
0x81: {  	v2 =	vadd.f32 v2, v3;
	_ =	sdelay $0x1  }
0x82: {  	v3 =	vmul.f32 $2.000000030e-01, v2;
	_ =	sdelay $0x1  }
0x83: {  	v2 =	vmax.f32 v2, v3  }
0x84: {  	v2 =	vmul.f32 $1.442695020e+00, v2;
	_ =	sdelay $0x1  }
0x85: {  	(erf) = vpow2.f32 v2;
	_ =	sdelay $0x8  }
0x86: {  	v2 =	vpop (erf)  }
0x87: {  	[tilespmem:$0x13D50] =	vst v2  }
0x88: {  	[tilespmem:v1+s26+$0x0] =	vst.idx.add.f32.msk $0xffff, v2  }
0x89: {  	v1 =	vld [tilespmem:$0x13CE0]  }
0x8a: {  	v2 =	vld [tilespmem:$0x13C60];
	_ =	sdelay $0x6  }
0x8b: {  	v3 =	vld.idx.msk [tilespmem:v1+s19+$0x0], $0xffff  }
0x8c: {  	v2 =	vld.idx.msk [tilespmem:v2+s20+$0x0], $0xffff;
	_ =	sdelay $0x4  }
0x8d: {  	v2 =	vadd.f32 v2, v3;
	_ =	sdelay $0x1  }
0x8e: {  	v3 =	vmul.f32 $2.000000030e-01, v2;
	_ =	sdelay $0x1  }
0x8f: {  	v2 =	vmax.f32 v2, v3  }
0x90: {  	v2 =	vmul.f32 $1.442695020e+00, v2;
	_ =	sdelay $0x1  }
0x91: {  	(erf) = vpow2.f32 v2;
	_ =	sdelay $0x8  }
0x92: {  	v2 =	vpop (erf)  }
0x93: {  	[tilespmem:$0x13D60] =	vst v2  }
0x94: {  	[tilespmem:v1+s26+$0x0] =	vst.idx.add.f32.msk $0xffff, v2  }
0x95: {  	v1 =	vld [tilespmem:$0x13CF0]  }
0x96: {  	v2 =	vld [tilespmem:$0x13C70];
	_ =	sdelay $0x6  }
0x97: {  	v3 =	vld.idx.msk [tilespmem:v1+s19+$0x0], $0xffff  }
0x98: {  	v2 =	vld.idx.msk [tilespmem:v2+s20+$0x0], $0xffff;
	_ =	sdelay $0x4  }
0x99: {  	v2 =	vadd.f32 v2, v3;
	_ =	sdelay $0x1  }
0x9a: {  	v3 =	vmul.f32 $2.000000030e-01, v2;
	_ =	sdelay $0x1  }
0x9b: {  	v2 =	vmax.f32 v2, v3  }
0x9c: {  	v2 =	vmul.f32 $1.442695020e+00, v2;
	_ =	sdelay $0x1  }
0x9d: {  	(erf) = vpow2.f32 v2;
	_ =	sdelay $0x8  }
0x9e: {  	v2 =	vpop (erf)  }
0x9f: {  	v3 =	vmov s31;
	[tilespmem:$0x13D70] =	vst v2  }
0xa0: {  	s2 =	simm.s32 $0x13DC0;
	[tilespmem:v1+s26+$0x0] =	vst.idx.add.f32.msk $0xffff, v2  }
0xa1: {  	v5 =	vld [tilespmem:s2+$0x30]  }
0xa2: {  	v8 =	vld [tilespmem:s2+$0x10]  }
0xa3: {  	v6 =	vld [tilespmem:s2+$0xFFFFFFC0]  }
0xa4: {  	v2 =	vld.idx.msk [tilespmem:v3+s28+$0x0], $0xffff  }
0xa5: {  	v10 =	vld [tilespmem:s2+$0xFFFFFFE0]  }
0xa6: {  	v1 =	vld [tilespmem:s2+$0xFFFFFFF0]  }
0xa7: {  	v3 =	vld [tilespmem:s2+$0x20]  }
0xa8: {  	v4 =	vld [tilespmem:s2+$0xFFFFFFD0]  }
0xa9: {  	v9 =	vmul.f32 v5, v2;
	v5 =	vld [tilespmem:s2+$0x0]  }
0xaa: {  	v7 =	vmul.f32 v6, v2  }
0xab: {  	s13 =	simm.s32 $0x13DC0;
	s12 =	simm.s32 $0x1;
	v6 =	vmul.f32 v10, v2;
	v8 =	vmul.f32 v8, v2  }
.LBB2_5:
0xac: {  	p1 =	sne.s32 s12, $0x7F  }
0xad: {  	v4 =	vmul.f32 v4, v2;
	v3 =	vmul.f32 v3, v2;
	[tilespmem:s2+$0x30] =	vst v9;
	s13 =	sadd.s32 $0x80, s13;
	s29 =	smov.u32 s12;
	s12 =	sadd.s32 $0x1, s12  }
0xae: {  	[tilespmem:s2+$0xFFFFFFC0] =	vst v7;
	v7 =	vmul.f32 v1, v2;
	v2 =	vmul.f32 v5, v2  }
0xaf: {  	[tilespmem:s2+$0x10] =	vst v8  }
0xb0: {  	v5 =	vmov s29;
	[tilespmem:s2+$0xFFFFFFE0] =	vst v6  }
0xb1: {  	v1 =	vld [tilespmem:s13+$0xFFFFFFF0];
	[tilespmem:s2+$0xFFFFFFF0] =	vst v7  }
0xb2: {  	v6 =	vld [tilespmem:s13+$0x30];
	[tilespmem:s2+$0x0] =	vst v2  }
0xb3: {  	v8 =	vld [tilespmem:s13+$0x10];
	[tilespmem:s2+$0x20] =	vst v3  }
0xb4: {  	v7 =	vld [tilespmem:s13+$0xFFFFFFC0];
	[tilespmem:s2+$0xFFFFFFD0] =	vst v4;
	s2 =	smov.u32 s13  }
0xb5: {  	v2 =	vld.idx.msk [tilespmem:v5+s28+$0x0], $0xffff  }
0xb6: {  	v10 =	vld [tilespmem:s13+$0xFFFFFFE0]  }
0xb7: {  	v3 =	vld [tilespmem:s13+$0x20]  }
.Ltmp3:
0xb8: {  	v4 =	vld [tilespmem:s13+$0xFFFFFFD0];
	(pc) =	sbr.rel @p1 .LBB2_5-.Ltmp3, $3  }
0xb9: {  	v5 =	vld [tilespmem:s13+$0x0];
	_ =	sdelay $0x1  }
0xba: {  	v7 =	vmul.f32 v7, v2;
	v9 =	vmul.f32 v6, v2  }
0xbb: {  	v8 =	vmul.f32 v8, v2;
	v6 =	vmul.f32 v10, v2  }
0xbc: {  	[tilespmem:s2+$0x30] =	vst v9  }
0xbd: {  	[tilespmem:s2+$0xFFFFFFC0] =	vst v7  }
0xbe: {  	v1 =	vmul.f32 v1, v2;
	[tilespmem:s2+$0x10] =	vst v8  }
0xbf: {  	v3 =	vmul.f32 v3, v2;
	[tilespmem:s2+$0xFFFFFFE0] =	vst v6  }
0xc0: {  	v5 =	vmul.f32 v5, v2;
	[tilespmem:s2+$0xFFFFFFF0] =	vst v1  }
0xc1: {  	s0 =	sadd.s32 $0x1, s0;
	v1 =	vmul.f32 v4, v2;
	[tilespmem:s2+$0x20] =	vst v3  }
0xc2: {  	p1 =	sne.s32 s0, $0x4E;
	[tilespmem:s2+$0x0] =	vst v5  }
.Ltmp4:
0xc3: {  	[tilespmem:s2+$0xFFFFFFD0] =	vst v1;
	(pc) =	sbr.rel @p1 .LBB2_4-.Ltmp4, $4  }
0xc4: {  	[spmem:s1] =	stream.indirect.scatter.add.f32 [tilespmem:s24], [sflag:$0x2], $0x80, s22, s23, $0xb8;
	[tilespmem:$0x1F400] =	vst v63  }
0xc5: {  	_ =	swait.ge [sflag:s18], $0x4000  }
0xc6: {  	[sflag:s18] =	ssyncset.done $0x0  }
0xc7: {  	[sflag:s18] =	ssyncadd.s32 $0xFFFFC000  }
.Ltmp5:
0xc8: {  	(pc) =	sbr.rel @p0 .LBB2_11-.Ltmp5, $1  }
0xc9: {  	_ =	sdelay $0x3  }
0xca: {  	s0 =	simm.s32 $0x0;
	s2 =	rddreg [dreg:$0x3]  }
0xcb: {  	[tilespmem:s21], [sflag:$0x2] =	stream.linear.gather [hbm4b:s2+s0], $0x80, $0x38;
	[tilespmem:$0x1F400] =	vst v63  }
0xcc: {  	_ =	swait.ge [sflag:s18], $0x80  }
0xcd: {  	[sflag:s18] =	ssyncset.done $0x0  }
0xce: {  	s29 =	rddreg [dreg:$0x4];
	[sflag:s18] =	ssyncadd.s32 $0xFFFFFF80  }
0xcf: {  	[tilespmem:s22], [sflag:$0x2] =	stream.linear.gather [hbm4b:s29+s0], $0x80, $0x38;
	[tilespmem:$0x1F400] =	vst v63  }
0xd0: {  	_ =	swait.ge [sflag:s18], $0x80  }
0xd1: {  	[sflag:s18] =	ssyncset.done $0x0  }
0xd2: {  	[sflag:s18] =	ssyncadd.s32 $0xFFFFFF80  }
0xd3: {  	[tilespmem:s24], [sflag:$0x1] =	stream.indirect.gather [hbm4b:s4+s23], $0x80, s21, s23, $0xb8;
	[tilespmem:$0x1F400] =	vst v63  }
0xd4: {  	_ =	swait.ge [sflag:s25], $0x4000  }
0xd5: {  	[sflag:s25] =	ssyncset.done $0x0  }
0xd6: {  	[sflag:s25] =	ssyncadd.s32 $0xFFFFC000  }
0xd7: {  	v1 =	vld [tilespmem:$0x13C80]  }
0xd8: {  	v2 =	vld [tilespmem:$0x13C00];
	_ =	sdelay $0x6  }
0xd9: {  	v3 =	vld.idx.msk [tilespmem:v1+s19+$0x0], $0xffff  }
0xda: {  	v2 =	vld.idx.msk [tilespmem:v2+s20+$0x0], $0xffff;
	_ =	sdelay $0x4  }
0xdb: {  	v2 =	vadd.f32 v2, v3;
	_ =	sdelay $0x1  }
0xdc: {  	v3 =	vmul.f32 $2.000000030e-01, v2;
	_ =	sdelay $0x1  }
0xdd: {  	v2 =	vmax.f32 v2, v3  }
0xde: {  	v2 =	vmul.f32 $1.442695020e+00, v2;
	_ =	sdelay $0x1  }
0xdf: {  	(erf) = vpow2.f32 v2;
	_ =	sdelay $0x8  }
0xe0: {  	v2 =	vpop (erf)  }
0xe1: {  	[tilespmem:$0x13D00] =	vst v2  }
0xe2: {  	[tilespmem:v1+s26+$0x0] =	vst.idx.add.f32.msk $0xffff, v2  }
0xe3: {  	v1 =	vld [tilespmem:$0x13C90]  }
0xe4: {  	v2 =	vld [tilespmem:$0x13C10];
	_ =	sdelay $0x6  }
0xe5: {  	v3 =	vld.idx.msk [tilespmem:v1+s19+$0x0], $0xffff  }
0xe6: {  	v2 =	vld.idx.msk [tilespmem:v2+s20+$0x0], $0xffff;
	_ =	sdelay $0x4  }
0xe7: {  	v2 =	vadd.f32 v2, v3;
	_ =	sdelay $0x1  }
0xe8: {  	v3 =	vmul.f32 $2.000000030e-01, v2;
	_ =	sdelay $0x1  }
0xe9: {  	v2 =	vmax.f32 v2, v3  }
0xea: {  	v2 =	vmul.f32 $1.442695020e+00, v2;
	_ =	sdelay $0x1  }
0xeb: {  	(erf) = vpow2.f32 v2;
	_ =	sdelay $0x8  }
0xec: {  	v2 =	vpop (erf)  }
0xed: {  	[tilespmem:$0x13D10] =	vst v2  }
0xee: {  	[tilespmem:v1+s26+$0x0] =	vst.idx.add.f32.msk $0xffff, v2  }
0xef: {  	v1 =	vld [tilespmem:$0x13CA0]  }
0xf0: {  	v2 =	vld [tilespmem:$0x13C20];
	_ =	sdelay $0x6  }
0xf1: {  	v3 =	vld.idx.msk [tilespmem:v1+s19+$0x0], $0xffff  }
0xf2: {  	v2 =	vld.idx.msk [tilespmem:v2+s20+$0x0], $0xffff;
	_ =	sdelay $0x4  }
0xf3: {  	v2 =	vadd.f32 v2, v3;
	_ =	sdelay $0x1  }
0xf4: {  	v3 =	vmul.f32 $2.000000030e-01, v2;
	_ =	sdelay $0x1  }
0xf5: {  	v2 =	vmax.f32 v2, v3  }
0xf6: {  	v2 =	vmul.f32 $1.442695020e+00, v2;
	_ =	sdelay $0x1  }
0xf7: {  	(erf) = vpow2.f32 v2;
	_ =	sdelay $0x8  }
0xf8: {  	v2 =	vpop (erf)  }
0xf9: {  	[tilespmem:$0x13D20] =	vst v2  }
0xfa: {  	[tilespmem:v1+s26+$0x0] =	vst.idx.add.f32.msk $0xffff, v2  }
0xfb: {  	v1 =	vld [tilespmem:$0x13CB0]  }
0xfc: {  	v2 =	vld [tilespmem:$0x13C30];
	_ =	sdelay $0x6  }
0xfd: {  	v3 =	vld.idx.msk [tilespmem:v1+s19+$0x0], $0xffff  }
0xfe: {  	v2 =	vld.idx.msk [tilespmem:v2+s20+$0x0], $0xffff;
	_ =	sdelay $0x4  }
0xff: {  	v2 =	vadd.f32 v2, v3;
	_ =	sdelay $0x1  }
0x100: {  	v3 =	vmul.f32 $2.000000030e-01, v2;
	_ =	sdelay $0x1  }
0x101: {  	v2 =	vmax.f32 v2, v3  }
0x102: {  	v2 =	vmul.f32 $1.442695020e+00, v2;
	_ =	sdelay $0x1  }
0x103: {  	(erf) = vpow2.f32 v2;
	_ =	sdelay $0x8  }
0x104: {  	v2 =	vpop (erf)  }
0x105: {  	[tilespmem:$0x13D30] =	vst v2  }
0x106: {  	[tilespmem:v1+s26+$0x0] =	vst.idx.add.f32.msk $0xffff, v2  }
0x107: {  	v1 =	vld [tilespmem:$0x13CC0]  }
0x108: {  	v2 =	vld [tilespmem:$0x13C40];
	_ =	sdelay $0x6  }
0x109: {  	v3 =	vld.idx.msk [tilespmem:v1+s19+$0x0], $0xffff  }
0x10a: {  	v2 =	vld.idx.msk [tilespmem:v2+s20+$0x0], $0xffff;
	_ =	sdelay $0x4  }
0x10b: {  	v2 =	vadd.f32 v2, v3;
	_ =	sdelay $0x1  }
0x10c: {  	v3 =	vmul.f32 $2.000000030e-01, v2;
	_ =	sdelay $0x1  }
0x10d: {  	v2 =	vmax.f32 v2, v3  }
0x10e: {  	v2 =	vmul.f32 $1.442695020e+00, v2;
	_ =	sdelay $0x1  }
0x10f: {  	(erf) = vpow2.f32 v2;
	_ =	sdelay $0x8  }
0x110: {  	v2 =	vpop (erf)  }
0x111: {  	[tilespmem:$0x13D40] =	vst v2  }
0x112: {  	[tilespmem:v1+s26+$0x0] =	vst.idx.add.f32.msk $0xffff, v2  }
0x113: {  	v1 =	vld [tilespmem:$0x13CD0]  }
0x114: {  	v2 =	vld [tilespmem:$0x13C50];
	_ =	sdelay $0x6  }
0x115: {  	v3 =	vld.idx.msk [tilespmem:v1+s19+$0x0], $0xffff  }
0x116: {  	v2 =	vld.idx.msk [tilespmem:v2+s20+$0x0], $0xffff;
	_ =	sdelay $0x4  }
0x117: {  	v2 =	vadd.f32 v2, v3;
	_ =	sdelay $0x1  }
0x118: {  	v3 =	vmul.f32 $2.000000030e-01, v2;
	_ =	sdelay $0x1  }
0x119: {  	v2 =	vmax.f32 v2, v3  }
0x11a: {  	v2 =	vmul.f32 $1.442695020e+00, v2;
	_ =	sdelay $0x1  }
0x11b: {  	(erf) = vpow2.f32 v2;
	_ =	sdelay $0x8  }
0x11c: {  	v2 =	vpop (erf)  }
0x11d: {  	[tilespmem:$0x13D50] =	vst v2  }
0x11e: {  	[tilespmem:v1+s26+$0x0] =	vst.idx.add.f32.msk $0xffff, v2  }
0x11f: {  	v1 =	vld [tilespmem:$0x13CE0]  }
0x120: {  	v2 =	vld [tilespmem:$0x13C60];
	_ =	sdelay $0x6  }
0x121: {  	v3 =	vld.idx.msk [tilespmem:v1+s19+$0x0], $0xffff  }
0x122: {  	v2 =	vld.idx.msk [tilespmem:v2+s20+$0x0], $0xffff;
	_ =	sdelay $0x4  }
0x123: {  	v2 =	vadd.f32 v2, v3;
	_ =	sdelay $0x1  }
0x124: {  	v3 =	vmul.f32 $2.000000030e-01, v2;
	_ =	sdelay $0x1  }
0x125: {  	v2 =	vmax.f32 v2, v3  }
0x126: {  	v2 =	vmul.f32 $1.442695020e+00, v2;
	_ =	sdelay $0x1  }
0x127: {  	(erf) = vpow2.f32 v2;
	_ =	sdelay $0x8  }
0x128: {  	v2 =	vpop (erf)  }
0x129: {  	[tilespmem:$0x13D60] =	vst v2  }
0x12a: {  	[tilespmem:v1+s26+$0x0] =	vst.idx.add.f32.msk $0xffff, v2  }
0x12b: {  	v1 =	vld [tilespmem:$0x13CF0]  }
0x12c: {  	v2 =	vld [tilespmem:$0x13C70];
	_ =	sdelay $0x6  }
0x12d: {  	v3 =	vld.idx.msk [tilespmem:v1+s19+$0x0], $0xffff  }
0x12e: {  	v2 =	vld.idx.msk [tilespmem:v2+s20+$0x0], $0xffff;
	_ =	sdelay $0x4  }
0x12f: {  	v2 =	vadd.f32 v2, v3;
	_ =	sdelay $0x1  }
0x130: {  	v3 =	vmul.f32 $2.000000030e-01, v2;
	_ =	sdelay $0x1  }
0x131: {  	v2 =	vmax.f32 v2, v3  }
0x132: {  	v2 =	vmul.f32 $1.442695020e+00, v2;
	_ =	sdelay $0x1  }
0x133: {  	(erf) = vpow2.f32 v2;
	_ =	sdelay $0x8  }
0x134: {  	v2 =	vpop (erf)  }
0x135: {  	v3 =	vmov s0;
	[tilespmem:$0x13D70] =	vst v2  }
0x136: {  	s0 =	simm.s32 $0x13DC0;
	[tilespmem:v1+s26+$0x0] =	vst.idx.add.f32.msk $0xffff, v2  }
0x137: {  	v5 =	vld [tilespmem:s0+$0x30]  }
0x138: {  	v8 =	vld [tilespmem:s0+$0x10]  }
0x139: {  	v6 =	vld [tilespmem:s0+$0xFFFFFFC0]  }
0x13a: {  	v2 =	vld.idx.msk [tilespmem:v3+s28+$0x0], $0xffff  }
0x13b: {  	v10 =	vld [tilespmem:s0+$0xFFFFFFE0]  }
0x13c: {  	v1 =	vld [tilespmem:s0+$0xFFFFFFF0]  }
0x13d: {  	v3 =	vld [tilespmem:s0+$0x20]  }
0x13e: {  	v4 =	vld [tilespmem:s0+$0xFFFFFFD0]  }
0x13f: {  	v9 =	vmul.f32 v5, v2;
	v5 =	vld [tilespmem:s0+$0x0]  }
0x140: {  	v7 =	vmul.f32 v6, v2  }
0x141: {  	s12 =	simm.s32 $0x13DC0;
	s2 =	simm.s32 $0x1;
	v6 =	vmul.f32 v10, v2;
	v8 =	vmul.f32 v8, v2  }
.LBB2_9:
0x142: {  	p1 =	sne.s32 s2, $0x7F  }
0x143: {  	v4 =	vmul.f32 v4, v2;
	v3 =	vmul.f32 v3, v2;
	[tilespmem:s0+$0x30] =	vst v9;
	s12 =	sadd.s32 $0x80, s12;
	s13 =	smov.u32 s2;
	s2 =	sadd.s32 $0x1, s2  }
0x144: {  	[tilespmem:s0+$0xFFFFFFC0] =	vst v7;
	v7 =	vmul.f32 v1, v2;
	v2 =	vmul.f32 v5, v2  }
0x145: {  	[tilespmem:s0+$0x10] =	vst v8  }
0x146: {  	v5 =	vmov s13;
	[tilespmem:s0+$0xFFFFFFE0] =	vst v6  }
0x147: {  	v1 =	vld [tilespmem:s12+$0xFFFFFFF0];
	[tilespmem:s0+$0xFFFFFFF0] =	vst v7  }
0x148: {  	v6 =	vld [tilespmem:s12+$0x30];
	[tilespmem:s0+$0x0] =	vst v2  }
0x149: {  	v8 =	vld [tilespmem:s12+$0x10];
	[tilespmem:s0+$0x20] =	vst v3  }
0x14a: {  	v7 =	vld [tilespmem:s12+$0xFFFFFFC0];
	[tilespmem:s0+$0xFFFFFFD0] =	vst v4;
	s0 =	smov.u32 s12  }
0x14b: {  	v2 =	vld.idx.msk [tilespmem:v5+s28+$0x0], $0xffff  }
0x14c: {  	v10 =	vld [tilespmem:s12+$0xFFFFFFE0]  }
0x14d: {  	v3 =	vld [tilespmem:s12+$0x20]  }
.Ltmp6:
0x14e: {  	v4 =	vld [tilespmem:s12+$0xFFFFFFD0];
	(pc) =	sbr.rel @p1 .LBB2_9-.Ltmp6, $3  }
0x14f: {  	v5 =	vld [tilespmem:s12+$0x0];
	_ =	sdelay $0x1  }
0x150: {  	v7 =	vmul.f32 v7, v2;
	v9 =	vmul.f32 v6, v2  }
0x151: {  	v8 =	vmul.f32 v8, v2;
	v6 =	vmul.f32 v10, v2  }
0x152: {  	[tilespmem:s0+$0x30] =	vst v9  }
0x153: {  	[tilespmem:s0+$0xFFFFFFC0] =	vst v7  }
0x154: {  	v1 =	vmul.f32 v1, v2;
	[tilespmem:s0+$0x10] =	vst v8  }
0x155: {  	v3 =	vmul.f32 v3, v2;
	[tilespmem:s0+$0xFFFFFFE0] =	vst v6  }
0x156: {  	v5 =	vmul.f32 v5, v2;
	[tilespmem:s0+$0xFFFFFFF0] =	vst v1  }
0x157: {  	v1 =	vmul.f32 v4, v2;
	[tilespmem:s0+$0x20] =	vst v3  }
0x158: {  	[tilespmem:s0+$0x0] =	vst v5  }
.Ltmp7:
0x159: {  	[tilespmem:s0+$0xFFFFFFD0] =	vst v1;
	(pc) =	sbr.rel .LBB2_11-.Ltmp7, $4  }
0x15a: {  	[spmem:s1] =	stream.indirect.scatter.add.f32 [tilespmem:s24], [sflag:$0x2], $0x80, s22, s23, $0xb8;
	[tilespmem:$0x1F400] =	vst v63  }
0x15b: {  	_ =	swait.ge [sflag:s18], $0x4000  }
0x15c: {  	[sflag:s18] =	ssyncset.done $0x0  }
0x15d: {  	[sflag:s18] =	ssyncadd.s32 $0xFFFFC000  }
.LBB2_12:
0x15e: {  	_ =	sfence.sel $0x180000  }
0x15f: {  	[bflag:$0x0] =	sbarrier.arrive $0xFFFF  }
0x160: {  	_ =	strace $0x9000004D  }
0x161: {  	s0 =	stileid.u32;
	[bflag:$0x2] =	sbarrier.arrive $0xFFFF  }
0x162: {  	p0 =	sne.s32 s0, $0x0;
	s0 =	rddreg [dreg:$0x2]  }
0x163: {  	s0 =	sadd.s32 @!p0 $0x100000, s0  }
0x164: {  	[sflag:s0] =	ssyncadd.tile.s32 @!p0 $0x1;
	_ =	shalt  }
.Lfunc_end2:
_tile_overlayer_lowered:
.L_overlay_start_2:
0x165: {  	(tag) =	ssettag $0x2  }
0x166: {  	s0 =	rddreg [dreg:$0x0];
	s2 =	stileid.u32  }
0x167: {  	s1 =	rddreg [dreg:$0x1];
	p0 =	sne.s32 s2, $0x0  }
0x168: {  	s3 =	rddreg [dreg:$0x2];
	[bflag:$0x3] =	sbarrier.arrive $0xFFFF;
	s2 =	simm.s32 @!p0 $0x1C02  }
0x169: {  	[timem:s3], [sflag:s2] =	dma.local @!p0 [hbm:s0], s1  }
0x16a: {  	s0 =	simm.s32 @!p0 $0x2  }
0x16b: {  	_ =	swait.ge @!p0 [sflag:s0], s1  }
0x16c: {  	s1 =	ssub.s32 @!p0 $0x0, s1;
	[sflag:s0] =	ssyncset.done @!p0 $0x0  }
0x16d: {  	[sflag:s0] =	ssyncadd.s32 @!p0 s1  }
0x16e: {  	[bflag:$0x3] =	sbarrier.arrive $0xFFFF  }
0x16f: {  	_ =	shalt  }

// kernel: kernel.14.cloned.1.call-start
scs
__scs_entry_jumppad:
0x0: {  	(pc) =	sbr.rel $0x88, $3  }
0x1: {  	(tag) =	ssettag $0x0;
	lr =	simm.s32 $0x1  }
0x2: {  	[smem:$0x3F90] =	sst lr;
	_ =	strace $0xD0000000  }
0x3: {  	_ = 	snop  }
0x4: {  	_ = 	snop  }
0x5: {  	_ = 	snop  }
0x6: {  	_ = 	snop  }
0x7: {  	_ = 	snop  }
__scs_overlays_trampoline_lowered:
0x8: {  	[smem:$0x3F9F] =	sst s0  }
0x9: {  	[smem:$0x3FA0] =	sst s1  }
0xa: {  	[smem:$0x3FA1] =	sst s2  }
0xb: {  	[smem:$0x3FA2] =	sst s3  }
0xc: {  	[smem:$0x3FA3] =	sst s4  }
0xd: {  	[smem:$0x3FA4] =	sst s5  }
0xe: {  	[smem:$0x3FA5] =	sst s6  }
0xf: {  	[smem:$0x3FA6] =	sst s7  }
0x10: {  	[smem:$0x3FA7] =	sst s8  }
0x11: {  	[smem:$0x3FA8] =	sst s9;
	s0 =	simm.s32 @!p0 $0x0  }
0x12: {  	s1 =	sld [smem:$0x3F8E];
	s0 =	simm.s32 @p0 $0x1  }
0x13: {  	[smem:$0x3FA9] =	sst s0;
	s0 =	simm.s32 @!p1 $0x0  }
0x14: {  	s2 =	sld [smem:$0x3F8D];
	s0 =	simm.s32 @p1 $0x1  }
0x15: {  	[smem:$0x3FAA] =	sst s0;
	s0 =	simm.s32 @!p2 $0x0  }
0x16: {  	s3 =	sld [smem:$0x3FDB];
	s0 =	simm.s32 @p2 $0x1  }
0x17: {  	s4 =	simm.s32 $0x1BF5;
	[smem:$0x3FAC] =	sst s0  }
0x18: {  	s0 =	sld [smem:$0x3F8F];
	_ =	swait.ge [sflag:s4], $0x0  }
0x19: {  	s7 =	sld [smem:$0x3F90]  }
0x1a: {  	s8 =	sadd.s32 $0xFFFFE003, lr  }
0x1b: {  	s9 =	sadd.s32 $0xFFFFFEF7, lr;
	s5 =	simm.s32 $0xFFFFFFFF;
	p2 =	slt.u32 s8, $0xFFFFF086  }
0x1c: {  	p1 =	slt.u32 s9, $0xF7A;
	s5 =	simm.s32 @!p2 $0x0  }
0x1d: {  	s5 =	simm.s32 @p1 $0x1;
	p0 =	seq.s32 s7, s2  }
0x1e: {  	s7 =	smul.u32 @!p0 $0xF7A, s2;
	p2 =	seq.s32 @!p0 s5, $0x0  }
0x1f: {  	s9 =	smul.u32 $0xF7A, s1;
	s8 =	simm.s32 @!p0 $0x1BF5;
	p2 =	por !p2, p0  }
0x20: {  	[sflag:s8] =	ssyncset.s32 @!p0 $0xFFFFF086;
	s6 =	sadd.s32 @!p0 s3, s7;
	s7 =	simm.s32 @!p0 $0x108  }
0x21: {  	s3 =	sadd.s32 s3, s9;
	s6 =	sadd.s32 @!p0 $0x88, s6;
	s7 =	simm.s32 @p2 $0x1082  }
0x22: {  	[simem:s7], [sflag:s8] =	dma.local @!p0 [hbm:s6], $0xF7A  }
0x23: {  	s9 =	sor.u32 $0xD0000000, s2;
	s6 =	simm.s32 $0x108;
	_ =	swait.ge @!p0 [sflag:s8], $0x0  }
0x24: {  	s3 =	sadd.s32 $0x88, s3;
	s6 =	simm.s32 @!p1 $0x1082;
	[sflag:s4] =	ssyncset.s32 $0xFFFFF086  }
0x25: {  	[simem:s6], [sflag:s4] =	dma.local [hbm:s3], $0xF7A  }
0x26: {  	[smem:$0x3F90] =	sst s1;
	(tag) =	ssettag s2;
	_ =	strace s9  }
0x27: {  	s1 =	sld [smem:$0x3FA0]  }
0x28: {  	s2 =	sld [smem:$0x3FA1]  }
0x29: {  	s4 =	sld [smem:$0x3FA3]  }
0x2a: {  	p0 =	seq.s32 s5, $0x0;
	s5 =	sld [smem:$0x3FA4]  }
0x2b: {  	s6 =	sld [smem:$0x3FA5]  }
0x2c: {  	s7 =	sld [smem:$0x3FA6]  }
0x2d: {  	s3 =	simm.s32 $0x108;
	s8 =	sld [smem:$0x3FA7]  }
0x2e: {  	s3 =	simm.s32 @!p0 $0x1082;
	s9 =	sld [smem:$0x3FA8]  }
0x2f: {  	lr =	sadd.s32 s0, s3;
	s0 =	sld [smem:$0x3F9F]  }
0x30: {  	s3 =	sld [smem:$0x3FA2]  }
0x31: {  	[smem:$0x3FAB] =	sst s10  }
0x32: {  	s10 =	sld [smem:$0x3FA9];
	_ =	sdelay $0x3  }
0x33: {  	p0 =	seq.s32 s10, $0x1;
	s10 =	sld [smem:$0x3FAB];
	_ =	sdelay $0x3  }
0x34: {  	[smem:$0x3FAB] =	sst s10  }
0x35: {  	s10 =	sld [smem:$0x3FAA];
	_ =	sdelay $0x3  }
0x36: {  	p1 =	seq.s32 s10, $0x1;
	s10 =	sld [smem:$0x3FAB];
	_ =	sdelay $0x3  }
0x37: {  	[smem:$0x3FAB] =	sst s10  }
0x38: {  	s10 =	sld [smem:$0x3FAC]  }
0x39: {  	_ = 	snop;
	(pc) =	sbr.ind lr, $3  }
0x3a: {  	_ = 	snop  }
0x3b: {  	_ = 	snop  }
0x3c: {  	p2 =	seq.s32 s10, $0x1;
	s10 =	sld [smem:$0x3FAB]  }
0x3d: {  	_ =	shalt  }
0x3e: {  	_ =	shalt  }
0x3f: {  	_ =	shalt  }
0x40: {  	_ =	shalt  }
0x41: {  	_ =	shalt  }
0x42: {  	_ =	shalt  }
0x43: {  	_ =	shalt  }
0x44: {  	_ =	shalt  }
0x45: {  	_ =	shalt  }
0x46: {  	_ =	shalt  }
0x47: {  	_ =	shalt  }
0x48: {  	_ =	shalt  }
0x49: {  	_ =	shalt  }
0x4a: {  	_ =	shalt  }
0x4b: {  	_ =	shalt  }
0x4c: {  	_ =	shalt  }
0x4d: {  	_ =	shalt  }
0x4e: {  	_ =	shalt  }
0x4f: {  	_ =	shalt  }
0x50: {  	_ =	shalt  }
0x51: {  	_ =	shalt  }
0x52: {  	_ =	shalt  }
0x53: {  	_ =	shalt  }
0x54: {  	_ =	shalt  }
0x55: {  	_ =	shalt  }
0x56: {  	_ =	shalt  }
0x57: {  	_ =	shalt  }
0x58: {  	_ =	shalt  }
0x59: {  	_ =	shalt  }
0x5a: {  	_ =	shalt  }
0x5b: {  	_ =	shalt  }
0x5c: {  	_ =	shalt  }
0x5d: {  	_ =	shalt  }
0x5e: {  	_ =	shalt  }
0x5f: {  	_ =	shalt  }
0x60: {  	_ =	shalt  }
0x61: {  	_ =	shalt  }
0x62: {  	_ =	shalt  }
0x63: {  	_ =	shalt  }
0x64: {  	_ =	shalt  }
0x65: {  	_ =	shalt  }
0x66: {  	_ =	shalt  }
0x67: {  	_ =	shalt  }
0x68: {  	_ =	shalt  }
0x69: {  	_ =	shalt  }
0x6a: {  	_ =	shalt  }
0x6b: {  	_ =	shalt  }
0x6c: {  	_ =	shalt  }
0x6d: {  	_ =	shalt  }
0x6e: {  	_ =	shalt  }
0x6f: {  	_ =	shalt  }
0x70: {  	_ =	shalt  }
0x71: {  	_ =	shalt  }
0x72: {  	_ =	shalt  }
0x73: {  	_ =	shalt  }
0x74: {  	_ =	shalt  }
0x75: {  	_ =	shalt  }
0x76: {  	_ =	shalt  }
0x77: {  	_ =	shalt  }
0x78: {  	_ =	shalt  }
0x79: {  	_ =	shalt  }
0x7a: {  	_ =	shalt  }
0x7b: {  	_ =	shalt  }
0x7c: {  	_ =	shalt  }
0x7d: {  	_ =	shalt  }
0x7e: {  	_ =	shalt  }
0x7f: {  	_ =	shalt  }
0x80: {  	_ =	shalt  }
0x81: {  	_ =	shalt  }
0x82: {  	_ =	shalt  }
0x83: {  	_ =	shalt  }
0x84: {  	_ =	shalt  }
0x85: {  	_ =	shalt  }
0x86: {  	_ =	shalt  }
0x87: {  	_ =	shalt  }
.Lfunc_end0:
.L_simem_size_0:
called_computation.7_lowered:
.L_overlay_start_0:
0x88: {  	s2 =	sld [smem:$0x3FD9]  }
0x89: {  	s3 =	sld [smem:$0x3FFE];
	_ =	sdelay $0x1  }
0x8a: {  	s1 =	srdreg.scid  }
0x8b: {  	s0 =	sand.u32 $0x1, s1  }
0x8c: {  	s16 =	sshll.u32 s0, $0xA;
	s2 =	sadd.s32 s3, s2  }
0x8d: {  	s2 =	sadd.s32 s2, s16  }
0x8e: {  	[smem:$0x3FB7] =	sst s2  }
0x8f: {  	_ = 	snop  }
0x90: {  	(tm) =	ssettm $0x1  }
0x91: {  	s17 =	sld [smem:$0x3FFB];
	_ =	sdelay $0x3  }
0x92: {  	_ =	strace s17  }
0x93: {  	s2 =	sld [smem:$0x3FFC];
	_ =	sdelay $0x3  }
0x94: {  	_ =	strace s2  }
0x95: {  	s2 =	sld [smem:$0x3FFD];
	_ =	sdelay $0x3  }
0x96: {  	_ =	strace s2  }
0x97: {  	_ =	strace $0x8FFFFFFF  }
0x98: {  	s18 =	sld [smem:$0x3FDB];
	_ =	sdelay $0x1  }
0x99: {  	s19 =	simm.s32 $_scs_section_size  }
0x9a: {  	s4 =	simm.s32 $_size__tile_overlayer_lowered;
	s5 =	simm.s32 $_tile_overlayer_lowered  }
0x9b: {  	s22 =	simm.s32 $0x1BFF;
	s21 =	sshll.u32 s5, $0x1;
	s2 =	sadd.s32 s19, s18  }
0x9c: {  	s6 =	simm.s32 $0x0;
	s20 =	sshll.u32 s4, $0x1;
	s4 =	sadd.s32 s21, s2  }
0x9d: {  	[timem:s6], [sflag:s22] =	dma.local [hbm:s4], s20  }
0x9e: {  	_ =	swait.ge [sflag:s22], s20  }
0x9f: {  	s3 =	ssub.s32 $0x0, s20;
	[sflag:s22] =	ssyncset.done $0x0  }
0xa0: {  	[sflag:s22] =	ssyncadd.s32 s3;
	_ =	sdelay $0x1  }
0xa1: {  	s23 =	simm.s32 $0x1B8B  }
0xa2: {  	_ =	swait.ge [sflag:s23], $0x1  }
0xa3: {  	[sflag:s23] =	ssyncset.done $0x0  }
0xa4: {  	s25 =	simm.s32 $0x1B8E;
	s24 =	sld [smem:$0x3FFE];
	[sflag:s23] =	ssyncadd.s32 $0xFFFFFFFF  }
0xa5: {  	s26 =	simm.s32 $execute0_lowered;
	[smem:$0x3FD2] =	sst s25  }
0xa6: {  	s4 =	sshll.u32 s26, $0x1;
	_ =	strace $0x8000004F;
	[dreg:$0x1] =	wrdreg $0xFFFFFFFF  }
0xa7: {  	s28 =	simm.s32 $_size_execute0_lowered;
	s2 =	sadd.s32 s2, s4;
	[dreg:$0x0] =	wrdreg $0x0  }
0xa8: {  	s4 =	sshll.u32 s28, $0x1;
	[dreg:$0x2] =	wrdreg s2  }
0xa9: {  	[dreg:$0x3] =	wrdreg s4  }
0xaa: {  	[dreg:$0x4] =	wrdreg $0xC0  }
0xab: {  	_ =	task [dreg:s6], $0x5FFFF  }
0xac: {  	[dreg:$0x1] =	wrdreg $0xFFFFFFFF  }
0xad: {  	[dreg:$0x0] =	wrdreg $0x60  }
0xae: {  	[dreg:$0x2] =	wrdreg s24  }
0xaf: {  	[dreg:$0x3] =	wrdreg $0x9  }
0xb0: {  	_ =	task.clear_ibuf [dreg:s6], $0x4FFFF;
	_ =	strace $0x9000004F  }
0xb1: {  	s29 =	simm.s32 $0x9;
	_ =	strace $0x80000051  }
0xb2: {  	_ =	swait.ge [sflag:s29], $0x1  }
0xb3: {  	[sflag:s29] =	ssyncadd.s32 $0xFFFFFFFF  }
0xb4: {  	_ =	strace $0x90000051  }
0xb5: {  	_ =	sfence  }
0xb6: {  	s30 =	sld [smem:$0x0];
	_ =	sdelay $0x2  }
0xb7: {  	s31 =	sshll.u32 s1, $0xD;
	s1 =	sshrl.u32 s1, $0x2  }
0xb8: {  	s3 =	sand.u32 $0x4000, s31;
	s1 =	sadd.s32 s1, s30  }
0xb9: {  	s0 =	sor.u32 s3, s0;
	s1 =	sshll.u32 s1, $0x11  }
0xba: {  	s0 =	sor.u32 s1, s0  }
0xbb: {  	s0 =	sadd.s32 $0x8F2B, s0  }
0xbc: {  	[sflag:s0] =	ssyncadd.remote.s32 $0x1  }
0xbd: {  	_ =	sfence.sel $0xFFFF  }
0xbe: {  	[dreg:$0x0] =	wrdreg $0xFFFFFFFF;
	(pc) =	sbr.abs _section_cstart, $3  }
0xbf: {  	[dreg:$0x1] =	wrdreg $0xFFFFFFFF  }
0xc0: {  	_ =	task.clear_ibuf [dreg:s6], $0x2FFFF;
	_ =	strace $0x9FFFFFFF  }
0xc1: {  	(tm) =	ssettm $0x7FFFFFFF  }
tec
execute0_lowered:
.L_overlay_start_1:
0x0: {  	(tag) =	ssettag $0x1  }
0x1: {  	s4 =	rddreg [dreg:$0x0]  }
0x2: {  	s2 =	srdreg.scid;
	s0 =	rddreg [dreg:$0x1]  }
0x3: {  	s1 =	stileid.u32;
	s13 =	simm.s32 $0x2880;
	s14 =	simm.s32 $0x80  }
0x4: {  	s15 =	simm.s32 $0x400;
	s16 =	simm.s32 $0x0;
	s5 =	sand.u32 $0x1, s2  }
0x5: {  	s2 =	simm.s32 $0x0;
	s3 =	sshrl.u32 s1, $0x3;
	s8 =	sshll.u32 s1, $0x7  }
0x6: {  	s9 =	sadd.s32 $0x1DA00, s4;
	s28 =	sadd.s32 $0x13C00, s4;
	s11 =	smul.u32 $0x9C0, s1  }
0x7: {  	s29 =	sshll.u32 s1, $0x5;
	p0 =	sgt.u32 s1, $0x1;
	s6 =	smul.u32 $0x27800, s5  }
0x8: {  	[smem:$0x7FF] =	sst s2;
	s7 =	smul.u32 $0x13C00, s3;
	s3 =	sadd.s32 $0x27800, s4  }
0x9: {  	s26 =	sand.u32 $0x380, s8;
	s10 =	sshll.u32 s5, $0x4;
	s30 =	ssub.s32 $0x2, s5  }
0xa: {  	s12 =	smul.u32 $0x4E0, s5;
	_ =	strace $0x80000050;
	s31 =	sshrl.u32 s30, $0x1  }
0xb: {  	s8 =	sadd.s32 s11, s28;
	s6 =	sadd.s32 s6, s7;
	s7 =	sor.u32 s10, s29  }
0xc: {  	s10 =	ssub.s32 s30, s31;
	s6 =	sor.u32 s26, s6;
	s7 =	sor.u32 $0x9C00, s7  }
0xd: {  	s8 =	sadd.s32 s12, s8;
	s6 =	sshrl.u32 s6, $0x3;
	s5 =	sadd.s32 s28, s7  }
0xe: {  	s6 =	sadd.s32 s6, s4;
	s4 =	sadd.s32 s9, s7;
	s7 =	smax.u32 s10, $0x1  }
0xf: {  	s9 =	sadd.s32 s11, s9;
	s10 =	simm.s32 $0x1;
	s11 =	simm.s32 $0x2780  }
0x10: {  	v0 =	vimm.f32 $0.0e+00;
	s6 =	sadd.s32 $0x51800, s6;
	s9 =	sadd.s32 s12, s9;
	s12 =	simm.s32 $0x2800  }
.LBB2_1:
0x11: {  	[tilespmem:s2], [sflag:$0x1] =	stream.linear.gather [hbm4b:s3+s2], $0x2710, $0x38;
	[tilespmem:$0x5000] =	vst v63  }
0x12: {  	_ =	swait.ge [sflag:s10], $0x2710  }
0x13: {  	[sflag:s10] =	ssyncset.done $0x0  }
0x14: {  	s17 =	simm.s32 $0x0;
	[sflag:s10] =	ssyncadd.s32 $0xFFFFD8F0  }
.LBB2_2:
0x15: {  	p1 =	sne.s32 s17, $0x9DC0  }
.Ltmp0:
0x16: {  	_ = 	snop;
	(pc) =	sbr.rel @p1 .LBB2_2-.Ltmp0, $3  }
0x17: {  	_ =	sdelay $0x1  }
0x18: {  	s18 =	sshra.s32 s17, $0x2  }
0x19: {  	s17 =	sadd.s32 $0x40, s17;
	[tilespmem:s18+$0x2880] =	vst v0  }
0x1a: {  	s17 =	simm.s32 $0x0  }
.LBB2_4:
0x1b: {  	s18 =	sadd.s32 s17, s9  }
0x1c: {  	[tilespmem:s11], [sflag:$0x1] =	stream.linear.gather [hbm4b:s18+s2], $0x80, $0x38;
	[tilespmem:$0x5000] =	vst v63  }
0x1d: {  	_ =	swait.ge [sflag:s10], $0x80  }
0x1e: {  	[sflag:s10] =	ssyncset.done $0x0  }
0x1f: {  	s31 =	sadd.s32 s17, s8;
	[sflag:s10] =	ssyncadd.s32 $0xFFFFFF80  }
0x20: {  	[tilespmem:s12], [sflag:$0x1] =	stream.linear.gather [hbm4b:s31+s2], $0x80, $0x38;
	[tilespmem:$0x5000] =	vst v63  }
0x21: {  	_ =	swait.ge [sflag:s10], $0x80  }
0x22: {  	[sflag:s10] =	ssyncset.done $0x0  }
0x23: {  	[sflag:s10] =	ssyncadd.s32 $0xFFFFFF80  }
0x24: {  	v1 =	vld [tilespmem:$0x2780];
	_ =	sdelay $0x4  }
0x25: {  	v2 =	vld [tilespmem:$0x2800];
	_ =	sdelay $0x2  }
0x26: {  	v1 =	vld.idx.msk [tilespmem:v1+s2+$0x0], $0xffff;
	_ =	sdelay $0x4  }
0x27: {  	[tilespmem:v2+s13+$0x0] =	vst.idx.add.f32.msk $0xffff, v1  }
0x28: {  	v1 =	vld [tilespmem:$0x2790];
	_ =	sdelay $0x4  }
0x29: {  	v2 =	vld [tilespmem:$0x2810];
	_ =	sdelay $0x2  }
0x2a: {  	v1 =	vld.idx.msk [tilespmem:v1+s2+$0x0], $0xffff;
	_ =	sdelay $0x4  }
0x2b: {  	[tilespmem:v2+s13+$0x0] =	vst.idx.add.f32.msk $0xffff, v1  }
0x2c: {  	v1 =	vld [tilespmem:$0x27A0];
	_ =	sdelay $0x4  }
0x2d: {  	v2 =	vld [tilespmem:$0x2820];
	_ =	sdelay $0x2  }
0x2e: {  	v1 =	vld.idx.msk [tilespmem:v1+s2+$0x0], $0xffff;
	_ =	sdelay $0x4  }
0x2f: {  	[tilespmem:v2+s13+$0x0] =	vst.idx.add.f32.msk $0xffff, v1  }
0x30: {  	v1 =	vld [tilespmem:$0x27B0];
	_ =	sdelay $0x4  }
0x31: {  	v2 =	vld [tilespmem:$0x2830];
	_ =	sdelay $0x2  }
0x32: {  	v1 =	vld.idx.msk [tilespmem:v1+s2+$0x0], $0xffff;
	_ =	sdelay $0x4  }
0x33: {  	[tilespmem:v2+s13+$0x0] =	vst.idx.add.f32.msk $0xffff, v1  }
0x34: {  	v1 =	vld [tilespmem:$0x27C0];
	_ =	sdelay $0x4  }
0x35: {  	v2 =	vld [tilespmem:$0x2840];
	_ =	sdelay $0x2  }
0x36: {  	v1 =	vld.idx.msk [tilespmem:v1+s2+$0x0], $0xffff;
	_ =	sdelay $0x4  }
0x37: {  	[tilespmem:v2+s13+$0x0] =	vst.idx.add.f32.msk $0xffff, v1  }
0x38: {  	v1 =	vld [tilespmem:$0x27D0];
	_ =	sdelay $0x4  }
0x39: {  	v2 =	vld [tilespmem:$0x2850];
	_ =	sdelay $0x2  }
0x3a: {  	v1 =	vld.idx.msk [tilespmem:v1+s2+$0x0], $0xffff;
	_ =	sdelay $0x4  }
0x3b: {  	[tilespmem:v2+s13+$0x0] =	vst.idx.add.f32.msk $0xffff, v1  }
0x3c: {  	v1 =	vld [tilespmem:$0x27E0];
	_ =	sdelay $0x4  }
0x3d: {  	v2 =	vld [tilespmem:$0x2860];
	_ =	sdelay $0x2  }
0x3e: {  	v1 =	vld.idx.msk [tilespmem:v1+s2+$0x0], $0xffff;
	_ =	sdelay $0x4  }
0x3f: {  	[tilespmem:v2+s13+$0x0] =	vst.idx.add.f32.msk $0xffff, v1  }
0x40: {  	v1 =	vld [tilespmem:$0x27F0];
	_ =	sdelay $0x4  }
0x41: {  	v2 =	vld [tilespmem:$0x2870];
	_ =	sdelay $0x2  }
0x42: {  	p1 =	sne.s32 s17, $0x4D0;
	v1 =	vld.idx.msk [tilespmem:v1+s2+$0x0], $0xffff  }
.Ltmp1:
0x43: {  	_ = 	snop;
	(pc) =	sbr.rel @p1 .LBB2_4-.Ltmp1, $2  }
0x44: {  	_ =	sdelay $0x2  }
0x45: {  	s17 =	sadd.s32 $0x10, s17;
	[tilespmem:v2+s13+$0x0] =	vst.idx.add.f32.msk $0xffff, v1  }
0x46: {  	s17 =	simm.s32 @!p0 $0x0;
	s18 =	simm.s32 @!p0 $0x2780  }
0x47: {  	[tilespmem:s18], [sflag:$0x1] =	stream.linear.gather @!p0 [hbm4b:s4+s17], $0x80, $0x38;
	[tilespmem:$0x5000] =	vst v63  }
0x48: {  	s18 =	simm.s32 @!p0 $0x1  }
0x49: {  	_ =	swait.ge @!p0 [sflag:s18], $0x80  }
0x4a: {  	[sflag:s18] =	ssyncset.done @!p0 $0x0  }
0x4b: {  	s19 =	simm.s32 @!p0 $0x2800;
	[sflag:s18] =	ssyncadd.s32 @!p0 $0xFFFFFF80  }
0x4c: {  	[tilespmem:s19], [sflag:$0x1] =	stream.linear.gather @!p0 [hbm4b:s5+s17], $0x80, $0x38;
	[tilespmem:$0x5000] =	vst v63  }
0x4d: {  	_ =	swait.ge @!p0 [sflag:s18], $0x80  }
0x4e: {  	[sflag:s18] =	ssyncset.done @!p0 $0x0  }
0x4f: {  	[sflag:s18] =	ssyncadd.s32 @!p0 $0xFFFFFF80  }
0x50: {  	v1 =	vld @!p0 [tilespmem:$0x2780];
	_ =	sdelay $0x4  }
0x51: {  	v2 =	vld @!p0 [tilespmem:$0x2800];
	_ =	sdelay $0x2  }
0x52: {  	v1 =	vld.idx.msk @!p0 [tilespmem:v1+s17+$0x0], $0xffff;
	_ =	sdelay $0x3  }
0x53: {  	s18 =	simm.s32 @!p0 $0x2880  }
0x54: {  	[tilespmem:v2+s18+$0x0] =	vst.idx.add.f32.msk @!p0 $0xffff, v1  }
0x55: {  	v1 =	vld @!p0 [tilespmem:$0x2790];
	_ =	sdelay $0x4  }
0x56: {  	v2 =	vld @!p0 [tilespmem:$0x2810];
	_ =	sdelay $0x2  }
0x57: {  	v1 =	vld.idx.msk @!p0 [tilespmem:v1+s17+$0x0], $0xffff;
	_ =	sdelay $0x4  }
0x58: {  	[tilespmem:v2+s18+$0x0] =	vst.idx.add.f32.msk @!p0 $0xffff, v1  }
0x59: {  	v1 =	vld @!p0 [tilespmem:$0x27A0];
	_ =	sdelay $0x4  }
0x5a: {  	v2 =	vld @!p0 [tilespmem:$0x2820];
	_ =	sdelay $0x2  }
0x5b: {  	v1 =	vld.idx.msk @!p0 [tilespmem:v1+s17+$0x0], $0xffff;
	_ =	sdelay $0x4  }
0x5c: {  	[tilespmem:v2+s18+$0x0] =	vst.idx.add.f32.msk @!p0 $0xffff, v1  }
0x5d: {  	v1 =	vld @!p0 [tilespmem:$0x27B0];
	_ =	sdelay $0x4  }
0x5e: {  	v2 =	vld @!p0 [tilespmem:$0x2830];
	_ =	sdelay $0x2  }
0x5f: {  	v1 =	vld.idx.msk @!p0 [tilespmem:v1+s17+$0x0], $0xffff;
	_ =	sdelay $0x4  }
0x60: {  	[tilespmem:v2+s18+$0x0] =	vst.idx.add.f32.msk @!p0 $0xffff, v1  }
0x61: {  	v1 =	vld @!p0 [tilespmem:$0x27C0];
	_ =	sdelay $0x4  }
0x62: {  	v2 =	vld @!p0 [tilespmem:$0x2840];
	_ =	sdelay $0x2  }
0x63: {  	v1 =	vld.idx.msk @!p0 [tilespmem:v1+s17+$0x0], $0xffff;
	_ =	sdelay $0x4  }
0x64: {  	[tilespmem:v2+s18+$0x0] =	vst.idx.add.f32.msk @!p0 $0xffff, v1  }
0x65: {  	v1 =	vld @!p0 [tilespmem:$0x27D0];
	_ =	sdelay $0x4  }
0x66: {  	v2 =	vld @!p0 [tilespmem:$0x2850];
	_ =	sdelay $0x2  }
0x67: {  	v1 =	vld.idx.msk @!p0 [tilespmem:v1+s17+$0x0], $0xffff;
	_ =	sdelay $0x4  }
0x68: {  	[tilespmem:v2+s18+$0x0] =	vst.idx.add.f32.msk @!p0 $0xffff, v1  }
0x69: {  	v1 =	vld @!p0 [tilespmem:$0x27E0];
	_ =	sdelay $0x4  }
0x6a: {  	v2 =	vld @!p0 [tilespmem:$0x2860];
	_ =	sdelay $0x2  }
0x6b: {  	v1 =	vld.idx.msk @!p0 [tilespmem:v1+s17+$0x0], $0xffff;
	_ =	sdelay $0x4  }
0x6c: {  	[tilespmem:v2+s18+$0x0] =	vst.idx.add.f32.msk @!p0 $0xffff, v1  }
0x6d: {  	v1 =	vld @!p0 [tilespmem:$0x27F0];
	_ =	sdelay $0x4  }
0x6e: {  	v2 =	vld @!p0 [tilespmem:$0x2870];
	_ =	sdelay $0x2  }
0x6f: {  	v1 =	vld.idx.msk @!p0 [tilespmem:v1+s17+$0x0], $0xffff;
	_ =	sdelay $0x2  }
0x70: {  	s16 =	sadd.s32 $0x1, s16  }
0x71: {  	p1 =	sne.s32 s16, s7  }
.Ltmp2:
0x72: {  	[tilespmem:v2+s18+$0x0] =	vst.idx.add.f32.msk @!p0 $0xffff, v1;
	(pc) =	sbr.rel @p1 .LBB2_1-.Ltmp2, $4  }
0x73: {  	[hbm4b:s6+s14] =	stream.strided.scatter [tilespmem:s13], [sflag:$0x1], $0x2780, s15, s14, $0x38;
	[tilespmem:$0x5000] =	vst v63  }
0x74: {  	_ =	swait.ge [sflag:s10], $0x2780  }
0x75: {  	[sflag:s10] =	ssyncset.done $0x0  }
0x76: {  	[sflag:s10] =	ssyncadd.s32 $0xFFFFD880  }
0x77: {  	_ =	sfence.sel $0x180000  }
0x78: {  	[bflag:$0x0] =	sbarrier.arrive $0xFFFF  }
0x79: {  	p0 =	sne.s32 s1, $0x0;
	_ =	strace $0x90000050  }
0x7a: {  	s0 =	sadd.s32 @!p0 $0x100000, s0;
	[bflag:$0x2] =	sbarrier.arrive $0xFFFF  }
0x7b: {  	[sflag:s0] =	ssyncadd.tile.s32 @!p0 $0x1;
	_ =	shalt  }
.Lfunc_end2:
_tile_overlayer_lowered:
.L_overlay_start_2:
0x7c: {  	(tag) =	ssettag $0x2  }
0x7d: {  	s0 =	rddreg [dreg:$0x0];
	s2 =	stileid.u32  }
0x7e: {  	s1 =	rddreg [dreg:$0x1];
	p0 =	sne.s32 s2, $0x0  }
0x7f: {  	s3 =	rddreg [dreg:$0x2];
	[bflag:$0x3] =	sbarrier.arrive $0xFFFF;
	s2 =	simm.s32 @!p0 $0x1C01  }
0x80: {  	[timem:s3], [sflag:s2] =	dma.local @!p0 [hbm:s0], s1  }
0x81: {  	s0 =	simm.s32 @!p0 $0x1  }
0x82: {  	_ =	swait.ge @!p0 [sflag:s0], s1  }
0x83: {  	s1 =	ssub.s32 @!p0 $0x0, s1;
	[sflag:s0] =	ssyncset.done @!p0 $0x0  }
0x84: {  	[sflag:s0] =	ssyncadd.s32 @!p0 s1  }
0x85: {  	[bflag:$0x3] =	sbarrier.arrive $0xFFFF  }
0x86: {  	_ =	shalt  }

// kernel: kernel.8.cloned.1.call-start
scs
__scs_entry_jumppad:
0x0: {  	(pc) =	sbr.rel $0x88, $3  }
0x1: {  	(tag) =	ssettag $0x0;
	lr =	simm.s32 $0x1  }
0x2: {  	[smem:$0x3F90] =	sst lr;
	_ =	strace $0xD0000000  }
0x3: {  	_ = 	snop  }
0x4: {  	_ = 	snop  }
0x5: {  	_ = 	snop  }
0x6: {  	_ = 	snop  }
0x7: {  	_ = 	snop  }
__scs_overlays_trampoline_lowered:
0x8: {  	[smem:$0x3F9F] =	sst s0  }
0x9: {  	[smem:$0x3FA0] =	sst s1  }
0xa: {  	[smem:$0x3FA1] =	sst s2  }
0xb: {  	[smem:$0x3FA2] =	sst s3  }
0xc: {  	[smem:$0x3FA3] =	sst s4  }
0xd: {  	[smem:$0x3FA4] =	sst s5  }
0xe: {  	[smem:$0x3FA5] =	sst s6  }
0xf: {  	[smem:$0x3FA6] =	sst s7  }
0x10: {  	[smem:$0x3FA7] =	sst s8  }
0x11: {  	[smem:$0x3FA8] =	sst s9;
	s0 =	simm.s32 @!p0 $0x0  }
0x12: {  	s1 =	sld [smem:$0x3F8E];
	s0 =	simm.s32 @p0 $0x1  }
0x13: {  	[smem:$0x3FA9] =	sst s0;
	s0 =	simm.s32 @!p1 $0x0  }
0x14: {  	s2 =	sld [smem:$0x3F8D];
	s0 =	simm.s32 @p1 $0x1  }
0x15: {  	[smem:$0x3FAA] =	sst s0;
	s0 =	simm.s32 @!p2 $0x0  }
0x16: {  	s3 =	sld [smem:$0x3FDB];
	s0 =	simm.s32 @p2 $0x1  }
0x17: {  	s4 =	simm.s32 $0x1BF5;
	[smem:$0x3FAC] =	sst s0  }
0x18: {  	s0 =	sld [smem:$0x3F8F];
	_ =	swait.ge [sflag:s4], $0x0  }
0x19: {  	s7 =	sld [smem:$0x3F90]  }
0x1a: {  	s8 =	sadd.s32 $0xFFFFE003, lr  }
0x1b: {  	s9 =	sadd.s32 $0xFFFFFEF7, lr;
	s5 =	simm.s32 $0xFFFFFFFF;
	p2 =	slt.u32 s8, $0xFFFFF086  }
0x1c: {  	p1 =	slt.u32 s9, $0xF7A;
	s5 =	simm.s32 @!p2 $0x0  }
0x1d: {  	s5 =	simm.s32 @p1 $0x1;
	p0 =	seq.s32 s7, s2  }
0x1e: {  	s7 =	smul.u32 @!p0 $0xF7A, s2;
	p2 =	seq.s32 @!p0 s5, $0x0  }
0x1f: {  	s9 =	smul.u32 $0xF7A, s1;
	s8 =	simm.s32 @!p0 $0x1BF5;
	p2 =	por !p2, p0  }
0x20: {  	[sflag:s8] =	ssyncset.s32 @!p0 $0xFFFFF086;
	s6 =	sadd.s32 @!p0 s3, s7;
	s7 =	simm.s32 @!p0 $0x108  }
0x21: {  	s3 =	sadd.s32 s3, s9;
	s6 =	sadd.s32 @!p0 $0x88, s6;
	s7 =	simm.s32 @p2 $0x1082  }
0x22: {  	[simem:s7], [sflag:s8] =	dma.local @!p0 [hbm:s6], $0xF7A  }
0x23: {  	s9 =	sor.u32 $0xD0000000, s2;
	s6 =	simm.s32 $0x108;
	_ =	swait.ge @!p0 [sflag:s8], $0x0  }
0x24: {  	s3 =	sadd.s32 $0x88, s3;
	s6 =	simm.s32 @!p1 $0x1082;
	[sflag:s4] =	ssyncset.s32 $0xFFFFF086  }
0x25: {  	[simem:s6], [sflag:s4] =	dma.local [hbm:s3], $0xF7A  }
0x26: {  	[smem:$0x3F90] =	sst s1;
	(tag) =	ssettag s2;
	_ =	strace s9  }
0x27: {  	s1 =	sld [smem:$0x3FA0]  }
0x28: {  	s2 =	sld [smem:$0x3FA1]  }
0x29: {  	s4 =	sld [smem:$0x3FA3]  }
0x2a: {  	p0 =	seq.s32 s5, $0x0;
	s5 =	sld [smem:$0x3FA4]  }
0x2b: {  	s6 =	sld [smem:$0x3FA5]  }
0x2c: {  	s7 =	sld [smem:$0x3FA6]  }
0x2d: {  	s3 =	simm.s32 $0x108;
	s8 =	sld [smem:$0x3FA7]  }
0x2e: {  	s3 =	simm.s32 @!p0 $0x1082;
	s9 =	sld [smem:$0x3FA8]  }
0x2f: {  	lr =	sadd.s32 s0, s3;
	s0 =	sld [smem:$0x3F9F]  }
0x30: {  	s3 =	sld [smem:$0x3FA2]  }
0x31: {  	[smem:$0x3FAB] =	sst s10  }
0x32: {  	s10 =	sld [smem:$0x3FA9];
	_ =	sdelay $0x3  }
0x33: {  	p0 =	seq.s32 s10, $0x1;
	s10 =	sld [smem:$0x3FAB];
	_ =	sdelay $0x3  }
0x34: {  	[smem:$0x3FAB] =	sst s10  }
0x35: {  	s10 =	sld [smem:$0x3FAA];
	_ =	sdelay $0x3  }
0x36: {  	p1 =	seq.s32 s10, $0x1;
	s10 =	sld [smem:$0x3FAB];
	_ =	sdelay $0x3  }
0x37: {  	[smem:$0x3FAB] =	sst s10  }
0x38: {  	s10 =	sld [smem:$0x3FAC]  }
0x39: {  	_ = 	snop;
	(pc) =	sbr.ind lr, $3  }
0x3a: {  	_ = 	snop  }
0x3b: {  	_ = 	snop  }
0x3c: {  	p2 =	seq.s32 s10, $0x1;
	s10 =	sld [smem:$0x3FAB]  }
0x3d: {  	_ =	shalt  }
0x3e: {  	_ =	shalt  }
0x3f: {  	_ =	shalt  }
0x40: {  	_ =	shalt  }
0x41: {  	_ =	shalt  }
0x42: {  	_ =	shalt  }
0x43: {  	_ =	shalt  }
0x44: {  	_ =	shalt  }
0x45: {  	_ =	shalt  }
0x46: {  	_ =	shalt  }
0x47: {  	_ =	shalt  }
0x48: {  	_ =	shalt  }
0x49: {  	_ =	shalt  }
0x4a: {  	_ =	shalt  }
0x4b: {  	_ =	shalt  }
0x4c: {  	_ =	shalt  }
0x4d: {  	_ =	shalt  }
0x4e: {  	_ =	shalt  }
0x4f: {  	_ =	shalt  }
0x50: {  	_ =	shalt  }
0x51: {  	_ =	shalt  }
0x52: {  	_ =	shalt  }
0x53: {  	_ =	shalt  }
0x54: {  	_ =	shalt  }
0x55: {  	_ =	shalt  }
0x56: {  	_ =	shalt  }
0x57: {  	_ =	shalt  }
0x58: {  	_ =	shalt  }
0x59: {  	_ =	shalt  }
0x5a: {  	_ =	shalt  }
0x5b: {  	_ =	shalt  }
0x5c: {  	_ =	shalt  }
0x5d: {  	_ =	shalt  }
0x5e: {  	_ =	shalt  }
0x5f: {  	_ =	shalt  }
0x60: {  	_ =	shalt  }
0x61: {  	_ =	shalt  }
0x62: {  	_ =	shalt  }
0x63: {  	_ =	shalt  }
0x64: {  	_ =	shalt  }
0x65: {  	_ =	shalt  }
0x66: {  	_ =	shalt  }
0x67: {  	_ =	shalt  }
0x68: {  	_ =	shalt  }
0x69: {  	_ =	shalt  }
0x6a: {  	_ =	shalt  }
0x6b: {  	_ =	shalt  }
0x6c: {  	_ =	shalt  }
0x6d: {  	_ =	shalt  }
0x6e: {  	_ =	shalt  }
0x6f: {  	_ =	shalt  }
0x70: {  	_ =	shalt  }
0x71: {  	_ =	shalt  }
0x72: {  	_ =	shalt  }
0x73: {  	_ =	shalt  }
0x74: {  	_ =	shalt  }
0x75: {  	_ =	shalt  }
0x76: {  	_ =	shalt  }
0x77: {  	_ =	shalt  }
0x78: {  	_ =	shalt  }
0x79: {  	_ =	shalt  }
0x7a: {  	_ =	shalt  }
0x7b: {  	_ =	shalt  }
0x7c: {  	_ =	shalt  }
0x7d: {  	_ =	shalt  }
0x7e: {  	_ =	shalt  }
0x7f: {  	_ =	shalt  }
0x80: {  	_ =	shalt  }
0x81: {  	_ =	shalt  }
0x82: {  	_ =	shalt  }
0x83: {  	_ =	shalt  }
0x84: {  	_ =	shalt  }
0x85: {  	_ =	shalt  }
0x86: {  	_ =	shalt  }
0x87: {  	_ =	shalt  }
.Lfunc_end0:
.L_simem_size_0:
called_computation.5_lowered:
.L_overlay_start_0:
0x88: {  	s2 =	sld [smem:$0x3FD9]  }
0x89: {  	s3 =	sld [smem:$0x3FFE];
	_ =	sdelay $0x1  }
0x8a: {  	s1 =	srdreg.scid  }
0x8b: {  	s0 =	sand.u32 $0x1, s1  }
0x8c: {  	s17 =	sshll.u32 s0, $0xA;
	s2 =	sadd.s32 s3, s2  }
0x8d: {  	s2 =	sadd.s32 s2, s17  }
0x8e: {  	[smem:$0x3FB7] =	sst s2  }
0x8f: {  	_ = 	snop  }
0x90: {  	s2 =	sld [smem:$0x3FC9];
	(tm) =	ssettm $0x1  }
0x91: {  	s18 =	sld [smem:$0x3FFB];
	_ =	sdelay $0x3  }
0x92: {  	_ =	strace s18  }
0x93: {  	s3 =	sld [smem:$0x3FFC];
	_ =	sdelay $0x3  }
0x94: {  	_ =	strace s3  }
0x95: {  	s3 =	sld [smem:$0x3FFD];
	_ =	sdelay $0x3  }
0x96: {  	_ =	strace s3  }
0x97: {  	_ =	strace $0x8FFFFFFF  }
0x98: {  	s19 =	sld [smem:$0x3FDB];
	_ =	sdelay $0x1  }
0x99: {  	s4 =	simm.s32 $_scs_section_size  }
0x9a: {  	s5 =	simm.s32 $_size__tile_overlayer_lowered;
	s6 =	simm.s32 $_tile_overlayer_lowered  }
0x9b: {  	s22 =	simm.s32 $0x1BFF;
	s21 =	sshll.u32 s6, $0x1;
	s3 =	sadd.s32 s4, s19  }
0x9c: {  	s7 =	simm.s32 $0x0;
	s20 =	sshll.u32 s5, $0x1;
	s5 =	sadd.s32 s21, s3  }
0x9d: {  	[timem:s7], [sflag:s22] =	dma.local [hbm:s5], s20  }
0x9e: {  	_ =	swait.ge [sflag:s22], s20  }
0x9f: {  	s4 =	ssub.s32 $0x0, s20;
	[sflag:s22] =	ssyncset.done $0x0  }
0xa0: {  	[sflag:s22] =	ssyncadd.s32 s4;
	_ =	sdelay $0x1  }
0xa1: {  	s23 =	simm.s32 $0x1B8B  }
0xa2: {  	_ =	swait.ge [sflag:s23], $0x1  }
0xa3: {  	[sflag:s23] =	ssyncset.done $0x0  }
0xa4: {  	s25 =	simm.s32 $0x1B8E;
	s24 =	sld [smem:$0x3FFE];
	[sflag:s23] =	ssyncadd.s32 $0xFFFFFFFF  }
0xa5: {  	s26 =	simm.s32 $execute0_lowered;
	[smem:$0x3FD2] =	sst s25  }
0xa6: {  	s5 =	sshll.u32 s26, $0x1;
	_ =	strace $0x80000046;
	[dreg:$0x1] =	wrdreg $0xFFFFFFFF  }
0xa7: {  	s28 =	simm.s32 $_size_execute0_lowered;
	s3 =	sadd.s32 s3, s5;
	[dreg:$0x0] =	wrdreg $0x0  }
0xa8: {  	s5 =	sshll.u32 s28, $0x1;
	[dreg:$0x2] =	wrdreg s3  }
0xa9: {  	[dreg:$0x3] =	wrdreg s5  }
0xaa: {  	[dreg:$0x4] =	wrdreg $0xC0  }
0xab: {  	_ =	task [dreg:s7], $0x5FFFF  }
0xac: {  	[dreg:$0x1] =	wrdreg $0xFFFFFFFF  }
0xad: {  	[dreg:$0x0] =	wrdreg $0x60  }
0xae: {  	[dreg:$0x2] =	wrdreg s2  }
0xaf: {  	[dreg:$0x3] =	wrdreg s24  }
0xb0: {  	[dreg:$0x4] =	wrdreg $0x0  }
0xb1: {  	[dreg:$0x5] =	wrdreg $0x9  }
0xb2: {  	_ =	task.clear_ibuf [dreg:s7], $0x6FFFF;
	_ =	strace $0x90000046  }
0xb3: {  	s29 =	simm.s32 $0x9;
	_ =	strace $0x80000048  }
0xb4: {  	_ =	swait.ge [sflag:s29], $0x1  }
0xb5: {  	[sflag:s29] =	ssyncadd.s32 $0xFFFFFFFF  }
0xb6: {  	_ =	strace $0x90000048  }
0xb7: {  	_ =	sfence  }
0xb8: {  	s30 =	sld [smem:$0x0];
	_ =	sdelay $0x2  }
0xb9: {  	s31 =	sshll.u32 s1, $0xD;
	s1 =	sshrl.u32 s1, $0x2  }
0xba: {  	s3 =	sand.u32 $0x4000, s31;
	s1 =	sadd.s32 s1, s30  }
0xbb: {  	s0 =	sor.u32 s3, s0;
	s1 =	sshll.u32 s1, $0x11  }
0xbc: {  	s0 =	sor.u32 s1, s0  }
0xbd: {  	s0 =	sadd.s32 $0x8F2B, s0  }
0xbe: {  	[sflag:s0] =	ssyncadd.remote.s32 $0x1  }
0xbf: {  	_ =	sfence.sel $0xFFFF  }
0xc0: {  	[dreg:$0x0] =	wrdreg $0xFFFFFFFF;
	(pc) =	sbr.abs _section_cstart, $3  }
0xc1: {  	[dreg:$0x1] =	wrdreg $0xFFFFFFFF  }
0xc2: {  	_ =	task.clear_ibuf [dreg:s7], $0x2FFFF;
	_ =	strace $0x9FFFFFFF  }
0xc3: {  	(tm) =	ssettm $0x7FFFFFFF  }
tec
execute0_lowered:
.L_overlay_start_1:
0x0: {  	(tag) =	ssettag $0x1  }
0x1: {  	s0 =	rddreg [dreg:$0x0]  }
0x2: {  	s6 =	rddreg [dreg:$0x1]  }
0x3: {  	s1 =	srdreg.scid;
	s3 =	rddreg [dreg:$0x2]  }
0x4: {  	s2 =	stileid.u32;
	s4 =	simm.s32 $0x0;
	s19 =	simm.s32 $0x13D00  }
0x5: {  	s20 =	simm.s32 $0x1;
	s9 =	sand.u32 $0x1, s1;
	s1 =	rddreg [dreg:$0x3]  }
0x6: {  	s21 =	simm.s32 $0x17D00;
	s8 =	smul.u32 $0x13C00, s2;
	[smem:$0x7FF] =	sst s4  }
0x7: {  	s5 =	sshrl.u32 s2, $0x3;
	s13 =	sadd.s32 $0x1DA00, s6;
	s26 =	smul.u32 $0x4F000, s2  }
0x8: {  	s12 =	sadd.s32 $0x13C00, s6;
	s14 =	sshll.u32 s2, $0x7;
	s17 =	smul.u32 $0x9C0, s2  }
0x9: {  	s29 =	sshll.u32 s2, $0x5;
	s31 =	sshll.u32 s2, $0x6;
	s7 =	smul.u32 $0x13C000, s9  }
0xa: {  	p0 =	sgt.u32 s2, $0x1;
	s10 =	smul.u32 $0x27800, s9;
	_ =	strace $0x80000047  }
0xb: {  	s11 =	smul.u32 $0x13C00, s5;
	s5 =	sadd.s32 $0x27800, s6;
	s23 =	sand.u32 $0x380, s14  }
0xc: {  	s24 =	ssub.s32 $0x2, s9;
	s30 =	sshll.u32 s9, $0x4;
	s18 =	smul.u32 $0x4E0, s9  }
0xd: {  	s25 =	sshrl.u32 s24, $0x1;
	s28 =	sshrl.u32 s26, $0x2;
	s7 =	sadd.s32 s8, s7  }
0xe: {  	s22 =	sadd.s32 s10, s11;
	s11 =	ssub.s32 s24, s25;
	s14 =	sadd.s32 s28, s3  }
0xf: {  	s7 =	sshrl.u32 s7, $0x3;
	s8 =	sor.u32 s23, s22;
	s11 =	smax.u32 s11, $0x1  }
0x10: {  	s14 =	sshrl.u32 s14, $0x3;
	s22 =	simm.s32 $0x400;
	s23 =	simm.s32 $0x0  }
0x11: {  	s8 =	sshrl.u32 s8, $0x3;
	s15 =	sadd.s32 s7, s6;
	s7 =	sor.u32 s30, s29  }
0x12: {  	s16 =	sadd.s32 s8, s6;
	s6 =	sor.u32 $0x1C02, s31;
	s8 =	sor.u32 $0x9C00, s7  }
0x13: {  	s9 =	sadd.s32 $0x33E00, s15;
	s15 =	simm.s32 $0x2;
	s7 =	sadd.s32 s13, s8  }
0x14: {  	s8 =	sadd.s32 s12, s8;
	s10 =	sadd.s32 $0x2A000, s16;
	s12 =	sadd.s32 s17, s12  }
0x15: {  	s13 =	sadd.s32 s17, s13;
	s16 =	simm.s32 $0x13C00;
	s17 =	simm.s32 $0x13C80  }
0x16: {  	v0 =	vimm.f32 $0.0e+00;
	v1 =	vimm.f32 $1.000000000e+00;
	s12 =	sadd.s32 s18, s12;
	s13 =	sadd.s32 s18, s13;
	s18 =	simm.s32 $0x80  }
.LBB2_1:
0x17: {  	[spmem:s14], [sflag:s6] =	dma.local [hbm:s5], $0x2780  }
0x18: {  	_ =	swait.ge [sflag:s15], $0x2780  }
0x19: {  	[sflag:s15] =	ssyncset.done $0x0  }
0x1a: {  	s24 =	simm.s32 $0x40;
	s25 =	simm.s32 $0x0;
	[sflag:s15] =	ssyncadd.s32 $0xFFFFD880  }
.LBB2_2:
0x1b: {  	p1 =	sne.s32 s24, $0x9DC0;
	[tilespmem:s25+$0x17D00] =	vst v0;
	s25 =	smov.u32 s24;
	s24 =	sadd.s32 $0x40, s24  }
.Ltmp0:
0x1c: {  	(pc) =	sbr.rel @p1 .LBB2_2-.Ltmp0, $2  }
0x1d: {  	_ =	sdelay $0x2  }
0x1e: {  	s25 =	sshra.s32 s25, $0x2  }
0x1f: {  	[tilespmem:s25+$0x17D00] =	vst v0  }
0x20: {  	s24 =	simm.s32 $0x0;
	[bflag:$0x0] =	sbarrier.arrive $0xFFFF  }
.LBB2_4:
0x21: {  	s25 =	sadd.s32 s24, s13  }
0x22: {  	[tilespmem:s16], [sflag:$0x2] =	stream.linear.gather [hbm4b:s25+s4], $0x80, $0x38;
	[tilespmem:$0x1A480] =	vst v63  }
0x23: {  	_ =	swait.ge [sflag:s15], $0x80  }
0x24: {  	[sflag:s15] =	ssyncset.done $0x0  }
0x25: {  	s31 =	sadd.s32 s24, s12;
	[sflag:s15] =	ssyncadd.s32 $0xFFFFFF80  }
0x26: {  	[tilespmem:s17], [sflag:$0x2] =	stream.linear.gather [hbm4b:s31+s4], $0x80, $0x38;
	[tilespmem:$0x1A480] =	vst v63  }
0x27: {  	_ =	swait.ge [sflag:s15], $0x80  }
0x28: {  	[sflag:s15] =	ssyncset.done $0x0  }
0x29: {  	[sflag:s15] =	ssyncadd.s32 $0xFFFFFF80  }
0x2a: {  	[tilespmem:s19], [sflag:$0x1] =	stream.indirect.gather [hbm4b:s0+s18], $0x80, s16, s18, $0xb8;
	[tilespmem:$0x1A480] =	vst v63  }
0x2b: {  	_ =	swait.ge [sflag:s20], $0x4000  }
0x2c: {  	[sflag:s20] =	ssyncset.done $0x0  }
0x2d: {  	[sflag:s20] =	ssyncadd.s32 $0xFFFFC000  }
0x2e: {  	v2 =	vld [tilespmem:$0x13C80];
	_ =	sdelay $0x7  }
0x2f: {  	[tilespmem:v2+s21+$0x0] =	vst.idx.add.f32.msk $0xffff, v1  }
0x30: {  	v2 =	vld [tilespmem:$0x13C90];
	_ =	sdelay $0x7  }
0x31: {  	[tilespmem:v2+s21+$0x0] =	vst.idx.add.f32.msk $0xffff, v1  }
0x32: {  	v2 =	vld [tilespmem:$0x13CA0];
	_ =	sdelay $0x7  }
0x33: {  	[tilespmem:v2+s21+$0x0] =	vst.idx.add.f32.msk $0xffff, v1  }
0x34: {  	v2 =	vld [tilespmem:$0x13CB0];
	_ =	sdelay $0x7  }
0x35: {  	[tilespmem:v2+s21+$0x0] =	vst.idx.add.f32.msk $0xffff, v1  }
0x36: {  	v2 =	vld [tilespmem:$0x13CC0];
	_ =	sdelay $0x7  }
0x37: {  	[tilespmem:v2+s21+$0x0] =	vst.idx.add.f32.msk $0xffff, v1  }
0x38: {  	v2 =	vld [tilespmem:$0x13CD0];
	_ =	sdelay $0x7  }
0x39: {  	[tilespmem:v2+s21+$0x0] =	vst.idx.add.f32.msk $0xffff, v1  }
0x3a: {  	v2 =	vld [tilespmem:$0x13CE0];
	_ =	sdelay $0x7  }
0x3b: {  	[tilespmem:v2+s21+$0x0] =	vst.idx.add.f32.msk $0xffff, v1  }
0x3c: {  	v2 =	vld [tilespmem:$0x13CF0];
	_ =	sdelay $0x6  }
0x3d: {  	p1 =	sne.s32 s24, $0x4D0  }
.Ltmp1:
0x3e: {  	[tilespmem:v2+s21+$0x0] =	vst.idx.add.f32.msk $0xffff, v1;
	(pc) =	sbr.rel @p1 .LBB2_4-.Ltmp1, $4  }
0x3f: {  	[spmem:s3] =	stream.indirect.scatter.add.f32 [tilespmem:s19], [sflag:$0x2], $0x80, s17, s18, $0xb8;
	[tilespmem:$0x1A480] =	vst v63  }
0x40: {  	_ =	swait.ge [sflag:s15], $0x4000  }
0x41: {  	[sflag:s15] =	ssyncset.done $0x0  }
0x42: {  	s24 =	sadd.s32 $0x10, s24;
	[sflag:s15] =	ssyncadd.s32 $0xFFFFC000  }
0x43: {  	s24 =	simm.s32 @!p0 $0x0;
	s25 =	simm.s32 @!p0 $0x13C00;
	s26 =	simm.s32 @!p0 $0x2  }
0x44: {  	[tilespmem:s25], [sflag:$0x2] =	stream.linear.gather @!p0 [hbm4b:s7+s24], $0x80, $0x38;
	[tilespmem:$0x1A480] =	vst v63  }
0x45: {  	_ =	swait.ge @!p0 [sflag:s26], $0x80  }
0x46: {  	[sflag:s26] =	ssyncset.done @!p0 $0x0  }
0x47: {  	s28 =	simm.s32 @!p0 $0x13C80;
	[sflag:s26] =	ssyncadd.s32 @!p0 $0xFFFFFF80  }
0x48: {  	[tilespmem:s28], [sflag:$0x2] =	stream.linear.gather @!p0 [hbm4b:s8+s24], $0x80, $0x38;
	[tilespmem:$0x1A480] =	vst v63  }
0x49: {  	_ =	swait.ge @!p0 [sflag:s26], $0x80  }
0x4a: {  	[sflag:s26] =	ssyncset.done @!p0 $0x0  }
0x4b: {  	s29 =	simm.s32 @!p0 $0x13D00;
	s24 =	simm.s32 @!p0 $0x80;
	[sflag:s26] =	ssyncadd.s32 @!p0 $0xFFFFFF80  }
0x4c: {  	[tilespmem:s29], [sflag:$0x1] =	stream.indirect.gather @!p0 [hbm4b:s0+s24], $0x80, s25, s24, $0xb8;
	[tilespmem:$0x1A480] =	vst v63  }
0x4d: {  	s25 =	simm.s32 @!p0 $0x1  }
0x4e: {  	_ =	swait.ge @!p0 [sflag:s25], $0x4000  }
0x4f: {  	[sflag:s25] =	ssyncset.done @!p0 $0x0  }
0x50: {  	[sflag:s25] =	ssyncadd.s32 @!p0 $0xFFFFC000  }
0x51: {  	v2 =	vld @!p0 [tilespmem:$0x13C80];
	_ =	sdelay $0x6  }
0x52: {  	v3 =	vimm.f32 @!p0 $1.000000000e+00;
	s25 =	simm.s32 @!p0 $0x17D00  }
0x53: {  	[tilespmem:v2+s25+$0x0] =	vst.idx.add.f32.msk @!p0 $0xffff, v3  }
0x54: {  	v2 =	vld @!p0 [tilespmem:$0x13C90];
	_ =	sdelay $0x7  }
0x55: {  	[tilespmem:v2+s25+$0x0] =	vst.idx.add.f32.msk @!p0 $0xffff, v3  }
0x56: {  	v2 =	vld @!p0 [tilespmem:$0x13CA0];
	_ =	sdelay $0x7  }
0x57: {  	[tilespmem:v2+s25+$0x0] =	vst.idx.add.f32.msk @!p0 $0xffff, v3  }
0x58: {  	v2 =	vld @!p0 [tilespmem:$0x13CB0];
	_ =	sdelay $0x7  }
0x59: {  	[tilespmem:v2+s25+$0x0] =	vst.idx.add.f32.msk @!p0 $0xffff, v3  }
0x5a: {  	v2 =	vld @!p0 [tilespmem:$0x13CC0];
	_ =	sdelay $0x7  }
0x5b: {  	[tilespmem:v2+s25+$0x0] =	vst.idx.add.f32.msk @!p0 $0xffff, v3  }
0x5c: {  	v2 =	vld @!p0 [tilespmem:$0x13CD0];
	_ =	sdelay $0x7  }
0x5d: {  	[tilespmem:v2+s25+$0x0] =	vst.idx.add.f32.msk @!p0 $0xffff, v3  }
0x5e: {  	v2 =	vld @!p0 [tilespmem:$0x13CE0];
	_ =	sdelay $0x7  }
0x5f: {  	[tilespmem:v2+s25+$0x0] =	vst.idx.add.f32.msk @!p0 $0xffff, v3  }
0x60: {  	v2 =	vld @!p0 [tilespmem:$0x13CF0];
	_ =	sdelay $0x7  }
0x61: {  	[tilespmem:v2+s25+$0x0] =	vst.idx.add.f32.msk @!p0 $0xffff, v3  }
0x62: {  	[spmem:s3] =	stream.indirect.scatter.add.f32 @!p0 [tilespmem:s29], [sflag:$0x2], $0x80, s28, s24, $0xb8;
	[tilespmem:$0x1A480] =	vst v63  }
0x63: {  	_ =	swait.ge @!p0 [sflag:s26], $0x4000  }
0x64: {  	[sflag:s26] =	ssyncset.done @!p0 $0x0  }
0x65: {  	[sflag:s26] =	ssyncadd.s32 @!p0 $0xFFFFC000  }
0x66: {  	[bflag:$0x0] =	sbarrier.arrive $0xFFFF  }
0x67: {  	[hbm:s9], [sflag:s6] =	dma.local [spmem:s14], $0x2780  }
0x68: {  	s23 =	sadd.s32 $0x1, s23;
	_ =	swait.ge [sflag:s15], $0x2780  }
0x69: {  	p1 =	sne.s32 s23, s11;
	[sflag:s15] =	ssyncset.done $0x0  }
.Ltmp2:
0x6a: {  	[sflag:s15] =	ssyncadd.s32 $0xFFFFD880;
	(pc) =	sbr.rel @p1 .LBB2_1-.Ltmp2, $4  }
0x6b: {  	[hbm4b:s10+s18] =	stream.strided.scatter [tilespmem:s21], [sflag:$0x2], $0x2780, s22, s18, $0x38;
	[tilespmem:$0x1A480] =	vst v63  }
0x6c: {  	_ =	swait.ge [sflag:s15], $0x2780  }
0x6d: {  	[sflag:s15] =	ssyncset.done $0x0  }
0x6e: {  	[sflag:s15] =	ssyncadd.s32 $0xFFFFD880  }
0x6f: {  	_ =	sfence.sel $0x180000  }
0x70: {  	[bflag:$0x0] =	sbarrier.arrive $0xFFFF  }
0x71: {  	p0 =	sne.s32 s2, $0x0;
	_ =	strace $0x90000047  }
0x72: {  	s0 =	sadd.s32 @!p0 $0x100000, s1;
	[bflag:$0x2] =	sbarrier.arrive $0xFFFF  }
0x73: {  	[sflag:s0] =	ssyncadd.tile.s32 @!p0 $0x1;
	_ =	shalt  }
.Lfunc_end2:
_tile_overlayer_lowered:
.L_overlay_start_2:
0x74: {  	(tag) =	ssettag $0x2  }
0x75: {  	s0 =	rddreg [dreg:$0x0];
	s2 =	stileid.u32  }
0x76: {  	s1 =	rddreg [dreg:$0x1];
	p0 =	sne.s32 s2, $0x0  }
0x77: {  	s3 =	rddreg [dreg:$0x2];
	[bflag:$0x3] =	sbarrier.arrive $0xFFFF;
	s2 =	simm.s32 @!p0 $0x1C02  }
0x78: {  	[timem:s3], [sflag:s2] =	dma.local @!p0 [hbm:s0], s1  }
0x79: {  	s0 =	simm.s32 @!p0 $0x2  }
0x7a: {  	_ =	swait.ge @!p0 [sflag:s0], s1  }
0x7b: {  	s1 =	ssub.s32 @!p0 $0x0, s1;
	[sflag:s0] =	ssyncset.done @!p0 $0x0  }
0x7c: {  	[sflag:s0] =	ssyncadd.s32 @!p0 s1  }
0x7d: {  	[bflag:$0x3] =	sbarrier.arrive $0xFFFF  }
0x7e: {  	_ =	shalt  }

// kernel: scatter_offload_async_start.1
scs
__scs_entry_jumppad:
0x0: {  	(pc) =	sbr.rel $0x88, $3  }
0x1: {  	(tag) =	ssettag $0x0;
	lr =	simm.s32 $0x1  }
0x2: {  	[smem:$0x3F90] =	sst lr;
	_ =	strace $0xD0000000  }
0x3: {  	_ = 	snop  }
0x4: {  	_ = 	snop  }
0x5: {  	_ = 	snop  }
0x6: {  	_ = 	snop  }
0x7: {  	_ = 	snop  }
__scs_overlays_trampoline_lowered:
0x8: {  	[smem:$0x3F9F] =	sst s0  }
0x9: {  	[smem:$0x3FA0] =	sst s1  }
0xa: {  	[smem:$0x3FA1] =	sst s2  }
0xb: {  	[smem:$0x3FA2] =	sst s3  }
0xc: {  	[smem:$0x3FA3] =	sst s4  }
0xd: {  	[smem:$0x3FA4] =	sst s5  }
0xe: {  	[smem:$0x3FA5] =	sst s6  }
0xf: {  	[smem:$0x3FA6] =	sst s7  }
0x10: {  	[smem:$0x3FA7] =	sst s8  }
0x11: {  	[smem:$0x3FA8] =	sst s9;
	s0 =	simm.s32 @!p0 $0x0  }
0x12: {  	s1 =	sld [smem:$0x3F8E];
	s0 =	simm.s32 @p0 $0x1  }
0x13: {  	[smem:$0x3FA9] =	sst s0;
	s0 =	simm.s32 @!p1 $0x0  }
0x14: {  	s2 =	sld [smem:$0x3F8D];
	s0 =	simm.s32 @p1 $0x1  }
0x15: {  	[smem:$0x3FAA] =	sst s0;
	s0 =	simm.s32 @!p2 $0x0  }
0x16: {  	s3 =	sld [smem:$0x3FDB];
	s0 =	simm.s32 @p2 $0x1  }
0x17: {  	s4 =	simm.s32 $0x1BF5;
	[smem:$0x3FAC] =	sst s0  }
0x18: {  	s0 =	sld [smem:$0x3F8F];
	_ =	swait.ge [sflag:s4], $0x0  }
0x19: {  	s7 =	sld [smem:$0x3F90]  }
0x1a: {  	s8 =	sadd.s32 $0xFFFFE003, lr  }
0x1b: {  	s9 =	sadd.s32 $0xFFFFFEF7, lr;
	s5 =	simm.s32 $0xFFFFFFFF;
	p2 =	slt.u32 s8, $0xFFFFF086  }
0x1c: {  	p1 =	slt.u32 s9, $0xF7A;
	s5 =	simm.s32 @!p2 $0x0  }
0x1d: {  	s5 =	simm.s32 @p1 $0x1;
	p0 =	seq.s32 s7, s2  }
0x1e: {  	s7 =	smul.u32 @!p0 $0xF7A, s2;
	p2 =	seq.s32 @!p0 s5, $0x0  }
0x1f: {  	s9 =	smul.u32 $0xF7A, s1;
	s8 =	simm.s32 @!p0 $0x1BF5;
	p2 =	por !p2, p0  }
0x20: {  	[sflag:s8] =	ssyncset.s32 @!p0 $0xFFFFF086;
	s6 =	sadd.s32 @!p0 s3, s7;
	s7 =	simm.s32 @!p0 $0x108  }
0x21: {  	s3 =	sadd.s32 s3, s9;
	s6 =	sadd.s32 @!p0 $0x88, s6;
	s7 =	simm.s32 @p2 $0x1082  }
0x22: {  	[simem:s7], [sflag:s8] =	dma.local @!p0 [hbm:s6], $0xF7A  }
0x23: {  	s9 =	sor.u32 $0xD0000000, s2;
	s6 =	simm.s32 $0x108;
	_ =	swait.ge @!p0 [sflag:s8], $0x0  }
0x24: {  	s3 =	sadd.s32 $0x88, s3;
	s6 =	simm.s32 @!p1 $0x1082;
	[sflag:s4] =	ssyncset.s32 $0xFFFFF086  }
0x25: {  	[simem:s6], [sflag:s4] =	dma.local [hbm:s3], $0xF7A  }
0x26: {  	[smem:$0x3F90] =	sst s1;
	(tag) =	ssettag s2;
	_ =	strace s9  }
0x27: {  	s1 =	sld [smem:$0x3FA0]  }
0x28: {  	s2 =	sld [smem:$0x3FA1]  }
0x29: {  	s4 =	sld [smem:$0x3FA3]  }
0x2a: {  	p0 =	seq.s32 s5, $0x0;
	s5 =	sld [smem:$0x3FA4]  }
0x2b: {  	s6 =	sld [smem:$0x3FA5]  }
0x2c: {  	s7 =	sld [smem:$0x3FA6]  }
0x2d: {  	s3 =	simm.s32 $0x108;
	s8 =	sld [smem:$0x3FA7]  }
0x2e: {  	s3 =	simm.s32 @!p0 $0x1082;
	s9 =	sld [smem:$0x3FA8]  }
0x2f: {  	lr =	sadd.s32 s0, s3;
	s0 =	sld [smem:$0x3F9F]  }
0x30: {  	s3 =	sld [smem:$0x3FA2]  }
0x31: {  	[smem:$0x3FAB] =	sst s10  }
0x32: {  	s10 =	sld [smem:$0x3FA9];
	_ =	sdelay $0x3  }
0x33: {  	p0 =	seq.s32 s10, $0x1;
	s10 =	sld [smem:$0x3FAB];
	_ =	sdelay $0x3  }
0x34: {  	[smem:$0x3FAB] =	sst s10  }
0x35: {  	s10 =	sld [smem:$0x3FAA];
	_ =	sdelay $0x3  }
0x36: {  	p1 =	seq.s32 s10, $0x1;
	s10 =	sld [smem:$0x3FAB];
	_ =	sdelay $0x3  }
0x37: {  	[smem:$0x3FAB] =	sst s10  }
0x38: {  	s10 =	sld [smem:$0x3FAC]  }
0x39: {  	_ = 	snop;
	(pc) =	sbr.ind lr, $3  }
0x3a: {  	_ = 	snop  }
0x3b: {  	_ = 	snop  }
0x3c: {  	p2 =	seq.s32 s10, $0x1;
	s10 =	sld [smem:$0x3FAB]  }
0x3d: {  	_ =	shalt  }
0x3e: {  	_ =	shalt  }
0x3f: {  	_ =	shalt  }
0x40: {  	_ =	shalt  }
0x41: {  	_ =	shalt  }
0x42: {  	_ =	shalt  }
0x43: {  	_ =	shalt  }
0x44: {  	_ =	shalt  }
0x45: {  	_ =	shalt  }
0x46: {  	_ =	shalt  }
0x47: {  	_ =	shalt  }
0x48: {  	_ =	shalt  }
0x49: {  	_ =	shalt  }
0x4a: {  	_ =	shalt  }
0x4b: {  	_ =	shalt  }
0x4c: {  	_ =	shalt  }
0x4d: {  	_ =	shalt  }
0x4e: {  	_ =	shalt  }
0x4f: {  	_ =	shalt  }
0x50: {  	_ =	shalt  }
0x51: {  	_ =	shalt  }
0x52: {  	_ =	shalt  }
0x53: {  	_ =	shalt  }
0x54: {  	_ =	shalt  }
0x55: {  	_ =	shalt  }
0x56: {  	_ =	shalt  }
0x57: {  	_ =	shalt  }
0x58: {  	_ =	shalt  }
0x59: {  	_ =	shalt  }
0x5a: {  	_ =	shalt  }
0x5b: {  	_ =	shalt  }
0x5c: {  	_ =	shalt  }
0x5d: {  	_ =	shalt  }
0x5e: {  	_ =	shalt  }
0x5f: {  	_ =	shalt  }
0x60: {  	_ =	shalt  }
0x61: {  	_ =	shalt  }
0x62: {  	_ =	shalt  }
0x63: {  	_ =	shalt  }
0x64: {  	_ =	shalt  }
0x65: {  	_ =	shalt  }
0x66: {  	_ =	shalt  }
0x67: {  	_ =	shalt  }
0x68: {  	_ =	shalt  }
0x69: {  	_ =	shalt  }
0x6a: {  	_ =	shalt  }
0x6b: {  	_ =	shalt  }
0x6c: {  	_ =	shalt  }
0x6d: {  	_ =	shalt  }
0x6e: {  	_ =	shalt  }
0x6f: {  	_ =	shalt  }
0x70: {  	_ =	shalt  }
0x71: {  	_ =	shalt  }
0x72: {  	_ =	shalt  }
0x73: {  	_ =	shalt  }
0x74: {  	_ =	shalt  }
0x75: {  	_ =	shalt  }
0x76: {  	_ =	shalt  }
0x77: {  	_ =	shalt  }
0x78: {  	_ =	shalt  }
0x79: {  	_ =	shalt  }
0x7a: {  	_ =	shalt  }
0x7b: {  	_ =	shalt  }
0x7c: {  	_ =	shalt  }
0x7d: {  	_ =	shalt  }
0x7e: {  	_ =	shalt  }
0x7f: {  	_ =	shalt  }
0x80: {  	_ =	shalt  }
0x81: {  	_ =	shalt  }
0x82: {  	_ =	shalt  }
0x83: {  	_ =	shalt  }
0x84: {  	_ =	shalt  }
0x85: {  	_ =	shalt  }
0x86: {  	_ =	shalt  }
0x87: {  	_ =	shalt  }
.Lfunc_end0:
.L_simem_size_0:
called_computation.1_lowered:
.L_overlay_start_0:
0x88: {  	s0 =	sld [smem:$0x3FD9]  }
0x89: {  	s1 =	sld [smem:$0x3FFE];
	_ =	sdelay $0x3  }
0x8a: {  	s0 =	sadd.s32 s1, s0  }
0x8b: {  	[smem:$0x3FB7] =	sst s0  }
0x8c: {  	_ = 	snop  }
0x8d: {  	(tm) =	ssettm $0x1  }
0x8e: {  	s15 =	sld [smem:$0x3FFB];
	_ =	sdelay $0x3  }
0x8f: {  	_ =	strace s15  }
0x90: {  	s0 =	sld [smem:$0x3FFC];
	_ =	sdelay $0x3  }
0x91: {  	_ =	strace s0  }
0x92: {  	s0 =	sld [smem:$0x3FFD];
	_ =	sdelay $0x3  }
0x93: {  	_ =	strace s0  }
0x94: {  	_ =	strace $0x8FFFFFFF  }
0x95: {  	s16 =	sld [smem:$0x3FDB];
	_ =	sdelay $0x1  }
0x96: {  	s17 =	simm.s32 $_scs_section_size  }
0x97: {  	s2 =	simm.s32 $_size__tile_overlayer_lowered;
	s3 =	simm.s32 $_tile_overlayer_lowered  }
0x98: {  	s20 =	simm.s32 $0x1BFF;
	s19 =	sshll.u32 s3, $0x1;
	s0 =	sadd.s32 s17, s16  }
0x99: {  	s4 =	simm.s32 $0x0;
	s18 =	sshll.u32 s2, $0x1;
	s2 =	sadd.s32 s19, s0  }
0x9a: {  	[timem:s4], [sflag:s20] =	dma.local [hbm:s2], s18  }
0x9b: {  	_ =	swait.ge [sflag:s20], s18  }
0x9c: {  	s1 =	ssub.s32 $0x0, s18;
	[sflag:s20] =	ssyncset.done $0x0  }
0x9d: {  	[sflag:s20] =	ssyncadd.s32 s1;
	_ =	sdelay $0x1  }
0x9e: {  	s21 =	simm.s32 $0x1B8B  }
0x9f: {  	_ =	swait.ge [sflag:s21], $0x1  }
0xa0: {  	[sflag:s21] =	ssyncset.done $0x0  }
0xa1: {  	s23 =	simm.s32 $0x1B8E;
	s22 =	sld [smem:$0x3FFE];
	[sflag:s21] =	ssyncadd.s32 $0xFFFFFFFF  }
0xa2: {  	s24 =	simm.s32 $execute0_lowered;
	[smem:$0x3FD2] =	sst s23  }
0xa3: {  	s2 =	sshll.u32 s24, $0x1;
	_ =	strace $0x80000055;
	[dreg:$0x1] =	wrdreg $0xFFFFFFFF  }
0xa4: {  	s25 =	simm.s32 $_size_execute0_lowered;
	s0 =	sadd.s32 s0, s2;
	[dreg:$0x0] =	wrdreg $0x0  }
0xa5: {  	s2 =	sshll.u32 s25, $0x1;
	[dreg:$0x2] =	wrdreg s0  }
0xa6: {  	[dreg:$0x3] =	wrdreg s2  }
0xa7: {  	[dreg:$0x4] =	wrdreg $0xC0  }
0xa8: {  	_ =	task [dreg:s4], $0x5FFFF  }
0xa9: {  	[dreg:$0x1] =	wrdreg $0xFFFFFFFF  }
0xaa: {  	[dreg:$0x0] =	wrdreg $0x60  }
0xab: {  	[dreg:$0x2] =	wrdreg s22  }
0xac: {  	[dreg:$0x3] =	wrdreg $0x9  }
0xad: {  	_ =	task.clear_ibuf [dreg:s4], $0x4FFFF;
	_ =	strace $0x90000055  }
0xae: {  	s26 =	simm.s32 $0x9;
	_ =	strace $0x80000057  }
0xaf: {  	_ =	swait.ge [sflag:s26], $0x1  }
0xb0: {  	[sflag:s26] =	ssyncadd.s32 $0xFFFFFFFF  }
0xb1: {  	_ =	strace $0x90000057  }
0xb2: {  	_ =	sfence  }
0xb3: {  	s28 =	sld [smem:$0x0];
	_ =	sdelay $0x1  }
0xb4: {  	s29 =	srdreg.scid  }
0xb5: {  	s30 =	sshll.u32 s29, $0xD;
	s31 =	sshrl.u32 s29, $0x2  }
0xb6: {  	s1 =	sand.u32 $0x1, s29;
	s2 =	sand.u32 $0x4000, s30;
	s0 =	sadd.s32 s31, s28  }
0xb7: {  	s1 =	sor.u32 s2, s1;
	s0 =	sshll.u32 s0, $0x11  }
0xb8: {  	s0 =	sor.u32 s0, s1  }
0xb9: {  	s0 =	sadd.s32 $0x8F2B, s0  }
0xba: {  	[sflag:s0] =	ssyncadd.remote.s32 $0x1  }
0xbb: {  	_ =	sfence.sel $0xFFFF  }
0xbc: {  	[dreg:$0x0] =	wrdreg $0xFFFFFFFF;
	(pc) =	sbr.abs _section_cstart, $3  }
0xbd: {  	[dreg:$0x1] =	wrdreg $0xFFFFFFFF  }
0xbe: {  	_ =	task.clear_ibuf [dreg:s4], $0x2FFFF;
	_ =	strace $0x9FFFFFFF  }
0xbf: {  	(tm) =	ssettm $0x7FFFFFFF  }
tec
execute0_lowered:
.L_overlay_start_1:
0x0: {  	(tag) =	ssettag $0x1  }
0x1: {  	s0 =	rddreg [dreg:$0x0]  }
0x2: {  	s6 =	stileid.u32;
	_ =	strace $0x80000056;
	s2 =	simm.s32 $0x1  }
0x3: {  	v1 =	vimm.s32 $0xFFFFFFFF;
	s1 =	smul.u32 $0x3, s6;
	[sflag:s2] =	ssyncpa.u1 $0x0  }
0x4: {  	s3 =	smin.u32 s6, $0x7;
	[tilespmem:$0x10] =	vst v1  }
0x5: {  	v0 =	vimm.f32 $0.0e+00;
	[tilespmem:$0x20] =	vst v1;
	s1 =	sadd.s32 s3, s1  }
0x6: {  	p0 =	slt.u32 s6, $0x7;
	[tilespmem:$0x30] =	vst v0;
	s3 =	smul.u32 $0x1770, s1;
	s1 =	simm.s32 $0x5DC0  }
0x7: {  	[tilespmem:$0x40] =	vst v0;
	s1 =	simm.s32 @!p0 $0x4650  }
0x8: {  	[tilespmem:$0x50] =	vst v0;
	s1 =	sadd.s32 s1, s3  }
0x9: {  	[tilespmem:$0x60] =	vst v1;
	s4 =	smin.u32 s1, $0x50910  }
0xa: {  	s7 =	simm.s32 $0x2;
	[tilespmem:$0x70] =	vst v1;
	s9 =	ssub.s32 s4, s3  }
0xb: {  	s8 =	simm.s32 $0x8;
	s31 =	simm.s32 $0x9;
	[tilespmem:$0x80] =	vst v1;
	p0 =	sgt.s32 s9, $0x0  }
0xc: {  	s16 =	simm.s32 $0x0;
	s17 =	simm.s32 $0xF0;
	v1 =	vimm.s32 $0x0;
	[tilespmem:$0xB0] =	vst v0;
	s9 =	simm.s32 @!p0 $0x0  }
0xd: {  	s18 =	simm.s32 $0xFFFFFFFF;
	s19 =	simm.s32 $0xFFFFD220;
	[tilespmem:$0x90] =	vst v1;
	s5 =	smulhi.u32 $0x57619F1, s9  }
0xe: {  	s20 =	simm.s32 $0xFFFFFFFE;
	[tilespmem:$0xA0] =	vst v1;
	[sflag:s7] =	ssyncpa.u1 $0x0;
	s7 =	simm.s32 $0x7  }
0xf: {  	s21 =	simm.s32 $0xF;
	[sflag:s7] =	ssyncpa.u1 $0x0;
	s10 =	sshrl.u32 s5, $0x7  }
0x10: {  	s25 =	simm.s32 $0x0;
	[sflag:s8] =	ssyncpa.u1 $0x0;
	s11 =	smul.u32 $0x1770, s10  }
0x11: {  	s24 =	simm.s32 $0x0;
	s14 =	sshllo.u32 s6, $0x1;
	[sflag:s31] =	ssyncpa.u1 $0x0  }
.Ltmp0:
0x12: {  	s1 =	sadd.s32 $0xCD2200, s0;
	p0 =	sne.s32 s9, s11;
	(pc) =	sbr.rel .LBB2_1-.Ltmp0, $4  }
0x13: {  	s5 =	sadd.s32 $0x14400, s0;
	s0 =	sadd.s32 $0x1E600, s0;
	s2 =	simm.s32 @!p0 $0x0  }
0x14: {  	s23 =	smov.u32 s3;
	[dreg:$0x2] =	wrdreg s0;
	s9 =	sadd.s32 s2, s10  }
0x15: {  	vm0 =	vmmov $0xffff;
	v2 =	vlaneseq.u32;
	p0 =	por $0x0, $0x0;
	s10 =	sshll.u32 s6, $0x1;
	s11 =	sadd.s32 $0x1, s9  }
0x16: {  	vm1 =	vmxor vm1, vm1;
	vm2 =	vmmov $0x1;
	vm3 =	vcmask $0x3F3C;
	s12 =	sadd.s32 $0x2, s9;
	s13 =	sor.u32 $0x81, s10;
	s15 =	sor.u32 $0x80, s10  }
.LBB2_9:
0x17: {  	p1 =	slt.u32 s24, $0x3  }
0x18: {  	s0 =	simm.s32 @!p1 $0x2  }
0x19: {  	_ =	swait.ge @!p1 [sflag:s0], $0x1770  }
0x1a: {  	[sflag:s0] =	ssyncset.done @!p1 $0x0  }
0x1b: {  	[sflag:s0] =	ssyncadd.s32 @!p1 $0xFFFFE890;
	s0 =	simm.s32 @!p1 $0x9  }
0x1c: {  	_ =	swait.ge @!p1 [sflag:s0], $0x10  }
0x1d: {  	[sflag:s0] =	ssyncset.done @!p1 $0x0  }
0x1e: {  	[sflag:s0] =	ssyncadd.s32 @!p1 $0xFFFFFFF0;
	p1 =	sne.s32 s24, s12  }
.Ltmp1:
0x1f: {  	s2 =	sadd.s32 $0x1770, s23;
	(pc) =	sbr.rel @!p1 .LBB2_10-.Ltmp1, $4  }
0x20: {  	s6 =	smov.u32 s3;
	s31 =	sadd.s32 $0x1, s24;
	s17 =	sadd.s32 $0x1770, s17  }
0x21: {  	s18 =	sadd.s32 $0x1, s18;
	s25 =	smov.u32 s23;
	p2 =	slt.s32 s2, s4  }
0x22: {  	p0 =	por !p0, !p0;
	s19 =	sadd.s32 $0x1770, s19;
	s6 =	smov.u32 @p2 s2  }
0x23: {  	s20 =	sadd.s32 $0x1, s20;
	s23 =	smov.u32 s6;
	s24 =	smov.u32 s31  }
.LBB2_1:
0x24: {  	p1 =	sge.u32 s24, s9  }
0x25: {  	s0 =	smulhi.u32 @!p1 $0xAAAAAAAB, s24;
	_ =	sdelay $0x1  }
0x26: {  	s0 =	sshrl.u32 @!p1 s0, $0x1  }
0x27: {  	s0 =	smul.u32 @!p1 $0x3, s0;
	_ =	sdelay $0x1  }
0x28: {  	s0 =	ssub.s32 @!p1 s24, s0  }
0x29: {  	s0 =	smul.u32 @!p1 $0x5DC0, s0;
	_ =	sdelay $0x1  }
0x2a: {  	s2 =	sshrl.u32 @!p1 s23, $0x3;
	s0 =	sshrl.u32 @!p1 s0, $0x2  }
0x2b: {  	s22 =	sand.u32 @!p1 $0x7, s23;
	s2 =	sadd.s32 @!p1 s5, s2;
	s0 =	sadd.s32 @!p1 $0x100, s0  }
0x2c: {  	[tilespmem:s0], [sflag:$0x7] =	stream.linear.gather @!p1 [hbm4b:s2+s22], $0x1770, $0x38;
	[tilespmem:$0xD410] =	vst v63  }
0x2d: {  	s0 =	sadd.s32 $0xFFFFFFFF, s24  }
0x2e: {  	p1 =	sge.u32 s0, s9  }
.Ltmp2:
0x2f: {  	_ = 	snop;
	(pc) =	sbr.rel @p1 .LBB2_5-.Ltmp2, $1  }
0x30: {  	_ =	sdelay $0x3  }
0x31: {  	s2 =	smulhi.u32 $0xAAAAAAAB, s0;
	_ =	sdelay $0x1  }
0x32: {  	s2 =	sshrl.u32 s2, $0x1  }
0x33: {  	s2 =	smul.u32 $0x3, s2;
	_ =	sdelay $0x1  }
0x34: {  	s2 =	ssub.s32 s0, s2  }
0x35: {  	s2 =	smul.u32 $0x5DC0, s2  }
0x36: {  	_ =	swait.ge [sflag:s7], $0x1770  }
0x37: {  	[sflag:s7] =	ssyncset.done $0x0;
	s2 =	sshrl.u32 s2, $0x2  }
0x38: {  	[sflag:s7] =	ssyncadd.s32 $0xFFFFE890;
	(ifvalue) =	ssetifvalue $0xFFFFFFFF;
	v3 =	vld.msk [tilespmem:s2+$0x100 ss:$0x1], $0xffff;
	_ =	sdelay $0x2  }
0x39: {  	s30 =	smulhi.u32 $0xAAAAAAAB, s18;
	p1 =	sne.s32 s24, $0x1  }
0x3a: {  	v4 =	vimm.s32 @!p1 $0x0  }
0x3b: {  	s2 =	sshrl.u32 s30, $0x1;
	v4 =	vperm.xlane @!p1 v3, v4  }
0x3c: {  	s22 =	sshll.u32 s24, $0x4;
	s2 =	smul.u32 $0xFFFEE6C0, s2;
	vm4 =	vlt.u32 v3, $0x3340000  }
0x3d: {  	s22 =	sand.u32 $0x10, s22;
	v3 =	vnsel vm4, $0xFFFFFFFE, v3;
	vm4 =	vlt.u32 @!p1 v4, $0x3340000  }
0x3e: {  	s2 =	sshra.s32 s2, $0x2;
	[tilespmem:s22+$0x60] =	vst v3;
	v3 =	vnsel @!p1 vm4, $0xFFFFFFFE, v4  }
0x3f: {  	s28 =	sadd.s32 s2, s17;
	[tilespmem:$0x80] =	vst @!p1 v3  }
0x40: {  	v3 =	vld.msk [tilespmem:s28+$0x0 ss:$0x1], $0xffff;
	_ =	sdelay $0x4  }
0x41: {  	(xrf1) =	vunique.msk.u32 $0xffff, v3;
	_ =	sdelay $0xd  }
0x42: {  	v4 =	vimm.s32 $0xFFFFFFFF;
	v5, _, _ =	vpop (xrf1)  }
0x43: {  	vm5 =	vne.s32 v3, v4;
	vm4 =	veq.s32 v5, v2  }
0x44: {  	vm6 =	vlt.u32 v3, $0x3340000;
	vm4 =	vmand vm5, vm4  }
0x45: {  	vm4 =	vmand vm6, vm4  }
0x46: {  	v4 =	vnsel vm4, $0xFFFFFFFF, v3  }
0x47: {  	s31 =	sand.u32 $0x1, s0  }
0x48: {  	s0 =	simm.s32 $0x1770;
	p1 =	seq.s32 s31, $0x1  }
0x49: {  	s0 =	simm.s32 @!p1 $0x0  }
0x4a: {  	s26 =	sadd.s32 $0x5EB0, s0;
	(ifvalue) =	ssetifvalue $0xFFFFFFFF  }
0x4b: {  	v3 =	vperm.xlane v3, v1;
	[tilespmem:s26], [sflag:$0x8] =	stream.indirect_vreg.gather [hbm4b:s1+s16], $0x1, v4, vm0, $0x4038;
	v4 =	vnsel vm6, $0xFFFFFFFE, v4;
	[tilespmem:$0xD410] =	vst v63  }
0x4c: {  	s2 =	simm.s32 $0x0;
	s22 =	sadd.s32 $0xFFFFFFF0, s28;
	[tilespmem:s28+$0x0] =	vst v4  }
.LBB2_3:
0x4d: {  	v4 =	vld.msk [tilespmem:s22+$0x0 ss:$0x1], $0xffff;
	s2 =	sadd.s32 $0x10, s2;
	v5 =	vmov v3;
	s28 =	smov.u32 s22  }
0x4e: {  	p1 =	slt.u32 s2, $0x1760;
	_ =	sdelay $0x4  }
0x4f: {  	v3 =	vperm.xlane v4, v1;
	(xrf1) =	vunique.msk.u32 $0xffff, v4;
	_ =	sdelay $0xd  }
0x50: {  	v6, _, _ =	vpop (xrf1)  }
0x51: {  	vm5 =	vne.s32 v4, v5;
	vm4 =	veq.s32 v6, v2  }
0x52: {  	vm6 =	vlt.u32 v4, $0x3340000;
	vm4 =	vmand vm5, vm4  }
0x53: {  	vm4 =	vmand vm6, vm4  }
0x54: {  	v4 =	vnsel vm4, $0xFFFFFFFF, v4  }
.Ltmp3:
0x55: {  	v5 =	vnsel vm6, $0xFFFFFFFE, v4;
	(pc) =	sbr.rel @p1 .LBB2_3-.Ltmp3, $3  }
0x56: {  	_ =	sdelay $0x1  }
0x57: {  	s22 =	sadd.s32 $0xFFFFFFF0, s22;
	s26 =	sadd.s32 $0xFFFFFFF0, s26;
	(ifvalue) =	ssetifvalue $0xFFFFFFFF  }
0x58: {  	[tilespmem:s26], [sflag:$0x8] =	stream.indirect_vreg.gather [hbm4b:s1+s16], $0x1, v4, vm0, $0x4038;
	[tilespmem:s28+$0x0] =	vst v5  }
0x59: {  	s2 =	sshrl.u32 s25, $0x3;
	s6 =	rddreg [dreg:$0x2]  }
0x5a: {  	s0 =	sadd.s32 $0x7630, s0;
	s2 =	sadd.s32 s6, s2  }
0x5b: {  	[tilespmem:s0], [sflag:$0x8] =	stream.linear.gather [hbm:s2], $0x1770, $0x38;
	[tilespmem:$0xD410] =	vst v63  }
.LBB2_5:
0x5c: {  	p1 =	slt.u32 s24, $0x2  }
0x5d: {  	p2 =	sge.u32 @!p1 s24, s12  }
0x5e: {  	p1 =	por p1, p2  }
.Ltmp4:
0x5f: {  	_ = 	snop;
	(pc) =	sbr.rel @p1 .LBB2_9-.Ltmp4, $1  }
0x60: {  	_ =	sdelay $0x3  }
0x61: {  	s0 =	sadd.s32 $0xFFFFFFFE, s24  }
0x62: {  	s2 =	smulhi.u32 $0xAAAAAAAB, s0;
	_ =	sdelay $0x1  }
0x63: {  	s2 =	sshrl.u32 s2, $0x1  }
0x64: {  	s2 =	smul.u32 $0x3, s2;
	_ =	sdelay $0x1  }
0x65: {  	s0 =	ssub.s32 s0, s2  }
0x66: {  	_ =	swait.ge [sflag:s8], $0x2EE0;
	s0 =	smul.u32 $0x1770, s0  }
0x67: {  	p1 =	sne.s32 s24, s11;
	[sflag:s8] =	ssyncset.done $0x0  }
0x68: {  	[sflag:s8] =	ssyncadd.s32 $0xFFFFD120;
	s2 =	sadd.s32 @!p1 $0x186F, s0  }
0x69: {  	[spmem:s13] =	stream.linear.scatter @!p1 [tilespmem:s2], [sflag:$0x1], $0x1, $0x38;
	[tilespmem:$0xD410] =	vst v63  }
0x6a: {  	s2 =	simm.s32 @!p1 $0x1  }
0x6b: {  	_ =	swait.ge @!p1 [sflag:s2], $0x1  }
0x6c: {  	s22 =	sshll.u32 s24, $0x4;
	[sflag:s2] =	ssyncset.done @!p1 $0x0  }
0x6d: {  	s25 =	sand.u32 $0x10, s22;
	[sflag:s2] =	ssyncadd.s32 @!p1 $0xFFFFFFFF  }
0x6e: {  	s2 =	sxor.u32 $0x10, s25;
	v4 =	vld [tilespmem:s25+$0x10]  }
0x6f: {  	v5 =	vld [tilespmem:s2+$0x60]  }
0x70: {  	v3 =	vld [tilespmem:$0x80];
	_ =	sdelay $0x2  }
0x71: {  	(v2sf) =	vpush v4, $0x0  }
0x72: {  	(v2sf) =	vpush v5, $0x0  }
0x73: {  	(v2sf) =	vpush v3, $0x0;
	_ =	sdelay $0xc  }
0x74: {  	s6 =	spop (v2sf)  }
0x75: {  	s28 =	spop (v2sf)  }
0x76: {  	s26 =	spop (v2sf)  }
0x77: {  	p2 =	seq.s32 s6, s28;
	p3 =	seq.s32 s26, s6  }
0x78: {  	p3 =	por p2, p3  }
0x79: {  	s6 =	sand.u32 $0x1, s24;
	v4 =	vpsel p3, $0xFFFFFFFF, v4  }
0x7a: {  	s28 =	smul.u32 $0x1770, s6;
	[tilespmem:s25+$0x10] =	vst.msk $0x1, v4  }
0x7b: {  	v4 =	vld [tilespmem:$0x30]  }
0x7c: {  	v5 =	vld [tilespmem:s28+$0x7630]  }
0x7d: {  	v6 =	vld [tilespmem:s25+$0x40];
	_ =	sdelay $0x3  }
0x7e: {  	vm4 =	vmmov vm1;
	v5 =	vadd.f32 v5, v4  }
0x7f: {  	vm5 =	vmmov vm2;
	vm4 =	vmmov @p2 vm2;
	v4 =	vadd.f32 v6, v4  }
0x80: {  	s22 =	sshll.u32 s6, $0x4;
	vm5 =	vmmov @p3 vm1;
	[tilespmem:s28+$0x7630] =	vst.msk vm4, v5  }
0x81: {  	[tilespmem:s22+$0xD3F0] =	vst.msk vm5, v4  }
0x82: {  	v4 =	vld [tilespmem:s28+$0x5EB0];
	_ =	sdelay $0x3  }
0x83: {  	v5 =	vimm.f32 $0.0e+00  }
0x84: {  	v4 =	vshift.insert v4, v5, s21  }
0x85: {  	s29 =	sor.u32 $0x40, s2  }
0x86: {  	[tilespmem:s29+$0x0] =	vst.msk $0x1, v4  }
0x87: {  	[tilespmem:s28+$0x5EBF] =	vst.msk $0x1, v5  }
0x88: {  	v4 =	vld [tilespmem:s0+$0x1860];
	_ =	sdelay $0x1  }
0x89: {  	s29 =	smulhi.u32 $0xAAAAAAAB, s20;
	s0 =	simm.s32 $0x1  }
0x8a: {  	s0 =	simm.s32 @!p0 $0x0  }
0x8b: {  	s29 =	sshrl.u32 s29, $0x1;
	s0 =	smul.u32 $0x5DC0, s0  }
0x8c: {  	s29 =	smul.u32 $0xFFFEE6C0, s29;
	v4 =	vshift.insert v4, v1, s21  }
0x8d: {  	s0 =	sshrl.u32 s0, $0x2  }
0x8e: {  	s29 =	sshra.s32 s29, $0x2;
	s30 =	sadd.s32 $0x7630, s0;
	[tilespmem:s2+$0x10] =	vst.msk $0x1, v4  }
0x8f: {  	s6 =	sadd.s32 s29, s19;
	v6 =	vld [tilespmem:s30+$0x0]  }
0x90: {  	v7 =	vld [tilespmem:s6+$0x0];
	_ =	sdelay $0x3  }
0x91: {  	v5 =	vadd.f32 v6, v5  }
0x92: {  	vm4 =	vne.s32 v7, $0xFFFFFFFF  }
0x93: {  	(xrf2) =	vadd.seg.scan.f32 vm4, v5;
	_ =	sdelay $0x3  }
0x94: {  	s31 =	sadd.s32 $0x4750, s0;
	v5 =	vperm.xlane v4, v1  }
0x95: {  	v6 =	vld [tilespmem:s31+$0x0]  }
0x96: {  	vm5 =	veq.s32 v7, v3;
	vm6 =	veq.s32 v7, v5  }
0x97: {  	vm7 =	vgt.u32 v7, $0xFFFFFFFD;
	vm6 =	vmor vm6, vm5  }
0x98: {  	vm6 =	vmor vm6, vm7  }
0x99: {  	v9 =	vld [tilespmem:$0xA0];
	v7 =	vsel vm6, $0xFFFFFFFF, v7  }
0x9a: {  	v10 =	vld [tilespmem:$0x90];
	v6 =	vsel vm5, $0x0, v6;
	v8, _, _ =	vpop (xrf2)  }
0x9b: {  	v6 =	vadd.f32 v8, v6  }
0x9c: {  	s0 =	sadd.s32 $0xA510, s0  }
0x9d: {  	vm4 =	vmand vm4, vm3;
	[tilespmem:s0+$0x0] =	vst v6;
	(ifvalue) =	ssetifvalue $0xFFFFFFFF  }
0x9e: {  	vm6 =	veq.s32 v9, $0x1;
	[hbm4b:s1+s16] =	stream.indirect_vreg.scatter [tilespmem:s0], [sflag:$0x2], $0x1, v7, vm0, $0x4038;
	v7 =	vsel vm4, $0x0, v8;
	[tilespmem:$0xD410] =	vst v63  }
0x9f: {  	s29 =	sadd.s32 $0xD3F0, s22;
	s22 =	sadd.s32 $0x10, s6;
	s2 =	simm.s32 $0x0;
	vm4 =	vmor vm6, vm5;
	v6 =	vsel vm5, v8, v10;
	v7 =	vshift.insert v7, v0, s21  }
.LBB2_7:
0xa0: {  	v8 =	vld [tilespmem:s22+$0x0];
	s30 =	sadd.s32 $0x10, s30  }
0xa1: {  	s31 =	sadd.s32 $0x10, s31;
	v9 =	vld [tilespmem:s30+$0x0]  }
0xa2: {  	s2 =	sadd.s32 $0x10, s2;
	v10 =	vld [tilespmem:s31+$0x0]  }
0xa3: {  	p2 =	slt.u32 s2, $0x1760;
	_ =	sdelay $0x2  }
0xa4: {  	v7 =	vadd.f32 v9, v7  }
0xa5: {  	vm5 =	vne.s32 v8, $0xFFFFFFFF  }
0xa6: {  	vm6 =	vmand vm5, vm3;
	(xrf2) =	vadd.seg.scan.f32 vm5, v7;
	_ =	sdelay $0x5  }
0xa7: {  	vm7 =	veq.s32 v8, v5;
	vm5 =	veq.s32 v8, v3  }
0xa8: {  	vm8 =	vgt.u32 v8, $0xFFFFFFFD;
	vm4 =	vmor vm4, vm5;
	vm7 =	vmor vm7, vm5  }
0xa9: {  	vm7 =	vmor vm7, vm8  }
0xaa: {  	v8 =	vsel vm7, $0xFFFFFFFF, v8  }
.Ltmp5:
0xab: {  	v7 =	vsel vm5, $0x0, v10;
	v9, _, _ =	vpop (xrf2);
	(pc) =	sbr.rel @p2 .LBB2_7-.Ltmp5, $4  }
0xac: {  	v6 =	vsel vm5, v9, v6;
	v10 =	vadd.f32 v9, v7;
	v7 =	vsel vm6, $0x0, v9  }
0xad: {  	s0 =	sadd.s32 $0x10, s0;
	v7 =	vshift.insert v7, v0, s21  }
0xae: {  	s22 =	sadd.s32 $0x10, s22;
	[tilespmem:s0+$0x0] =	vst v10;
	(ifvalue) =	ssetifvalue $0xFFFFFFFF  }
0xaf: {  	[hbm4b:s1+s16] =	stream.indirect_vreg.scatter [tilespmem:s0], [sflag:$0x2], $0x1, v8, vm0, $0x4038;
	[tilespmem:$0xD410] =	vst v63  }
0xb0: {  	v3 =	vld [tilespmem:s28+$0xBC70];
	_ =	sdelay $0x4  }
0xb1: {  	v3 =	vshift.insert v3, v0, s21  }
0xb2: {  	s0 =	simm.s32 $0x30  }
0xb3: {  	[tilespmem:s0+$0x0] =	vst.msk $0x1, v3  }
0xb4: {  	v3 =	vsel vm4, $0x1, v1;
	[tilespmem:$0x90] =	vst v6  }
0xb5: {  	s0 =	sadd.s32 @!p1 $0xBC7F, s28;
	[tilespmem:$0xA0] =	vst v3  }
0xb6: {  	[spmem:s14] =	stream.linear.scatter @!p1 [tilespmem:s0], [sflag:$0x1], $0x1, $0x38;
	[tilespmem:$0xD410] =	vst v63  }
0xb7: {  	s0 =	simm.s32 @!p1 $0x1  }
0xb8: {  	v3 =	vmctz.xlane @!p1 vm4;
	_ =	swait.ge @!p1 [sflag:s0], $0x1  }
0xb9: {  	(v2sf) =	vpush @!p1 v4, $0x0  }
0xba: {  	(v2sf) =	vpush @!p1 v3, $0x0;
	_ =	sdelay $0xd  }
0xbb: {  	s2 =	spop @!p1 (v2sf)  }
0xbc: {  	s6 =	spop @!p1 (v2sf)  }
0xbd: {  	p2 =	sne.s32 @!p1 s26, s2;
	p3 =	slt.s32 @!p1 s6, $0xF  }
0xbe: {  	[sflag:s0] =	ssyncset.done @!p1 $0x0;
	p2 =	por p2, p1;
	p3 =	por !p3, p1  }
0xbf: {  	[sflag:s0] =	ssyncadd.s32 @!p1 $0xFFFFFFFF;
	v3 =	vimm.s32 @!p2 $0xFFFFFFFF;
	s6 =	simm.s32 @p3 $0xF  }
0xc0: {  	[tilespmem:$0x80] =	vst @!p2 v3;
	s2 =	sadd.s32 @!p1 $0x90, s6  }
0xc1: {  	[spmem:s10] =	stream.linear.scatter @!p1 [tilespmem:s2], [sflag:$0x1], $0x1, $0x38;
	[tilespmem:$0xD410] =	vst v63  }
0xc2: {  	_ =	swait.ge @!p1 [sflag:s0], $0x1  }
0xc3: {  	[sflag:s0] =	ssyncset.done @!p1 $0x0  }
0xc4: {  	s2 =	simm.s32 @!p1 $0x80;
	[sflag:s0] =	ssyncadd.s32 @!p1 $0xFFFFFFFF  }
0xc5: {  	[spmem:s15] =	stream.linear.scatter @!p1 [tilespmem:s2], [sflag:$0x1], $0x1, $0x38;
	[tilespmem:$0xD410] =	vst v63  }
0xc6: {  	_ =	swait.ge @!p1 [sflag:s0], $0x1  }
0xc7: {  	[sflag:s0] =	ssyncset.done @!p1 $0x0  }
0xc8: {  	[sflag:s0] =	ssyncadd.s32 @!p1 $0xFFFFFFFF;
	(ifvalue) =	ssetifvalue $0xFFFFFFFF;
	v3 =	vld [tilespmem:s25+$0x10];
	_ =	sdelay $0x3  }
.Ltmp6:
0xc9: {  	_ = 	snop;
	(pc) =	sbr.rel .LBB2_9-.Ltmp6, $3  }
0xca: {  	_ =	sdelay $0x1  }
0xcb: {  	(ifvalue) =	ssetifvalue $0xFFFFFFFF  }
0xcc: {  	[hbm4b:s1+s16] =	stream.indirect_vreg.scatter [tilespmem:s29], [sflag:$0x9], $0x1, v3, vm0, $0x4038;
	[tilespmem:$0xD410] =	vst v63  }
.LBB2_10:
0xcd: {  	_ =	sfence.sel $0x180000  }
0xce: {  	s0 =	simm.s32 $0x7;
	[bflag:$0x0] =	sbarrier.arrive $0xFFFF  }
0xcf: {  	s26 =	simm.s32 $0x8;
	[sflag:s0] =	ssyncpa.u1 $0x1  }
0xd0: {  	s28 =	simm.s32 $0x9;
	[sflag:s26] =	ssyncpa.u1 $0x1  }
0xd1: {  	[sflag:s28] =	ssyncpa.u1 $0x1  }
0xd2: {  	_ =	sfence.stream.spmem  }
0xd3: {  	s29 =	simm.s32 $0x3;
	[bflag:$0x0] =	sbarrier.arrive $0xFFFF  }
0xd4: {  	s30 =	simm.s32 $0x4;
	[sflag:s29] =	ssyncpa.u1 $0x1  }
0xd5: {  	s31 =	simm.s32 $0x3C;
	s2 =	stileid.u32;
	[sflag:s30] =	ssyncpa.u1 $0x1  }
0xd6: {  	p0 =	sne.s32 s2, $0x0;
	[sflag:s31] =	ssyncpa.u1 $0x1  }
0xd7: {  	s0 =	simm.s32 @p0 $0x1;
	_ =	sfence @p0  }
0xd8: {  	[sflag:s0] =	ssyncpa.u1 @p0 $0x1;
	s0 =	simm.s32 @p0 $0x2  }
0xd9: {  	[sflag:s0] =	ssyncpa.u1 @p0 $0x1  }
0xda: {  	_ =	strace @p0 $0x90000056  }
0xdb: {  	[bflag:$0x2] =	sbarrier.arrive @p0 $0xFFFF  }
0xdc: {  	_ =	shalt @p0  }
.LBB2_11:
0xdd: {  	_ =	sfence.stream.spmem;
	s0 =	simm.s32 $0x5  }
0xde: {  	s2 =	simm.s32 $0x80;
	s3 =	simm.s32 $0xC0;
	[sflag:s0] =	ssyncpa.u1 $0x0  }
0xdf: {  	[tilespmem:s3], [sflag:$0x5] =	stream.linear.gather [spmem:s2], $0x20, $0x38;
	[tilespmem:$0xD410] =	vst v63  }
0xe0: {  	s2 =	simm.s32 $0x0;
	s3 =	simm.s32 $0xE0  }
0xe1: {  	[tilespmem:s3], [sflag:$0x5] =	stream.linear.gather [spmem:s2], $0x20, $0x38;
	[tilespmem:$0xD410] =	vst v63  }
.Ltmp7:
0xe2: {  	_ = 	snop;
	(pc) =	sbr.rel .LBB2_12-.Ltmp7, $4  }
0xe3: {  	_ =	swait.ge [sflag:s0], $0x40  }
0xe4: {  	[sflag:s0] =	ssyncset.done $0x0  }
0xe5: {  	s31 =	simm.s32 $0x6;
	[sflag:s0] =	ssyncadd.s32 $0xFFFFFFC0  }
0xe6: {  	s4 =	simm.s32 $0x0;
	[sflag:s31] =	ssyncpa.u1 $0x0  }
.LBB2_17:
0xe7: {  	p0 =	sgt.u32 s5, $0x333FFFF  }
0xe8: {  	s0 =	sshrl.u32 @!p0 s5, $0x3  }
0xe9: {  	s5 =	sand.u32 @!p0 $0x7, s5;
	s6 =	simm.s32 @!p0 $0xB0;
	s0 =	sadd.s32 @!p0 s1, s0  }
0xea: {  	[tilespmem:s6], [sflag:$0x6] =	stream.linear.gather @!p0 [hbm4b:s0+s5], $0x1, $0x38;
	[tilespmem:$0xD410] =	vst v63  }
0xeb: {  	s0 =	simm.s32 @!p0 $0x6  }
0xec: {  	_ =	swait.ge @!p0 [sflag:s0], $0x1  }
0xed: {  	[sflag:s0] =	ssyncset.done @!p0 $0x0  }
0xee: {  	[sflag:s0] =	ssyncadd.s32 @!p0 $0xFFFFFFFF  }
0xef: {  	v2 =	vmov @!p0 s4;
	v1 =	vld.msk @!p0 [tilespmem:$0xB0], $0x1;
	_ =	sdelay $0x3  }
0xf0: {  	s0 =	simm.s32 @!p0 $0xE0  }
0xf1: {  	[tilespmem:v2+s0+$0x0], v1 =	vst.idx.ret.add.f32.msk @!p0 $0x1, v1  }
0xf2: {  	[tilespmem:s2+$0xC0] =	vst.msk $0x1, v0  }
0xf3: {  	v0 =	vld.msk [tilespmem:s4+$0xE0], $0x1;
	_ =	sdelay $0x4  }
0xf4: {  	[tilespmem:s2+$0xE0] =	vst.msk $0x1, v0;
	s2 =	sadd.s32 $0x1, s2  }
.LBB2_19:
0xf5: {  	s4 =	sadd.s32 $0x1, s4  }
0xf6: {  	p0 =	sne.s32 s4, $0x20  }
.Ltmp8:
0xf7: {  	_ = 	snop;
	(pc) =	sbr.rel @!p0 .LBB2_20-.Ltmp8, $1  }
0xf8: {  	_ =	sdelay $0x3  }
.LBB2_12:
0xf9: {  	v0 =	vld.msk [tilespmem:s4+$0xC0], $0x1;
	_ =	sdelay $0x4  }
0xfa: {  	(v2sf) =	vpush v0, $0x0;
	_ =	sdelay $0xe  }
0xfb: {  	s5 =	spop (v2sf)  }
0xfc: {  	p0 =	seq.s32 s5, $0xFFFFFFFF  }
.Ltmp9:
0xfd: {  	_ = 	snop;
	(pc) =	sbr.rel @p0 .LBB2_19-.Ltmp9, $1  }
0xfe: {  	_ =	sdelay $0x3  }
0xff: {  	p0 =	slt.s32 s2, $0x1  }
.Ltmp10:
0x100: {  	_ = 	snop;
	(pc) =	sbr.rel @p0 .LBB2_17-.Ltmp10, $1  }
0x101: {  	_ =	sdelay $0x3  }
0x102: {  	s0 =	simm.s32 $0xC0;
	p0 =	por $0x0, $0x0  }
0x103: {  	v1 =	vld.msk @!p0 [tilespmem:s0+$0x0], $0x1;
	_ =	sdelay $0x4  }
0x104: {  	(v2sf) =	vpush @!p0 v1, $0x0;
	_ =	sdelay $0xd  }
0x105: {  	p2 =	sne.s32 s2, $0x1  }
.Ltmp11:
0x106: {  	s6 =	spop @!p0 (v2sf);
	(pc) =	sbr.rel @!p2 .LBB2_16-.Ltmp11, $4  }
0x107: {  	p1 =	seq.s32 @!p0 s5, s6  }
0x108: {  	s6 =	simm.s32 $0x0;
	p1 =	por !p1, p0  }
0x109: {  	s8 =	simm.s32 $0xFFFFFFFF;
	s6 =	simm.s32 @p1 $0xFFFFFFFF  }
0x10a: {  	s7 =	simm.s32 $0x1;
	s6 =	smov.u32 @p0 s8  }
.LBB2_15:
0x10b: {  	s8 =	smov.u32 s6;
	p0 =	sne.s32 s6, $0xFFFFFFFF  }
0x10c: {  	s0 =	sadd.s32 $0x1, s0;
	s6 =	smov.u32 s7;
	s7 =	sadd.s32 $0x1, s7  }
0x10d: {  	p1 =	sne.s32 s2, s7;
	v1 =	vld.msk @!p0 [tilespmem:s0+$0x0], $0x1;
	_ =	sdelay $0x4  }
0x10e: {  	(v2sf) =	vpush @!p0 v1, $0x0;
	_ =	sdelay $0xe  }
.Ltmp12:
0x10f: {  	s9 =	spop @!p0 (v2sf);
	(pc) =	sbr.rel @p1 .LBB2_15-.Ltmp12, $4  }
0x110: {  	p2 =	seq.s32 @!p0 s5, s9  }
0x111: {  	p2 =	por !p2, p0  }
0x112: {  	s6 =	simm.s32 @p2 $0xFFFFFFFF  }
0x113: {  	s6 =	smov.u32 @p0 s8  }
.LBB2_16:
0x114: {  	p0 =	sne.s32 s6, $0xFFFFFFFF  }
.Ltmp13:
0x115: {  	_ = 	snop;
	(pc) =	sbr.rel @!p0 .LBB2_17-.Ltmp13, $1  }
0x116: {  	_ =	sdelay $0x3  }
0x117: {  	v0 =	vld.msk [tilespmem:s4+$0xE0], $0x1;
	v1 =	vmov s6  }
.Ltmp14:
0x118: {  	_ = 	snop;
	(pc) =	sbr.rel .LBB2_19-.Ltmp14, $2  }
0x119: {  	_ =	sdelay $0x2  }
0x11a: {  	[tilespmem:v1+s3+$0x0], v0 =	vst.idx.ret.add.f32.msk $0x1, v0  }
.LBB2_20:
0x11b: {  	p0 =	slt.s32 s2, $0x1  }
.Ltmp15:
0x11c: {  	_ = 	snop;
	(pc) =	sbr.rel @p0 .LBB2_24-.Ltmp15, $3  }
0x11d: {  	_ =	sdelay $0x1  }
0x11e: {  	s0 =	simm.s32 $0x6  }
0x11f: {  	s3 =	simm.s32 $0x0;
	[sflag:s0] =	ssyncpa.u1 $0x1  }
0x120: {  	s0 =	simm.s32 $0xC0  }
0x121: {  	v0 =	vld.msk [tilespmem:s0+$0x0], $0x1;
	_ =	sdelay $0x4  }
0x122: {  	(v2sf) =	vpush v0, $0x0;
	_ =	sdelay $0xe  }
0x123: {  	s2 =	sadd.s32 $0xFFFFFFFF, s2;
	s4 =	spop (v2sf)  }
0x124: {  	p1 =	sne.s32 s2, $0x0;
	p0 =	sgt.u32 s4, $0x333FFFF  }
.Ltmp16:
0x125: {  	s5 =	sshrl.u32 @!p0 s4, $0x3;
	(pc) =	sbr.rel @!p1 .LBB2_23-.Ltmp16, $4  }
0x126: {  	s0 =	simm.s32 $0xE0;
	s4 =	sand.u32 @!p0 $0x7, s4;
	s5 =	sadd.s32 @!p0 s1, s5  }
0x127: {  	[hbm4b:s5+s4] =	stream.linear.scatter @!p0 [tilespmem:s0], [sflag:$0x5], $0x1, $0x38;
	[tilespmem:$0xD410] =	vst v63  }
0x128: {  	s5 =	simm.s32 $0x0  }
0x129: {  	s4 =	simm.s32 $0xC1;
	s5 =	simm.s32 @!p0 $0x4  }
.LBB2_22:
0x12a: {  	v0 =	vld.msk [tilespmem:s4+$0x0], $0x1;
	s2 =	sadd.s32 $0xFFFFFFFF, s2;
	s3 =	sadd.s32 s3, s5  }
0x12b: {  	p0 =	sne.s32 s2, $0x0;
	_ =	sdelay $0x3  }
0x12c: {  	(v2sf) =	vpush v0, $0x0;
	_ =	sdelay $0xe  }
.Ltmp17:
0x12d: {  	s6 =	spop (v2sf);
	(pc) =	sbr.rel @p0 .LBB2_22-.Ltmp17, $4  }
0x12e: {  	s5 =	simm.s32 $0x0;
	p1 =	sgt.u32 s6, $0x333FFFF  }
0x12f: {  	s0 =	sadd.s32 $0x1, s0;
	s5 =	simm.s32 @!p1 $0x4;
	s7 =	sshrl.u32 @!p1 s6, $0x3  }
0x130: {  	s4 =	sadd.s32 $0x1, s4;
	s6 =	sand.u32 @!p1 $0x7, s6;
	s7 =	sadd.s32 @!p1 s1, s7  }
0x131: {  	[hbm4b:s7+s6] =	stream.linear.scatter @!p1 [tilespmem:s0], [sflag:$0x5], $0x1, $0x38;
	[tilespmem:$0xD410] =	vst v63  }
.LBB2_23:
0x132: {  	s0 =	sadd.s32 s3, s5  }
0x133: {  	s3 =	sshrl.u32 s0, $0x2  }
.LBB2_24:
0x134: {  	s0 =	simm.s32 $0x5  }
0x135: {  	_ =	swait.ge [sflag:s0], s3  }
0x136: {  	s1 =	ssub.s32 $0x0, s3;
	[sflag:s0] =	ssyncset.done $0x0  }
0x137: {  	[sflag:s0] =	ssyncadd.s32 s1  }
0x138: {  	[sflag:s0] =	ssyncpa.u1 $0x1  }
0x139: {  	s29 =	simm.s32 $0x1;
	_ =	sfence  }
0x13a: {  	s30 =	simm.s32 $0x2;
	[sflag:s29] =	ssyncpa.u1 $0x1  }
0x13b: {  	[sflag:s30] =	ssyncpa.u1 $0x1  }
0x13c: {  	_ =	strace $0x90000056  }
0x13d: {  	[bflag:$0x2] =	sbarrier.arrive $0xFFFF  }
0x13e: {  	s31 =	rddreg [dreg:$0x1]  }
0x13f: {  	s0 =	sadd.s32 $0x100000, s31  }
0x140: {  	[sflag:s0] =	ssyncadd.tile.s32 $0x1;
	_ =	shalt  }
.Lfunc_end2:
_tile_overlayer_lowered:
.L_overlay_start_2:
0x141: {  	(tag) =	ssettag $0x2  }
0x142: {  	s0 =	rddreg [dreg:$0x0];
	s2 =	stileid.u32  }
0x143: {  	s1 =	rddreg [dreg:$0x1];
	p0 =	sne.s32 s2, $0x0  }
0x144: {  	s3 =	rddreg [dreg:$0x2];
	[bflag:$0x3] =	sbarrier.arrive $0xFFFF;
	s2 =	simm.s32 @!p0 $0x1C01  }
0x145: {  	[timem:s3], [sflag:s2] =	dma.local @!p0 [hbm:s0], s1  }
0x146: {  	s0 =	simm.s32 @!p0 $0x1  }
0x147: {  	_ =	swait.ge @!p0 [sflag:s0], s1  }
0x148: {  	s1 =	ssub.s32 @!p0 $0x0, s1;
	[sflag:s0] =	ssyncset.done @!p0 $0x0  }
0x149: {  	[sflag:s0] =	ssyncadd.s32 @!p0 s1  }
0x14a: {  	[bflag:$0x3] =	sbarrier.arrive $0xFFFF  }
0x14b: {  	_ =	shalt  }

// kernel: scatter_offload_async_start.2
scs
__scs_entry_jumppad:
0x0: {  	(pc) =	sbr.rel $0x88, $3  }
0x1: {  	(tag) =	ssettag $0x0;
	lr =	simm.s32 $0x1  }
0x2: {  	[smem:$0x3F90] =	sst lr;
	_ =	strace $0xD0000000  }
0x3: {  	_ = 	snop  }
0x4: {  	_ = 	snop  }
0x5: {  	_ = 	snop  }
0x6: {  	_ = 	snop  }
0x7: {  	_ = 	snop  }
__scs_overlays_trampoline_lowered:
0x8: {  	[smem:$0x3F9F] =	sst s0  }
0x9: {  	[smem:$0x3FA0] =	sst s1  }
0xa: {  	[smem:$0x3FA1] =	sst s2  }
0xb: {  	[smem:$0x3FA2] =	sst s3  }
0xc: {  	[smem:$0x3FA3] =	sst s4  }
0xd: {  	[smem:$0x3FA4] =	sst s5  }
0xe: {  	[smem:$0x3FA5] =	sst s6  }
0xf: {  	[smem:$0x3FA6] =	sst s7  }
0x10: {  	[smem:$0x3FA7] =	sst s8  }
0x11: {  	[smem:$0x3FA8] =	sst s9;
	s0 =	simm.s32 @!p0 $0x0  }
0x12: {  	s1 =	sld [smem:$0x3F8E];
	s0 =	simm.s32 @p0 $0x1  }
0x13: {  	[smem:$0x3FA9] =	sst s0;
	s0 =	simm.s32 @!p1 $0x0  }
0x14: {  	s2 =	sld [smem:$0x3F8D];
	s0 =	simm.s32 @p1 $0x1  }
0x15: {  	[smem:$0x3FAA] =	sst s0;
	s0 =	simm.s32 @!p2 $0x0  }
0x16: {  	s3 =	sld [smem:$0x3FDB];
	s0 =	simm.s32 @p2 $0x1  }
0x17: {  	s4 =	simm.s32 $0x1BF5;
	[smem:$0x3FAC] =	sst s0  }
0x18: {  	s0 =	sld [smem:$0x3F8F];
	_ =	swait.ge [sflag:s4], $0x0  }
0x19: {  	s7 =	sld [smem:$0x3F90]  }
0x1a: {  	s8 =	sadd.s32 $0xFFFFE003, lr  }
0x1b: {  	s9 =	sadd.s32 $0xFFFFFEF7, lr;
	s5 =	simm.s32 $0xFFFFFFFF;
	p2 =	slt.u32 s8, $0xFFFFF086  }
0x1c: {  	p1 =	slt.u32 s9, $0xF7A;
	s5 =	simm.s32 @!p2 $0x0  }
0x1d: {  	s5 =	simm.s32 @p1 $0x1;
	p0 =	seq.s32 s7, s2  }
0x1e: {  	s7 =	smul.u32 @!p0 $0xF7A, s2;
	p2 =	seq.s32 @!p0 s5, $0x0  }
0x1f: {  	s9 =	smul.u32 $0xF7A, s1;
	s8 =	simm.s32 @!p0 $0x1BF5;
	p2 =	por !p2, p0  }
0x20: {  	[sflag:s8] =	ssyncset.s32 @!p0 $0xFFFFF086;
	s6 =	sadd.s32 @!p0 s3, s7;
	s7 =	simm.s32 @!p0 $0x108  }
0x21: {  	s3 =	sadd.s32 s3, s9;
	s6 =	sadd.s32 @!p0 $0x88, s6;
	s7 =	simm.s32 @p2 $0x1082  }
0x22: {  	[simem:s7], [sflag:s8] =	dma.local @!p0 [hbm:s6], $0xF7A  }
0x23: {  	s9 =	sor.u32 $0xD0000000, s2;
	s6 =	simm.s32 $0x108;
	_ =	swait.ge @!p0 [sflag:s8], $0x0  }
0x24: {  	s3 =	sadd.s32 $0x88, s3;
	s6 =	simm.s32 @!p1 $0x1082;
	[sflag:s4] =	ssyncset.s32 $0xFFFFF086  }
0x25: {  	[simem:s6], [sflag:s4] =	dma.local [hbm:s3], $0xF7A  }
0x26: {  	[smem:$0x3F90] =	sst s1;
	(tag) =	ssettag s2;
	_ =	strace s9  }
0x27: {  	s1 =	sld [smem:$0x3FA0]  }
0x28: {  	s2 =	sld [smem:$0x3FA1]  }
0x29: {  	s4 =	sld [smem:$0x3FA3]  }
0x2a: {  	p0 =	seq.s32 s5, $0x0;
	s5 =	sld [smem:$0x3FA4]  }
0x2b: {  	s6 =	sld [smem:$0x3FA5]  }
0x2c: {  	s7 =	sld [smem:$0x3FA6]  }
0x2d: {  	s3 =	simm.s32 $0x108;
	s8 =	sld [smem:$0x3FA7]  }
0x2e: {  	s3 =	simm.s32 @!p0 $0x1082;
	s9 =	sld [smem:$0x3FA8]  }
0x2f: {  	lr =	sadd.s32 s0, s3;
	s0 =	sld [smem:$0x3F9F]  }
0x30: {  	s3 =	sld [smem:$0x3FA2]  }
0x31: {  	[smem:$0x3FAB] =	sst s10  }
0x32: {  	s10 =	sld [smem:$0x3FA9];
	_ =	sdelay $0x3  }
0x33: {  	p0 =	seq.s32 s10, $0x1;
	s10 =	sld [smem:$0x3FAB];
	_ =	sdelay $0x3  }
0x34: {  	[smem:$0x3FAB] =	sst s10  }
0x35: {  	s10 =	sld [smem:$0x3FAA];
	_ =	sdelay $0x3  }
0x36: {  	p1 =	seq.s32 s10, $0x1;
	s10 =	sld [smem:$0x3FAB];
	_ =	sdelay $0x3  }
0x37: {  	[smem:$0x3FAB] =	sst s10  }
0x38: {  	s10 =	sld [smem:$0x3FAC]  }
0x39: {  	_ = 	snop;
	(pc) =	sbr.ind lr, $3  }
0x3a: {  	_ = 	snop  }
0x3b: {  	_ = 	snop  }
0x3c: {  	p2 =	seq.s32 s10, $0x1;
	s10 =	sld [smem:$0x3FAB]  }
0x3d: {  	_ =	shalt  }
0x3e: {  	_ =	shalt  }
0x3f: {  	_ =	shalt  }
0x40: {  	_ =	shalt  }
0x41: {  	_ =	shalt  }
0x42: {  	_ =	shalt  }
0x43: {  	_ =	shalt  }
0x44: {  	_ =	shalt  }
0x45: {  	_ =	shalt  }
0x46: {  	_ =	shalt  }
0x47: {  	_ =	shalt  }
0x48: {  	_ =	shalt  }
0x49: {  	_ =	shalt  }
0x4a: {  	_ =	shalt  }
0x4b: {  	_ =	shalt  }
0x4c: {  	_ =	shalt  }
0x4d: {  	_ =	shalt  }
0x4e: {  	_ =	shalt  }
0x4f: {  	_ =	shalt  }
0x50: {  	_ =	shalt  }
0x51: {  	_ =	shalt  }
0x52: {  	_ =	shalt  }
0x53: {  	_ =	shalt  }
0x54: {  	_ =	shalt  }
0x55: {  	_ =	shalt  }
0x56: {  	_ =	shalt  }
0x57: {  	_ =	shalt  }
0x58: {  	_ =	shalt  }
0x59: {  	_ =	shalt  }
0x5a: {  	_ =	shalt  }
0x5b: {  	_ =	shalt  }
0x5c: {  	_ =	shalt  }
0x5d: {  	_ =	shalt  }
0x5e: {  	_ =	shalt  }
0x5f: {  	_ =	shalt  }
0x60: {  	_ =	shalt  }
0x61: {  	_ =	shalt  }
0x62: {  	_ =	shalt  }
0x63: {  	_ =	shalt  }
0x64: {  	_ =	shalt  }
0x65: {  	_ =	shalt  }
0x66: {  	_ =	shalt  }
0x67: {  	_ =	shalt  }
0x68: {  	_ =	shalt  }
0x69: {  	_ =	shalt  }
0x6a: {  	_ =	shalt  }
0x6b: {  	_ =	shalt  }
0x6c: {  	_ =	shalt  }
0x6d: {  	_ =	shalt  }
0x6e: {  	_ =	shalt  }
0x6f: {  	_ =	shalt  }
0x70: {  	_ =	shalt  }
0x71: {  	_ =	shalt  }
0x72: {  	_ =	shalt  }
0x73: {  	_ =	shalt  }
0x74: {  	_ =	shalt  }
0x75: {  	_ =	shalt  }
0x76: {  	_ =	shalt  }
0x77: {  	_ =	shalt  }
0x78: {  	_ =	shalt  }
0x79: {  	_ =	shalt  }
0x7a: {  	_ =	shalt  }
0x7b: {  	_ =	shalt  }
0x7c: {  	_ =	shalt  }
0x7d: {  	_ =	shalt  }
0x7e: {  	_ =	shalt  }
0x7f: {  	_ =	shalt  }
0x80: {  	_ =	shalt  }
0x81: {  	_ =	shalt  }
0x82: {  	_ =	shalt  }
0x83: {  	_ =	shalt  }
0x84: {  	_ =	shalt  }
0x85: {  	_ =	shalt  }
0x86: {  	_ =	shalt  }
0x87: {  	_ =	shalt  }
.Lfunc_end0:
.L_simem_size_0:
called_computation.2_lowered:
.L_overlay_start_0:
0x88: {  	s0 =	sld [smem:$0x3FD9]  }
0x89: {  	s1 =	sld [smem:$0x3FFE];
	_ =	sdelay $0x3  }
0x8a: {  	s0 =	sadd.s32 s1, s0  }
0x8b: {  	[smem:$0x3FB7] =	sst s0  }
0x8c: {  	_ = 	snop  }
0x8d: {  	(tm) =	ssettm $0x1  }
0x8e: {  	s15 =	sld [smem:$0x3FFB];
	_ =	sdelay $0x3  }
0x8f: {  	_ =	strace s15  }
0x90: {  	s0 =	sld [smem:$0x3FFC];
	_ =	sdelay $0x3  }
0x91: {  	_ =	strace s0  }
0x92: {  	s0 =	sld [smem:$0x3FFD];
	_ =	sdelay $0x3  }
0x93: {  	_ =	strace s0  }
0x94: {  	_ =	strace $0x8FFFFFFF  }
0x95: {  	s16 =	sld [smem:$0x3FDB];
	_ =	sdelay $0x1  }
0x96: {  	s17 =	simm.s32 $_scs_section_size  }
0x97: {  	s2 =	simm.s32 $_size__tile_overlayer_lowered;
	s3 =	simm.s32 $_tile_overlayer_lowered  }
0x98: {  	s20 =	simm.s32 $0x1BFF;
	s19 =	sshll.u32 s3, $0x1;
	s0 =	sadd.s32 s17, s16  }
0x99: {  	s4 =	simm.s32 $0x0;
	s18 =	sshll.u32 s2, $0x1;
	s2 =	sadd.s32 s19, s0  }
0x9a: {  	[timem:s4], [sflag:s20] =	dma.local [hbm:s2], s18  }
0x9b: {  	_ =	swait.ge [sflag:s20], s18  }
0x9c: {  	s1 =	ssub.s32 $0x0, s18;
	[sflag:s20] =	ssyncset.done $0x0  }
0x9d: {  	[sflag:s20] =	ssyncadd.s32 s1;
	_ =	sdelay $0x1  }
0x9e: {  	s21 =	simm.s32 $0x1B8B  }
0x9f: {  	_ =	swait.ge [sflag:s21], $0x1  }
0xa0: {  	[sflag:s21] =	ssyncset.done $0x0  }
0xa1: {  	s23 =	simm.s32 $0x1B8E;
	s22 =	sld [smem:$0x3FFE];
	[sflag:s21] =	ssyncadd.s32 $0xFFFFFFFF  }
0xa2: {  	s24 =	simm.s32 $execute0_lowered;
	[smem:$0x3FD2] =	sst s23  }
0xa3: {  	s2 =	sshll.u32 s24, $0x1;
	_ =	strace $0x80000052;
	[dreg:$0x1] =	wrdreg $0xFFFFFFFF  }
0xa4: {  	s25 =	simm.s32 $_size_execute0_lowered;
	s0 =	sadd.s32 s0, s2;
	[dreg:$0x0] =	wrdreg $0x0  }
0xa5: {  	s2 =	sshll.u32 s25, $0x1;
	[dreg:$0x2] =	wrdreg s0  }
0xa6: {  	[dreg:$0x3] =	wrdreg s2  }
0xa7: {  	[dreg:$0x4] =	wrdreg $0xC0  }
0xa8: {  	_ =	task [dreg:s4], $0x5FFFF  }
0xa9: {  	[dreg:$0x1] =	wrdreg $0xFFFFFFFF  }
0xaa: {  	[dreg:$0x0] =	wrdreg $0x60  }
0xab: {  	[dreg:$0x2] =	wrdreg s22  }
0xac: {  	[dreg:$0x3] =	wrdreg $0xA  }
0xad: {  	_ =	task.clear_ibuf [dreg:s4], $0x4FFFF;
	_ =	strace $0x90000052  }
0xae: {  	s26 =	simm.s32 $0xA;
	_ =	strace $0x80000054  }
0xaf: {  	_ =	swait.ge [sflag:s26], $0x1  }
0xb0: {  	[sflag:s26] =	ssyncadd.s32 $0xFFFFFFFF  }
0xb1: {  	_ =	strace $0x90000054  }
0xb2: {  	_ =	sfence  }
0xb3: {  	s28 =	sld [smem:$0x0];
	_ =	sdelay $0x1  }
0xb4: {  	s29 =	srdreg.scid  }
0xb5: {  	s30 =	sshll.u32 s29, $0xD;
	s31 =	sshrl.u32 s29, $0x2  }
0xb6: {  	s1 =	sand.u32 $0x1, s29;
	s2 =	sand.u32 $0x4000, s30;
	s0 =	sadd.s32 s31, s28  }
0xb7: {  	s1 =	sor.u32 s2, s1;
	s0 =	sshll.u32 s0, $0x11  }
0xb8: {  	s0 =	sor.u32 s0, s1  }
0xb9: {  	s0 =	sadd.s32 $0x8F2B, s0  }
0xba: {  	[sflag:s0] =	ssyncadd.remote.s32 $0x1  }
0xbb: {  	_ =	sfence.sel $0xFFFF  }
0xbc: {  	[dreg:$0x0] =	wrdreg $0xFFFFFFFF;
	(pc) =	sbr.abs _section_cstart, $3  }
0xbd: {  	[dreg:$0x1] =	wrdreg $0xFFFFFFFF  }
0xbe: {  	_ =	task.clear_ibuf [dreg:s4], $0x2FFFF;
	_ =	strace $0x9FFFFFFF  }
0xbf: {  	(tm) =	ssettm $0x7FFFFFFF  }
tec
execute0_lowered:
.L_overlay_start_1:
0x0: {  	(tag) =	ssettag $0x1  }
0x1: {  	s6 =	rddreg [dreg:$0x0];
	s3 =	stileid.u32  }
0x2: {  	_ =	strace $0x80000053;
	s2 =	simm.s32 $0x1;
	s0 =	smul.u32 $0x3, s3  }
0x3: {  	v1 =	vimm.s32 $0xFFFFFFFF;
	s1 =	smin.u32 s3, $0x7;
	[sflag:s2] =	ssyncpa.u1 $0x0  }
0x4: {  	[tilespmem:$0x10] =	vst v1;
	s0 =	sadd.s32 s1, s0  }
0x5: {  	v0 =	vimm.f32 $0.0e+00;
	p0 =	slt.u32 s3, $0x7;
	[tilespmem:$0x20] =	vst v1;
	s4 =	smul.u32 $0x1770, s0;
	s0 =	simm.s32 $0x5DC0  }
0x6: {  	[tilespmem:$0x30] =	vst v0;
	s0 =	simm.s32 @!p0 $0x4650  }
0x7: {  	[tilespmem:$0x40] =	vst v0;
	s0 =	sadd.s32 s0, s4  }
0x8: {  	[tilespmem:$0x50] =	vst v0;
	s5 =	smin.u32 s0, $0x50910  }
0x9: {  	s7 =	simm.s32 $0x2;
	s8 =	simm.s32 $0x8;
	[tilespmem:$0x60] =	vst v1;
	s0 =	ssub.s32 s5, s4  }
0xa: {  	s31 =	simm.s32 $0x9;
	s16 =	simm.s32 $0x0;
	[tilespmem:$0x70] =	vst v1;
	p0 =	sgt.s32 s0, $0x0  }
0xb: {  	s17 =	simm.s32 $0xF0;
	s18 =	simm.s32 $0xFFFFFFFF;
	[tilespmem:$0x80] =	vst v1;
	s0 =	simm.s32 @!p0 $0x0  }
0xc: {  	s19 =	simm.s32 $0xFFFFD220;
	s20 =	simm.s32 $0xFFFFFFFE;
	v1 =	vimm.s32 $0x0;
	[tilespmem:$0xB0] =	vst v0;
	s30 =	smulhi.u32 $0x57619F1, s0  }
0xd: {  	s21 =	simm.s32 $0xF;
	s25 =	simm.s32 $0x0;
	s24 =	simm.s32 $0x0;
	[tilespmem:$0x90] =	vst v1  }
0xe: {  	[tilespmem:$0xA0] =	vst v1;
	[sflag:s7] =	ssyncpa.u1 $0x0;
	s7 =	simm.s32 $0x7;
	s9 =	sshrl.u32 s30, $0x7  }
0xf: {  	s14 =	sshllo.u32 s3, $0x1;
	[sflag:s7] =	ssyncpa.u1 $0x0;
	s10 =	smul.u32 $0x1770, s9  }
.Ltmp0:
0x10: {  	s1 =	sadd.s32 $0x52200, s6;
	[sflag:s8] =	ssyncpa.u1 $0x0;
	(pc) =	sbr.rel .LBB2_1-.Ltmp0, $4  }
0x11: {  	s6 =	sadd.s32 $0xA200, s6;
	[sflag:s31] =	ssyncpa.u1 $0x0;
	p0 =	sne.s32 s0, s10  }
0x12: {  	s23 =	smov.u32 s4;
	s10 =	sshll.u32 s3, $0x1;
	s2 =	simm.s32 @!p0 $0x0  }
0x13: {  	vm0 =	vmmov $0xffff;
	v2 =	vlaneseq.u32;
	s13 =	sor.u32 $0x81, s10;
	s15 =	sor.u32 $0x80, s10;
	s9 =	sadd.s32 s2, s9  }
0x14: {  	vm1 =	vmxor vm1, vm1;
	vm2 =	vmmov $0x1;
	vm3 =	vcmask $0x3F3C;
	p0 =	por $0x0, $0x0;
	s11 =	sadd.s32 $0x1, s9;
	s12 =	sadd.s32 $0x2, s9  }
.LBB2_9:
0x15: {  	p1 =	slt.u32 s24, $0x3  }
0x16: {  	s0 =	simm.s32 @!p1 $0x2  }
0x17: {  	_ =	swait.ge @!p1 [sflag:s0], $0x1770  }
0x18: {  	[sflag:s0] =	ssyncset.done @!p1 $0x0  }
0x19: {  	[sflag:s0] =	ssyncadd.s32 @!p1 $0xFFFFE890;
	s0 =	simm.s32 @!p1 $0x9  }
0x1a: {  	_ =	swait.ge @!p1 [sflag:s0], $0x10  }
0x1b: {  	[sflag:s0] =	ssyncset.done @!p1 $0x0  }
0x1c: {  	[sflag:s0] =	ssyncadd.s32 @!p1 $0xFFFFFFF0;
	p1 =	sne.s32 s24, s12  }
.Ltmp1:
0x1d: {  	s2 =	sadd.s32 $0x1770, s23;
	(pc) =	sbr.rel @!p1 .LBB2_10-.Ltmp1, $4  }
0x1e: {  	s3 =	smov.u32 s4;
	s31 =	sadd.s32 $0x1, s24;
	s17 =	sadd.s32 $0x1770, s17  }
0x1f: {  	s18 =	sadd.s32 $0x1, s18;
	s25 =	smov.u32 s23;
	p2 =	slt.s32 s2, s5  }
0x20: {  	p0 =	por !p0, !p0;
	s19 =	sadd.s32 $0x1770, s19;
	s3 =	smov.u32 @p2 s2  }
0x21: {  	s20 =	sadd.s32 $0x1, s20;
	s23 =	smov.u32 s3;
	s24 =	smov.u32 s31  }
.LBB2_1:
0x22: {  	p1 =	sge.u32 s24, s9  }
0x23: {  	s0 =	smulhi.u32 @!p1 $0xAAAAAAAB, s24;
	_ =	sdelay $0x1  }
0x24: {  	s0 =	sshrl.u32 @!p1 s0, $0x1  }
0x25: {  	s0 =	smul.u32 @!p1 $0x3, s0;
	_ =	sdelay $0x1  }
0x26: {  	s0 =	ssub.s32 @!p1 s24, s0  }
0x27: {  	s0 =	smul.u32 @!p1 $0x5DC0, s0;
	_ =	sdelay $0x1  }
0x28: {  	s3 =	rddreg [dreg:$0x0];
	s2 =	sshrl.u32 @!p1 s23, $0x3;
	s0 =	sshrl.u32 @!p1 s0, $0x2  }
0x29: {  	s22 =	sand.u32 @!p1 $0x7, s23;
	s2 =	sadd.s32 @!p1 s3, s2;
	s0 =	sadd.s32 @!p1 $0x100, s0  }
0x2a: {  	[tilespmem:s0], [sflag:$0x7] =	stream.linear.gather @!p1 [hbm4b:s2+s22], $0x1770, $0x38;
	[tilespmem:$0xD410] =	vst v63  }
0x2b: {  	s0 =	sadd.s32 $0xFFFFFFFF, s24  }
0x2c: {  	p1 =	sge.u32 s0, s9  }
.Ltmp2:
0x2d: {  	_ = 	snop;
	(pc) =	sbr.rel @p1 .LBB2_5-.Ltmp2, $1  }
0x2e: {  	_ =	sdelay $0x3  }
0x2f: {  	s2 =	smulhi.u32 $0xAAAAAAAB, s0;
	_ =	sdelay $0x1  }
0x30: {  	s2 =	sshrl.u32 s2, $0x1  }
0x31: {  	s2 =	smul.u32 $0x3, s2;
	_ =	sdelay $0x1  }
0x32: {  	s2 =	ssub.s32 s0, s2  }
0x33: {  	s2 =	smul.u32 $0x5DC0, s2  }
0x34: {  	_ =	swait.ge [sflag:s7], $0x1770  }
0x35: {  	[sflag:s7] =	ssyncset.done $0x0;
	s2 =	sshrl.u32 s2, $0x2  }
0x36: {  	[sflag:s7] =	ssyncadd.s32 $0xFFFFE890;
	(ifvalue) =	ssetifvalue $0xFFFFFFFF;
	v3 =	vld.msk [tilespmem:s2+$0x100 ss:$0x1], $0xffff;
	_ =	sdelay $0x2  }
0x37: {  	s30 =	smulhi.u32 $0xAAAAAAAB, s18;
	p1 =	sne.s32 s24, $0x1  }
0x38: {  	v4 =	vimm.s32 @!p1 $0x0  }
0x39: {  	s2 =	sshrl.u32 s30, $0x1;
	v4 =	vperm.xlane @!p1 v3, v4  }
0x3a: {  	s22 =	sshll.u32 s24, $0x4;
	s2 =	smul.u32 $0xFFFEE6C0, s2;
	vm4 =	vlt.u32 v3, $0x6400000  }
0x3b: {  	s22 =	sand.u32 $0x10, s22;
	v3 =	vnsel vm4, $0xFFFFFFFE, v3;
	vm4 =	vlt.u32 @!p1 v4, $0x6400000  }
0x3c: {  	s2 =	sshra.s32 s2, $0x2;
	[tilespmem:s22+$0x60] =	vst v3;
	v3 =	vnsel @!p1 vm4, $0xFFFFFFFE, v4  }
0x3d: {  	s28 =	sadd.s32 s2, s17;
	[tilespmem:$0x80] =	vst @!p1 v3  }
0x3e: {  	v3 =	vld.msk [tilespmem:s28+$0x0 ss:$0x1], $0xffff;
	_ =	sdelay $0x4  }
0x3f: {  	(xrf1) =	vunique.msk.u32 $0xffff, v3;
	_ =	sdelay $0xd  }
0x40: {  	v4 =	vimm.s32 $0xFFFFFFFF;
	v5, _, _ =	vpop (xrf1)  }
0x41: {  	vm5 =	vne.s32 v3, v4;
	vm4 =	veq.s32 v5, v2  }
0x42: {  	vm6 =	vlt.u32 v3, $0x6400000;
	vm4 =	vmand vm5, vm4  }
0x43: {  	vm4 =	vmand vm6, vm4  }
0x44: {  	v4 =	vnsel vm4, $0xFFFFFFFF, v3  }
0x45: {  	s31 =	sand.u32 $0x1, s0  }
0x46: {  	s0 =	simm.s32 $0x1770;
	p1 =	seq.s32 s31, $0x1  }
0x47: {  	s0 =	simm.s32 @!p1 $0x0  }
0x48: {  	s26 =	sadd.s32 $0x5EB0, s0;
	(ifvalue) =	ssetifvalue $0xFFFFFFFF  }
0x49: {  	v3 =	vperm.xlane v3, v1;
	[tilespmem:s26], [sflag:$0x8] =	stream.indirect_vreg.gather [hbm4b:s1+s16], $0x1, v4, vm0, $0x4038;
	v4 =	vnsel vm6, $0xFFFFFFFE, v4;
	[tilespmem:$0xD410] =	vst v63  }
0x4a: {  	s2 =	simm.s32 $0x0;
	s22 =	sadd.s32 $0xFFFFFFF0, s28;
	[tilespmem:s28+$0x0] =	vst v4  }
.LBB2_3:
0x4b: {  	v4 =	vld.msk [tilespmem:s22+$0x0 ss:$0x1], $0xffff;
	s2 =	sadd.s32 $0x10, s2;
	v5 =	vmov v3;
	s28 =	smov.u32 s22  }
0x4c: {  	p1 =	slt.u32 s2, $0x1760;
	_ =	sdelay $0x4  }
0x4d: {  	v3 =	vperm.xlane v4, v1;
	(xrf1) =	vunique.msk.u32 $0xffff, v4;
	_ =	sdelay $0xd  }
0x4e: {  	v6, _, _ =	vpop (xrf1)  }
0x4f: {  	vm5 =	vne.s32 v4, v5;
	vm4 =	veq.s32 v6, v2  }
0x50: {  	vm6 =	vlt.u32 v4, $0x6400000;
	vm4 =	vmand vm5, vm4  }
0x51: {  	vm4 =	vmand vm6, vm4  }
0x52: {  	v4 =	vnsel vm4, $0xFFFFFFFF, v4  }
.Ltmp3:
0x53: {  	v5 =	vnsel vm6, $0xFFFFFFFE, v4;
	(pc) =	sbr.rel @p1 .LBB2_3-.Ltmp3, $3  }
0x54: {  	_ =	sdelay $0x1  }
0x55: {  	s22 =	sadd.s32 $0xFFFFFFF0, s22;
	s26 =	sadd.s32 $0xFFFFFFF0, s26;
	(ifvalue) =	ssetifvalue $0xFFFFFFFF  }
0x56: {  	[tilespmem:s26], [sflag:$0x8] =	stream.indirect_vreg.gather [hbm4b:s1+s16], $0x1, v4, vm0, $0x4038;
	[tilespmem:s28+$0x0] =	vst v5  }
0x57: {  	s2 =	sshrl.u32 s25, $0x3  }
0x58: {  	s0 =	sadd.s32 $0x7630, s0;
	s2 =	sadd.s32 s6, s2  }
0x59: {  	[tilespmem:s0], [sflag:$0x8] =	stream.linear.gather [hbm:s2], $0x1770, $0x38;
	[tilespmem:$0xD410] =	vst v63  }
.LBB2_5:
0x5a: {  	p1 =	slt.u32 s24, $0x2  }
0x5b: {  	p2 =	sge.u32 @!p1 s24, s12  }
0x5c: {  	p1 =	por p1, p2  }
.Ltmp4:
0x5d: {  	_ = 	snop;
	(pc) =	sbr.rel @p1 .LBB2_9-.Ltmp4, $1  }
0x5e: {  	_ =	sdelay $0x3  }
0x5f: {  	s0 =	sadd.s32 $0xFFFFFFFE, s24  }
0x60: {  	s2 =	smulhi.u32 $0xAAAAAAAB, s0;
	_ =	sdelay $0x1  }
0x61: {  	s2 =	sshrl.u32 s2, $0x1  }
0x62: {  	s2 =	smul.u32 $0x3, s2;
	_ =	sdelay $0x1  }
0x63: {  	s0 =	ssub.s32 s0, s2  }
0x64: {  	_ =	swait.ge [sflag:s8], $0x2EE0;
	s0 =	smul.u32 $0x1770, s0  }
0x65: {  	p1 =	sne.s32 s24, s11;
	[sflag:s8] =	ssyncset.done $0x0  }
0x66: {  	[sflag:s8] =	ssyncadd.s32 $0xFFFFD120;
	s2 =	sadd.s32 @!p1 $0x186F, s0  }
0x67: {  	[spmem:s13] =	stream.linear.scatter @!p1 [tilespmem:s2], [sflag:$0x1], $0x1, $0x38;
	[tilespmem:$0xD410] =	vst v63  }
0x68: {  	s2 =	simm.s32 @!p1 $0x1  }
0x69: {  	_ =	swait.ge @!p1 [sflag:s2], $0x1  }
0x6a: {  	s22 =	sshll.u32 s24, $0x4;
	[sflag:s2] =	ssyncset.done @!p1 $0x0  }
0x6b: {  	s25 =	sand.u32 $0x10, s22;
	[sflag:s2] =	ssyncadd.s32 @!p1 $0xFFFFFFFF  }
0x6c: {  	s2 =	sxor.u32 $0x10, s25;
	v4 =	vld [tilespmem:s25+$0x10]  }
0x6d: {  	v5 =	vld [tilespmem:s2+$0x60]  }
0x6e: {  	v3 =	vld [tilespmem:$0x80];
	_ =	sdelay $0x2  }
0x6f: {  	(v2sf) =	vpush v4, $0x0  }
0x70: {  	(v2sf) =	vpush v5, $0x0  }
0x71: {  	(v2sf) =	vpush v3, $0x0;
	_ =	sdelay $0xc  }
0x72: {  	s3 =	spop (v2sf)  }
0x73: {  	s28 =	spop (v2sf)  }
0x74: {  	s26 =	spop (v2sf)  }
0x75: {  	p2 =	seq.s32 s3, s28;
	p3 =	seq.s32 s26, s3  }
0x76: {  	p3 =	por p2, p3  }
0x77: {  	s3 =	sand.u32 $0x1, s24;
	v4 =	vpsel p3, $0xFFFFFFFF, v4  }
0x78: {  	s28 =	smul.u32 $0x1770, s3;
	[tilespmem:s25+$0x10] =	vst.msk $0x1, v4  }
0x79: {  	v4 =	vld [tilespmem:$0x30]  }
0x7a: {  	v5 =	vld [tilespmem:s28+$0x7630]  }
0x7b: {  	v6 =	vld [tilespmem:s25+$0x40];
	_ =	sdelay $0x3  }
0x7c: {  	vm4 =	vmmov vm1;
	v5 =	vadd.f32 v5, v4  }
0x7d: {  	vm5 =	vmmov vm2;
	vm4 =	vmmov @p2 vm2;
	v4 =	vadd.f32 v6, v4  }
0x7e: {  	s22 =	sshll.u32 s3, $0x4;
	vm5 =	vmmov @p3 vm1;
	[tilespmem:s28+$0x7630] =	vst.msk vm4, v5  }
0x7f: {  	[tilespmem:s22+$0xD3F0] =	vst.msk vm5, v4  }
0x80: {  	v4 =	vld [tilespmem:s28+$0x5EB0];
	_ =	sdelay $0x3  }
0x81: {  	v5 =	vimm.f32 $0.0e+00  }
0x82: {  	v4 =	vshift.insert v4, v5, s21  }
0x83: {  	s29 =	sor.u32 $0x40, s2  }
0x84: {  	[tilespmem:s29+$0x0] =	vst.msk $0x1, v4  }
0x85: {  	[tilespmem:s28+$0x5EBF] =	vst.msk $0x1, v5  }
0x86: {  	v4 =	vld [tilespmem:s0+$0x1860];
	_ =	sdelay $0x1  }
0x87: {  	s29 =	smulhi.u32 $0xAAAAAAAB, s20;
	s0 =	simm.s32 $0x1  }
0x88: {  	s0 =	simm.s32 @!p0 $0x0  }
0x89: {  	s29 =	sshrl.u32 s29, $0x1;
	s0 =	smul.u32 $0x5DC0, s0  }
0x8a: {  	s29 =	smul.u32 $0xFFFEE6C0, s29;
	v4 =	vshift.insert v4, v1, s21  }
0x8b: {  	s0 =	sshrl.u32 s0, $0x2  }
0x8c: {  	s29 =	sshra.s32 s29, $0x2;
	s30 =	sadd.s32 $0x7630, s0;
	[tilespmem:s2+$0x10] =	vst.msk $0x1, v4  }
0x8d: {  	s3 =	sadd.s32 s29, s19;
	v6 =	vld [tilespmem:s30+$0x0]  }
0x8e: {  	v7 =	vld [tilespmem:s3+$0x0];
	_ =	sdelay $0x3  }
0x8f: {  	v5 =	vadd.f32 v6, v5  }
0x90: {  	vm4 =	vne.s32 v7, $0xFFFFFFFF  }
0x91: {  	(xrf2) =	vadd.seg.scan.f32 vm4, v5;
	_ =	sdelay $0x3  }
0x92: {  	s31 =	sadd.s32 $0x4750, s0;
	v5 =	vperm.xlane v4, v1  }
0x93: {  	v6 =	vld [tilespmem:s31+$0x0]  }
0x94: {  	vm5 =	veq.s32 v7, v3;
	vm6 =	veq.s32 v7, v5  }
0x95: {  	vm7 =	vgt.u32 v7, $0xFFFFFFFD;
	vm6 =	vmor vm6, vm5  }
0x96: {  	vm6 =	vmor vm6, vm7  }
0x97: {  	v9 =	vld [tilespmem:$0xA0];
	v7 =	vsel vm6, $0xFFFFFFFF, v7  }
0x98: {  	v10 =	vld [tilespmem:$0x90];
	v6 =	vsel vm5, $0x0, v6;
	v8, _, _ =	vpop (xrf2)  }
0x99: {  	v6 =	vadd.f32 v8, v6  }
0x9a: {  	s0 =	sadd.s32 $0xA510, s0  }
0x9b: {  	vm4 =	vmand vm4, vm3;
	[tilespmem:s0+$0x0] =	vst v6;
	(ifvalue) =	ssetifvalue $0xFFFFFFFF  }
0x9c: {  	vm6 =	veq.s32 v9, $0x1;
	[hbm4b:s1+s16] =	stream.indirect_vreg.scatter [tilespmem:s0], [sflag:$0x2], $0x1, v7, vm0, $0x4038;
	v7 =	vsel vm4, $0x0, v8;
	[tilespmem:$0xD410] =	vst v63  }
0x9d: {  	s29 =	sadd.s32 $0xD3F0, s22;
	s22 =	sadd.s32 $0x10, s3;
	s2 =	simm.s32 $0x0;
	vm4 =	vmor vm6, vm5;
	v6 =	vsel vm5, v8, v10;
	v7 =	vshift.insert v7, v0, s21  }
.LBB2_7:
0x9e: {  	v8 =	vld [tilespmem:s22+$0x0];
	s30 =	sadd.s32 $0x10, s30  }
0x9f: {  	s31 =	sadd.s32 $0x10, s31;
	v9 =	vld [tilespmem:s30+$0x0]  }
0xa0: {  	s2 =	sadd.s32 $0x10, s2;
	v10 =	vld [tilespmem:s31+$0x0]  }
0xa1: {  	p2 =	slt.u32 s2, $0x1760;
	_ =	sdelay $0x2  }
0xa2: {  	v7 =	vadd.f32 v9, v7  }
0xa3: {  	vm5 =	vne.s32 v8, $0xFFFFFFFF  }
0xa4: {  	vm6 =	vmand vm5, vm3;
	(xrf2) =	vadd.seg.scan.f32 vm5, v7;
	_ =	sdelay $0x5  }
0xa5: {  	vm7 =	veq.s32 v8, v5;
	vm5 =	veq.s32 v8, v3  }
0xa6: {  	vm8 =	vgt.u32 v8, $0xFFFFFFFD;
	vm4 =	vmor vm4, vm5;
	vm7 =	vmor vm7, vm5  }
0xa7: {  	vm7 =	vmor vm7, vm8  }
0xa8: {  	v8 =	vsel vm7, $0xFFFFFFFF, v8  }
.Ltmp5:
0xa9: {  	v7 =	vsel vm5, $0x0, v10;
	v9, _, _ =	vpop (xrf2);
	(pc) =	sbr.rel @p2 .LBB2_7-.Ltmp5, $4  }
0xaa: {  	v6 =	vsel vm5, v9, v6;
	v10 =	vadd.f32 v9, v7;
	v7 =	vsel vm6, $0x0, v9  }
0xab: {  	s0 =	sadd.s32 $0x10, s0;
	v7 =	vshift.insert v7, v0, s21  }
0xac: {  	s22 =	sadd.s32 $0x10, s22;
	[tilespmem:s0+$0x0] =	vst v10;
	(ifvalue) =	ssetifvalue $0xFFFFFFFF  }
0xad: {  	[hbm4b:s1+s16] =	stream.indirect_vreg.scatter [tilespmem:s0], [sflag:$0x2], $0x1, v8, vm0, $0x4038;
	[tilespmem:$0xD410] =	vst v63  }
0xae: {  	v3 =	vld [tilespmem:s28+$0xBC70];
	_ =	sdelay $0x4  }
0xaf: {  	v3 =	vshift.insert v3, v0, s21  }
0xb0: {  	s0 =	simm.s32 $0x30  }
0xb1: {  	[tilespmem:s0+$0x0] =	vst.msk $0x1, v3  }
0xb2: {  	v3 =	vsel vm4, $0x1, v1;
	[tilespmem:$0x90] =	vst v6  }
0xb3: {  	s0 =	sadd.s32 @!p1 $0xBC7F, s28;
	[tilespmem:$0xA0] =	vst v3  }
0xb4: {  	[spmem:s14] =	stream.linear.scatter @!p1 [tilespmem:s0], [sflag:$0x1], $0x1, $0x38;
	[tilespmem:$0xD410] =	vst v63  }
0xb5: {  	s0 =	simm.s32 @!p1 $0x1  }
0xb6: {  	v3 =	vmctz.xlane @!p1 vm4;
	_ =	swait.ge @!p1 [sflag:s0], $0x1  }
0xb7: {  	(v2sf) =	vpush @!p1 v4, $0x0  }
0xb8: {  	(v2sf) =	vpush @!p1 v3, $0x0;
	_ =	sdelay $0xd  }
0xb9: {  	s2 =	spop @!p1 (v2sf)  }
0xba: {  	s3 =	spop @!p1 (v2sf)  }
0xbb: {  	p2 =	sne.s32 @!p1 s26, s2;
	p3 =	slt.s32 @!p1 s3, $0xF  }
0xbc: {  	[sflag:s0] =	ssyncset.done @!p1 $0x0;
	p2 =	por p2, p1;
	p3 =	por !p3, p1  }
0xbd: {  	[sflag:s0] =	ssyncadd.s32 @!p1 $0xFFFFFFFF;
	v3 =	vimm.s32 @!p2 $0xFFFFFFFF;
	s3 =	simm.s32 @p3 $0xF  }
0xbe: {  	[tilespmem:$0x80] =	vst @!p2 v3;
	s2 =	sadd.s32 @!p1 $0x90, s3  }
0xbf: {  	[spmem:s10] =	stream.linear.scatter @!p1 [tilespmem:s2], [sflag:$0x1], $0x1, $0x38;
	[tilespmem:$0xD410] =	vst v63  }
0xc0: {  	_ =	swait.ge @!p1 [sflag:s0], $0x1  }
0xc1: {  	[sflag:s0] =	ssyncset.done @!p1 $0x0  }
0xc2: {  	s2 =	simm.s32 @!p1 $0x80;
	[sflag:s0] =	ssyncadd.s32 @!p1 $0xFFFFFFFF  }
0xc3: {  	[spmem:s15] =	stream.linear.scatter @!p1 [tilespmem:s2], [sflag:$0x1], $0x1, $0x38;
	[tilespmem:$0xD410] =	vst v63  }
0xc4: {  	_ =	swait.ge @!p1 [sflag:s0], $0x1  }
0xc5: {  	[sflag:s0] =	ssyncset.done @!p1 $0x0  }
0xc6: {  	[sflag:s0] =	ssyncadd.s32 @!p1 $0xFFFFFFFF;
	(ifvalue) =	ssetifvalue $0xFFFFFFFF;
	v3 =	vld [tilespmem:s25+$0x10];
	_ =	sdelay $0x3  }
.Ltmp6:
0xc7: {  	_ = 	snop;
	(pc) =	sbr.rel .LBB2_9-.Ltmp6, $3  }
0xc8: {  	_ =	sdelay $0x1  }
0xc9: {  	(ifvalue) =	ssetifvalue $0xFFFFFFFF  }
0xca: {  	[hbm4b:s1+s16] =	stream.indirect_vreg.scatter [tilespmem:s29], [sflag:$0x9], $0x1, v3, vm0, $0x4038;
	[tilespmem:$0xD410] =	vst v63  }
.LBB2_10:
0xcb: {  	_ =	sfence.sel $0x180000  }
0xcc: {  	s0 =	simm.s32 $0x7;
	[bflag:$0x0] =	sbarrier.arrive $0xFFFF  }
0xcd: {  	s26 =	simm.s32 $0x8;
	[sflag:s0] =	ssyncpa.u1 $0x1  }
0xce: {  	s28 =	simm.s32 $0x9;
	[sflag:s26] =	ssyncpa.u1 $0x1  }
0xcf: {  	[sflag:s28] =	ssyncpa.u1 $0x1  }
0xd0: {  	_ =	sfence.stream.spmem  }
0xd1: {  	s29 =	simm.s32 $0x3;
	[bflag:$0x0] =	sbarrier.arrive $0xFFFF  }
0xd2: {  	s30 =	simm.s32 $0x4;
	[sflag:s29] =	ssyncpa.u1 $0x1  }
0xd3: {  	s31 =	simm.s32 $0x3C;
	s2 =	stileid.u32;
	[sflag:s30] =	ssyncpa.u1 $0x1  }
0xd4: {  	p0 =	sne.s32 s2, $0x0;
	[sflag:s31] =	ssyncpa.u1 $0x1  }
0xd5: {  	s0 =	simm.s32 @p0 $0x1;
	_ =	sfence @p0  }
0xd6: {  	[sflag:s0] =	ssyncpa.u1 @p0 $0x1;
	s0 =	simm.s32 @p0 $0x2  }
0xd7: {  	[sflag:s0] =	ssyncpa.u1 @p0 $0x1  }
0xd8: {  	_ =	strace @p0 $0x90000053  }
0xd9: {  	[bflag:$0x2] =	sbarrier.arrive @p0 $0xFFFF  }
0xda: {  	_ =	shalt @p0  }
.LBB2_11:
0xdb: {  	_ =	sfence.stream.spmem;
	s0 =	simm.s32 $0x5  }
0xdc: {  	s2 =	simm.s32 $0x80;
	s3 =	simm.s32 $0xC0;
	[sflag:s0] =	ssyncpa.u1 $0x0  }
0xdd: {  	[tilespmem:s3], [sflag:$0x5] =	stream.linear.gather [spmem:s2], $0x20, $0x38;
	[tilespmem:$0xD410] =	vst v63  }
0xde: {  	s2 =	simm.s32 $0x0;
	s3 =	simm.s32 $0xE0  }
0xdf: {  	[tilespmem:s3], [sflag:$0x5] =	stream.linear.gather [spmem:s2], $0x20, $0x38;
	[tilespmem:$0xD410] =	vst v63  }
.Ltmp7:
0xe0: {  	_ = 	snop;
	(pc) =	sbr.rel .LBB2_12-.Ltmp7, $4  }
0xe1: {  	_ =	swait.ge [sflag:s0], $0x40  }
0xe2: {  	[sflag:s0] =	ssyncset.done $0x0  }
0xe3: {  	s31 =	simm.s32 $0x6;
	[sflag:s0] =	ssyncadd.s32 $0xFFFFFFC0  }
0xe4: {  	s4 =	simm.s32 $0x0;
	[sflag:s31] =	ssyncpa.u1 $0x0  }
.LBB2_17:
0xe5: {  	p0 =	sgt.u32 s5, $0x63FFFFF  }
0xe6: {  	s0 =	sshrl.u32 @!p0 s5, $0x3  }
0xe7: {  	s5 =	sand.u32 @!p0 $0x7, s5;
	s6 =	simm.s32 @!p0 $0xB0;
	s0 =	sadd.s32 @!p0 s1, s0  }
0xe8: {  	[tilespmem:s6], [sflag:$0x6] =	stream.linear.gather @!p0 [hbm4b:s0+s5], $0x1, $0x38;
	[tilespmem:$0xD410] =	vst v63  }
0xe9: {  	s0 =	simm.s32 @!p0 $0x6  }
0xea: {  	_ =	swait.ge @!p0 [sflag:s0], $0x1  }
0xeb: {  	[sflag:s0] =	ssyncset.done @!p0 $0x0  }
0xec: {  	[sflag:s0] =	ssyncadd.s32 @!p0 $0xFFFFFFFF  }
0xed: {  	v2 =	vmov @!p0 s4;
	v1 =	vld.msk @!p0 [tilespmem:$0xB0], $0x1;
	_ =	sdelay $0x3  }
0xee: {  	s0 =	simm.s32 @!p0 $0xE0  }
0xef: {  	[tilespmem:v2+s0+$0x0], v1 =	vst.idx.ret.add.f32.msk @!p0 $0x1, v1  }
0xf0: {  	[tilespmem:s2+$0xC0] =	vst.msk $0x1, v0  }
0xf1: {  	v0 =	vld.msk [tilespmem:s4+$0xE0], $0x1;
	_ =	sdelay $0x4  }
0xf2: {  	[tilespmem:s2+$0xE0] =	vst.msk $0x1, v0;
	s2 =	sadd.s32 $0x1, s2  }
.LBB2_19:
0xf3: {  	s4 =	sadd.s32 $0x1, s4  }
0xf4: {  	p0 =	sne.s32 s4, $0x20  }
.Ltmp8:
0xf5: {  	_ = 	snop;
	(pc) =	sbr.rel @!p0 .LBB2_20-.Ltmp8, $1  }
0xf6: {  	_ =	sdelay $0x3  }
.LBB2_12:
0xf7: {  	v0 =	vld.msk [tilespmem:s4+$0xC0], $0x1;
	_ =	sdelay $0x4  }
0xf8: {  	(v2sf) =	vpush v0, $0x0;
	_ =	sdelay $0xe  }
0xf9: {  	s5 =	spop (v2sf)  }
0xfa: {  	p0 =	seq.s32 s5, $0xFFFFFFFF  }
.Ltmp9:
0xfb: {  	_ = 	snop;
	(pc) =	sbr.rel @p0 .LBB2_19-.Ltmp9, $1  }
0xfc: {  	_ =	sdelay $0x3  }
0xfd: {  	p0 =	slt.s32 s2, $0x1  }
.Ltmp10:
0xfe: {  	_ = 	snop;
	(pc) =	sbr.rel @p0 .LBB2_17-.Ltmp10, $1  }
0xff: {  	_ =	sdelay $0x3  }
0x100: {  	s0 =	simm.s32 $0xC0;
	p0 =	por $0x0, $0x0  }
0x101: {  	v1 =	vld.msk @!p0 [tilespmem:s0+$0x0], $0x1;
	_ =	sdelay $0x4  }
0x102: {  	(v2sf) =	vpush @!p0 v1, $0x0;
	_ =	sdelay $0xd  }
0x103: {  	p2 =	sne.s32 s2, $0x1  }
.Ltmp11:
0x104: {  	s6 =	spop @!p0 (v2sf);
	(pc) =	sbr.rel @!p2 .LBB2_16-.Ltmp11, $4  }
0x105: {  	p1 =	seq.s32 @!p0 s5, s6  }
0x106: {  	s6 =	simm.s32 $0x0;
	p1 =	por !p1, p0  }
0x107: {  	s8 =	simm.s32 $0xFFFFFFFF;
	s6 =	simm.s32 @p1 $0xFFFFFFFF  }
0x108: {  	s7 =	simm.s32 $0x1;
	s6 =	smov.u32 @p0 s8  }
.LBB2_15:
0x109: {  	s8 =	smov.u32 s6;
	p0 =	sne.s32 s6, $0xFFFFFFFF  }
0x10a: {  	s0 =	sadd.s32 $0x1, s0;
	s6 =	smov.u32 s7;
	s7 =	sadd.s32 $0x1, s7  }
0x10b: {  	p1 =	sne.s32 s2, s7;
	v1 =	vld.msk @!p0 [tilespmem:s0+$0x0], $0x1;
	_ =	sdelay $0x4  }
0x10c: {  	(v2sf) =	vpush @!p0 v1, $0x0;
	_ =	sdelay $0xe  }
.Ltmp12:
0x10d: {  	s9 =	spop @!p0 (v2sf);
	(pc) =	sbr.rel @p1 .LBB2_15-.Ltmp12, $4  }
0x10e: {  	p2 =	seq.s32 @!p0 s5, s9  }
0x10f: {  	p2 =	por !p2, p0  }
0x110: {  	s6 =	simm.s32 @p2 $0xFFFFFFFF  }
0x111: {  	s6 =	smov.u32 @p0 s8  }
.LBB2_16:
0x112: {  	p0 =	sne.s32 s6, $0xFFFFFFFF  }
.Ltmp13:
0x113: {  	_ = 	snop;
	(pc) =	sbr.rel @!p0 .LBB2_17-.Ltmp13, $1  }
0x114: {  	_ =	sdelay $0x3  }
0x115: {  	v0 =	vld.msk [tilespmem:s4+$0xE0], $0x1;
	v1 =	vmov s6  }
.Ltmp14:
0x116: {  	_ = 	snop;
	(pc) =	sbr.rel .LBB2_19-.Ltmp14, $2  }
0x117: {  	_ =	sdelay $0x2  }
0x118: {  	[tilespmem:v1+s3+$0x0], v0 =	vst.idx.ret.add.f32.msk $0x1, v0  }
.LBB2_20:
0x119: {  	p0 =	slt.s32 s2, $0x1  }
.Ltmp15:
0x11a: {  	_ = 	snop;
	(pc) =	sbr.rel @p0 .LBB2_24-.Ltmp15, $3  }
0x11b: {  	_ =	sdelay $0x1  }
0x11c: {  	s0 =	simm.s32 $0x6  }
0x11d: {  	s3 =	simm.s32 $0x0;
	[sflag:s0] =	ssyncpa.u1 $0x1  }
0x11e: {  	s0 =	simm.s32 $0xC0  }
0x11f: {  	v0 =	vld.msk [tilespmem:s0+$0x0], $0x1;
	_ =	sdelay $0x4  }
0x120: {  	(v2sf) =	vpush v0, $0x0;
	_ =	sdelay $0xe  }
0x121: {  	s2 =	sadd.s32 $0xFFFFFFFF, s2;
	s4 =	spop (v2sf)  }
0x122: {  	p1 =	sne.s32 s2, $0x0;
	p0 =	sgt.u32 s4, $0x63FFFFF  }
.Ltmp16:
0x123: {  	s5 =	sshrl.u32 @!p0 s4, $0x3;
	(pc) =	sbr.rel @!p1 .LBB2_23-.Ltmp16, $4  }
0x124: {  	s0 =	simm.s32 $0xE0;
	s4 =	sand.u32 @!p0 $0x7, s4;
	s5 =	sadd.s32 @!p0 s1, s5  }
0x125: {  	[hbm4b:s5+s4] =	stream.linear.scatter @!p0 [tilespmem:s0], [sflag:$0x5], $0x1, $0x38;
	[tilespmem:$0xD410] =	vst v63  }
0x126: {  	s5 =	simm.s32 $0x0  }
0x127: {  	s4 =	simm.s32 $0xC1;
	s5 =	simm.s32 @!p0 $0x4  }
.LBB2_22:
0x128: {  	v0 =	vld.msk [tilespmem:s4+$0x0], $0x1;
	s2 =	sadd.s32 $0xFFFFFFFF, s2;
	s3 =	sadd.s32 s3, s5  }
0x129: {  	p0 =	sne.s32 s2, $0x0;
	_ =	sdelay $0x3  }
0x12a: {  	(v2sf) =	vpush v0, $0x0;
	_ =	sdelay $0xe  }
.Ltmp17:
0x12b: {  	s6 =	spop (v2sf);
	(pc) =	sbr.rel @p0 .LBB2_22-.Ltmp17, $4  }
0x12c: {  	s5 =	simm.s32 $0x0;
	p1 =	sgt.u32 s6, $0x63FFFFF  }
0x12d: {  	s0 =	sadd.s32 $0x1, s0;
	s5 =	simm.s32 @!p1 $0x4;
	s7 =	sshrl.u32 @!p1 s6, $0x3  }
0x12e: {  	s4 =	sadd.s32 $0x1, s4;
	s6 =	sand.u32 @!p1 $0x7, s6;
	s7 =	sadd.s32 @!p1 s1, s7  }
0x12f: {  	[hbm4b:s7+s6] =	stream.linear.scatter @!p1 [tilespmem:s0], [sflag:$0x5], $0x1, $0x38;
	[tilespmem:$0xD410] =	vst v63  }
.LBB2_23:
0x130: {  	s0 =	sadd.s32 s3, s5  }
0x131: {  	s3 =	sshrl.u32 s0, $0x2  }
.LBB2_24:
0x132: {  	s0 =	simm.s32 $0x5  }
0x133: {  	_ =	swait.ge [sflag:s0], s3  }
0x134: {  	s1 =	ssub.s32 $0x0, s3;
	[sflag:s0] =	ssyncset.done $0x0  }
0x135: {  	[sflag:s0] =	ssyncadd.s32 s1  }
0x136: {  	[sflag:s0] =	ssyncpa.u1 $0x1  }
0x137: {  	s29 =	simm.s32 $0x1;
	_ =	sfence  }
0x138: {  	s30 =	simm.s32 $0x2;
	[sflag:s29] =	ssyncpa.u1 $0x1  }
0x139: {  	[sflag:s30] =	ssyncpa.u1 $0x1  }
0x13a: {  	_ =	strace $0x90000053  }
0x13b: {  	[bflag:$0x2] =	sbarrier.arrive $0xFFFF  }
0x13c: {  	s31 =	rddreg [dreg:$0x1]  }
0x13d: {  	s0 =	sadd.s32 $0x100000, s31  }
0x13e: {  	[sflag:s0] =	ssyncadd.tile.s32 $0x1;
	_ =	shalt  }
.Lfunc_end2:
_tile_overlayer_lowered:
.L_overlay_start_2:
0x13f: {  	(tag) =	ssettag $0x2  }
0x140: {  	s0 =	rddreg [dreg:$0x0];
	s2 =	stileid.u32  }
0x141: {  	s1 =	rddreg [dreg:$0x1];
	p0 =	sne.s32 s2, $0x0  }
0x142: {  	s3 =	rddreg [dreg:$0x2];
	[bflag:$0x3] =	sbarrier.arrive $0xFFFF;
	s2 =	simm.s32 @!p0 $0x1C01  }
0x143: {  	[timem:s3], [sflag:s2] =	dma.local @!p0 [hbm:s0], s1  }
0x144: {  	s0 =	simm.s32 @!p0 $0x1  }
0x145: {  	_ =	swait.ge @!p0 [sflag:s0], s1  }
0x146: {  	s1 =	ssub.s32 @!p0 $0x0, s1;
	[sflag:s0] =	ssyncset.done @!p0 $0x0  }
0x147: {  	[sflag:s0] =	ssyncadd.s32 @!p0 s1  }
0x148: {  	[bflag:$0x3] =	sbarrier.arrive $0xFFFF  }
0x149: {  	_ =	shalt  }

// kernel: scatter_offload_async_start
scs
__scs_entry_jumppad:
0x0: {  	(pc) =	sbr.rel $0x88, $3  }
0x1: {  	(tag) =	ssettag $0x0;
	lr =	simm.s32 $0x1  }
0x2: {  	[smem:$0x3F90] =	sst lr;
	_ =	strace $0xD0000000  }
0x3: {  	_ = 	snop  }
0x4: {  	_ = 	snop  }
0x5: {  	_ = 	snop  }
0x6: {  	_ = 	snop  }
0x7: {  	_ = 	snop  }
__scs_overlays_trampoline_lowered:
0x8: {  	[smem:$0x3F9F] =	sst s0  }
0x9: {  	[smem:$0x3FA0] =	sst s1  }
0xa: {  	[smem:$0x3FA1] =	sst s2  }
0xb: {  	[smem:$0x3FA2] =	sst s3  }
0xc: {  	[smem:$0x3FA3] =	sst s4  }
0xd: {  	[smem:$0x3FA4] =	sst s5  }
0xe: {  	[smem:$0x3FA5] =	sst s6  }
0xf: {  	[smem:$0x3FA6] =	sst s7  }
0x10: {  	[smem:$0x3FA7] =	sst s8  }
0x11: {  	[smem:$0x3FA8] =	sst s9;
	s0 =	simm.s32 @!p0 $0x0  }
0x12: {  	s1 =	sld [smem:$0x3F8E];
	s0 =	simm.s32 @p0 $0x1  }
0x13: {  	[smem:$0x3FA9] =	sst s0;
	s0 =	simm.s32 @!p1 $0x0  }
0x14: {  	s2 =	sld [smem:$0x3F8D];
	s0 =	simm.s32 @p1 $0x1  }
0x15: {  	[smem:$0x3FAA] =	sst s0;
	s0 =	simm.s32 @!p2 $0x0  }
0x16: {  	s3 =	sld [smem:$0x3FDB];
	s0 =	simm.s32 @p2 $0x1  }
0x17: {  	s4 =	simm.s32 $0x1BF5;
	[smem:$0x3FAC] =	sst s0  }
0x18: {  	s0 =	sld [smem:$0x3F8F];
	_ =	swait.ge [sflag:s4], $0x0  }
0x19: {  	s7 =	sld [smem:$0x3F90]  }
0x1a: {  	s8 =	sadd.s32 $0xFFFFE003, lr  }
0x1b: {  	s9 =	sadd.s32 $0xFFFFFEF7, lr;
	s5 =	simm.s32 $0xFFFFFFFF;
	p2 =	slt.u32 s8, $0xFFFFF086  }
0x1c: {  	p1 =	slt.u32 s9, $0xF7A;
	s5 =	simm.s32 @!p2 $0x0  }
0x1d: {  	s5 =	simm.s32 @p1 $0x1;
	p0 =	seq.s32 s7, s2  }
0x1e: {  	s7 =	smul.u32 @!p0 $0xF7A, s2;
	p2 =	seq.s32 @!p0 s5, $0x0  }
0x1f: {  	s9 =	smul.u32 $0xF7A, s1;
	s8 =	simm.s32 @!p0 $0x1BF5;
	p2 =	por !p2, p0  }
0x20: {  	[sflag:s8] =	ssyncset.s32 @!p0 $0xFFFFF086;
	s6 =	sadd.s32 @!p0 s3, s7;
	s7 =	simm.s32 @!p0 $0x108  }
0x21: {  	s3 =	sadd.s32 s3, s9;
	s6 =	sadd.s32 @!p0 $0x88, s6;
	s7 =	simm.s32 @p2 $0x1082  }
0x22: {  	[simem:s7], [sflag:s8] =	dma.local @!p0 [hbm:s6], $0xF7A  }
0x23: {  	s9 =	sor.u32 $0xD0000000, s2;
	s6 =	simm.s32 $0x108;
	_ =	swait.ge @!p0 [sflag:s8], $0x0  }
0x24: {  	s3 =	sadd.s32 $0x88, s3;
	s6 =	simm.s32 @!p1 $0x1082;
	[sflag:s4] =	ssyncset.s32 $0xFFFFF086  }
0x25: {  	[simem:s6], [sflag:s4] =	dma.local [hbm:s3], $0xF7A  }
0x26: {  	[smem:$0x3F90] =	sst s1;
	(tag) =	ssettag s2;
	_ =	strace s9  }
0x27: {  	s1 =	sld [smem:$0x3FA0]  }
0x28: {  	s2 =	sld [smem:$0x3FA1]  }
0x29: {  	s4 =	sld [smem:$0x3FA3]  }
0x2a: {  	p0 =	seq.s32 s5, $0x0;
	s5 =	sld [smem:$0x3FA4]  }
0x2b: {  	s6 =	sld [smem:$0x3FA5]  }
0x2c: {  	s7 =	sld [smem:$0x3FA6]  }
0x2d: {  	s3 =	simm.s32 $0x108;
	s8 =	sld [smem:$0x3FA7]  }
0x2e: {  	s3 =	simm.s32 @!p0 $0x1082;
	s9 =	sld [smem:$0x3FA8]  }
0x2f: {  	lr =	sadd.s32 s0, s3;
	s0 =	sld [smem:$0x3F9F]  }
0x30: {  	s3 =	sld [smem:$0x3FA2]  }
0x31: {  	[smem:$0x3FAB] =	sst s10  }
0x32: {  	s10 =	sld [smem:$0x3FA9];
	_ =	sdelay $0x3  }
0x33: {  	p0 =	seq.s32 s10, $0x1;
	s10 =	sld [smem:$0x3FAB];
	_ =	sdelay $0x3  }
0x34: {  	[smem:$0x3FAB] =	sst s10  }
0x35: {  	s10 =	sld [smem:$0x3FAA];
	_ =	sdelay $0x3  }
0x36: {  	p1 =	seq.s32 s10, $0x1;
	s10 =	sld [smem:$0x3FAB];
	_ =	sdelay $0x3  }
0x37: {  	[smem:$0x3FAB] =	sst s10  }
0x38: {  	s10 =	sld [smem:$0x3FAC]  }
0x39: {  	_ = 	snop;
	(pc) =	sbr.ind lr, $3  }
0x3a: {  	_ = 	snop  }
0x3b: {  	_ = 	snop  }
0x3c: {  	p2 =	seq.s32 s10, $0x1;
	s10 =	sld [smem:$0x3FAB]  }
0x3d: {  	_ =	shalt  }
0x3e: {  	_ =	shalt  }
0x3f: {  	_ =	shalt  }
0x40: {  	_ =	shalt  }
0x41: {  	_ =	shalt  }
0x42: {  	_ =	shalt  }
0x43: {  	_ =	shalt  }
0x44: {  	_ =	shalt  }
0x45: {  	_ =	shalt  }
0x46: {  	_ =	shalt  }
0x47: {  	_ =	shalt  }
0x48: {  	_ =	shalt  }
0x49: {  	_ =	shalt  }
0x4a: {  	_ =	shalt  }
0x4b: {  	_ =	shalt  }
0x4c: {  	_ =	shalt  }
0x4d: {  	_ =	shalt  }
0x4e: {  	_ =	shalt  }
0x4f: {  	_ =	shalt  }
0x50: {  	_ =	shalt  }
0x51: {  	_ =	shalt  }
0x52: {  	_ =	shalt  }
0x53: {  	_ =	shalt  }
0x54: {  	_ =	shalt  }
0x55: {  	_ =	shalt  }
0x56: {  	_ =	shalt  }
0x57: {  	_ =	shalt  }
0x58: {  	_ =	shalt  }
0x59: {  	_ =	shalt  }
0x5a: {  	_ =	shalt  }
0x5b: {  	_ =	shalt  }
0x5c: {  	_ =	shalt  }
0x5d: {  	_ =	shalt  }
0x5e: {  	_ =	shalt  }
0x5f: {  	_ =	shalt  }
0x60: {  	_ =	shalt  }
0x61: {  	_ =	shalt  }
0x62: {  	_ =	shalt  }
0x63: {  	_ =	shalt  }
0x64: {  	_ =	shalt  }
0x65: {  	_ =	shalt  }
0x66: {  	_ =	shalt  }
0x67: {  	_ =	shalt  }
0x68: {  	_ =	shalt  }
0x69: {  	_ =	shalt  }
0x6a: {  	_ =	shalt  }
0x6b: {  	_ =	shalt  }
0x6c: {  	_ =	shalt  }
0x6d: {  	_ =	shalt  }
0x6e: {  	_ =	shalt  }
0x6f: {  	_ =	shalt  }
0x70: {  	_ =	shalt  }
0x71: {  	_ =	shalt  }
0x72: {  	_ =	shalt  }
0x73: {  	_ =	shalt  }
0x74: {  	_ =	shalt  }
0x75: {  	_ =	shalt  }
0x76: {  	_ =	shalt  }
0x77: {  	_ =	shalt  }
0x78: {  	_ =	shalt  }
0x79: {  	_ =	shalt  }
0x7a: {  	_ =	shalt  }
0x7b: {  	_ =	shalt  }
0x7c: {  	_ =	shalt  }
0x7d: {  	_ =	shalt  }
0x7e: {  	_ =	shalt  }
0x7f: {  	_ =	shalt  }
0x80: {  	_ =	shalt  }
0x81: {  	_ =	shalt  }
0x82: {  	_ =	shalt  }
0x83: {  	_ =	shalt  }
0x84: {  	_ =	shalt  }
0x85: {  	_ =	shalt  }
0x86: {  	_ =	shalt  }
0x87: {  	_ =	shalt  }
.Lfunc_end0:
.L_simem_size_0:
called_computation_lowered:
.L_overlay_start_0:
0x88: {  	s2 =	sld [smem:$0x3FD9]  }
0x89: {  	s3 =	sld [smem:$0x3FFE];
	_ =	sdelay $0x1  }
0x8a: {  	s1 =	srdreg.scid  }
0x8b: {  	s0 =	sand.u32 $0x1, s1  }
0x8c: {  	s15 =	sshll.u32 s0, $0xA;
	s2 =	sadd.s32 s3, s2  }
0x8d: {  	s2 =	sadd.s32 s2, s15  }
0x8e: {  	[smem:$0x3FB7] =	sst s2  }
0x8f: {  	_ = 	snop  }
0x90: {  	(tm) =	ssettm $0x1  }
0x91: {  	s16 =	sld [smem:$0x3FFB];
	_ =	sdelay $0x3  }
0x92: {  	_ =	strace s16  }
0x93: {  	s2 =	sld [smem:$0x3FFC];
	_ =	sdelay $0x3  }
0x94: {  	_ =	strace s2  }
0x95: {  	s2 =	sld [smem:$0x3FFD];
	_ =	sdelay $0x3  }
0x96: {  	_ =	strace s2  }
0x97: {  	_ =	strace $0x8FFFFFFF  }
0x98: {  	s17 =	sld [smem:$0x3FDB];
	_ =	sdelay $0x1  }
0x99: {  	s18 =	simm.s32 $_scs_section_size  }
0x9a: {  	s4 =	simm.s32 $_size__tile_overlayer_lowered;
	s5 =	simm.s32 $_tile_overlayer_lowered  }
0x9b: {  	s21 =	simm.s32 $0x1BFF;
	s20 =	sshll.u32 s5, $0x1;
	s2 =	sadd.s32 s18, s17  }
0x9c: {  	s6 =	simm.s32 $0x0;
	s19 =	sshll.u32 s4, $0x1;
	s4 =	sadd.s32 s20, s2  }
0x9d: {  	[timem:s6], [sflag:s21] =	dma.local [hbm:s4], s19  }
0x9e: {  	_ =	swait.ge [sflag:s21], s19  }
0x9f: {  	s3 =	ssub.s32 $0x0, s19;
	[sflag:s21] =	ssyncset.done $0x0  }
0xa0: {  	[sflag:s21] =	ssyncadd.s32 s3;
	_ =	sdelay $0x1  }
0xa1: {  	s22 =	simm.s32 $0x1B8B  }
0xa2: {  	_ =	swait.ge [sflag:s22], $0x1  }
0xa3: {  	[sflag:s22] =	ssyncset.done $0x0  }
0xa4: {  	s23 =	sld [smem:$0x3FFE];
	[sflag:s22] =	ssyncadd.s32 $0xFFFFFFFF  }
0xa5: {  	s25 =	simm.s32 $0x1B8E;
	s24 =	sld [smem:$0x0]  }
0xa6: {  	s26 =	simm.s32 $execute0_lowered;
	[smem:$0x3FD2] =	sst s25  }
0xa7: {  	s5 =	sshll.u32 s26, $0x1;
	_ =	strace $0x80000049;
	[dreg:$0x1] =	wrdreg $0xFFFFFFFF  }
0xa8: {  	s28 =	simm.s32 $_size_execute0_lowered;
	s2 =	sadd.s32 s2, s5;
	[dreg:$0x0] =	wrdreg $0x0  }
0xa9: {  	s5 =	sshll.u32 s28, $0x1;
	[dreg:$0x2] =	wrdreg s2  }
0xaa: {  	[dreg:$0x3] =	wrdreg s5  }
0xab: {  	[dreg:$0x4] =	wrdreg $0xC0  }
0xac: {  	_ =	task [dreg:s6], $0x5FFFF  }
0xad: {  	[dreg:$0x1] =	wrdreg $0xFFFFFFFF  }
0xae: {  	[dreg:$0x0] =	wrdreg $0x60  }
0xaf: {  	[dreg:$0x2] =	wrdreg s23  }
0xb0: {  	[dreg:$0x3] =	wrdreg s1  }
0xb1: {  	[dreg:$0x4] =	wrdreg s24  }
0xb2: {  	[dreg:$0x5] =	wrdreg $0x9  }
0xb3: {  	_ =	task.clear_ibuf [dreg:s6], $0x6FFFF;
	_ =	strace $0x90000049  }
0xb4: {  	s29 =	simm.s32 $0x9;
	_ =	strace $0x8000004B  }
0xb5: {  	_ =	swait.ge [sflag:s29], $0x1  }
0xb6: {  	[sflag:s29] =	ssyncadd.s32 $0xFFFFFFFF  }
0xb7: {  	_ =	strace $0x9000004B  }
0xb8: {  	_ =	sfence  }
0xb9: {  	s30 =	sld [smem:$0x0];
	_ =	sdelay $0x2  }
0xba: {  	s31 =	sshll.u32 s1, $0xD;
	s1 =	sshrl.u32 s1, $0x2  }
0xbb: {  	s3 =	sand.u32 $0x4000, s31;
	s1 =	sadd.s32 s1, s30  }
0xbc: {  	s0 =	sor.u32 s3, s0;
	s1 =	sshll.u32 s1, $0x11  }
0xbd: {  	s0 =	sor.u32 s1, s0  }
0xbe: {  	s0 =	sadd.s32 $0x8F2B, s0  }
0xbf: {  	[sflag:s0] =	ssyncadd.remote.s32 $0x1  }
0xc0: {  	_ =	sfence.sel $0xFFFF  }
0xc1: {  	[dreg:$0x0] =	wrdreg $0xFFFFFFFF;
	(pc) =	sbr.abs _section_cstart, $3  }
0xc2: {  	[dreg:$0x1] =	wrdreg $0xFFFFFFFF  }
0xc3: {  	_ =	task.clear_ibuf [dreg:s6], $0x2FFFF;
	_ =	strace $0x9FFFFFFF  }
0xc4: {  	(tm) =	ssettm $0x7FFFFFFF  }
0xc5: {  	_ =	shalt  }
tec
execute0_lowered:
.L_overlay_start_1:
0x0: {  	(tag) =	ssettag $0x1  }
0x1: {  	s2 =	rddreg [dreg:$0x0]  }
0x2: {  	s3 =	rddreg [dreg:$0x1];
	_ =	strace $0x8000004A;
	s0 =	simm.s32 $0x1  }
0x3: {  	v0 =	vimm.s32 $0x0;
	[sflag:s0] =	ssyncpa.u1 $0x0;
	s0 =	simm.s32 $0x108  }
0x4: {  	[tilespmem:s0+$0x70] =	vst v0  }
0x5: {  	[tilespmem:s0+$0x60] =	vst v0  }
0x6: {  	[tilespmem:s0+$0x50] =	vst v0  }
0x7: {  	[tilespmem:s0+$0x40] =	vst v0  }
0x8: {  	[tilespmem:s0+$0x30] =	vst v0  }
0x9: {  	s1 =	sadd.s32 $0x51800, s2;
	s15 =	sadd.s32 $0x82E00, s2;
	s6 =	sadd.s32 $0x96A00, s2;
	[tilespmem:s0+$0x20] =	vst v0  }
0xa: {  	s14 =	sadd.s32 $0x8CC00, s2;
	s5 =	sand.u32 $0x1, s3;
	s3 =	simm.s32 $0x40;
	[tilespmem:s0+$0x10] =	vst v0  }
.LBB2_1:
0xb: {  	s3 =	sadd.s32 $0x40, s3;
	[tilespmem:s0+$0x0] =	vst v0;
	s0 =	sadd.s32 $0x80, s0  }
0xc: {  	p0 =	slt.u32 s3, $0x3C40;
	[tilespmem:s0+$0x70] =	vst v0  }
0xd: {  	[tilespmem:s0+$0x60] =	vst v0  }
.Ltmp0:
0xe: {  	[tilespmem:s0+$0x50] =	vst v0;
	(pc) =	sbr.rel @p0 .LBB2_1-.Ltmp0, $4  }
0xf: {  	[tilespmem:s0+$0x40] =	vst v0  }
0x10: {  	[tilespmem:s0+$0x30] =	vst v0  }
0x11: {  	[tilespmem:s0+$0x20] =	vst v0  }
0x12: {  	[tilespmem:s0+$0x10] =	vst v0  }
0x13: {  	s9 =	stileid.u32  }
0x14: {  	s2 =	smul.u32 $0x29, s9  }
0x15: {  	s3 =	smin.u32 s9, $0xB  }
0x16: {  	s2 =	sadd.s32 s3, s2  }
0x17: {  	p0 =	slt.u32 s9, $0xB;
	s7 =	smul.u32 $0xF0, s2;
	s2 =	simm.s32 $0x2760  }
0x18: {  	s2 =	simm.s32 @!p0 $0x2670  }
0x19: {  	s2 =	sadd.s32 s2, s7  }
0x1a: {  	s8 =	smin.u32 s2, $0x27100  }
0x1b: {  	s2 =	ssub.s32 s8, s7  }
0x1c: {  	p0 =	sgt.s32 s2, $0x0  }
0x1d: {  	s29 =	simm.s32 $0x2;
	s10 =	simm.s32 $0x9;
	s2 =	simm.s32 @!p0 $0x0  }
0x1e: {  	s4 =	simm.s32 $0xA;
	s11 =	simm.s32 $0xB;
	s28 =	smulhi.u32 $0x88888889, s2  }
0x1f: {  	[dreg:$0x4] =	wrdreg s5;
	s31 =	smul.u32 $0x4E20, s5;
	s12 =	simm.s32 $0x1  }
0x20: {  	s22 =	simm.s32 $0x0;
	s18 =	simm.s32 $0xC;
	s30 =	sshrl.u32 s28, $0x7  }
0x21: {  	s20 =	simm.s32 $0x0;
	s21 =	simm.s32 $0x0;
	s3 =	smul.u32 $0xF0, s30  }
.Ltmp1:
0x22: {  	[tilespmem:s0+$0x0] =	vst v0;
	v0 =	vimm.s32 $0xFFFFFFFF;
	[sflag:s29] =	ssyncpa.u1 $0x0;
	s16 =	sshll.u32 s9, $0x8;
	(pc) =	sbr.rel .LBB2_3-.Ltmp1, $4  }
0x23: {  	[tilespmem:$0xF208] =	vst v0;
	[sflag:s10] =	ssyncpa.u1 $0x0;
	p0 =	sne.s32 s2, s3;
	s2 =	simm.s32 $0x1  }
0x24: {  	s14 =	sadd.s32 s31, s14;
	[sflag:s4] =	ssyncpa.u1 $0x0;
	s2 =	simm.s32 @!p0 $0x0  }
0x25: {  	s15 =	sadd.s32 s31, s15;
	[sflag:s11] =	ssyncpa.u1 $0x0;
	s13 =	sadd.s32 s2, s30  }
0x26: {  	v0 =	vlaneseq.u32;
	s19 =	smov.u32 s7;
	p0 =	por $0x0, $0x0;
	s17 =	sadd.s32 $0x1, s13  }
.LBB2_18:
0x27: {  	s0 =	sshrl.u32 s31, $0x2  }
.LBB2_20:
0x28: {  	_ =	swait.ge [sflag:s18], s0  }
0x29: {  	s31 =	ssub.s32 $0x0, s0;
	v1 =	vmov s24;
	vm0 =	veq.s32 v0, $0x0;
	[sflag:s18] =	ssyncset.done $0x0  }
0x2a: {  	vm15 =	veq.s32 v0, $0x2;
	v1 =	vsel vm0, s30, v1;
	[sflag:s18] =	ssyncadd.s32 s31  }
0x2b: {  	v1 =	vsel vm15, s22, v1;
	[sflag:s18] =	ssyncpa.u1 $0x1  }
0x2c: {  	[tilespmem:$0xF208] =	vst v1  }
.LBB2_21:
0x2d: {  	s0 =	sadd.s32 $0xF0, s19  }
0x2e: {  	s2 =	smov.u32 s7;
	p1 =	slt.s32 s0, s8  }
0x2f: {  	s2 =	smov.u32 @p1 s0;
	p1 =	sne.s32 s21, s17  }
.Ltmp2:
0x30: {  	_ = 	snop;
	(pc) =	sbr.rel @!p1 .LBB2_22-.Ltmp2, $3  }
0x31: {  	_ =	sdelay $0x1  }
0x32: {  	s22 =	smov.u32 s20;
	s31 =	sadd.s32 $0x1, s21;
	s20 =	smov.u32 s19  }
0x33: {  	p0 =	por !p0, !p0;
	s21 =	smov.u32 s31;
	s19 =	smov.u32 s2  }
.LBB2_3:
0x34: {  	p1 =	sge.u32 s21, s13  }
0x35: {  	s0 =	smulhi.u32 @!p1 $0xAAAAAAAB, s21  }
0x36: {  	s2 =	smov.u32 s19;
	p2 =	sgt.s32 @!p1 s19, $0x27010  }
0x37: {  	s3 =	sshra.s32 @!p1 s19, $0x1F;
	p2 =	por !p2, p1;
	s0 =	sshrl.u32 @!p1 s0, $0x1  }
0x38: {  	s3 =	sand.u32 @!p1 s3, s19;
	s2 =	simm.s32 @p2 $0x27010;
	s0 =	smul.u32 @!p1 $0x3, s0  }
0x39: {  	s2 =	ssub.s32 @!p1 s2, s3  }
0x3a: {  	s2 =	sadd.s32 @!p1 $0xFFFD8FF0, s2;
	s0 =	ssub.s32 @!p1 s21, s0  }
0x3b: {  	s3 =	sshll.u32 @!p1 s2, $0x2;
	p2 =	sgt.s32 @!p1 s2, $0xEF;
	s0 =	smul.u32 @!p1 $0x3C0, s0  }
0x3c: {  	s4 =	sand.u32 @!p1 $0x7, s19;
	s2 =	ssub.s32 @!p1 $0x3C0, s3;
	p2 =	por !p2, p1  }
0x3d: {  	s3 =	sshrl.u32 @!p1 s19, $0x3;
	s2 =	sshrl.u32 @!p1 s2, $0x2;
	s0 =	sshrl.u32 @!p1 s0, $0x2  }
0x3e: {  	s3 =	sadd.s32 @!p1 s3, s14;
	s2 =	simm.s32 @!p2 $0x0;
	s0 =	sadd.s32 @!p1 $0x10248, s0  }
0x3f: {  	[tilespmem:s0], [sflag:$0xA] =	stream.linear.gather @!p1 [hbm4b:s3+s4], s2, $0x38;
	[tilespmem:$0x1F6F8] =	vst v63  }
0x40: {  	s0 =	sadd.s32 $0xFFFFFFFF, s21  }
0x41: {  	p1 =	sge.u32 s0, s13  }
0x42: {  	p2 =	sgt.s32 @!p1 s20, $0x27010  }
0x43: {  	s2 =	smov.u32 s20;
	s3 =	sshra.s32 @!p1 s20, $0x1F;
	p2 =	por !p2, p1  }
0x44: {  	s3 =	sand.u32 @!p1 s3, s20;
	s2 =	simm.s32 @p2 $0x27010  }
0x45: {  	s2 =	ssub.s32 @!p1 s2, s3  }
0x46: {  	s2 =	sadd.s32 @!p1 $0xFFFD8FF0, s2  }
0x47: {  	s4 =	sand.u32 @!p1 $0x1, s0;
	s3 =	sshll.u32 @!p1 s2, $0x2  }
0x48: {  	p2 =	sgt.s32 @!p1 s2, $0xEF;
	s2 =	ssub.s32 @!p1 $0x3C0, s3;
	s3 =	smulhi.u32 @!p1 $0xAAAAAAAB, s0  }
0x49: {  	s23 =	smul.u32 @!p1 $0x3C0, s4;
	p2 =	por !p2, p1;
	s2 =	sshrl.u32 @!p1 s2, $0x2  }
0x4a: {  	s5 =	simm.s32 @!p1 $0xA;
	s2 =	simm.s32 @!p2 $0x0;
	s3 =	sshrl.u32 @!p1 s3, $0x1  }
0x4b: {  	s23 =	sshrl.u32 @!p1 s23, $0x2;
	_ =	swait.ge @!p1 [sflag:s5], s2;
	s3 =	smul.u32 @!p1 $0x3, s3  }
0x4c: {  	s23 =	sadd.s32 @!p1 $0x10518, s23;
	s24 =	ssub.s32 @!p1 $0x0, s2;
	[sflag:s5] =	ssyncset.done @!p1 $0x0  }
0x4d: {  	[sflag:s5] =	ssyncadd.s32 @!p1 s24;
	s5 =	sshrl.u32 @!p1 s20, $0x3;
	s0 =	ssub.s32 @!p1 s0, s3  }
0x4e: {  	s24 =	sand.u32 @!p1 $0x7, s20;
	s5 =	sadd.s32 @!p1 s5, s15;
	s0 =	smul.u32 @!p1 $0x3C0, s0  }
0x4f: {  	[tilespmem:s23], [sflag:$0xB] =	stream.linear.gather @!p1 [hbm4b:s5+s24], s2, $0x38;
	[tilespmem:$0x1F6F8] =	vst v63  }
0x50: {  	s3 =	ssub.s32 @!p1 $0x27100, s20;
	s2 =	smul.u32 @!p1 $0x1E000, s4  }
0x51: {  	p2 =	slt.s32 @!p1 s3, $0xF0  }
0x52: {  	p2 =	por !p2, p1;
	s0 =	sshrl.u32 @!p1 s0, $0x2;
	s2 =	sshrl.u32 @!p1 s2, $0x2  }
0x53: {  	s3 =	simm.s32 @p2 $0xF0;
	s0 =	sadd.s32 @!p1 $0x10248, s0;
	s2 =	sor.u32 @!p1 $0x106F8, s2  }
0x54: {  	[tilespmem:s2], [sflag:$0x9] =	stream.indirect.gather @!p1 [hbm4b:s6+s3], $0x80, s0, s3, $0xb8;
	[tilespmem:$0x1F6F8] =	vst v63  }
0x55: {  	p1 =	slt.u32 s21, $0x2  }
.Ltmp3:
0x56: {  	_ = 	snop;
	(pc) =	sbr.rel @p1 .LBB2_21-.Ltmp3, $1  }
0x57: {  	_ =	sdelay $0x3  }
0x58: {  	p1 =	sgt.s32 s22, $0x27010  }
0x59: {  	s0 =	smov.u32 s22;
	s2 =	sshra.s32 s22, $0x1F;
	s3 =	ssub.s32 $0x27100, s22  }
0x5a: {  	s0 =	simm.s32 @!p1 $0x27010;
	s2 =	sand.u32 s2, s22;
	p1 =	slt.s32 s3, $0xF0  }
0x5b: {  	s0 =	ssub.s32 s0, s2;
	s3 =	simm.s32 @!p1 $0xF0  }
0x5c: {  	s0 =	sadd.s32 $0xFFFD8FF0, s0;
	s25 =	sshll.u32 s3, $0x7  }
0x5d: {  	s26 =	sshll.u32 s0, $0x2;
	s2 =	sand.u32 $0x3FFFFF80, s25  }
0x5e: {  	p1 =	sgt.s32 s0, $0xEF;
	s29 =	ssub.s32 $0x3C0, s26;
	_ =	swait.ge [sflag:s10], s2  }
0x5f: {  	s2 =	ssub.s32 $0x0, s2;
	[sflag:s10] =	ssyncset.done $0x0;
	s0 =	sshrl.u32 s29, $0x2  }
0x60: {  	[sflag:s10] =	ssyncadd.s32 s2;
	s0 =	simm.s32 @p1 $0x0  }
0x61: {  	_ =	swait.ge [sflag:s11], s0  }
0x62: {  	s0 =	ssub.s32 $0x0, s0;
	[sflag:s11] =	ssyncset.done $0x0  }
0x63: {  	[sflag:s11] =	ssyncadd.s32 s0  }
0x64: {  	v1 =	vld [tilespmem:$0xF208];
	_ =	sdelay $0x4  }
0x65: {  	(v2sf) =	vpush v1, $0x0  }
0x66: {  	(v2sf) =	vpush v1, $0x1  }
0x67: {  	(v2sf) =	vpush v1, $0x2;
	_ =	sdelay $0x3  }
0x68: {  	s0 =	sadd.s32 $0xF0, s22  }
0x69: {  	s2 =	ssub.s32 $0x4E200, s22;
	p1 =	slt.s32 s8, s0  }
0x6a: {  	s0 =	smov.u32 @p1 s8;
	p1 =	sgt.s32 s2, $0x0  }
0x6b: {  	s26 =	ssub.s32 s0, s22;
	s2 =	simm.s32 @!p1 $0x0  }
0x6c: {  	p1 =	slt.s32 s2, s26  }
0x6d: {  	s26 =	smov.u32 @p1 s2  }
0x6e: {  	s25 =	simm.s32 $0x1;
	p1 =	slt.s32 s26, $0x1  }
.Ltmp4:
0x6f: {  	s25 =	simm.s32 @!p0 $0x0;
	(pc) =	sbr.rel @p1 .LBB2_8-.Ltmp4, $4  }
0x70: {  	s31 =	smul.u32 $0x3C0, s25  }
0x71: {  	s28 =	spop (v2sf)  }
0x72: {  	s0 =	sshrl.u32 s31, $0x2;
	s30 =	spop (v2sf)  }
0x73: {  	s23 =	sadd.s32 $0x10518, s0;
	s22 =	spop (v2sf)  }
0x74: {  	s0 =	smin.u32 s26, $0x10  }
0x75: {  	v1 =	vmov s0  }
0x76: {  	p2 =	sgt.s32 s26, $0x10;
	vm1 =	vgt.u32 v1, v0  }
.Ltmp5:
0x77: {  	_ = 	snop;
	(pc) =	sbr.rel @!p2 .LBB2_7-.Ltmp5, $2  }
0x78: {  	_ =	sdelay $0x2  }
0x79: {  	s4 =	simm.s32 $0x10;
	s24 =	sadd.s32 $0xFFFFFFF0, s26;
	s0 =	smov.u32 s23;
	vm0 =	vmmov vm1  }
.LBB2_6:
0x7a: {  	s2 =	smin.u32 s24, $0x10;
	s4 =	sadd.s32 $0x10, s4;
	v1 =	vld.msk [tilespmem:s0+$0x0 ss:$0x1], vm1  }
0x7b: {  	v2 =	vmov s2;
	p2 =	slt.s32 s4, s26  }
0x7c: {  	vm1 =	vgt.u32 v2, v0  }
.Ltmp6:
0x7d: {  	(pc) =	sbr.rel @p2 .LBB2_6-.Ltmp6, $3  }
0x7e: {  	_ =	sdelay $0x1  }
0x7f: {  	v1 =	vshll.u32 v1, $0x4  }
0x80: {  	s24 =	sadd.s32 $0xFFFFFFF0, s24;
	[tilespmem:s0+$0x0] =	vst.msk vm0, v1;
	s0 =	sadd.s32 $0x10, s0;
	vm0 =	vmmov vm1  }
.LBB2_7:
0x81: {  	_ =	sdelay $0x4  }
0x82: {  	v1 =	vld.msk [tilespmem:s0+$0x0 ss:$0x1], vm1;
	_ =	sdelay $0x4  }
0x83: {  	v1 =	vshll.u32 v1, $0x4  }
0x84: {  	[tilespmem:s0+$0x0] =	vst.msk vm0, v1  }
.LBB2_8:
0x85: {  	s0 =	sand.u32 $0x1, s21  }
0x86: {  	s2 =	smul.u32 $0x7800, s0  }
0x87: {  	p2 =	sne.s32 s30, $0xFFFFFFFF  }
0x88: {  	v1 =	vld @!p2 [tilespmem:s2+$0x106F8];
	_ =	sdelay $0x2  }
0x89: {  	s0 =	smul.u32 $0xF0, s0;
	_ =	sdelay $0x1  }
0x8a: {  	v2 =	vld.msk @!p2 [tilespmem:s0+$0x10518], $0x1;
	[tilespmem:$0x108] =	vst @!p2 v1  }
0x8b: {  	v1 =	vld @!p2 [tilespmem:s2+$0x10708];
	_ =	sdelay $0x4  }
0x8c: {  	[tilespmem:$0x118] =	vst @!p2 v1  }
0x8d: {  	v1 =	vld @!p2 [tilespmem:s2+$0x10718];
	_ =	sdelay $0x4  }
0x8e: {  	[tilespmem:$0x128] =	vst @!p2 v1  }
0x8f: {  	v1 =	vld @!p2 [tilespmem:s2+$0x10728];
	_ =	sdelay $0x4  }
0x90: {  	[tilespmem:$0x138] =	vst @!p2 v1  }
0x91: {  	v1 =	vld @!p2 [tilespmem:s2+$0x10738];
	_ =	sdelay $0x4  }
0x92: {  	[tilespmem:$0x148] =	vst @!p2 v1  }
0x93: {  	(v2sf) =	vpush @!p2 v2, $0x0;
	v1 =	vld @!p2 [tilespmem:s2+$0x10748];
	_ =	sdelay $0x4  }
0x94: {  	[tilespmem:$0x158] =	vst @!p2 v1  }
0x95: {  	v1 =	vld @!p2 [tilespmem:s2+$0x10758];
	_ =	sdelay $0x4  }
0x96: {  	[tilespmem:$0x168] =	vst @!p2 v1  }
0x97: {  	v1 =	vld @!p2 [tilespmem:s2+$0x10768]  }
.Ltmp7:
0x98: {  	_ = 	snop;
	(pc) =	sbr.rel @p1 .LBB2_19-.Ltmp7, $4  }
0x99: {  	_ = 	snop  }
0x9a: {  	s29 =	spop @!p2 (v2sf)  }
0x9b: {  	s22 =	simm.s32 @!p2 $0x0;
	s24 =	smov.u32 s29  }
0x9c: {  	s29 =	smov.u32 @p2 s28;
	s24 =	smov.u32 @p2 s30;
	[tilespmem:$0x178] =	vst @!p2 v1;
	[sflag:s18] =	ssyncpa.u1 $0x0  }
0x9d: {  	v1 =	vld.msk [tilespmem:s23+$0x0], $0x1;
	_ =	sdelay $0x4  }
0x9e: {  	(v2sf) =	vpush v1, $0x0;
	_ =	sdelay $0xe  }
0x9f: {  	s2 =	smul.u32 $0x1E000, s25;
	s0 =	spop (v2sf)  }
0xa0: {  	s26 =	ssub.s32 $0x0, s26;
	p1 =	seq.s32 s29, s0  }
0xa1: {  	s30 =	sadd.s32 $0x1, s26;
	s2 =	sshrl.u32 s2, $0x2;
	p2 =	sgt.s32 @!p1 s29, $0x0  }
0xa2: {  	s25 =	sor.u32 $0x10738, s2;
	s2 =	smov.u32 s29;
	p2 =	por !p2, p1  }
0xa3: {  	s2 =	simm.s32 @p2 $0x0;
	p2 =	seq.s32 s30, $0x0  }
.Ltmp8:
0xa4: {  	_ = 	snop;
	(pc) =	sbr.rel @p2 .LBB2_11-.Ltmp8, $4  }
0xa5: {  	_ = 	snop  }
0xa6: {  	s28 =	simm.s32 $0x0;
	s31 =	sadd.s32 $0x1, s23;
	s2 =	smin.u32 @!p1 s2, $0x270F0  }
0xa7: {  	s4 =	simm.s32 @!p1 $0x1;
	s5 =	simm.s32 @!p1 $0x7988;
	s3 =	sand.u32 @!p1 $0x3FFF8, s2  }
0xa8: {  	s4 =	smov.u32 @p1 s28;
	s2 =	sand.u32 @!p1 $0x7, s2;
	s3 =	sadd.s32 @!p1 s1, s3  }
.LBB2_10:
0xa9: {  	s9 =	smov.u32 s4  }
0xaa: {  	[tilespmem:s5], [sflag:$0x2] =	stream.linear.gather @!p1 [hbm4b:s3+s2], $0x80, $0x38;
	[tilespmem:$0x1F6F8] =	vst v63  }
0xab: {  	s30 =	sadd.s32 $0x1, s30;
	s2 =	smov.u32 s0;
	v1 =	vld.msk [tilespmem:s31+$0x0], $0x1  }
0xac: {  	p2 =	seq.s32 s30, $0x0;
	_ =	sdelay $0x3  }
0xad: {  	(v2sf) =	vpush v1, $0x0;
	_ =	sdelay $0xe  }
0xae: {  	s0 =	spop (v2sf)  }
0xaf: {  	p1 =	seq.s32 s2, s0  }
0xb0: {  	p3 =	sgt.s32 @!p1 s2, $0x0;
	s3 =	sshll.u32 @!p1 s4, $0x9;
	s4 =	sadd.s32 @!p1 $0x1, s4  }
.Ltmp9:
0xb1: {  	p3 =	por !p3, p1;
	s3 =	sshra.s32 @!p1 s3, $0x2;
	(pc) =	sbr.rel @!p2 .LBB2_10-.Ltmp9, $4  }
0xb2: {  	s4 =	smov.u32 @p1 s9;
	s2 =	simm.s32 @p3 $0x0;
	s5 =	sadd.s32 @!p1 $0x7988, s3  }
0xb3: {  	s2 =	smin.u32 @!p1 s2, $0x270F0  }
0xb4: {  	s3 =	sand.u32 @!p1 $0x3FFF8, s2;
	s2 =	sand.u32 @!p1 $0x7, s2  }
0xb5: {  	s31 =	sadd.s32 $0x1, s31;
	s3 =	sadd.s32 @!p1 s1, s3  }
.LBB2_11:
0xb6: {  	[tilespmem:s5], [sflag:$0x2] =	stream.linear.gather @!p1 [hbm4b:s3+s2], $0x80, $0x38;
	[tilespmem:$0x1F6F8] =	vst v63  }
.Ltmp10:
0xb7: {  	s0 =	sshll.u32 s4, $0x7;
	(pc) =	sbr.rel .LBB2_12-.Ltmp10, $4  }
0xb8: {  	s30 =	simm.s32 $0x2;
	s0 =	sand.u32 $0x3FFFFF80, s0  }
0xb9: {  	_ =	swait.ge [sflag:s30], s0  }
0xba: {  	s0 =	ssub.s32 $0x0, s0;
	[sflag:s30] =	ssyncset.done $0x0  }
0xbb: {  	s31 =	simm.s32 $0x0;
	[sflag:s30] =	ssyncadd.s32 s0  }
.LBB2_13:
0xbc: {  	s0 =	sshra.s32 s0, $0x2;
	v1 =	vld [tilespmem:s25+$0xFFFFFFC0]  }
0xbd: {  	v2 =	vld [tilespmem:s0+$0x108];
	_ =	sdelay $0x4  }
0xbe: {  	v1 =	vmax.f32 v1, v2  }
0xbf: {  	v2 =	vld [tilespmem:s0+$0x118];
	[tilespmem:s0+$0x108] =	vst v1  }
0xc0: {  	v1 =	vld [tilespmem:s25+$0xFFFFFFD0];
	_ =	sdelay $0x4  }
0xc1: {  	v1 =	vmax.f32 v1, v2  }
0xc2: {  	v2 =	vld [tilespmem:s0+$0x128];
	[tilespmem:s0+$0x118] =	vst v1  }
0xc3: {  	v1 =	vld [tilespmem:s25+$0xFFFFFFE0];
	_ =	sdelay $0x4  }
0xc4: {  	v1 =	vmax.f32 v1, v2  }
0xc5: {  	v2 =	vld [tilespmem:s0+$0x138];
	[tilespmem:s0+$0x128] =	vst v1  }
0xc6: {  	v1 =	vld [tilespmem:s25+$0xFFFFFFF0];
	_ =	sdelay $0x4  }
0xc7: {  	v1 =	vmax.f32 v1, v2  }
0xc8: {  	v2 =	vld [tilespmem:s0+$0x148];
	[tilespmem:s0+$0x138] =	vst v1  }
0xc9: {  	v1 =	vld [tilespmem:s25+$0x0];
	_ =	sdelay $0x4  }
0xca: {  	v1 =	vmax.f32 v1, v2  }
0xcb: {  	v2 =	vld [tilespmem:s0+$0x158];
	[tilespmem:s0+$0x148] =	vst v1  }
0xcc: {  	v1 =	vld [tilespmem:s25+$0x10];
	_ =	sdelay $0x4  }
0xcd: {  	v1 =	vmax.f32 v1, v2  }
0xce: {  	v2 =	vld [tilespmem:s0+$0x168];
	[tilespmem:s0+$0x158] =	vst v1  }
0xcf: {  	v1 =	vld [tilespmem:s25+$0x20];
	_ =	sdelay $0x4  }
0xd0: {  	v1 =	vmax.f32 v1, v2  }
0xd1: {  	v2 =	vld [tilespmem:s0+$0x178];
	[tilespmem:s0+$0x168] =	vst v1  }
0xd2: {  	v1 =	vld [tilespmem:s25+$0x30];
	_ =	sdelay $0x4  }
0xd3: {  	v1 =	vmax.f32 v1, v2  }
0xd4: {  	[tilespmem:s0+$0x178] =	vst v1  }
.LBB2_17:
0xd5: {  	s26 =	sadd.s32 $0x1, s26  }
0xd6: {  	p1 =	seq.s32 s26, $0x0  }
.Ltmp11:
0xd7: {  	_ = 	snop;
	(pc) =	sbr.rel @p1 .LBB2_18-.Ltmp11, $2  }
0xd8: {  	_ =	sdelay $0x2  }
0xd9: {  	s23 =	sadd.s32 $0x1, s23;
	s25 =	sadd.s32 $0x80, s25;
	s29 =	smov.u32 s30  }
.LBB2_12:
0xda: {  	v1 =	vld.msk [tilespmem:s23+$0x0], $0x1;
	_ =	sdelay $0x4  }
0xdb: {  	(v2sf) =	vpush v1, $0x0;
	_ =	sdelay $0xe  }
0xdc: {  	s30 =	spop (v2sf)  }
0xdd: {  	p1 =	sne.s32 s29, s30  }
.Ltmp12:
0xde: {  	_ = 	snop;
	(pc) =	sbr.rel @!p1 .LBB2_13-.Ltmp12, $2  }
0xdf: {  	_ =	sdelay $0x2  }
0xe0: {  	s0 =	sshll.u32 s22, $0x9  }
0xe1: {  	p1 =	seq.s32 s29, s24  }
.Ltmp13:
0xe2: {  	_ = 	snop;
	(pc) =	sbr.rel @!p1 .LBB2_15-.Ltmp13, $1  }
0xe3: {  	_ =	sdelay $0x3  }
0xe4: {  	s0 =	sshra.s32 s0, $0x2  }
.Ltmp14:
0xe5: {  	s0 =	sadd.s32 $0x108, s0;
	(pc) =	sbr.rel .LBB2_16-.Ltmp14, $4  }
0xe6: {  	[spmem:s16] =	stream.linear.scatter [tilespmem:s0], [sflag:$0x1], $0x80, $0x38;
	[tilespmem:$0x1F6F8] =	vst v63  }
0xe7: {  	_ =	swait.ge [sflag:s12], $0x80  }
0xe8: {  	[sflag:s12] =	ssyncset.done $0x0  }
0xe9: {  	[sflag:s12] =	ssyncadd.s32 $0xFFFFFF80  }
.LBB2_15:
0xea: {  	s2 =	sshll.u32 s28, $0x9;
	s0 =	sshra.s32 s0, $0x2  }
0xeb: {  	s2 =	sshra.s32 s2, $0x2;
	v2 =	vld [tilespmem:s0+$0x108]  }
0xec: {  	v1 =	vld [tilespmem:s2+$0x7988];
	_ =	sdelay $0x4  }
0xed: {  	v1 =	vmax.f32 v1, v2  }
0xee: {  	v2 =	vld [tilespmem:s0+$0x118];
	[tilespmem:s0+$0x108] =	vst v1  }
0xef: {  	v1 =	vld [tilespmem:s2+$0x7998];
	_ =	sdelay $0x4  }
0xf0: {  	v1 =	vmax.f32 v1, v2  }
0xf1: {  	v2 =	vld [tilespmem:s0+$0x128];
	[tilespmem:s0+$0x118] =	vst v1  }
0xf2: {  	v1 =	vld [tilespmem:s2+$0x79A8];
	_ =	sdelay $0x4  }
0xf3: {  	v1 =	vmax.f32 v1, v2  }
0xf4: {  	v2 =	vld [tilespmem:s0+$0x138];
	[tilespmem:s0+$0x128] =	vst v1  }
0xf5: {  	v1 =	vld [tilespmem:s2+$0x79B8];
	_ =	sdelay $0x4  }
0xf6: {  	v1 =	vmax.f32 v1, v2  }
0xf7: {  	v2 =	vld [tilespmem:s0+$0x148];
	[tilespmem:s0+$0x138] =	vst v1  }
0xf8: {  	v1 =	vld [tilespmem:s2+$0x79C8];
	_ =	sdelay $0x4  }
0xf9: {  	v1 =	vmax.f32 v1, v2  }
0xfa: {  	v2 =	vld [tilespmem:s0+$0x158];
	[tilespmem:s0+$0x148] =	vst v1  }
0xfb: {  	v1 =	vld [tilespmem:s2+$0x79D8];
	_ =	sdelay $0x4  }
0xfc: {  	v1 =	vmax.f32 v1, v2  }
0xfd: {  	v2 =	vld [tilespmem:s0+$0x168];
	[tilespmem:s0+$0x158] =	vst v1  }
0xfe: {  	v1 =	vld [tilespmem:s2+$0x79E8];
	_ =	sdelay $0x4  }
0xff: {  	v1 =	vmax.f32 v1, v2  }
0x100: {  	v2 =	vld [tilespmem:s0+$0x178];
	[tilespmem:s0+$0x168] =	vst v1  }
0x101: {  	v1 =	vld [tilespmem:s2+$0x79F8];
	_ =	sdelay $0x3  }
0x102: {  	p1 =	sgt.u32 s29, $0x270F0  }
0x103: {  	s2 =	sand.u32 @!p1 $0x3FFF8, s29;
	v1 =	vmax.f32 v1, v2  }
0x104: {  	s3 =	sadd.s32 $0x108, s0;
	[tilespmem:s0+$0x178] =	vst v1;
	s0 =	sadd.s32 @!p1 s1, s2;
	s2 =	sand.u32 @!p1 $0x7, s29  }
0x105: {  	[hbm4b:s0+s2] =	stream.linear.scatter @!p1 [tilespmem:s3], [sflag:$0xC], $0x80, $0x38;
	[tilespmem:$0x1F6F8] =	vst v63  }
0x106: {  	s0 =	simm.s32 $0x0  }
0x107: {  	s0 =	simm.s32 @!p1 $0x200  }
0x108: {  	s31 =	sadd.s32 s0, s31  }
.LBB2_16:
0x109: {  	s0 =	sadd.s32 $0x1, s22  }
0x10a: {  	s2 =	smulhi.u32 $0x88888889, s0;
	_ =	sdelay $0x1  }
0x10b: {  	v1 =	vld [tilespmem:s25+$0xFFFFFFC0];
	s2 =	sshrl.u32 s2, $0x7  }
0x10c: {  	s2 =	smul.u32 $0xF0, s2;
	_ =	sdelay $0x1  }
0x10d: {  	s22 =	ssub.s32 s0, s2  }
0x10e: {  	s0 =	sshll.u32 s22, $0x7  }
0x10f: {  	[tilespmem:s0+$0x108] =	vst v1  }
0x110: {  	v1 =	vld [tilespmem:s25+$0xFFFFFFD0];
	_ =	sdelay $0x4  }
0x111: {  	[tilespmem:s0+$0x118] =	vst v1  }
0x112: {  	v1 =	vld [tilespmem:s25+$0xFFFFFFE0];
	_ =	sdelay $0x4  }
0x113: {  	[tilespmem:s0+$0x128] =	vst v1  }
0x114: {  	v1 =	vld [tilespmem:s25+$0xFFFFFFF0];
	_ =	sdelay $0x4  }
0x115: {  	[tilespmem:s0+$0x138] =	vst v1  }
0x116: {  	v1 =	vld [tilespmem:s25+$0x0];
	_ =	sdelay $0x4  }
0x117: {  	[tilespmem:s0+$0x148] =	vst v1  }
0x118: {  	v1 =	vld [tilespmem:s25+$0x10];
	_ =	sdelay $0x4  }
0x119: {  	[tilespmem:s0+$0x158] =	vst v1  }
0x11a: {  	v1 =	vld [tilespmem:s25+$0x20];
	_ =	sdelay $0x4  }
0x11b: {  	[tilespmem:s0+$0x168] =	vst v1  }
0x11c: {  	v1 =	vld [tilespmem:s25+$0x30]  }
.Ltmp15:
0x11d: {  	_ = 	snop;
	(pc) =	sbr.rel .LBB2_17-.Ltmp15, $2  }
0x11e: {  	_ =	sdelay $0x2  }
0x11f: {  	s28 =	sadd.s32 $0x1, s28;
	[tilespmem:s0+$0x178] =	vst v1  }
.LBB2_19:
.Ltmp16:
0x120: {  	(pc) =	sbr.rel .LBB2_20-.Ltmp16, $4  }
0x121: {  	_ = 	snop  }
0x122: {  	s0 =	simm.s32 $0x2  }
0x123: {  	_ =	swait.ge [sflag:s0], $0x0  }
0x124: {  	s30 =	smov.u32 s29;
	[sflag:s0] =	ssyncset.done $0x0;
	s0 =	simm.s32 $0x0  }
.LBB2_22:
0x125: {  	_ =	sfence.sel $0x180000  }
0x126: {  	s0 =	simm.s32 $0x9;
	[bflag:$0x0] =	sbarrier.arrive $0xFFFF  }
0x127: {  	s24 =	simm.s32 $0xA;
	[sflag:s0] =	ssyncpa.u1 $0x1  }
0x128: {  	s25 =	simm.s32 $0xB;
	[sflag:s24] =	ssyncpa.u1 $0x1  }
0x129: {  	s26 =	simm.s32 $0x2;
	[sflag:s25] =	ssyncpa.u1 $0x1  }
0x12a: {  	[sflag:s26] =	ssyncpa.u1 $0x1  }
0x12b: {  	v0 =	vld [tilespmem:$0xF208];
	_ =	sdelay $0x4  }
0x12c: {  	(v2sf) =	vpush v0, $0x0  }
0x12d: {  	(v2sf) =	vpush v0, $0x1;
	_ =	sdelay $0x1  }
0x12e: {  	(v2sf) =	vpush v0, $0x2;
	_ =	sdelay $0xb  }
0x12f: {  	s0 =	spop (v2sf)  }
0x130: {  	s2 =	spop (v2sf)  }
0x131: {  	s3 =	smov.u32 s0;
	p0 =	sne.s32 s0, s2  }
0x132: {  	s4 =	spop (v2sf);
	s3 =	simm.s32 @!p0 $0xFFFFFFFF  }
0x133: {  	v2 =	vimm.s32 $0x1;
	v3 =	vlaneseq.u32;
	p0 =	seq.s32 s4, $0xFFFFFFFF;
	v1 =	vmov s3  }
0x134: {  	s16 =	stileid.u32;
	v0 =	vperm.xlane v0, v2;
	p1 =	sne.s32 @!p0 s0, s2;
	v1 =	vperm.xlane v1, v3  }
0x135: {  	vm0 =	vcmask $0x3F04;
	s6 =	simm.s32 $0xF208;
	s0 =	simm.s32 @!p0 $0x1;
	p1 =	por !p1, p0  }
0x136: {  	s3 =	sshll.u32 s16, $0x1;
	s2 =	sshll.u32 @!p0 s4, $0x9;
	s0 =	simm.s32 @p1 $0x0;
	v0 =	vsel vm0, v1, v0  }
0x137: {  	s5 =	sor.u32 $0x1000, s3;
	s2 =	sshra.s32 @!p0 s2, $0x2;
	s0 =	sor.u32 @!p0 s0, s3;
	[tilespmem:$0xF208] =	vst v0  }
0x138: {  	[spmem:s5] =	stream.linear.scatter [tilespmem:s6], [sflag:$0x1], $0x2, $0x38;
	[tilespmem:$0x1F6F8] =	vst v63  }
0x139: {  	s2 =	sadd.s32 @!p0 $0x108, s2;
	s0 =	sshll.u32 @!p0 s0, $0x7  }
0x13a: {  	[spmem:s0] =	stream.linear.scatter @!p0 [tilespmem:s2], [sflag:$0x1], $0x80, $0x38;
	[tilespmem:$0x1F6F8] =	vst v63  }
0x13b: {  	s0 =	simm.s32 @!p0 $0x82  }
0x13c: {  	s28 =	simm.s32 $0x1;
	s0 =	simm.s32 @p0 $0x2  }
0x13d: {  	_ =	swait.ge [sflag:s28], s0  }
0x13e: {  	s0 =	ssub.s32 $0x0, s0;
	[sflag:s28] =	ssyncset.done $0x0  }
0x13f: {  	p0 =	sne.s32 s16, $0x0;
	[sflag:s28] =	ssyncadd.s32 s0  }
.Ltmp17:
0x140: {  	_ =	sfence.stream.spmem;
	(pc) =	sbr.rel @p0 .LBB2_39-.Ltmp17, $4  }
0x141: {  	s29 =	simm.s32 $0x3;
	[bflag:$0x0] =	sbarrier.arrive $0xFFFF  }
0x142: {  	s30 =	simm.s32 $0x4;
	[sflag:s29] =	ssyncpa.u1 $0x1  }
0x143: {  	s31 =	simm.s32 $0x3C;
	[sflag:s30] =	ssyncpa.u1 $0x1  }
0x144: {  	s15 =	rddreg [dreg:$0x4];
	[sflag:s31] =	ssyncpa.u1 $0x1  }
0x145: {  	_ =	sfence.stream.spmem;
	s0 =	simm.s32 $0x5  }
0x146: {  	s2 =	simm.s32 $0x1000;
	s3 =	simm.s32 $0xF218;
	[sflag:s0] =	ssyncpa.u1 $0x0  }
0x147: {  	[tilespmem:s3], [sflag:$0x5] =	stream.linear.gather [spmem:s2], $0x20, $0x38;
	[tilespmem:$0x1F6F8] =	vst v63  }
0x148: {  	s26 =	simm.s32 $0x0;
	s28 =	simm.s32 $0xF238  }
0x149: {  	[tilespmem:s28], [sflag:$0x5] =	stream.linear.gather [spmem:s26], $0x1000, $0x38;
	[tilespmem:$0x1F6F8] =	vst v63  }
0x14a: {  	_ =	swait.ge [sflag:s0], $0x1020  }
0x14b: {  	[sflag:s0] =	ssyncset.done $0x0  }
0x14c: {  	s29 =	simm.s32 $0x0;
	[sflag:s0] =	ssyncadd.s32 $0xFFFFEFE0  }
0x14d: {  	v0 =	vld.msk [tilespmem:s29+$0xF218], $0x1;
	_ =	sdelay $0x1  }
0x14e: {  	s30 =	simm.s32 $0x1  }
0x14f: {  	v1 =	vld.msk [tilespmem:s30+$0xF218], $0x1;
	_ =	sdelay $0x1  }
0x150: {  	(v2sf) =	vpush v0, $0x0;
	_ =	sdelay $0x2  }
0x151: {  	(v2sf) =	vpush v1, $0x0;
	_ =	sdelay $0x2  }
0x152: {  	s31 =	simm.s32 $0x2  }
0x153: {  	v0 =	vld.msk [tilespmem:s31+$0xF218], $0x1;
	_ =	sdelay $0x2  }
0x154: {  	s4 =	simm.s32 $0xFFFFFFFF;
	s5 =	simm.s32 $0xFFFFFFFF;
	s0 =	simm.s32 $0xC  }
.LBB2_24:
0x155: {  	s2 =	smov.u32 s5;
	s3 =	smov.u32 s4  }
0x156: {  	s4 =	sshra.s32 s0, $0x2;
	p1 =	sne.s32 s0, $0x7C;
	s0 =	sadd.s32 $0x4, s0;
	(v2sf) =	vpush v0, $0x0  }
0x157: {  	v0 =	vld.msk [tilespmem:s4+$0xF218], $0x1  }
.Ltmp18:
0x158: {  	(pc) =	sbr.rel @p1 .LBB2_24-.Ltmp18, $4  }
0x159: {  	s5 =	spop (v2sf)  }
0x15a: {  	p2 =	sne.s32 s3, $0xFFFFFFFF;
	s4 =	smov.u32 s5  }
0x15b: {  	p3 =	seq.s32 s5, $0xFFFFFFFF;
	s4 =	smov.u32 @p2 s3  }
0x15c: {  	s5 =	smov.u32 @p3 s2;
	s4 =	smov.u32 @p3 s3  }
0x15d: {  	(v2sf) =	vpush v0, $0x0;
	_ =	sdelay $0x8  }
0x15e: {  	s0 =	spop (v2sf)  }
0x15f: {  	p1 =	sne.s32 s4, $0xFFFFFFFF;
	s2 =	smov.u32 s0  }
0x160: {  	s9 =	simm.s32 $0x6;
	p2 =	seq.s32 s0, $0xFFFFFFFF;
	s2 =	smov.u32 @p1 s4  }
0x161: {  	s6 =	simm.s32 $0x0;
	s2 =	smov.u32 @p2 s4;
	s3 =	spop (v2sf)  }
0x162: {  	s0 =	smov.u32 @p2 s5;
	p1 =	sne.s32 s2, $0xFFFFFFFF;
	s4 =	smov.u32 s3  }
.Ltmp19:
0x163: {  	p2 =	seq.s32 s3, $0xFFFFFFFF;
	s4 =	smov.u32 @p1 s2;
	(pc) =	sbr.rel .LBB2_26-.Ltmp19, $4  }
0x164: {  	s10 =	simm.s32 $0xF188;
	s4 =	smov.u32 @p2 s2;
	s7 =	spop (v2sf)  }
0x165: {  	s11 =	simm.s32 $0x0;
	p1 =	sne.s32 s4, $0xFFFFFFFF;
	s8 =	smov.u32 s7  }
0x166: {  	s3 =	smov.u32 @p2 s0;
	p2 =	seq.s32 s7, $0xFFFFFFFF;
	s8 =	smov.u32 @p1 s4  }
0x167: {  	[sflag:s9] =	ssyncpa.u1 $0x0;
	s7 =	smov.u32 @p2 s3;
	s8 =	smov.u32 @p2 s4  }
.LBB2_32:
0x168: {  	p1 =	sgt.u32 s12, $0x270F0  }
0x169: {  	p2 =	seq.s32 @!p1 s12, s8  }
0x16a: {  	p1 =	por p1, p2  }
0x16b: {  	p2 =	sne.s32 @!p1 s12, s7  }
0x16c: {  	p1 =	por p1, !p2  }
0x16d: {  	s0 =	sshll.u32 @p1 s11, $0x9  }
0x16e: {  	s0 =	sand.u32 @!p1 $0x3FFF8, s12  }
0x16f: {  	s2 =	sand.u32 @!p1 $0x7, s12;
	s0 =	sadd.s32 @!p1 s1, s0  }
0x170: {  	[tilespmem:s10], [sflag:$0x6] =	stream.linear.gather @!p1 [hbm4b:s0+s2], $0x80, $0x38;
	[tilespmem:$0x1F6F8] =	vst v63  }
0x171: {  	_ =	swait.ge @!p1 [sflag:s9], $0x80  }
0x172: {  	[sflag:s9] =	ssyncset.done @!p1 $0x0  }
0x173: {  	s0 =	sshll.u32 @!p1 s11, $0x9;
	[sflag:s9] =	ssyncadd.s32 @!p1 $0xFFFFFF80  }
0x174: {  	s2 =	sshrl.u32 @!p1 s0, $0x2;
	v1 =	vld @!p1 [tilespmem:$0xF188]  }
0x175: {  	v2 =	vld @!p1 [tilespmem:s2+$0xF238];
	_ =	sdelay $0x4  }
0x176: {  	v1 =	vmax.f32 @!p1 v1, v2  }
0x177: {  	v2 =	vld @!p1 [tilespmem:s2+$0xF248];
	[tilespmem:s2+$0xF238] =	vst @!p1 v1  }
0x178: {  	v1 =	vld @!p1 [tilespmem:$0xF198];
	_ =	sdelay $0x4  }
0x179: {  	v1 =	vmax.f32 @!p1 v1, v2  }
0x17a: {  	v2 =	vld @!p1 [tilespmem:s2+$0xF258];
	[tilespmem:s2+$0xF248] =	vst @!p1 v1  }
0x17b: {  	v1 =	vld @!p1 [tilespmem:$0xF1A8];
	_ =	sdelay $0x4  }
0x17c: {  	v1 =	vmax.f32 @!p1 v1, v2  }
0x17d: {  	v2 =	vld @!p1 [tilespmem:s2+$0xF268];
	[tilespmem:s2+$0xF258] =	vst @!p1 v1  }
0x17e: {  	v1 =	vld @!p1 [tilespmem:$0xF1B8];
	_ =	sdelay $0x4  }
0x17f: {  	v1 =	vmax.f32 @!p1 v1, v2  }
0x180: {  	v2 =	vld @!p1 [tilespmem:s2+$0xF278];
	[tilespmem:s2+$0xF268] =	vst @!p1 v1  }
0x181: {  	v1 =	vld @!p1 [tilespmem:$0xF1C8];
	_ =	sdelay $0x4  }
0x182: {  	v1 =	vmax.f32 @!p1 v1, v2  }
0x183: {  	v2 =	vld @!p1 [tilespmem:s2+$0xF288];
	[tilespmem:s2+$0xF278] =	vst @!p1 v1  }
0x184: {  	v1 =	vld @!p1 [tilespmem:$0xF1D8];
	_ =	sdelay $0x4  }
0x185: {  	v1 =	vmax.f32 @!p1 v1, v2  }
0x186: {  	v2 =	vld @!p1 [tilespmem:s2+$0xF298];
	[tilespmem:s2+$0xF288] =	vst @!p1 v1  }
0x187: {  	v1 =	vld @!p1 [tilespmem:$0xF1E8];
	_ =	sdelay $0x4  }
0x188: {  	v1 =	vmax.f32 @!p1 v1, v2  }
0x189: {  	v2 =	vld @!p1 [tilespmem:s2+$0xF2A8];
	[tilespmem:s2+$0xF298] =	vst @!p1 v1  }
0x18a: {  	v1 =	vld @!p1 [tilespmem:$0xF1F8];
	_ =	sdelay $0x4  }
0x18b: {  	v1 =	vmax.f32 @!p1 v1, v2  }
0x18c: {  	[tilespmem:s2+$0xF2A8] =	vst @!p1 v1  }
0x18d: {  	s0 =	sshrl.u32 s0, $0x2;
	[tilespmem:s6+$0xF218] =	vst.msk $0x1, v0  }
0x18e: {  	v0 =	vld [tilespmem:s0+$0xF238];
	_ =	sdelay $0x2  }
0x18f: {  	s31 =	sshll.u32 s6, $0x9  }
0x190: {  	s2 =	sshra.s32 s31, $0x2  }
0x191: {  	[tilespmem:s2+$0xF238] =	vst v0  }
0x192: {  	v0 =	vld [tilespmem:s0+$0xF248];
	_ =	sdelay $0x4  }
0x193: {  	[tilespmem:s2+$0xF248] =	vst v0  }
0x194: {  	v0 =	vld [tilespmem:s0+$0xF258];
	_ =	sdelay $0x4  }
0x195: {  	[tilespmem:s2+$0xF258] =	vst v0  }
0x196: {  	v0 =	vld [tilespmem:s0+$0xF268];
	_ =	sdelay $0x4  }
0x197: {  	[tilespmem:s2+$0xF268] =	vst v0  }
0x198: {  	v0 =	vld [tilespmem:s0+$0xF278];
	_ =	sdelay $0x4  }
0x199: {  	[tilespmem:s2+$0xF278] =	vst v0  }
0x19a: {  	v0 =	vld [tilespmem:s0+$0xF288];
	_ =	sdelay $0x4  }
0x19b: {  	[tilespmem:s2+$0xF288] =	vst v0  }
0x19c: {  	v0 =	vld [tilespmem:s0+$0xF298];
	_ =	sdelay $0x4  }
0x19d: {  	[tilespmem:s2+$0xF298] =	vst v0  }
0x19e: {  	v0 =	vld [tilespmem:s0+$0xF2A8];
	_ =	sdelay $0x4  }
0x19f: {  	s6 =	sadd.s32 $0x1, s6;
	[tilespmem:s2+$0xF2A8] =	vst v0  }
.LBB2_33:
0x1a0: {  	s11 =	sadd.s32 $0x1, s11  }
0x1a1: {  	p1 =	sne.s32 s11, $0x20  }
.Ltmp20:
0x1a2: {  	_ = 	snop;
	(pc) =	sbr.rel @!p1 .LBB2_34-.Ltmp20, $1  }
0x1a3: {  	_ =	sdelay $0x3  }
.LBB2_26:
0x1a4: {  	v0 =	vld.msk [tilespmem:s11+$0xF218], $0x1;
	_ =	sdelay $0x4  }
0x1a5: {  	(v2sf) =	vpush v0, $0x0;
	_ =	sdelay $0xe  }
0x1a6: {  	s12 =	spop (v2sf)  }
0x1a7: {  	p1 =	seq.s32 s12, $0xFFFFFFFF  }
.Ltmp21:
0x1a8: {  	_ = 	snop;
	(pc) =	sbr.rel @p1 .LBB2_33-.Ltmp21, $1  }
0x1a9: {  	_ =	sdelay $0x3  }
0x1aa: {  	p1 =	slt.s32 s6, $0x1  }
.Ltmp22:
0x1ab: {  	_ = 	snop;
	(pc) =	sbr.rel @p1 .LBB2_32-.Ltmp22, $1  }
0x1ac: {  	_ =	sdelay $0x3  }
0x1ad: {  	s13 =	simm.s32 $0xF218;
	p1 =	por $0x0, $0x0  }
0x1ae: {  	v1 =	vld.msk @!p1 [tilespmem:s13+$0x0], $0x1;
	_ =	sdelay $0x4  }
0x1af: {  	(v2sf) =	vpush @!p1 v1, $0x0;
	_ =	sdelay $0xd  }
0x1b0: {  	p3 =	sne.s32 s6, $0x1  }
.Ltmp23:
0x1b1: {  	s0 =	spop @!p1 (v2sf);
	(pc) =	sbr.rel @!p3 .LBB2_30-.Ltmp23, $4  }
0x1b2: {  	p2 =	seq.s32 @!p1 s12, s0  }
0x1b3: {  	s14 =	simm.s32 $0x0;
	p2 =	por !p2, p1  }
0x1b4: {  	s2 =	simm.s32 $0xFFFFFFFF;
	s14 =	simm.s32 @p2 $0xFFFFFFFF  }
0x1b5: {  	s0 =	simm.s32 $0x1;
	s14 =	smov.u32 @p1 s2  }
.LBB2_29:
0x1b6: {  	s2 =	smov.u32 s14;
	p1 =	sne.s32 s14, $0xFFFFFFFF  }
0x1b7: {  	s13 =	sadd.s32 $0x1, s13;
	s14 =	smov.u32 s0;
	s0 =	sadd.s32 $0x1, s0  }
0x1b8: {  	p2 =	sne.s32 s6, s0;
	v1 =	vld.msk @!p1 [tilespmem:s13+$0x0], $0x1;
	_ =	sdelay $0x4  }
0x1b9: {  	(v2sf) =	vpush @!p1 v1, $0x0;
	_ =	sdelay $0xe  }
.Ltmp24:
0x1ba: {  	s3 =	spop @!p1 (v2sf);
	(pc) =	sbr.rel @p2 .LBB2_29-.Ltmp24, $4  }
0x1bb: {  	p3 =	seq.s32 @!p1 s12, s3  }
0x1bc: {  	p3 =	por !p3, p1  }
0x1bd: {  	s14 =	simm.s32 @p3 $0xFFFFFFFF  }
0x1be: {  	s14 =	smov.u32 @p1 s2  }
.LBB2_30:
0x1bf: {  	p1 =	seq.s32 s14, $0xFFFFFFFF  }
.Ltmp25:
0x1c0: {  	_ = 	snop;
	(pc) =	sbr.rel @p1 .LBB2_32-.Ltmp25, $1  }
0x1c1: {  	_ =	sdelay $0x3  }
0x1c2: {  	s0 =	sshll.u32 s11, $0x7  }
0x1c3: {  	s2 =	sshll.u32 s14, $0x9;
	s0 =	sand.u32 $0x3FFFFF80, s0  }
0x1c4: {  	s2 =	sshra.s32 s2, $0x2;
	v0 =	vld [tilespmem:s0+$0xF238]  }
0x1c5: {  	v1 =	vld [tilespmem:s2+$0xF238];
	_ =	sdelay $0x4  }
0x1c6: {  	v0 =	vmax.f32 v0, v1  }
0x1c7: {  	v57 =	vld [tilespmem:s2+$0xF248];
	[tilespmem:s2+$0xF238] =	vst v0  }
0x1c8: {  	v0 =	vld [tilespmem:s0+$0xF248];
	_ =	sdelay $0x4  }
0x1c9: {  	v0 =	vmax.f32 v0, v57  }
0x1ca: {  	v58 =	vld [tilespmem:s2+$0xF258];
	[tilespmem:s2+$0xF248] =	vst v0  }
0x1cb: {  	v0 =	vld [tilespmem:s0+$0xF258];
	_ =	sdelay $0x4  }
0x1cc: {  	v0 =	vmax.f32 v0, v58  }
0x1cd: {  	v59 =	vld [tilespmem:s2+$0xF268];
	[tilespmem:s2+$0xF258] =	vst v0  }
0x1ce: {  	v0 =	vld [tilespmem:s0+$0xF268];
	_ =	sdelay $0x4  }
0x1cf: {  	v0 =	vmax.f32 v0, v59  }
0x1d0: {  	v60 =	vld [tilespmem:s2+$0xF278];
	[tilespmem:s2+$0xF268] =	vst v0  }
0x1d1: {  	v0 =	vld [tilespmem:s0+$0xF278];
	_ =	sdelay $0x4  }
0x1d2: {  	v0 =	vmax.f32 v0, v60  }
0x1d3: {  	v61 =	vld [tilespmem:s2+$0xF288];
	[tilespmem:s2+$0xF278] =	vst v0  }
0x1d4: {  	v0 =	vld [tilespmem:s0+$0xF288];
	_ =	sdelay $0x4  }
0x1d5: {  	v0 =	vmax.f32 v0, v61  }
0x1d6: {  	v62 =	vld [tilespmem:s2+$0xF298];
	[tilespmem:s2+$0xF288] =	vst v0  }
0x1d7: {  	v0 =	vld [tilespmem:s0+$0xF298];
	_ =	sdelay $0x4  }
0x1d8: {  	v0 =	vmax.f32 v0, v62  }
0x1d9: {  	v63 =	vld [tilespmem:s2+$0xF2A8];
	[tilespmem:s2+$0xF298] =	vst v0  }
0x1da: {  	v0 =	vld [tilespmem:s0+$0xF2A8];
	_ =	sdelay $0x1  }
.Ltmp26:
0x1db: {  	_ = 	snop;
	(pc) =	sbr.rel .LBB2_33-.Ltmp26, $3  }
0x1dc: {  	_ =	sdelay $0x1  }
0x1dd: {  	v0 =	vmax.f32 v0, v63  }
0x1de: {  	[tilespmem:s2+$0xF2A8] =	vst v0  }
.LBB2_34:
0x1df: {  	s0 =	simm.s32 $0x6;
	p1 =	seq.s32 s6, $0x0  }
0x1e0: {  	[sflag:s0] =	ssyncpa.u1 $0x1;
	v0 =	vimm.s32 @p1 $0xFFFFFFFF  }
0x1e1: {  	s9 =	sadd.s32 $0xFFFFFFFF, s6;
	[tilespmem:$0x10238] =	vst @p1 v0  }
0x1e2: {  	v0 =	vld.msk @!p1 [tilespmem:s9+$0xF218], $0x1;
	_ =	sdelay $0x1  }
0x1e3: {  	v1 =	vld.msk @!p1 [tilespmem:$0xF218], $0x1;
	_ =	sdelay $0x2  }
0x1e4: {  	p2 =	seq.s32 @!p1 s9, $0x0;
	v0 =	vbroadcast @!p1 v0, $0x0  }
0x1e5: {  	vm0 =	vmmov @!p1 $0x1;
	p2 =	por !p2, p1  }
0x1e6: {  	v1 =	vnsel @!p1 vm0, $0xFFFFFFFF, v1;
	vm0 =	vcmask @!p1 $0x308;
	v0 =	vpsel !p2, $0xFFFFFFFF, v0  }
0x1e7: {  	p2 =	sne.s32 @!p1 s8, s7;
	v0 =	vsel @!p1 vm0, v1, v0  }
0x1e8: {  	s0 =	simm.s32 @!p1 $0xF238;
	s2 =	simm.s32 @!p1 $0x0;
	p3 =	por !p2, p1;
	[tilespmem:$0x10238] =	vst @!p1 v0  }
0x1e9: {  	[spmem:s2] =	stream.linear.scatter @!p1 [tilespmem:s0], [sflag:$0x1], $0x80, $0x38;
	[tilespmem:$0x1F6F8] =	vst v63  }
0x1ea: {  	s0 =	sshll.u32 @!p3 s9, $0x9  }
0x1eb: {  	s0 =	sshra.s32 @!p3 s0, $0x2  }
0x1ec: {  	s2 =	simm.s32 @!p3 $0x80;
	s0 =	sadd.s32 @!p3 $0xF238, s0  }
0x1ed: {  	[spmem:s2] =	stream.linear.scatter @!p3 [tilespmem:s0], [sflag:$0x1], $0x80, $0x38;
	[tilespmem:$0x1F6F8] =	vst v63  }
0x1ee: {  	s0 =	simm.s32 @!p3 $0x1  }
0x1ef: {  	_ =	swait.ge @!p3 [sflag:s0], $0x100  }
0x1f0: {  	p1 =	por p2, p1;
	[sflag:s0] =	ssyncset.done @!p3 $0x0  }
0x1f1: {  	[sflag:s0] =	ssyncadd.s32 @!p3 $0xFFFFFF00;
	s0 =	simm.s32 @!p1 $0x1  }
0x1f2: {  	_ =	swait.ge @!p1 [sflag:s0], $0x80  }
0x1f3: {  	s29 =	simm.s32 $0x10238;
	[sflag:s0] =	ssyncset.done @!p1 $0x0  }
0x1f4: {  	s30 =	simm.s32 $0x1000;
	s31 =	simm.s32 $0x1;
	[sflag:s0] =	ssyncadd.s32 @!p1 $0xFFFFFF80  }
0x1f5: {  	[spmem:s30] =	stream.linear.scatter [tilespmem:s29], [sflag:$0x1], $0x10, $0x38;
	[tilespmem:$0x1F6F8] =	vst v63  }
0x1f6: {  	_ =	swait.ge [sflag:s31], $0x10  }
0x1f7: {  	[sflag:s31] =	ssyncset.done $0x0  }
0x1f8: {  	p1 =	seq.s32 s15, $0x0;
	s8 =	rddreg [dreg:$0x1];
	[sflag:s31] =	ssyncadd.s32 $0xFFFFFFF0  }
0x1f9: {  	s2 =	sshll.u32 @p1 s8, $0xE;
	s7 =	rddreg [dreg:$0x2]  }
0x1fa: {  	s0 =	sadd.s32 @p1 $0x15C3C, s2;
	s2 =	sshll.u32 @p1 s7, $0x11  }
0x1fb: {  	_ =	sfence.stream.spmem;
	s0 =	sor.u32 @p1 s2, s0  }
0x1fc: {  	[sflag:s0] =	ssyncadd.remote.s32 @p1 $0x1;
	s0 =	simm.s32 @p1 $0x4  }
0x1fd: {  	s3 =	simm.s32 @!p1 $0x3C;
	s2 =	sand.u32 $0xFFFFFFFE, s8;
	_ =	swait.ge @p1 [sflag:s0], $0x22  }
0x1fe: {  	s4 =	simm.s32 @!p1 $0x0;
	s2 =	sadd.s32 @!p1 $0x4, s2;
	[sflag:s0] =	ssyncset.done @p1 $0x0  }
0x1ff: {  	s5 =	simm.s32 @!p1 $0x100;
	[sflag:s0] =	ssyncadd.s32 @p1 $0xFFFFFFDE;
	s0 =	sshll.u32 @!p1 s2, $0x1A  }
0x200: {  	s2 =	sshll.u32 @!p1 s2, $0xD;
	s0 =	sor.u32 @!p1 s0, s7;
	_ =	swait.eq @!p1 [sflag:s3], $0x1  }
0x201: {  	s2 =	sor.u32 @!p1 $0x1C04, s2;
	s3 =	simm.s32 @!p1 $0x1C03;
	s0 =	sor.u32 @!p1 $0x80004000, s0  }
0x202: {  	[spmem:s5], [sflag:s2] =	dma.general @!p1 [spmem:s4], [sflag:s3], length:$0x20, [dreg:$0x0], stride_count:$0x0, ici_dest:s0, dma_misc:DstOpCode:WRITE  }
0x203: {  	p2 =	slt.s32 s9, $0x2;
	s4 =	simm.s32 @!p1 $0x200;
	s5 =	simm.s32 @!p1 $0x202  }
0x204: {  	[spmem:s5], [sflag:s2] =	dma.general @!p1 [spmem:s4], [sflag:s3], length:$0x2, [dreg:$0x0], stride_count:$0x0, ici_dest:s0, dma_misc:DstOpCode:WRITE  }
.Ltmp27:
0x205: {  	s0 =	simm.s32 @!p1 $0x3;
	(pc) =	sbr.rel @p2 .LBB2_38-.Ltmp27, $4  }
0x206: {  	s2 =	sshll.u32 @!p1 s8, $0xE;
	_ =	swait.ge @!p1 [sflag:s0], $0x22  }
0x207: {  	s3 =	sshll.u32 @!p1 s7, $0x11;
	s2 =	sadd.s32 @!p1 $0x11C3C, s2;
	[sflag:s0] =	ssyncset.done @!p1 $0x0  }
0x208: {  	[sflag:s0] =	ssyncadd.s32 @!p1 $0xFFFFFFDE;
	s0 =	sor.u32 @!p1 s3, s2  }
0x209: {  	[sflag:s0] =	ssyncadd.remote.s32 @!p1 $0xFFFFFFFF;
	s0 =	simm.s32 $0x0  }
0x20a: {  	s0 =	simm.s32 $0xF219  }
0x20b: {  	v0 =	vld.msk [tilespmem:s0+$0x0], $0x1;
	_ =	sdelay $0x4  }
0x20c: {  	(v2sf) =	vpush v0, $0x0;
	_ =	sdelay $0xb  }
0x20d: {  	s31 =	sadd.s32 $0xFFFFFFFE, s6  }
0x20e: {  	s0 =	sadd.s32 $0xFFFFFFFF, s31  }
0x20f: {  	p2 =	sne.s32 s0, $0x0  }
.Ltmp28:
0x210: {  	s2 =	spop (v2sf);
	(pc) =	sbr.rel @!p2 .LBB2_37-.Ltmp28, $4  }
0x211: {  	s4 =	simm.s32 $0xF2B8;
	s7 =	simm.s32 $0x0;
	p1 =	sgt.u32 s2, $0x270F0  }
0x212: {  	s5 =	simm.s32 $0x0;
	s6 =	simm.s32 $0xF21A;
	s3 =	sand.u32 @!p1 $0x3FFF8, s2  }
0x213: {  	s2 =	sand.u32 @!p1 $0x7, s2;
	s7 =	simm.s32 @!p1 $0x200;
	s3 =	sadd.s32 @!p1 s1, s3  }
0x214: {  	[hbm4b:s3+s2] =	stream.linear.scatter @!p1 [tilespmem:s4], [sflag:$0x5], $0x80, $0x38;
	[tilespmem:$0x1F6F8] =	vst v63  }
.LBB2_36:
0x215: {  	v0 =	vld.msk [tilespmem:s6+$0x0], $0x1;
	s0 =	sadd.s32 $0xFFFFFFFF, s0;
	s5 =	sadd.s32 s5, s7  }
0x216: {  	p1 =	sne.s32 s0, $0x0;
	_ =	sdelay $0x3  }
0x217: {  	(v2sf) =	vpush v0, $0x0;
	_ =	sdelay $0xe  }
.Ltmp29:
0x218: {  	s2 =	spop (v2sf);
	(pc) =	sbr.rel @p1 .LBB2_36-.Ltmp29, $4  }
0x219: {  	s7 =	simm.s32 $0x0;
	p2 =	sgt.u32 s2, $0x270F0  }
0x21a: {  	s4 =	sadd.s32 $0x80, s4;
	s7 =	simm.s32 @!p2 $0x200;
	s3 =	sand.u32 @!p2 $0x3FFF8, s2  }
0x21b: {  	s6 =	sadd.s32 $0x1, s6;
	s2 =	sand.u32 @!p2 $0x7, s2;
	s3 =	sadd.s32 @!p2 s1, s3  }
0x21c: {  	[hbm4b:s3+s2] =	stream.linear.scatter @!p2 [tilespmem:s4], [sflag:$0x5], $0x80, $0x38;
	[tilespmem:$0x1F6F8] =	vst v63  }
.LBB2_37:
0x21d: {  	s0 =	sadd.s32 s5, s7  }
0x21e: {  	s0 =	sshrl.u32 s0, $0x2  }
.LBB2_38:
0x21f: {  	s2 =	simm.s32 $0x5  }
0x220: {  	_ =	swait.ge [sflag:s2], s0  }
0x221: {  	s31 =	ssub.s32 $0x0, s0;
	[sflag:s2] =	ssyncset.done $0x0  }
0x222: {  	[sflag:s2] =	ssyncadd.s32 s31  }
0x223: {  	[sflag:s2] =	ssyncpa.u1 $0x1  }
.LBB2_39:
0x224: {  	s0 =	sor.u32 s15, s16  }
0x225: {  	p1 =	sne.s32 s0, $0x0  }
.Ltmp30:
0x226: {  	_ = 	snop;
	(pc) =	sbr.rel @p1 .LBB2_54-.Ltmp30, $3  }
0x227: {  	_ =	sdelay $0x1  }
0x228: {  	[bflag:$0x0] =	sbarrier.arrive $0xFFFF  }
0x229: {  	_ =	sfence  }
0x22a: {  	s0 =	simm.s32 $0x7  }
0x22b: {  	s2 =	simm.s32 $0x1000;
	s3 =	simm.s32 $0xF218;
	[sflag:s0] =	ssyncpa.u1 $0x0  }
0x22c: {  	[tilespmem:s3], [sflag:$0x7] =	stream.linear.gather [spmem:s2], $0x20, $0x38;
	[tilespmem:$0x1F6F8] =	vst v63  }
0x22d: {  	s30 =	simm.s32 $0xF238;
	s2 =	simm.s32 $0x0  }
0x22e: {  	[tilespmem:s30], [sflag:$0x7] =	stream.linear.gather [spmem:s2], $0x1000, $0x38;
	[tilespmem:$0x1F6F8] =	vst v63  }
.Ltmp31:
0x22f: {  	_ = 	snop;
	(pc) =	sbr.rel .LBB2_41-.Ltmp31, $4  }
0x230: {  	_ =	swait.ge [sflag:s0], $0x1020  }
0x231: {  	[sflag:s0] =	ssyncset.done $0x0  }
0x232: {  	s31 =	simm.s32 $0x8;
	[sflag:s0] =	ssyncadd.s32 $0xFFFFEFE0  }
0x233: {  	s3 =	simm.s32 $0x0;
	[sflag:s31] =	ssyncpa.u1 $0x0  }
.LBB2_47:
0x234: {  	p1 =	slt.u32 s4, $0x270F1  }
0x235: {  	s0 =	sand.u32 @p1 $0x3FFF8, s4  }
0x236: {  	s4 =	sand.u32 @p1 $0x7, s4;
	s5 =	simm.s32 @p1 $0xF188;
	s0 =	sadd.s32 @p1 s1, s0  }
0x237: {  	[tilespmem:s5], [sflag:$0x8] =	stream.linear.gather @p1 [hbm4b:s0+s4], $0x80, $0x38;
	[tilespmem:$0x1F6F8] =	vst v63  }
0x238: {  	s0 =	simm.s32 @p1 $0x8  }
0x239: {  	_ =	swait.ge @p1 [sflag:s0], $0x80  }
0x23a: {  	[sflag:s0] =	ssyncset.done @p1 $0x0  }
0x23b: {  	[sflag:s0] =	ssyncadd.s32 @p1 $0xFFFFFF80;
	s0 =	sshll.u32 @p1 s3, $0x9  }
0x23c: {  	s4 =	sshrl.u32 @p1 s0, $0x2;
	v1 =	vld @p1 [tilespmem:$0xF188]  }
0x23d: {  	v2 =	vld @p1 [tilespmem:s4+$0xF238];
	_ =	sdelay $0x4  }
0x23e: {  	v1 =	vmax.f32 @p1 v1, v2  }
0x23f: {  	v2 =	vld @p1 [tilespmem:s4+$0xF248];
	[tilespmem:s4+$0xF238] =	vst @p1 v1  }
0x240: {  	v1 =	vld @p1 [tilespmem:$0xF198];
	_ =	sdelay $0x4  }
0x241: {  	v1 =	vmax.f32 @p1 v1, v2  }
0x242: {  	v2 =	vld @p1 [tilespmem:s4+$0xF258];
	[tilespmem:s4+$0xF248] =	vst @p1 v1  }
0x243: {  	v1 =	vld @p1 [tilespmem:$0xF1A8];
	_ =	sdelay $0x4  }
0x244: {  	v1 =	vmax.f32 @p1 v1, v2  }
0x245: {  	v2 =	vld @p1 [tilespmem:s4+$0xF268];
	[tilespmem:s4+$0xF258] =	vst @p1 v1  }
0x246: {  	v1 =	vld @p1 [tilespmem:$0xF1B8];
	_ =	sdelay $0x4  }
0x247: {  	v1 =	vmax.f32 @p1 v1, v2  }
0x248: {  	v2 =	vld @p1 [tilespmem:s4+$0xF278];
	[tilespmem:s4+$0xF268] =	vst @p1 v1  }
0x249: {  	v1 =	vld @p1 [tilespmem:$0xF1C8];
	_ =	sdelay $0x4  }
0x24a: {  	v1 =	vmax.f32 @p1 v1, v2  }
0x24b: {  	v2 =	vld @p1 [tilespmem:s4+$0xF288];
	[tilespmem:s4+$0xF278] =	vst @p1 v1  }
0x24c: {  	v1 =	vld @p1 [tilespmem:$0xF1D8];
	_ =	sdelay $0x4  }
0x24d: {  	v1 =	vmax.f32 @p1 v1, v2  }
0x24e: {  	v2 =	vld @p1 [tilespmem:s4+$0xF298];
	[tilespmem:s4+$0xF288] =	vst @p1 v1  }
0x24f: {  	v1 =	vld @p1 [tilespmem:$0xF1E8];
	_ =	sdelay $0x4  }
0x250: {  	v1 =	vmax.f32 @p1 v1, v2  }
0x251: {  	v2 =	vld @p1 [tilespmem:s4+$0xF2A8];
	[tilespmem:s4+$0xF298] =	vst @p1 v1  }
0x252: {  	v1 =	vld @p1 [tilespmem:$0xF1F8];
	_ =	sdelay $0x4  }
0x253: {  	s5 =	sshll.u32 @!p1 s3, $0x9;
	v1 =	vmax.f32 @p1 v1, v2  }
0x254: {  	s5 =	smov.u32 @p1 s0;
	[tilespmem:s4+$0xF2A8] =	vst @p1 v1  }
0x255: {  	s0 =	sshrl.u32 s5, $0x2;
	[tilespmem:s2+$0xF218] =	vst.msk $0x1, v0  }
0x256: {  	v0 =	vld [tilespmem:s0+$0xF238];
	_ =	sdelay $0x2  }
0x257: {  	s31 =	sshll.u32 s2, $0x9  }
0x258: {  	s4 =	sshra.s32 s31, $0x2  }
0x259: {  	[tilespmem:s4+$0xF238] =	vst v0  }
0x25a: {  	v0 =	vld [tilespmem:s0+$0xF248];
	_ =	sdelay $0x4  }
0x25b: {  	[tilespmem:s4+$0xF248] =	vst v0  }
0x25c: {  	v0 =	vld [tilespmem:s0+$0xF258];
	_ =	sdelay $0x4  }
0x25d: {  	[tilespmem:s4+$0xF258] =	vst v0  }
0x25e: {  	v0 =	vld [tilespmem:s0+$0xF268];
	_ =	sdelay $0x4  }
0x25f: {  	[tilespmem:s4+$0xF268] =	vst v0  }
0x260: {  	v0 =	vld [tilespmem:s0+$0xF278];
	_ =	sdelay $0x4  }
0x261: {  	[tilespmem:s4+$0xF278] =	vst v0  }
0x262: {  	v0 =	vld [tilespmem:s0+$0xF288];
	_ =	sdelay $0x4  }
0x263: {  	[tilespmem:s4+$0xF288] =	vst v0  }
0x264: {  	v0 =	vld [tilespmem:s0+$0xF298];
	_ =	sdelay $0x4  }
0x265: {  	[tilespmem:s4+$0xF298] =	vst v0  }
0x266: {  	v0 =	vld [tilespmem:s0+$0xF2A8];
	_ =	sdelay $0x4  }
0x267: {  	s2 =	sadd.s32 $0x1, s2;
	[tilespmem:s4+$0xF2A8] =	vst v0  }
.LBB2_48:
0x268: {  	s3 =	sadd.s32 $0x1, s3  }
0x269: {  	p1 =	sne.s32 s3, $0x20  }
.Ltmp32:
0x26a: {  	_ = 	snop;
	(pc) =	sbr.rel @!p1 .LBB2_49-.Ltmp32, $1  }
0x26b: {  	_ =	sdelay $0x3  }
.LBB2_41:
0x26c: {  	v0 =	vld.msk [tilespmem:s3+$0xF218], $0x1;
	_ =	sdelay $0x4  }
0x26d: {  	(v2sf) =	vpush v0, $0x0;
	_ =	sdelay $0xe  }
0x26e: {  	s4 =	spop (v2sf)  }
0x26f: {  	p1 =	seq.s32 s4, $0xFFFFFFFF  }
.Ltmp33:
0x270: {  	_ = 	snop;
	(pc) =	sbr.rel @p1 .LBB2_48-.Ltmp33, $1  }
0x271: {  	_ =	sdelay $0x3  }
0x272: {  	p1 =	slt.s32 s2, $0x1  }
.Ltmp34:
0x273: {  	_ = 	snop;
	(pc) =	sbr.rel @p1 .LBB2_47-.Ltmp34, $1  }
0x274: {  	_ =	sdelay $0x3  }
0x275: {  	s5 =	simm.s32 $0xF218;
	p1 =	por $0x0, $0x0  }
0x276: {  	v1 =	vld.msk @!p1 [tilespmem:s5+$0x0], $0x1;
	_ =	sdelay $0x4  }
0x277: {  	(v2sf) =	vpush @!p1 v1, $0x0;
	_ =	sdelay $0xd  }
0x278: {  	p3 =	sne.s32 s2, $0x1  }
.Ltmp35:
0x279: {  	s0 =	spop @!p1 (v2sf);
	(pc) =	sbr.rel @!p3 .LBB2_45-.Ltmp35, $4  }
0x27a: {  	p2 =	seq.s32 @!p1 s4, s0  }
0x27b: {  	s6 =	simm.s32 $0x0;
	p2 =	por !p2, p1  }
0x27c: {  	s7 =	simm.s32 $0xFFFFFFFF;
	s6 =	simm.s32 @p2 $0xFFFFFFFF  }
0x27d: {  	s0 =	simm.s32 $0x1;
	s6 =	smov.u32 @p1 s7  }
.LBB2_44:
0x27e: {  	s7 =	smov.u32 s6;
	p1 =	sne.s32 s6, $0xFFFFFFFF  }
0x27f: {  	s5 =	sadd.s32 $0x1, s5;
	s6 =	smov.u32 s0;
	s0 =	sadd.s32 $0x1, s0  }
0x280: {  	p2 =	sne.s32 s2, s0;
	v1 =	vld.msk @!p1 [tilespmem:s5+$0x0], $0x1;
	_ =	sdelay $0x4  }
0x281: {  	(v2sf) =	vpush @!p1 v1, $0x0;
	_ =	sdelay $0xe  }
.Ltmp36:
0x282: {  	s8 =	spop @!p1 (v2sf);
	(pc) =	sbr.rel @p2 .LBB2_44-.Ltmp36, $4  }
0x283: {  	p3 =	seq.s32 @!p1 s4, s8  }
0x284: {  	p3 =	por !p3, p1  }
0x285: {  	s6 =	simm.s32 @p3 $0xFFFFFFFF  }
0x286: {  	s6 =	smov.u32 @p1 s7  }
.LBB2_45:
0x287: {  	p1 =	seq.s32 s6, $0xFFFFFFFF  }
.Ltmp37:
0x288: {  	_ = 	snop;
	(pc) =	sbr.rel @p1 .LBB2_47-.Ltmp37, $1  }
0x289: {  	_ =	sdelay $0x3  }
0x28a: {  	s0 =	sshll.u32 s3, $0x7  }
0x28b: {  	s4 =	sshll.u32 s6, $0x9;
	s0 =	sand.u32 $0x3FFFFF80, s0  }
0x28c: {  	s4 =	sshra.s32 s4, $0x2;
	v0 =	vld [tilespmem:s0+$0xF238]  }
0x28d: {  	v1 =	vld [tilespmem:s4+$0xF238];
	_ =	sdelay $0x4  }
0x28e: {  	v0 =	vmax.f32 v0, v1  }
0x28f: {  	v57 =	vld [tilespmem:s4+$0xF248];
	[tilespmem:s4+$0xF238] =	vst v0  }
0x290: {  	v0 =	vld [tilespmem:s0+$0xF248];
	_ =	sdelay $0x4  }
0x291: {  	v0 =	vmax.f32 v0, v57  }
0x292: {  	v58 =	vld [tilespmem:s4+$0xF258];
	[tilespmem:s4+$0xF248] =	vst v0  }
0x293: {  	v0 =	vld [tilespmem:s0+$0xF258];
	_ =	sdelay $0x4  }
0x294: {  	v0 =	vmax.f32 v0, v58  }
0x295: {  	v59 =	vld [tilespmem:s4+$0xF268];
	[tilespmem:s4+$0xF258] =	vst v0  }
0x296: {  	v0 =	vld [tilespmem:s0+$0xF268];
	_ =	sdelay $0x4  }
0x297: {  	v0 =	vmax.f32 v0, v59  }
0x298: {  	v60 =	vld [tilespmem:s4+$0xF278];
	[tilespmem:s4+$0xF268] =	vst v0  }
0x299: {  	v0 =	vld [tilespmem:s0+$0xF278];
	_ =	sdelay $0x4  }
0x29a: {  	v0 =	vmax.f32 v0, v60  }
0x29b: {  	v61 =	vld [tilespmem:s4+$0xF288];
	[tilespmem:s4+$0xF278] =	vst v0  }
0x29c: {  	v0 =	vld [tilespmem:s0+$0xF288];
	_ =	sdelay $0x4  }
0x29d: {  	v0 =	vmax.f32 v0, v61  }
0x29e: {  	v62 =	vld [tilespmem:s4+$0xF298];
	[tilespmem:s4+$0xF288] =	vst v0  }
0x29f: {  	v0 =	vld [tilespmem:s0+$0xF298];
	_ =	sdelay $0x4  }
0x2a0: {  	v0 =	vmax.f32 v0, v62  }
0x2a1: {  	v63 =	vld [tilespmem:s4+$0xF2A8];
	[tilespmem:s4+$0xF298] =	vst v0  }
0x2a2: {  	v0 =	vld [tilespmem:s0+$0xF2A8];
	_ =	sdelay $0x1  }
.Ltmp38:
0x2a3: {  	_ = 	snop;
	(pc) =	sbr.rel .LBB2_48-.Ltmp38, $3  }
0x2a4: {  	_ =	sdelay $0x1  }
0x2a5: {  	v0 =	vmax.f32 v0, v63  }
0x2a6: {  	[tilespmem:s4+$0xF2A8] =	vst v0  }
.LBB2_49:
0x2a7: {  	p1 =	slt.s32 s2, $0x1  }
.Ltmp39:
0x2a8: {  	_ = 	snop;
	(pc) =	sbr.rel @p1 .LBB2_53-.Ltmp39, $3  }
0x2a9: {  	_ =	sdelay $0x1  }
0x2aa: {  	s0 =	simm.s32 $0x8  }
0x2ab: {  	s3 =	simm.s32 $0x0;
	[sflag:s0] =	ssyncpa.u1 $0x1  }
0x2ac: {  	s0 =	simm.s32 $0xF218  }
0x2ad: {  	v0 =	vld.msk [tilespmem:s0+$0x0], $0x1;
	_ =	sdelay $0x4  }
0x2ae: {  	(v2sf) =	vpush v0, $0x0;
	_ =	sdelay $0xe  }
0x2af: {  	s0 =	sadd.s32 $0xFFFFFFFF, s2;
	s5 =	spop (v2sf)  }
0x2b0: {  	p2 =	sne.s32 s0, $0x0;
	p1 =	sgt.u32 s5, $0x270F0  }
.Ltmp40:
0x2b1: {  	s6 =	sand.u32 @!p1 $0x3FFF8, s5;
	(pc) =	sbr.rel @!p2 .LBB2_52-.Ltmp40, $4  }
0x2b2: {  	s4 =	simm.s32 $0xF238;
	s5 =	sand.u32 @!p1 $0x7, s5;
	s2 =	sadd.s32 @!p1 s1, s6  }
0x2b3: {  	[hbm4b:s2+s5] =	stream.linear.scatter @!p1 [tilespmem:s4], [sflag:$0x7], $0x80, $0x38;
	[tilespmem:$0x1F6F8] =	vst v63  }
0x2b4: {  	s5 =	simm.s32 $0x0  }
0x2b5: {  	s2 =	simm.s32 $0xF219;
	s5 =	simm.s32 @!p1 $0x200  }
.LBB2_51:
0x2b6: {  	v0 =	vld.msk [tilespmem:s2+$0x0], $0x1;
	s0 =	sadd.s32 $0xFFFFFFFF, s0;
	s3 =	sadd.s32 s3, s5  }
0x2b7: {  	p1 =	sne.s32 s0, $0x0;
	_ =	sdelay $0x3  }
0x2b8: {  	(v2sf) =	vpush v0, $0x0;
	_ =	sdelay $0xe  }
.Ltmp41:
0x2b9: {  	s6 =	spop (v2sf);
	(pc) =	sbr.rel @p1 .LBB2_51-.Ltmp41, $4  }
0x2ba: {  	s5 =	simm.s32 $0x0;
	p2 =	sgt.u32 s6, $0x270F0  }
0x2bb: {  	s4 =	sadd.s32 $0x80, s4;
	s5 =	simm.s32 @!p2 $0x200;
	s7 =	sand.u32 @!p2 $0x3FFF8, s6  }
0x2bc: {  	s2 =	sadd.s32 $0x1, s2;
	s6 =	sand.u32 @!p2 $0x7, s6;
	s7 =	sadd.s32 @!p2 s1, s7  }
0x2bd: {  	[hbm4b:s7+s6] =	stream.linear.scatter @!p2 [tilespmem:s4], [sflag:$0x7], $0x80, $0x38;
	[tilespmem:$0x1F6F8] =	vst v63  }
.LBB2_52:
0x2be: {  	s0 =	sadd.s32 s3, s5  }
0x2bf: {  	s3 =	sshrl.u32 s0, $0x2  }
.LBB2_53:
0x2c0: {  	s0 =	simm.s32 $0x7  }
0x2c1: {  	_ =	swait.ge [sflag:s0], s3  }
0x2c2: {  	s1 =	ssub.s32 $0x0, s3;
	[sflag:s0] =	ssyncset.done $0x0  }
0x2c3: {  	[sflag:s0] =	ssyncadd.s32 s1  }
0x2c4: {  	[sflag:s0] =	ssyncpa.u1 $0x1  }
.LBB2_54:
0x2c5: {  	_ =	sfence;
	s0 =	simm.s32 $0x1  }
0x2c6: {  	[sflag:s0] =	ssyncpa.u1 $0x1  }
0x2c7: {  	_ =	strace $0x9000004A  }
0x2c8: {  	[bflag:$0x2] =	sbarrier.arrive $0xFFFF  }
0x2c9: {  	s0 =	rddreg [dreg:$0x3]  }
0x2ca: {  	s0 =	sadd.s32 @!p0 $0x100000, s0  }
0x2cb: {  	[sflag:s0] =	ssyncadd.tile.s32 @!p0 $0x1;
	_ =	shalt  }
.Lfunc_end2:
_tile_overlayer_lowered:
.L_overlay_start_2:
0x2cc: {  	(tag) =	ssettag $0x2  }
0x2cd: {  	s0 =	rddreg [dreg:$0x0];
	s2 =	stileid.u32  }
0x2ce: {  	s1 =	rddreg [dreg:$0x1];
	p0 =	sne.s32 s2, $0x0  }
0x2cf: {  	s3 =	rddreg [dreg:$0x2];
	[bflag:$0x3] =	sbarrier.arrive $0xFFFF;
	s2 =	simm.s32 @!p0 $0x1C01  }
0x2d0: {  	[timem:s3], [sflag:s2] =	dma.local @!p0 [hbm:s0], s1  }
0x2d1: {  	s0 =	simm.s32 @!p0 $0x1  }
0x2d2: {  	_ =	swait.ge @!p0 [sflag:s0], s1  }
0x2d3: {  	s1 =	ssub.s32 @!p0 $0x0, s1;
	[sflag:s0] =	ssyncset.done @!p0 $0x0  }
0x2d4: {  	[sflag:s0] =	ssyncadd.s32 @!p0 s1  }
0x2d5: {  	[bflag:$0x3] =	sbarrier.arrive $0xFFFF  }
0x2d6: {  	_ =	shalt  }

</sc_bundles>
